<compile_context>
chip_gen: v7x
topology: tpu7x:2x2x1
jax: 0.10.2.dev20260603
libtpu: 0.0.44.dev20260713+nightly
codegen_flags: <defaults>
</compile_context>

<pallas_src>
import functools

import jax
import jax.numpy as jnp
from jax import lax
from jax.experimental import pallas as pl
from jax.experimental.pallas import tpu as pltpu
from jax.experimental.pallas import tpu_sc as plsc

NC = 2
NS = 16
NW = NC * NS
CH = 80
NQ = 2
Q = 64

_SC_PARAMS = pltpu.CompilerParams(use_tc_tiling_on_sc=False)


def _sc_mesh():
    return plsc.VectorSubcoreMesh(core_axis_name="c", subcore_axis_name="s")


def _degree_kernel(np_, e):
    epw = e // NW
    nch = epw // CH
    rps = np_ // NS
    assert nch % 5 == 0

    @functools.partial(
        pl.kernel,
        mesh=_sc_mesh(),
        compiler_params=_SC_PARAMS,
        out_type=jax.ShapeDtypeStruct((NC * np_, 16), jnp.float32),
        scratch_types=[
            pltpu.VMEM((nch, CH), jnp.int32),
            pltpu.VMEM((CH, 16), jnp.float32),
            pltpu.VMEM_SHARED((np_, 16), jnp.float32),
            pltpu.SemaphoreType.DMA,
        ],
    )
    def deg(row2_hbm, ones_hbm, zrow_hbm, out_hbm, ridx2, ones_v, acc, sem):
        c = lax.axis_index("c")
        s = lax.axis_index("s")
        w = c * NS + s
        pltpu.sync_copy(row2_hbm.at[pl.ds(w * nch, nch)], ridx2)
        pltpu.sync_copy(zrow_hbm, acc.at[pl.ds(s * rps, rps)])
        pltpu.sync_copy(ones_hbm, ones_v)
        plsc.subcore_barrier()

        def body(k, carry):
            for j in range(5):
                pltpu.async_copy(ones_v, acc.at[ridx2.at[5 * k + j]], sem,
                                 add=True)
            for j in range(5):
                pltpu.make_async_copy(ones_v, acc.at[ridx2.at[5 * k + j]],
                                      sem).wait()
            return carry

        lax.fori_loop(0, nch // 5, body, 0)
        plsc.subcore_barrier()
        pltpu.sync_copy(acc.at[pl.ds(s * rps, rps)],
                        out_hbm.at[pl.ds(c * np_ + s * rps, rps)])

    return deg


def _spmv_kernel(np_, e):
    epw = e // NW
    nch = epw // CH
    rps = np_ // NS
    nk = (nch - 1) // 4
    assert nch == 4 * nk + 1

    @functools.partial(
        pl.kernel,
        mesh=_sc_mesh(),
        compiler_params=_SC_PARAMS,
        out_type=jax.ShapeDtypeStruct((NC * NQ * np_, Q), jnp.float32),
        scratch_types=[
            pltpu.VMEM((nch, CH), jnp.int32),
            pltpu.VMEM((nch, CH), jnp.int32),
            [pltpu.VMEM((CH, Q), jnp.float32) for _ in range(4)],
            pltpu.VMEM_SHARED((np_, Q), jnp.float32),
            [pltpu.SemaphoreType.DMA for _ in range(4)],
            [pltpu.SemaphoreType.DMA for _ in range(4)],
        ],
    )
    def spmv(u0_hbm, u1_hbm, row2_hbm, col2_hbm, zrow_hbm,
             out_hbm, ridx2, cidx2, bufs, acc, gsems, ssems):
        c = lax.axis_index("c")
        s = lax.axis_index("s")
        w = c * NS + s
        pltpu.sync_copy(row2_hbm.at[pl.ds(w * nch, nch)], ridx2)
        pltpu.sync_copy(col2_hbm.at[pl.ds(w * nch, nch)], cidx2)

        for q, u_hbm in enumerate((u0_hbm, u1_hbm)):
            pltpu.sync_copy(zrow_hbm, acc.at[pl.ds(s * rps, rps)])
            plsc.subcore_barrier()

            def start_g(g, b, u=u_hbm):
                pltpu.async_copy(u.at[ridx2.at[g]], bufs[b], gsems[b])

            def wait_g(g, b, u=u_hbm):
                pltpu.make_async_copy(u.at[ridx2.at[g]], bufs[b],
                                      gsems[b]).wait()

            def start_s(g, b):
                pltpu.async_copy(bufs[b], acc.at[cidx2.at[g]], ssems[b],
                                 add=True)

            def wait_s(g, b):
                pltpu.make_async_copy(bufs[b], acc.at[cidx2.at[g]],
                                      ssems[b]).wait()

            for b in range(3):
                start_g(b, b)
            for j in range(4):
                if j > 0:
                    wait_s(j - 1, (j + 3) % 4)
                start_g(j + 3, (j + 3) % 4)
                wait_g(j, j)
                start_s(j, j)

            def body(k, carry):
                for j in range(4):
                    g = 4 * k + j
                    bi = (j + 3) % 4
                    wait_s(g - 1, bi)
                    start_g(g + 3, bi)
                    wait_g(g, j)
                    start_s(g, j)
                return carry

            lax.fori_loop(1, nk - 1, body, 0)

            g0 = 4 * (nk - 1)
            for j in range(4):
                bi = (j + 3) % 4
                wait_s(g0 + j - 1, bi)
                if g0 + j + 3 <= nch - 1:
                    start_g(g0 + j + 3, bi)
                wait_g(g0 + j, j)
                start_s(g0 + j, j)

            wait_g(nch - 1, 0)
            start_s(nch - 1, 0)
            wait_s(nch - 2, 3)
            wait_s(nch - 1, 0)
            plsc.subcore_barrier()
            pltpu.sync_copy(
                acc.at[pl.ds(s * rps, rps)],
                out_hbm.at[pl.ds((c * NQ + q) * np_ + s * rps, rps)])
            plsc.subcore_barrier()

    return spmv


def _full_spec(shape):
    nd = len(shape)
    return pl.BlockSpec(shape, lambda i, _nd=nd: (0,) * _nd)


def _tc_call(body, out_widths, bn, np_, d, *args):
    grid = np_ // bn
    in_specs = []
    for a in args:
        if a.ndim == 4:
            in_specs.append(
                pl.BlockSpec((NC, NQ, bn, Q), lambda i: (0, 0, i, 0)))
        elif a.shape[0] == np_:
            in_specs.append(
                pl.BlockSpec((bn, a.shape[1]), lambda i: (i, 0)))
        else:
            in_specs.append(_full_spec(a.shape))
    out_shapes = tuple(
        jax.ShapeDtypeStruct((np_, w), jnp.float32) for w in out_widths)
    out_specs = tuple(
        pl.BlockSpec((bn, w), lambda i: (i, 0)) for w in out_widths)
    return pl.pallas_call(
        body,
        grid=(grid,),
        in_specs=in_specs,
        out_shape=out_shapes,
        out_specs=out_specs,
    )(*args)


def _sum_parts(sref):
    return jnp.concatenate(
        [sref[0, q] + sref[1, q] for q in range(NQ)], axis=1)


def _store_halves(u, urefs):
    for q, uref in enumerate(urefs):
        uref[...] = u[:, q * Q:(q + 1) * Q]


def _tc_dis(dparts, bn, np_):
    def body(dref, dis16_ref):
        deg = dref[0, :, 0:1] + dref[1, :, 0:1]
        dis = jnp.where(deg > 0.0, lax.rsqrt(jnp.maximum(deg, 1e-30)), 0.0)
        dis16_ref[...] = jnp.broadcast_to(dis, (bn, 16))

    return pl.pallas_call(
        body,
        grid=(np_ // bn,),
        in_specs=[pl.BlockSpec((NC, bn, 16), lambda i: (0, i, 0))],
        out_shape=jax.ShapeDtypeStruct((np_, 16), jnp.float32),
        out_specs=pl.BlockSpec((bn, 16), lambda i: (i, 0)),
    )(dparts)


def _tc_a(dis16, x, w0, bn, np_, d):
    def body(dref, xref, wref, uq0, uq1, acc_ref):
        dis = dref[:, 0:1]
        xb = xref[...]
        _store_halves(dis * xb, (uq0, uq1))
        acc_ref[...] = jnp.dot(xb, wref[...],
                               preferred_element_type=jnp.float32)
    return _tc_call(body, (Q, Q, d), bn, np_, d, dis16, x, w0)


def _tc_b(sparts, dis16, wk, acc, bn, np_, d):
    def body(sref, dref, wref, aref, uq0, uq1, acc_ref):
        dis = dref[:, 0:1]
        tx1 = -dis * _sum_parts(sref)
        _store_halves(dis * tx1, (uq0, uq1))
        acc_ref[...] = aref[...] + jnp.dot(
            tx1, wref[...], preferred_element_type=jnp.float32)
    return _tc_call(body, (Q, Q, d), bn, np_, d, sparts, dis16, wk, acc)


def _tc_e(sparts, dis16, tx0, acc, wk, b, rfl, bn, np_, d):
    def body(sref, dref, tref, aref, wref, bref, rref, out_ref):
        dis = dref[:, 0:1]
        tx2 = -2.0 * dis * _sum_parts(sref) - tref[...]
        o = aref[...] + jnp.dot(
            tx2, wref[...], preferred_element_type=jnp.float32) + bref[...]
        out_ref[...] = jnp.where(rref[...] > 0.0, jnp.maximum(o, 0.0), o)
    return _tc_call(body, (d,), bn, np_, d,
                    sparts, dis16, tx0, acc, wk, b, rfl)[0]


def kernel(x, edge_index, W1, b1, W2, b2):
    n, d = x.shape
    e = edge_index.shape[1]
    np_ = 10240
    bn = 1024
    rps = np_ // NS
    row2 = jnp.reshape(edge_index[0], (e // CH, CH))
    col2 = jnp.reshape(edge_index[1], (e // CH, CH))

    xp = jnp.pad(x, ((0, np_ - n), (0, 0)))
    zrow_q = jnp.zeros((rps, Q), jnp.float32)
    zrow_16 = jnp.zeros((rps, 16), jnp.float32)
    ones16 = jnp.ones((CH, 16), jnp.float32)
    ws = jnp.stack((W1, W2))
    bs = jnp.stack((jnp.reshape(b1, (1, d)), jnp.reshape(b2, (1, d))))
    rfls = jnp.stack((jnp.ones((1, d), jnp.float32),
                      jnp.zeros((1, d), jnp.float32)))

    deg_fn = _degree_kernel(np_, e)
    spmv_fn = _spmv_kernel(np_, e)

    def spmv(u0, u1):
        parts = spmv_fn(u0, u1, row2, col2, zrow_q)
        return jnp.reshape(parts, (NC, NQ, np_, Q))

    dparts = jnp.reshape(deg_fn(row2, ones16, zrow_16), (NC, np_, 16))
    dis16 = _tc_dis(dparts, bn, np_)

    def layer(x_in, wbr):
        wk, bk, rfl = wbr
        u0, u1, acc = _tc_a(dis16, x_in, wk[0], bn, np_, d)
        s1 = spmv(u0, u1)
        v0, v1, acc = _tc_b(s1, dis16, wk[1], acc, bn, np_, d)
        s2 = spmv(v0, v1)
        out = _tc_e(s2, dis16, x_in, acc, wk[2], bk, rfl, bn, np_, d)
        return out, None

    out, _ = lax.scan(layer, xp, (ws, bs, rfls))
    return out[:n]

# --- scband reference (transcript-rebuilt; emitter-appended) ---
"""Pipeline reference for scband-cheb-net-41979010351136 (READ-ONLY COPY).

The authoritative reference and input builder live on the scoring server;
editing this copy changes nothing except your own understanding.
"""

import jax, jax.numpy as jnp
import numpy as np

N = 10000
E = 320000
D = 128
K = 3


def _norm(edge_index, num_nodes):
    # PyG ChebConv with normalization='sym', lambda_max=2.0:
    # L = I - D^{-1/2} A D^{-1/2};  L_hat = 2L/lambda_max - I = -D^{-1/2} A D^{-1/2}
    # (scaled diagonal 2*1/2 - 1 = 0, so only off-diagonal edges remain)
    row, col = edge_index[0], edge_index[1]
    deg = jax.ops.segment_sum(jnp.ones(row.shape[0], jnp.float32), row, num_segments=num_nodes)
    deg_inv_sqrt = jnp.where(deg > 0, deg ** -0.5, 0.0)
    w = -deg_inv_sqrt[row] * deg_inv_sqrt[col]
    return row, col, w


def _lap_matvec(x, row, col, w):
    # out[i] = sum_{(j,i) in E} w_ji * x[j]  (source-to-target message passing)
    return jnp.zeros_like(x).at[col].add(w[:, None] * x[row])


def _cheb_conv(x, row, col, w, Ws, b):
    # Chebyshev recurrence: Tx_0 = x, Tx_1 = L_hat x, Tx_k = 2 L_hat Tx_{k-1} - Tx_{k-2}
    Tx0 = x
    out = Tx0 @ Ws[0]
    Tx1 = _lap_matvec(x, row, col, w)
    out = out + Tx1 @ Ws[1]
    for k in range(2, Ws.shape[0]):
        Tx2 = 2.0 * _lap_matvec(Tx1, row, col, w) - Tx0
        out = out + Tx2 @ Ws[k]
        Tx0, Tx1 = Tx1, Tx2
    return out + b


def setup_inputs(seed: int = 0) -> dict:
    key = jax.random.key(seed)
    ks = jax.random.split(key, 7)
    x = jax.random.normal(ks[0], (N, D), dtype=jnp.float32)
    edge_index = jax.random.randint(ks[1], (2, E), 0, N, dtype=jnp.int32)
    scale = 1.0 / np.sqrt(D)
    W1 = jax.random.normal(ks[2], (K, D, D), dtype=jnp.float32) * scale
    b1 = jnp.zeros((D,), dtype=jnp.float32)
    W2 = jax.random.normal(ks[3], (K, D, D), dtype=jnp.float32) * scale
    b2 = jnp.zeros((D,), dtype=jnp.float32)
    return {"x": x, "edge_index": edge_index, "W1": W1, "b1": b1, "W2": W2, "b2": b2}


def reference(x, edge_index, W1, b1, W2, b2):
    row, col, w = _norm(edge_index, N)
    h = _cheb_conv(x, row, col, w, W1, b1)
    h = jax.nn.relu(h)
    # dropout is identity in eval mode
    out = _cheb_conv(h, row, col, w, W2, b2)
    return out

if __name__ == "__main__":
    import jax
    _d = setup_inputs()
    print(jax.jit(kernel)(*tuple(_d.values())))

</pallas_src>

<mosaic_0001>
#map = affine_map<(d0, d1) -> (0, 0)>
module attributes {stable_mosaic.version = 14 : i64} {
  func.func @spmv(%arg0: i32, %arg1: i32, %arg2: memref<10240x64xf32, #tpu.memory_space<hbm>>, %arg3: memref<10240x64xf32, #tpu.memory_space<hbm>>, %arg4: memref<4000x80xi32, #tpu.memory_space<hbm>>, %arg5: memref<4000x80xi32, #tpu.memory_space<hbm>>, %arg6: memref<640x64xf32, #tpu.memory_space<hbm>>, %arg7: memref<40960x64xf32, #tpu.memory_space<hbm>>, %arg8: memref<125x80xi32, #tpu.memory_space<vmem>>, %arg9: memref<125x80xi32, #tpu.memory_space<vmem>>, %arg10: memref<80x64xf32, #tpu.memory_space<vmem>>, %arg11: memref<80x64xf32, #tpu.memory_space<vmem>>, %arg12: memref<80x64xf32, #tpu.memory_space<vmem>>, %arg13: memref<80x64xf32, #tpu.memory_space<vmem>>, %arg14: memref<10240x64xf32, #tpu.memory_space<vmem_shared>>, %arg15: memref<!tpu.dma_semaphore, #tpu.memory_space<semaphore_mem>>, %arg16: memref<!tpu.dma_semaphore, #tpu.memory_space<semaphore_mem>>, %arg17: memref<!tpu.dma_semaphore, #tpu.memory_space<semaphore_mem>>, %arg18: memref<!tpu.dma_semaphore, #tpu.memory_space<semaphore_mem>>, %arg19: memref<!tpu.dma_semaphore, #tpu.memory_space<semaphore_mem>>, %arg20: memref<!tpu.dma_semaphore, #tpu.memory_space<semaphore_mem>>, %arg21: memref<!tpu.dma_semaphore, #tpu.memory_space<semaphore_mem>>, %arg22: memref<!tpu.dma_semaphore, #tpu.memory_space<semaphore_mem>>) attributes {dimension_semantics = [#tpu.dimension_semantics<core_parallel>, #tpu.dimension_semantics<subcore_parallel>], iteration_bounds = array<i64: 2, 16>, scalar_prefetch = 0 : i64, scratch_operands = 15 : i64, tpu.core_type = #tpu.core_type<sc_vector_subcore>, window_params = [{transform_indices = #map}, {transform_indices = #map}, {transform_indices = #map}, {transform_indices = #map}, {transform_indices = #map}, {transform_indices = #map}]} {
    %mul3A = arith.constant 16 : i32
    %mul3A_0 = arith.muli %arg0, %mul3A : i32
    %add3A = arith.addi %mul3A_0, %arg1 : i32
    %mul3A_1 = arith.constant 125 : i32
    %mul3A_2 = arith.muli %add3A, %mul3A_1 : i32
    "tpu.region"() ({
      %run_scoped3A = tpu.sem_alloc : memref<!tpu.dma_semaphore, #tpu.memory_space<semaphore_mem>>
      %dma_start3A_549 = arith.constant 0 : i32
      %dma_start3A_550 = tpu.memref_slice %arg4[%mul3A_2, %dma_start3A_549] : memref<4000x80xi32, #tpu.memory_space<hbm>> -> memref<125x80xi32, #tpu.memory_space<hbm>>
      %dma_start3A_551 = arith.constant 0 : i32
      %dma_start3A_552 = tpu.memref_slice %arg4[%mul3A_2, %dma_start3A_551] : memref<4000x80xi32, #tpu.memory_space<hbm>> -> memref<125x80xi32, #tpu.memory_space<hbm>>
      tpu.enqueue_dma source(%dma_start3A_552 : memref<125x80xi32, #tpu.memory_space<hbm>>) target(%arg8 : memref<125x80xi32, #tpu.memory_space<vmem>>) target_semaphore(%run_scoped3A : memref<!tpu.dma_semaphore, #tpu.memory_space<semaphore_mem>>)
      %dma_wait3A_553 = arith.constant 0 : i32
      %dma_wait3A_554 = tpu.memref_slice %arg4[%mul3A_2, %dma_wait3A_553] : memref<4000x80xi32, #tpu.memory_space<hbm>> -> memref<125x80xi32, #tpu.memory_space<hbm>>
      %dma_wait3A_555 = arith.constant 0 : i32
      %dma_wait3A_556 = tpu.memref_slice %arg4[%mul3A_2, %dma_wait3A_555] : memref<4000x80xi32, #tpu.memory_space<hbm>> -> memref<125x80xi32, #tpu.memory_space<hbm>>
      tpu.wait_dma2 semaphore(%run_scoped3A : memref<!tpu.dma_semaphore, #tpu.memory_space<semaphore_mem>>) src(%dma_wait3A_556 : memref<125x80xi32, #tpu.memory_space<hbm>>) dst(%arg8 : memref<125x80xi32, #tpu.memory_space<vmem>>)
      tpu.yield
    }) : () -> ()
    %mul3A_3 = arith.constant 125 : i32
    %mul3A_4 = arith.muli %add3A, %mul3A_3 : i32
    "tpu.region"() ({
      %run_scoped3A = tpu.sem_alloc : memref<!tpu.dma_semaphore, #tpu.memory_space<semaphore_mem>>
      %dma_start3A_549 = arith.constant 0 : i32
      %dma_start3A_550 = tpu.memref_slice %arg5[%mul3A_4, %dma_start3A_549] : memref<4000x80xi32, #tpu.memory_space<hbm>> -> memref<125x80xi32, #tpu.memory_space<hbm>>
      %dma_start3A_551 = arith.constant 0 : i32
      %dma_start3A_552 = tpu.memref_slice %arg5[%mul3A_4, %dma_start3A_551] : memref<4000x80xi32, #tpu.memory_space<hbm>> -> memref<125x80xi32, #tpu.memory_space<hbm>>
      tpu.enqueue_dma source(%dma_start3A_552 : memref<125x80xi32, #tpu.memory_space<hbm>>) target(%arg9 : memref<125x80xi32, #tpu.memory_space<vmem>>) target_semaphore(%run_scoped3A : memref<!tpu.dma_semaphore, #tpu.memory_space<semaphore_mem>>)
      %dma_wait3A_553 = arith.constant 0 : i32
      %dma_wait3A_554 = tpu.memref_slice %arg5[%mul3A_4, %dma_wait3A_553] : memref<4000x80xi32, #tpu.memory_space<hbm>> -> memref<125x80xi32, #tpu.memory_space<hbm>>
      %dma_wait3A_555 = arith.constant 0 : i32
      %dma_wait3A_556 = tpu.memref_slice %arg5[%mul3A_4, %dma_wait3A_555] : memref<4000x80xi32, #tpu.memory_space<hbm>> -> memref<125x80xi32, #tpu.memory_space<hbm>>
      tpu.wait_dma2 semaphore(%run_scoped3A : memref<!tpu.dma_semaphore, #tpu.memory_space<semaphore_mem>>) src(%dma_wait3A_556 : memref<125x80xi32, #tpu.memory_space<hbm>>) dst(%arg9 : memref<125x80xi32, #tpu.memory_space<vmem>>)
      tpu.yield
    }) : () -> ()
    %mul3A_5 = arith.constant 640 : i32
    %mul3A_6 = arith.muli %arg1, %mul3A_5 : i32
    "tpu.region"() ({
      %run_scoped3A = tpu.sem_alloc : memref<!tpu.dma_semaphore, #tpu.memory_space<semaphore_mem>>
      %dma_start3A_549 = arith.constant 0 : i32
      %dma_start3A_550 = tpu.memref_slice %arg14[%mul3A_6, %dma_start3A_549] : memref<10240x64xf32, #tpu.memory_space<vmem_shared>> -> memref<640x64xf32, #tpu.memory_space<vmem_shared>>
      tpu.enqueue_dma source(%arg6 : memref<640x64xf32, #tpu.memory_space<hbm>>) target(%dma_start3A_550 : memref<640x64xf32, #tpu.memory_space<vmem_shared>>) target_semaphore(%run_scoped3A : memref<!tpu.dma_semaphore, #tpu.memory_space<semaphore_mem>>)
      %dma_wait3A_551 = arith.constant 0 : i32
      %dma_wait3A_552 = tpu.memref_slice %arg14[%mul3A_6, %dma_wait3A_551] : memref<10240x64xf32, #tpu.memory_space<vmem_shared>> -> memref<640x64xf32, #tpu.memory_space<vmem_shared>>
      tpu.wait_dma2 semaphore(%run_scoped3A : memref<!tpu.dma_semaphore, #tpu.memory_space<semaphore_mem>>) src(%arg6 : memref<640x64xf32, #tpu.memory_space<hbm>>) dst(%dma_wait3A_552 : memref<640x64xf32, #tpu.memory_space<vmem_shared>>)
      tpu.yield
    }) : () -> ()
    %barrier3A = arith.constant 0 : index
    tpu.barrier barrier_id(%barrier3A)
    %dma_start3A = arith.constant 0 : i32
    %dma_start3A_7 = arith.constant 0 : i32
    %dma_start3A_8 = tpu.memref_slice %arg8[%dma_start3A, %dma_start3A_7] : memref<125x80xi32, #tpu.memory_space<vmem>> -> memref<1x80xi32, #tpu.memory_space<vmem>>
    %dma_start3A_9 = tpu.memref_squeeze %dma_start3A_8 : memref<1x80xi32, #tpu.memory_space<vmem>> -> memref<80xi32, #tpu.memory_space<vmem>>
    %dma_start3A_10 = arith.constant 0 : i32
    %dma_start3A_11 = arith.constant 0 : i32
    %dma_start3A_12 = tpu.memref_slice %arg2[%dma_start3A_10, %dma_start3A_11] : memref<10240x64xf32, #tpu.memory_space<hbm>> -> memref<10240x64xf32, #tpu.memory_space<hbm>>
    tpu.enqueue_indirect_dma source(%dma_start3A_12 : memref<10240x64xf32, #tpu.memory_space<hbm>>) target(%arg10 : memref<80x64xf32, #tpu.memory_space<vmem>>) offsets(%dma_start3A_9 : memref<80xi32, #tpu.memory_space<vmem>>) semaphore(%arg15 : memref<!tpu.dma_semaphore, #tpu.memory_space<semaphore_mem>>)
    %dma_start3A_13 = arith.constant 1 : i32
    %dma_start3A_14 = arith.constant 0 : i32
    %dma_start3A_15 = tpu.memref_slice %arg8[%dma_start3A_13, %dma_start3A_14] : memref<125x80xi32, #tpu.memory_space<vmem>> -> memref<1x80xi32, #tpu.memory_space<vmem>>
    %dma_start3A_16 = tpu.memref_squeeze %dma_start3A_15 : memref<1x80xi32, #tpu.memory_space<vmem>> -> memref<80xi32, #tpu.memory_space<vmem>>
    %dma_start3A_17 = arith.constant 0 : i32
    %dma_start3A_18 = arith.constant 0 : i32
    %dma_start3A_19 = tpu.memref_slice %arg2[%dma_start3A_17, %dma_start3A_18] : memref<10240x64xf32, #tpu.memory_space<hbm>> -> memref<10240x64xf32, #tpu.memory_space<hbm>>
    tpu.enqueue_indirect_dma source(%dma_start3A_19 : memref<10240x64xf32, #tpu.memory_space<hbm>>) target(%arg11 : memref<80x64xf32, #tpu.memory_space<vmem>>) offsets(%dma_start3A_16 : memref<80xi32, #tpu.memory_space<vmem>>) semaphore(%arg16 : memref<!tpu.dma_semaphore, #tpu.memory_space<semaphore_mem>>)
    %dma_start3A_20 = arith.constant 2 : i32
    %dma_start3A_21 = arith.constant 0 : i32
    %dma_start3A_22 = tpu.memref_slice %arg8[%dma_start3A_20, %dma_start3A_21] : memref<125x80xi32, #tpu.memory_space<vmem>> -> memref<1x80xi32, #tpu.memory_space<vmem>>
    %dma_start3A_23 = tpu.memref_squeeze %dma_start3A_22 : memref<1x80xi32, #tpu.memory_space<vmem>> -> memref<80xi32, #tpu.memory_space<vmem>>
    %dma_start3A_24 = arith.constant 0 : i32
    %dma_start3A_25 = arith.constant 0 : i32
    %dma_start3A_26 = tpu.memref_slice %arg2[%dma_start3A_24, %dma_start3A_25] : memref<10240x64xf32, #tpu.memory_space<hbm>> -> memref<10240x64xf32, #tpu.memory_space<hbm>>
    tpu.enqueue_indirect_dma source(%dma_start3A_26 : memref<10240x64xf32, #tpu.memory_space<hbm>>) target(%arg12 : memref<80x64xf32, #tpu.memory_space<vmem>>) offsets(%dma_start3A_23 : memref<80xi32, #tpu.memory_space<vmem>>) semaphore(%arg17 : memref<!tpu.dma_semaphore, #tpu.memory_space<semaphore_mem>>)
    %dma_start3A_27 = arith.constant 3 : i32
    %dma_start3A_28 = arith.constant 0 : i32
    %dma_start3A_29 = tpu.memref_slice %arg8[%dma_start3A_27, %dma_start3A_28] : memref<125x80xi32, #tpu.memory_space<vmem>> -> memref<1x80xi32, #tpu.memory_space<vmem>>
    %dma_start3A_30 = tpu.memref_squeeze %dma_start3A_29 : memref<1x80xi32, #tpu.memory_space<vmem>> -> memref<80xi32, #tpu.memory_space<vmem>>
    %dma_start3A_31 = arith.constant 0 : i32
    %dma_start3A_32 = arith.constant 0 : i32
    %dma_start3A_33 = tpu.memref_slice %arg2[%dma_start3A_31, %dma_start3A_32] : memref<10240x64xf32, #tpu.memory_space<hbm>> -> memref<10240x64xf32, #tpu.memory_space<hbm>>
    tpu.enqueue_indirect_dma source(%dma_start3A_33 : memref<10240x64xf32, #tpu.memory_space<hbm>>) target(%arg13 : memref<80x64xf32, #tpu.memory_space<vmem>>) offsets(%dma_start3A_30 : memref<80xi32, #tpu.memory_space<vmem>>) semaphore(%arg18 : memref<!tpu.dma_semaphore, #tpu.memory_space<semaphore_mem>>)
    %dma_wait3A = arith.constant 0 : i32
    %dma_wait3A_34 = arith.constant 0 : i32
    %dma_wait3A_35 = tpu.memref_slice %arg8[%dma_wait3A, %dma_wait3A_34] : memref<125x80xi32, #tpu.memory_space<vmem>> -> memref<1x80xi32, #tpu.memory_space<vmem>>
    %dma_wait3A_36 = tpu.memref_squeeze %dma_wait3A_35 : memref<1x80xi32, #tpu.memory_space<vmem>> -> memref<80xi32, #tpu.memory_space<vmem>>
    %dma_wait3A_37 = arith.constant 0 : i32
    %dma_wait3A_38 = arith.constant 0 : i32
    %dma_wait3A_39 = tpu.memref_slice %arg2[%dma_wait3A_37, %dma_wait3A_38] : memref<10240x64xf32, #tpu.memory_space<hbm>> -> memref<10240x64xf32, #tpu.memory_space<hbm>>
    tpu.wait_indirect_dma semaphore(%arg15 : memref<!tpu.dma_semaphore, #tpu.memory_space<semaphore_mem>>) src(%dma_wait3A_39 : memref<10240x64xf32, #tpu.memory_space<hbm>>) dst(%arg10 : memref<80x64xf32, #tpu.memory_space<vmem>>)
    %dma_start3A_40 = arith.constant 0 : i32
    %dma_start3A_41 = arith.constant 0 : i32
    %dma_start3A_42 = tpu.memref_slice %arg9[%dma_start3A_40, %dma_start3A_41] : memref<125x80xi32, #tpu.memory_space<vmem>> -> memref<1x80xi32, #tpu.memory_space<vmem>>
    %dma_start3A_43 = tpu.memref_squeeze %dma_start3A_42 : memref<1x80xi32, #tpu.memory_space<vmem>> -> memref<80xi32, #tpu.memory_space<vmem>>
    %dma_start3A_44 = arith.constant 0 : i32
    %dma_start3A_45 = arith.constant 0 : i32
    %dma_start3A_46 = tpu.memref_slice %arg14[%dma_start3A_44, %dma_start3A_45] : memref<10240x64xf32, #tpu.memory_space<vmem_shared>> -> memref<10240x64xf32, #tpu.memory_space<vmem_shared>>
    tpu.enqueue_indirect_dma source(%arg10 : memref<80x64xf32, #tpu.memory_space<vmem>>) target(%dma_start3A_46 : memref<10240x64xf32, #tpu.memory_space<vmem_shared>>) offsets(%dma_start3A_43 : memref<80xi32, #tpu.memory_space<vmem>>) semaphore(%arg19 : memref<!tpu.dma_semaphore, #tpu.memory_space<semaphore_mem>>) {add = true}
    %dma_wait3A_47 = arith.constant 0 : i32
    %dma_wait3A_48 = arith.constant 0 : i32
    %dma_wait3A_49 = tpu.memref_slice %arg9[%dma_wait3A_47, %dma_wait3A_48] : memref<125x80xi32, #tpu.memory_space<vmem>> -> memref<1x80xi32, #tpu.memory_space<vmem>>
    %dma_wait3A_50 = tpu.memref_squeeze %dma_wait3A_49 : memref<1x80xi32, #tpu.memory_space<vmem>> -> memref<80xi32, #tpu.memory_space<vmem>>
    %dma_wait3A_51 = arith.constant 0 : i32
    %dma_wait3A_52 = arith.constant 0 : i32
    %dma_wait3A_53 = tpu.memref_slice %arg14[%dma_wait3A_51, %dma_wait3A_52] : memref<10240x64xf32, #tpu.memory_space<vmem_shared>> -> memref<10240x64xf32, #tpu.memory_space<vmem_shared>>
    tpu.wait_indirect_dma semaphore(%arg19 : memref<!tpu.dma_semaphore, #tpu.memory_space<semaphore_mem>>) src(%arg10 : memref<80x64xf32, #tpu.memory_space<vmem>>) dst(%dma_wait3A_53 : memref<10240x64xf32, #tpu.memory_space<vmem_shared>>)
    %dma_start3A_54 = arith.constant 4 : i32
    %dma_start3A_55 = arith.constant 0 : i32
    %dma_start3A_56 = tpu.memref_slice %arg8[%dma_start3A_54, %dma_start3A_55] : memref<125x80xi32, #tpu.memory_space<vmem>> -> memref<1x80xi32, #tpu.memory_space<vmem>>
    %dma_start3A_57 = tpu.memref_squeeze %dma_start3A_56 : memref<1x80xi32, #tpu.memory_space<vmem>> -> memref<80xi32, #tpu.memory_space<vmem>>
    %dma_start3A_58 = arith.constant 0 : i32
    %dma_start3A_59 = arith.constant 0 : i32
    %dma_start3A_60 = tpu.memref_slice %arg2[%dma_start3A_58, %dma_start3A_59] : memref<10240x64xf32, #tpu.memory_space<hbm>> -> memref<10240x64xf32, #tpu.memory_space<hbm>>
    tpu.enqueue_indirect_dma source(%dma_start3A_60 : memref<10240x64xf32, #tpu.memory_space<hbm>>) target(%arg10 : memref<80x64xf32, #tpu.memory_space<vmem>>) offsets(%dma_start3A_57 : memref<80xi32, #tpu.memory_space<vmem>>) semaphore(%arg15 : memref<!tpu.dma_semaphore, #tpu.memory_space<semaphore_mem>>)
    %dma_wait3A_61 = arith.constant 1 : i32
    %dma_wait3A_62 = arith.constant 0 : i32
    %dma_wait3A_63 = tpu.memref_slice %arg8[%dma_wait3A_61, %dma_wait3A_62] : memref<125x80xi32, #tpu.memory_space<vmem>> -> memref<1x80xi32, #tpu.memory_space<vmem>>
    %dma_wait3A_64 = tpu.memref_squeeze %dma_wait3A_63 : memref<1x80xi32, #tpu.memory_space<vmem>> -> memref<80xi32, #tpu.memory_space<vmem>>
    %dma_wait3A_65 = arith.constant 0 : i32
    %dma_wait3A_66 = arith.constant 0 : i32
    %dma_wait3A_67 = tpu.memref_slice %arg2[%dma_wait3A_65, %dma_wait3A_66] : memref<10240x64xf32, #tpu.memory_space<hbm>> -> memref<10240x64xf32, #tpu.memory_space<hbm>>
    tpu.wait_indirect_dma semaphore(%arg16 : memref<!tpu.dma_semaphore, #tpu.memory_space<semaphore_mem>>) src(%dma_wait3A_67 : memref<10240x64xf32, #tpu.memory_space<hbm>>) dst(%arg11 : memref<80x64xf32, #tpu.memory_space<vmem>>)
    %dma_start3A_68 = arith.constant 1 : i32
    %dma_start3A_69 = arith.constant 0 : i32
    %dma_start3A_70 = tpu.memref_slice %arg9[%dma_start3A_68, %dma_start3A_69] : memref<125x80xi32, #tpu.memory_space<vmem>> -> memref<1x80xi32, #tpu.memory_space<vmem>>
    %dma_start3A_71 = tpu.memref_squeeze %dma_start3A_70 : memref<1x80xi32, #tpu.memory_space<vmem>> -> memref<80xi32, #tpu.memory_space<vmem>>
    %dma_start3A_72 = arith.constant 0 : i32
    %dma_start3A_73 = arith.constant 0 : i32
    %dma_start3A_74 = tpu.memref_slice %arg14[%dma_start3A_72, %dma_start3A_73] : memref<10240x64xf32, #tpu.memory_space<vmem_shared>> -> memref<10240x64xf32, #tpu.memory_space<vmem_shared>>
    tpu.enqueue_indirect_dma source(%arg11 : memref<80x64xf32, #tpu.memory_space<vmem>>) target(%dma_start3A_74 : memref<10240x64xf32, #tpu.memory_space<vmem_shared>>) offsets(%dma_start3A_71 : memref<80xi32, #tpu.memory_space<vmem>>) semaphore(%arg20 : memref<!tpu.dma_semaphore, #tpu.memory_space<semaphore_mem>>) {add = true}
    %dma_wait3A_75 = arith.constant 1 : i32
    %dma_wait3A_76 = arith.constant 0 : i32
    %dma_wait3A_77 = tpu.memref_slice %arg9[%dma_wait3A_75, %dma_wait3A_76] : memref<125x80xi32, #tpu.memory_space<vmem>> -> memref<1x80xi32, #tpu.memory_space<vmem>>
    %dma_wait3A_78 = tpu.memref_squeeze %dma_wait3A_77 : memref<1x80xi32, #tpu.memory_space<vmem>> -> memref<80xi32, #tpu.memory_space<vmem>>
    %dma_wait3A_79 = arith.constant 0 : i32
    %dma_wait3A_80 = arith.constant 0 : i32
    %dma_wait3A_81 = tpu.memref_slice %arg14[%dma_wait3A_79, %dma_wait3A_80] : memref<10240x64xf32, #tpu.memory_space<vmem_shared>> -> memref<10240x64xf32, #tpu.memory_space<vmem_shared>>
    tpu.wait_indirect_dma semaphore(%arg20 : memref<!tpu.dma_semaphore, #tpu.memory_space<semaphore_mem>>) src(%arg11 : memref<80x64xf32, #tpu.memory_space<vmem>>) dst(%dma_wait3A_81 : memref<10240x64xf32, #tpu.memory_space<vmem_shared>>)
    %dma_start3A_82 = arith.constant 5 : i32
    %dma_start3A_83 = arith.constant 0 : i32
    %dma_start3A_84 = tpu.memref_slice %arg8[%dma_start3A_82, %dma_start3A_83] : memref<125x80xi32, #tpu.memory_space<vmem>> -> memref<1x80xi32, #tpu.memory_space<vmem>>
    %dma_start3A_85 = tpu.memref_squeeze %dma_start3A_84 : memref<1x80xi32, #tpu.memory_space<vmem>> -> memref<80xi32, #tpu.memory_space<vmem>>
    %dma_start3A_86 = arith.constant 0 : i32
    %dma_start3A_87 = arith.constant 0 : i32
    %dma_start3A_88 = tpu.memref_slice %arg2[%dma_start3A_86, %dma_start3A_87] : memref<10240x64xf32, #tpu.memory_space<hbm>> -> memref<10240x64xf32, #tpu.memory_space<hbm>>
    tpu.enqueue_indirect_dma source(%dma_start3A_88 : memref<10240x64xf32, #tpu.memory_space<hbm>>) target(%arg11 : memref<80x64xf32, #tpu.memory_space<vmem>>) offsets(%dma_start3A_85 : memref<80xi32, #tpu.memory_space<vmem>>) semaphore(%arg16 : memref<!tpu.dma_semaphore, #tpu.memory_space<semaphore_mem>>)
    %dma_wait3A_89 = arith.constant 2 : i32
    %dma_wait3A_90 = arith.constant 0 : i32
    %dma_wait3A_91 = tpu.memref_slice %arg8[%dma_wait3A_89, %dma_wait3A_90] : memref<125x80xi32, #tpu.memory_space<vmem>> -> memref<1x80xi32, #tpu.memory_space<vmem>>
    %dma_wait3A_92 = tpu.memref_squeeze %dma_wait3A_91 : memref<1x80xi32, #tpu.memory_space<vmem>> -> memref<80xi32, #tpu.memory_space<vmem>>
    %dma_wait3A_93 = arith.constant 0 : i32
    %dma_wait3A_94 = arith.constant 0 : i32
    %dma_wait3A_95 = tpu.memref_slice %arg2[%dma_wait3A_93, %dma_wait3A_94] : memref<10240x64xf32, #tpu.memory_space<hbm>> -> memref<10240x64xf32, #tpu.memory_space<hbm>>
    tpu.wait_indirect_dma semaphore(%arg17 : memref<!tpu.dma_semaphore, #tpu.memory_space<semaphore_mem>>) src(%dma_wait3A_95 : memref<10240x64xf32, #tpu.memory_space<hbm>>) dst(%arg12 : memref<80x64xf32, #tpu.memory_space<vmem>>)
    %dma_start3A_96 = arith.constant 2 : i32
    %dma_start3A_97 = arith.constant 0 : i32
    %dma_start3A_98 = tpu.memref_slice %arg9[%dma_start3A_96, %dma_start3A_97] : memref<125x80xi32, #tpu.memory_space<vmem>> -> memref<1x80xi32, #tpu.memory_space<vmem>>
    %dma_start3A_99 = tpu.memref_squeeze %dma_start3A_98 : memref<1x80xi32, #tpu.memory_space<vmem>> -> memref<80xi32, #tpu.memory_space<vmem>>
    %dma_start3A_100 = arith.constant 0 : i32
    %dma_start3A_101 = arith.constant 0 : i32
    %dma_start3A_102 = tpu.memref_slice %arg14[%dma_start3A_100, %dma_start3A_101] : memref<10240x64xf32, #tpu.memory_space<vmem_shared>> -> memref<10240x64xf32, #tpu.memory_space<vmem_shared>>
    tpu.enqueue_indirect_dma source(%arg12 : memref<80x64xf32, #tpu.memory_space<vmem>>) target(%dma_start3A_102 : memref<10240x64xf32, #tpu.memory_space<vmem_shared>>) offsets(%dma_start3A_99 : memref<80xi32, #tpu.memory_space<vmem>>) semaphore(%arg21 : memref<!tpu.dma_semaphore, #tpu.memory_space<semaphore_mem>>) {add = true}
    %dma_wait3A_103 = arith.constant 2 : i32
    %dma_wait3A_104 = arith.constant 0 : i32
    %dma_wait3A_105 = tpu.memref_slice %arg9[%dma_wait3A_103, %dma_wait3A_104] : memref<125x80xi32, #tpu.memory_space<vmem>> -> memref<1x80xi32, #tpu.memory_space<vmem>>
    %dma_wait3A_106 = tpu.memref_squeeze %dma_wait3A_105 : memref<1x80xi32, #tpu.memory_space<vmem>> -> memref<80xi32, #tpu.memory_space<vmem>>
    %dma_wait3A_107 = arith.constant 0 : i32
    %dma_wait3A_108 = arith.constant 0 : i32
    %dma_wait3A_109 = tpu.memref_slice %arg14[%dma_wait3A_107, %dma_wait3A_108] : memref<10240x64xf32, #tpu.memory_space<vmem_shared>> -> memref<10240x64xf32, #tpu.memory_space<vmem_shared>>
    tpu.wait_indirect_dma semaphore(%arg21 : memref<!tpu.dma_semaphore, #tpu.memory_space<semaphore_mem>>) src(%arg12 : memref<80x64xf32, #tpu.memory_space<vmem>>) dst(%dma_wait3A_109 : memref<10240x64xf32, #tpu.memory_space<vmem_shared>>)
    %dma_start3A_110 = arith.constant 6 : i32
    %dma_start3A_111 = arith.constant 0 : i32
    %dma_start3A_112 = tpu.memref_slice %arg8[%dma_start3A_110, %dma_start3A_111] : memref<125x80xi32, #tpu.memory_space<vmem>> -> memref<1x80xi32, #tpu.memory_space<vmem>>
    %dma_start3A_113 = tpu.memref_squeeze %dma_start3A_112 : memref<1x80xi32, #tpu.memory_space<vmem>> -> memref<80xi32, #tpu.memory_space<vmem>>
    %dma_start3A_114 = arith.constant 0 : i32
    %dma_start3A_115 = arith.constant 0 : i32
    %dma_start3A_116 = tpu.memref_slice %arg2[%dma_start3A_114, %dma_start3A_115] : memref<10240x64xf32, #tpu.memory_space<hbm>> -> memref<10240x64xf32, #tpu.memory_space<hbm>>
    tpu.enqueue_indirect_dma source(%dma_start3A_116 : memref<10240x64xf32, #tpu.memory_space<hbm>>) target(%arg12 : memref<80x64xf32, #tpu.memory_space<vmem>>) offsets(%dma_start3A_113 : memref<80xi32, #tpu.memory_space<vmem>>) semaphore(%arg17 : memref<!tpu.dma_semaphore, #tpu.memory_space<semaphore_mem>>)
    %dma_wait3A_117 = arith.constant 3 : i32
    %dma_wait3A_118 = arith.constant 0 : i32
    %dma_wait3A_119 = tpu.memref_slice %arg8[%dma_wait3A_117, %dma_wait3A_118] : memref<125x80xi32, #tpu.memory_space<vmem>> -> memref<1x80xi32, #tpu.memory_space<vmem>>
    %dma_wait3A_120 = tpu.memref_squeeze %dma_wait3A_119 : memref<1x80xi32, #tpu.memory_space<vmem>> -> memref<80xi32, #tpu.memory_space<vmem>>
    %dma_wait3A_121 = arith.constant 0 : i32
    %dma_wait3A_122 = arith.constant 0 : i32
    %dma_wait3A_123 = tpu.memref_slice %arg2[%dma_wait3A_121, %dma_wait3A_122] : memref<10240x64xf32, #tpu.memory_space<hbm>> -> memref<10240x64xf32, #tpu.memory_space<hbm>>
    tpu.wait_indirect_dma semaphore(%arg18 : memref<!tpu.dma_semaphore, #tpu.memory_space<semaphore_mem>>) src(%dma_wait3A_123 : memref<10240x64xf32, #tpu.memory_space<hbm>>) dst(%arg13 : memref<80x64xf32, #tpu.memory_space<vmem>>)
    %dma_start3A_124 = arith.constant 3 : i32
    %dma_start3A_125 = arith.constant 0 : i32
    %dma_start3A_126 = tpu.memref_slice %arg9[%dma_start3A_124, %dma_start3A_125] : memref<125x80xi32, #tpu.memory_space<vmem>> -> memref<1x80xi32, #tpu.memory_space<vmem>>
    %dma_start3A_127 = tpu.memref_squeeze %dma_start3A_126 : memref<1x80xi32, #tpu.memory_space<vmem>> -> memref<80xi32, #tpu.memory_space<vmem>>
    %dma_start3A_128 = arith.constant 0 : i32
    %dma_start3A_129 = arith.constant 0 : i32
    %dma_start3A_130 = tpu.memref_slice %arg14[%dma_start3A_128, %dma_start3A_129] : memref<10240x64xf32, #tpu.memory_space<vmem_shared>> -> memref<10240x64xf32, #tpu.memory_space<vmem_shared>>
    tpu.enqueue_indirect_dma source(%arg13 : memref<80x64xf32, #tpu.memory_space<vmem>>) target(%dma_start3A_130 : memref<10240x64xf32, #tpu.memory_space<vmem_shared>>) offsets(%dma_start3A_127 : memref<80xi32, #tpu.memory_space<vmem>>) semaphore(%arg22 : memref<!tpu.dma_semaphore, #tpu.memory_space<semaphore_mem>>) {add = true}
    %scan3A = arith.constant 0 : i32
    %scan3A_131 = arith.constant 1 : i32
    %scan3A_132 = arith.constant 29 : i32
    %scan3A_133 = arith.addi %scan3A_131, %scan3A_132 : i32
    %scan3A_134 = arith.constant 1 : i32
    scf.for %scan3A_549 = %scan3A_131 to %scan3A_133 step %scan3A_134  : i32 {
      %mul3A_550 = arith.constant 4 : i32
      %mul3A_551 = arith.muli %mul3A_550, %scan3A_549 : i32
      %add3A_552 = arith.constant 0 : i32
      %add3A_553 = arith.addi %mul3A_551, %add3A_552 : i32
      %sub3A = arith.constant 1 : i32
      %sub3A_554 = arith.subi %add3A_553, %sub3A : i32
      %dma_wait3A_555 = arith.constant 0 : i32
      %dma_wait3A_556 = tpu.memref_slice %arg9[%sub3A_554, %dma_wait3A_555] : memref<125x80xi32, #tpu.memory_space<vmem>> -> memref<1x80xi32, #tpu.memory_space<vmem>>
      %dma_wait3A_557 = tpu.memref_squeeze %dma_wait3A_556 : memref<1x80xi32, #tpu.memory_space<vmem>> -> memref<80xi32, #tpu.memory_space<vmem>>
      %dma_wait3A_558 = arith.constant 0 : i32
      %dma_wait3A_559 = arith.constant 0 : i32
      %dma_wait3A_560 = tpu.memref_slice %arg14[%dma_wait3A_558, %dma_wait3A_559] : memref<10240x64xf32, #tpu.memory_space<vmem_shared>> -> memref<10240x64xf32, #tpu.memory_space<vmem_shared>>
      tpu.wait_indirect_dma semaphore(%arg22 : memref<!tpu.dma_semaphore, #tpu.memory_space<semaphore_mem>>) src(%arg13 : memref<80x64xf32, #tpu.memory_space<vmem>>) dst(%dma_wait3A_560 : memref<10240x64xf32, #tpu.memory_space<vmem_shared>>)
      %add3A_561 = arith.constant 3 : i32
      %add3A_562 = arith.addi %add3A_553, %add3A_561 : i32
      %dma_start3A_563 = arith.constant 0 : i32
      %dma_start3A_564 = tpu.memref_slice %arg8[%add3A_562, %dma_start3A_563] : memref<125x80xi32, #tpu.memory_space<vmem>> -> memref<1x80xi32, #tpu.memory_space<vmem>>
      %dma_start3A_565 = tpu.memref_squeeze %dma_start3A_564 : memref<1x80xi32, #tpu.memory_space<vmem>> -> memref<80xi32, #tpu.memory_space<vmem>>
      %dma_start3A_566 = arith.constant 0 : i32
      %dma_start3A_567 = arith.constant 0 : i32
      %dma_start3A_568 = tpu.memref_slice %arg2[%dma_start3A_566, %dma_start3A_567] : memref<10240x64xf32, #tpu.memory_space<hbm>> -> memref<10240x64xf32, #tpu.memory_space<hbm>>
      tpu.enqueue_indirect_dma source(%dma_start3A_568 : memref<10240x64xf32, #tpu.memory_space<hbm>>) target(%arg13 : memref<80x64xf32, #tpu.memory_space<vmem>>) offsets(%dma_start3A_565 : memref<80xi32, #tpu.memory_space<vmem>>) semaphore(%arg18 : memref<!tpu.dma_semaphore, #tpu.memory_space<semaphore_mem>>)
      %dma_wait3A_569 = arith.constant 0 : i32
      %dma_wait3A_570 = tpu.memref_slice %arg8[%add3A_553, %dma_wait3A_569] : memref<125x80xi32, #tpu.memory_space<vmem>> -> memref<1x80xi32, #tpu.memory_space<vmem>>
      %dma_wait3A_571 = tpu.memref_squeeze %dma_wait3A_570 : memref<1x80xi32, #tpu.memory_space<vmem>> -> memref<80xi32, #tpu.memory_space<vmem>>
      %dma_wait3A_572 = arith.constant 0 : i32
      %dma_wait3A_573 = arith.constant 0 : i32
      %dma_wait3A_574 = tpu.memref_slice %arg2[%dma_wait3A_572, %dma_wait3A_573] : memref<10240x64xf32, #tpu.memory_space<hbm>> -> memref<10240x64xf32, #tpu.memory_space<hbm>>
      tpu.wait_indirect_dma semaphore(%arg15 : memref<!tpu.dma_semaphore, #tpu.memory_space<semaphore_mem>>) src(%dma_wait3A_574 : memref<10240x64xf32, #tpu.memory_space<hbm>>) dst(%arg10 : memref<80x64xf32, #tpu.memory_space<vmem>>)
      %dma_start3A_575 = arith.constant 0 : i32
      %dma_start3A_576 = tpu.memref_slice %arg9[%add3A_553, %dma_start3A_575] : memref<125x80xi32, #tpu.memory_space<vmem>> -> memref<1x80xi32, #tpu.memory_space<vmem>>
      %dma_start3A_577 = tpu.memref_squeeze %dma_start3A_576 : memref<1x80xi32, #tpu.memory_space<vmem>> -> memref<80xi32, #tpu.memory_space<vmem>>
      %dma_start3A_578 = arith.constant 0 : i32
      %dma_start3A_579 = arith.constant 0 : i32
      %dma_start3A_580 = tpu.memref_slice %arg14[%dma_start3A_578, %dma_start3A_579] : memref<10240x64xf32, #tpu.memory_space<vmem_shared>> -> memref<10240x64xf32, #tpu.memory_space<vmem_shared>>
      tpu.enqueue_indirect_dma source(%arg10 : memref<80x64xf32, #tpu.memory_space<vmem>>) target(%dma_start3A_580 : memref<10240x64xf32, #tpu.memory_space<vmem_shared>>) offsets(%dma_start3A_577 : memref<80xi32, #tpu.memory_space<vmem>>) semaphore(%arg19 : memref<!tpu.dma_semaphore, #tpu.memory_space<semaphore_mem>>) {add = true}
      %mul3A_581 = arith.constant 4 : i32
      %mul3A_582 = arith.muli %mul3A_581, %scan3A_549 : i32
      %add3A_583 = arith.constant 1 : i32
      %add3A_584 = arith.addi %mul3A_582, %add3A_583 : i32
      %sub3A_585 = arith.constant 1 : i32
      %sub3A_586 = arith.subi %add3A_584, %sub3A_585 : i32
      %dma_wait3A_587 = arith.constant 0 : i32
      %dma_wait3A_588 = tpu.memref_slice %arg9[%sub3A_586, %dma_wait3A_587] : memref<125x80xi32, #tpu.memory_space<vmem>> -> memref<1x80xi32, #tpu.memory_space<vmem>>
      %dma_wait3A_589 = tpu.memref_squeeze %dma_wait3A_588 : memref<1x80xi32, #tpu.memory_space<vmem>> -> memref<80xi32, #tpu.memory_space<vmem>>
      %dma_wait3A_590 = arith.constant 0 : i32
      %dma_wait3A_591 = arith.constant 0 : i32
      %dma_wait3A_592 = tpu.memref_slice %arg14[%dma_wait3A_590, %dma_wait3A_591] : memref<10240x64xf32, #tpu.memory_space<vmem_shared>> -> memref<10240x64xf32, #tpu.memory_space<vmem_shared>>
      tpu.wait_indirect_dma semaphore(%arg19 : memref<!tpu.dma_semaphore, #tpu.memory_space<semaphore_mem>>) src(%arg10 : memref<80x64xf32, #tpu.memory_space<vmem>>) dst(%dma_wait3A_592 : memref<10240x64xf32, #tpu.memory_space<vmem_shared>>)
      %add3A_593 = arith.constant 3 : i32
      %add3A_594 = arith.addi %add3A_584, %add3A_593 : i32
      %dma_start3A_595 = arith.constant 0 : i32
      %dma_start3A_596 = tpu.memref_slice %arg8[%add3A_594, %dma_start3A_595] : memref<125x80xi32, #tpu.memory_space<vmem>> -> memref<1x80xi32, #tpu.memory_space<vmem>>
      %dma_start3A_597 = tpu.memref_squeeze %dma_start3A_596 : memref<1x80xi32, #tpu.memory_space<vmem>> -> memref<80xi32, #tpu.memory_space<vmem>>
      %dma_start3A_598 = arith.constant 0 : i32
      %dma_start3A_599 = arith.constant 0 : i32
      %dma_start3A_600 = tpu.memref_slice %arg2[%dma_start3A_598, %dma_start3A_599] : memref<10240x64xf32, #tpu.memory_space<hbm>> -> memref<10240x64xf32, #tpu.memory_space<hbm>>
      tpu.enqueue_indirect_dma source(%dma_start3A_600 : memref<10240x64xf32, #tpu.memory_space<hbm>>) target(%arg10 : memref<80x64xf32, #tpu.memory_space<vmem>>) offsets(%dma_start3A_597 : memref<80xi32, #tpu.memory_space<vmem>>) semaphore(%arg15 : memref<!tpu.dma_semaphore, #tpu.memory_space<semaphore_mem>>)
      %dma_wait3A_601 = arith.constant 0 : i32
      %dma_wait3A_602 = tpu.memref_slice %arg8[%add3A_584, %dma_wait3A_601] : memref<125x80xi32, #tpu.memory_space<vmem>> -> memref<1x80xi32, #tpu.memory_space<vmem>>
      %dma_wait3A_603 = tpu.memref_squeeze %dma_wait3A_602 : memref<1x80xi32, #tpu.memory_space<vmem>> -> memref<80xi32, #tpu.memory_space<vmem>>
      %dma_wait3A_604 = arith.constant 0 : i32
      %dma_wait3A_605 = arith.constant 0 : i32
      %dma_wait3A_606 = tpu.memref_slice %arg2[%dma_wait3A_604, %dma_wait3A_605] : memref<10240x64xf32, #tpu.memory_space<hbm>> -> memref<10240x64xf32, #tpu.memory_space<hbm>>
      tpu.wait_indirect_dma semaphore(%arg16 : memref<!tpu.dma_semaphore, #tpu.memory_space<semaphore_mem>>) src(%dma_wait3A_606 : memref<10240x64xf32, #tpu.memory_space<hbm>>) dst(%arg11 : memref<80x64xf32, #tpu.memory_space<vmem>>)
      %dma_start3A_607 = arith.constant 0 : i32
      %dma_start3A_608 = tpu.memref_slice %arg9[%add3A_584, %dma_start3A_607] : memref<125x80xi32, #tpu.memory_space<vmem>> -> memref<1x80xi32, #tpu.memory_space<vmem>>
      %dma_start3A_609 = tpu.memref_squeeze %dma_start3A_608 : memref<1x80xi32, #tpu.memory_space<vmem>> -> memref<80xi32, #tpu.memory_space<vmem>>
      %dma_start3A_610 = arith.constant 0 : i32
      %dma_start3A_611 = arith.constant 0 : i32
      %dma_start3A_612 = tpu.memref_slice %arg14[%dma_start3A_610, %dma_start3A_611] : memref<10240x64xf32, #tpu.memory_space<vmem_shared>> -> memref<10240x64xf32, #tpu.memory_space<vmem_shared>>
      tpu.enqueue_indirect_dma source(%arg11 : memref<80x64xf32, #tpu.memory_space<vmem>>) target(%dma_start3A_612 : memref<10240x64xf32, #tpu.memory_space<vmem_shared>>) offsets(%dma_start3A_609 : memref<80xi32, #tpu.memory_space<vmem>>) semaphore(%arg20 : memref<!tpu.dma_semaphore, #tpu.memory_space<semaphore_mem>>) {add = true}
      %mul3A_613 = arith.constant 4 : i32
      %mul3A_614 = arith.muli %mul3A_613, %scan3A_549 : i32
      %add3A_615 = arith.constant 2 : i32
      %add3A_616 = arith.addi %mul3A_614, %add3A_615 : i32
      %sub3A_617 = arith.constant 1 : i32
      %sub3A_618 = arith.subi %add3A_616, %sub3A_617 : i32
      %dma_wait3A_619 = arith.constant 0 : i32
      %dma_wait3A_620 = tpu.memref_slice %arg9[%sub3A_618, %dma_wait3A_619] : memref<125x80xi32, #tpu.memory_space<vmem>> -> memref<1x80xi32, #tpu.memory_space<vmem>>
      %dma_wait3A_621 = tpu.memref_squeeze %dma_wait3A_620 : memref<1x80xi32, #tpu.memory_space<vmem>> -> memref<80xi32, #tpu.memory_space<vmem>>
      %dma_wait3A_622 = arith.constant 0 : i32
      %dma_wait3A_623 = arith.constant 0 : i32
      %dma_wait3A_624 = tpu.memref_slice %arg14[%dma_wait3A_622, %dma_wait3A_623] : memref<10240x64xf32, #tpu.memory_space<vmem_shared>> -> memref<10240x64xf32, #tpu.memory_space<vmem_shared>>
      tpu.wait_indirect_dma semaphore(%arg20 : memref<!tpu.dma_semaphore, #tpu.memory_space<semaphore_mem>>) src(%arg11 : memref<80x64xf32, #tpu.memory_space<vmem>>) dst(%dma_wait3A_624 : memref<10240x64xf32, #tpu.memory_space<vmem_shared>>)
      %add3A_625 = arith.constant 3 : i32
      %add3A_626 = arith.addi %add3A_616, %add3A_625 : i32
      %dma_start3A_627 = arith.constant 0 : i32
      %dma_start3A_628 = tpu.memref_slice %arg8[%add3A_626, %dma_start3A_627] : memref<125x80xi32, #tpu.memory_space<vmem>> -> memref<1x80xi32, #tpu.memory_space<vmem>>
      %dma_start3A_629 = tpu.memref_squeeze %dma_start3A_628 : memref<1x80xi32, #tpu.memory_space<vmem>> -> memref<80xi32, #tpu.memory_space<vmem>>
      %dma_start3A_630 = arith.constant 0 : i32
      %dma_start3A_631 = arith.constant 0 : i32
      %dma_start3A_632 = tpu.memref_slice %arg2[%dma_start3A_630, %dma_start3A_631] : memref<10240x64xf32, #tpu.memory_space<hbm>> -> memref<10240x64xf32, #tpu.memory_space<hbm>>
      tpu.enqueue_indirect_dma source(%dma_start3A_632 : memref<10240x64xf32, #tpu.memory_space<hbm>>) target(%arg11 : memref<80x64xf32, #tpu.memory_space<vmem>>) offsets(%dma_start3A_629 : memref<80xi32, #tpu.memory_space<vmem>>) semaphore(%arg16 : memref<!tpu.dma_semaphore, #tpu.memory_space<semaphore_mem>>)
      %dma_wait3A_633 = arith.constant 0 : i32
      %dma_wait3A_634 = tpu.memref_slice %arg8[%add3A_616, %dma_wait3A_633] : memref<125x80xi32, #tpu.memory_space<vmem>> -> memref<1x80xi32, #tpu.memory_space<vmem>>
      %dma_wait3A_635 = tpu.memref_squeeze %dma_wait3A_634 : memref<1x80xi32, #tpu.memory_space<vmem>> -> memref<80xi32, #tpu.memory_space<vmem>>
      %dma_wait3A_636 = arith.constant 0 : i32
      %dma_wait3A_637 = arith.constant 0 : i32
      %dma_wait3A_638 = tpu.memref_slice %arg2[%dma_wait3A_636, %dma_wait3A_637] : memref<10240x64xf32, #tpu.memory_space<hbm>> -> memref<10240x64xf32, #tpu.memory_space<hbm>>
      tpu.wait_indirect_dma semaphore(%arg17 : memref<!tpu.dma_semaphore, #tpu.memory_space<semaphore_mem>>) src(%dma_wait3A_638 : memref<10240x64xf32, #tpu.memory_space<hbm>>) dst(%arg12 : memref<80x64xf32, #tpu.memory_space<vmem>>)
      %dma_start3A_639 = arith.constant 0 : i32
      %dma_start3A_640 = tpu.memref_slice %arg9[%add3A_616, %dma_start3A_639] : memref<125x80xi32, #tpu.memory_space<vmem>> -> memref<1x80xi32, #tpu.memory_space<vmem>>
      %dma_start3A_641 = tpu.memref_squeeze %dma_start3A_640 : memref<1x80xi32, #tpu.memory_space<vmem>> -> memref<80xi32, #tpu.memory_space<vmem>>
      %dma_start3A_642 = arith.constant 0 : i32
      %dma_start3A_643 = arith.constant 0 : i32
      %dma_start3A_644 = tpu.memref_slice %arg14[%dma_start3A_642, %dma_start3A_643] : memref<10240x64xf32, #tpu.memory_space<vmem_shared>> -> memref<10240x64xf32, #tpu.memory_space<vmem_shared>>
      tpu.enqueue_indirect_dma source(%arg12 : memref<80x64xf32, #tpu.memory_space<vmem>>) target(%dma_start3A_644 : memref<10240x64xf32, #tpu.memory_space<vmem_shared>>) offsets(%dma_start3A_641 : memref<80xi32, #tpu.memory_space<vmem>>) semaphore(%arg21 : memref<!tpu.dma_semaphore, #tpu.memory_space<semaphore_mem>>) {add = true}
      %mul3A_645 = arith.constant 4 : i32
      %mul3A_646 = arith.muli %mul3A_645, %scan3A_549 : i32
      %add3A_647 = arith.constant 3 : i32
      %add3A_648 = arith.addi %mul3A_646, %add3A_647 : i32
      %sub3A_649 = arith.constant 1 : i32
      %sub3A_650 = arith.subi %add3A_648, %sub3A_649 : i32
      %dma_wait3A_651 = arith.constant 0 : i32
      %dma_wait3A_652 = tpu.memref_slice %arg9[%sub3A_650, %dma_wait3A_651] : memref<125x80xi32, #tpu.memory_space<vmem>> -> memref<1x80xi32, #tpu.memory_space<vmem>>
      %dma_wait3A_653 = tpu.memref_squeeze %dma_wait3A_652 : memref<1x80xi32, #tpu.memory_space<vmem>> -> memref<80xi32, #tpu.memory_space<vmem>>
      %dma_wait3A_654 = arith.constant 0 : i32
      %dma_wait3A_655 = arith.constant 0 : i32
      %dma_wait3A_656 = tpu.memref_slice %arg14[%dma_wait3A_654, %dma_wait3A_655] : memref<10240x64xf32, #tpu.memory_space<vmem_shared>> -> memref<10240x64xf32, #tpu.memory_space<vmem_shared>>
      tpu.wait_indirect_dma semaphore(%arg21 : memref<!tpu.dma_semaphore, #tpu.memory_space<semaphore_mem>>) src(%arg12 : memref<80x64xf32, #tpu.memory_space<vmem>>) dst(%dma_wait3A_656 : memref<10240x64xf32, #tpu.memory_space<vmem_shared>>)
      %add3A_657 = arith.constant 3 : i32
      %add3A_658 = arith.addi %add3A_648, %add3A_657 : i32
      %dma_start3A_659 = arith.constant 0 : i32
      %dma_start3A_660 = tpu.memref_slice %arg8[%add3A_658, %dma_start3A_659] : memref<125x80xi32, #tpu.memory_space<vmem>> -> memref<1x80xi32, #tpu.memory_space<vmem>>
      %dma_start3A_661 = tpu.memref_squeeze %dma_start3A_660 : memref<1x80xi32, #tpu.memory_space<vmem>> -> memref<80xi32, #tpu.memory_space<vmem>>
      %dma_start3A_662 = arith.constant 0 : i32
      %dma_start3A_663 = arith.constant 0 : i32
      %dma_start3A_664 = tpu.memref_slice %arg2[%dma_start3A_662, %dma_start3A_663] : memref<10240x64xf32, #tpu.memory_space<hbm>> -> memref<10240x64xf32, #tpu.memory_space<hbm>>
      tpu.enqueue_indirect_dma source(%dma_start3A_664 : memref<10240x64xf32, #tpu.memory_space<hbm>>) target(%arg12 : memref<80x64xf32, #tpu.memory_space<vmem>>) offsets(%dma_start3A_661 : memref<80xi32, #tpu.memory_space<vmem>>) semaphore(%arg17 : memref<!tpu.dma_semaphore, #tpu.memory_space<semaphore_mem>>)
      %dma_wait3A_665 = arith.constant 0 : i32
      %dma_wait3A_666 = tpu.memref_slice %arg8[%add3A_648, %dma_wait3A_665] : memref<125x80xi32, #tpu.memory_space<vmem>> -> memref<1x80xi32, #tpu.memory_space<vmem>>
      %dma_wait3A_667 = tpu.memref_squeeze %dma_wait3A_666 : memref<1x80xi32, #tpu.memory_space<vmem>> -> memref<80xi32, #tpu.memory_space<vmem>>
      %dma_wait3A_668 = arith.constant 0 : i32
      %dma_wait3A_669 = arith.constant 0 : i32
      %dma_wait3A_670 = tpu.memref_slice %arg2[%dma_wait3A_668, %dma_wait3A_669] : memref<10240x64xf32, #tpu.memory_space<hbm>> -> memref<10240x64xf32, #tpu.memory_space<hbm>>
      tpu.wait_indirect_dma semaphore(%arg18 : memref<!tpu.dma_semaphore, #tpu.memory_space<semaphore_mem>>) src(%dma_wait3A_670 : memref<10240x64xf32, #tpu.memory_space<hbm>>) dst(%arg13 : memref<80x64xf32, #tpu.memory_space<vmem>>)
      %dma_start3A_671 = arith.constant 0 : i32
      %dma_start3A_672 = tpu.memref_slice %arg9[%add3A_648, %dma_start3A_671] : memref<125x80xi32, #tpu.memory_space<vmem>> -> memref<1x80xi32, #tpu.memory_space<vmem>>
      %dma_start3A_673 = tpu.memref_squeeze %dma_start3A_672 : memref<1x80xi32, #tpu.memory_space<vmem>> -> memref<80xi32, #tpu.memory_space<vmem>>
      %dma_start3A_674 = arith.constant 0 : i32
      %dma_start3A_675 = arith.constant 0 : i32
      %dma_start3A_676 = tpu.memref_slice %arg14[%dma_start3A_674, %dma_start3A_675] : memref<10240x64xf32, #tpu.memory_space<vmem_shared>> -> memref<10240x64xf32, #tpu.memory_space<vmem_shared>>
      tpu.enqueue_indirect_dma source(%arg13 : memref<80x64xf32, #tpu.memory_space<vmem>>) target(%dma_start3A_676 : memref<10240x64xf32, #tpu.memory_space<vmem_shared>>) offsets(%dma_start3A_673 : memref<80xi32, #tpu.memory_space<vmem>>) semaphore(%arg22 : memref<!tpu.dma_semaphore, #tpu.memory_space<semaphore_mem>>) {add = true}
    }
    %scan3A_135 = arith.constant 29 : i32
    %dma_wait3A_136 = arith.constant 119 : i32
    %dma_wait3A_137 = arith.constant 0 : i32
    %dma_wait3A_138 = tpu.memref_slice %arg9[%dma_wait3A_136, %dma_wait3A_137] : memref<125x80xi32, #tpu.memory_space<vmem>> -> memref<1x80xi32, #tpu.memory_space<vmem>>
    %dma_wait3A_139 = tpu.memref_squeeze %dma_wait3A_138 : memref<1x80xi32, #tpu.memory_space<vmem>> -> memref<80xi32, #tpu.memory_space<vmem>>
    %dma_wait3A_140 = arith.constant 0 : i32
    %dma_wait3A_141 = arith.constant 0 : i32
    %dma_wait3A_142 = tpu.memref_slice %arg14[%dma_wait3A_140, %dma_wait3A_141] : memref<10240x64xf32, #tpu.memory_space<vmem_shared>> -> memref<10240x64xf32, #tpu.memory_space<vmem_shared>>
    tpu.wait_indirect_dma semaphore(%arg22 : memref<!tpu.dma_semaphore, #tpu.memory_space<semaphore_mem>>) src(%arg13 : memref<80x64xf32, #tpu.memory_space<vmem>>) dst(%dma_wait3A_142 : memref<10240x64xf32, #tpu.memory_space<vmem_shared>>)
    %dma_start3A_143 = arith.constant 123 : i32
    %dma_start3A_144 = arith.constant 0 : i32
    %dma_start3A_145 = tpu.memref_slice %arg8[%dma_start3A_143, %dma_start3A_144] : memref<125x80xi32, #tpu.memory_space<vmem>> -> memref<1x80xi32, #tpu.memory_space<vmem>>
    %dma_start3A_146 = tpu.memref_squeeze %dma_start3A_145 : memref<1x80xi32, #tpu.memory_space<vmem>> -> memref<80xi32, #tpu.memory_space<vmem>>
    %dma_start3A_147 = arith.constant 0 : i32
    %dma_start3A_148 = arith.constant 0 : i32
    %dma_start3A_149 = tpu.memref_slice %arg2[%dma_start3A_147, %dma_start3A_148] : memref<10240x64xf32, #tpu.memory_space<hbm>> -> memref<10240x64xf32, #tpu.memory_space<hbm>>
    tpu.enqueue_indirect_dma source(%dma_start3A_149 : memref<10240x64xf32, #tpu.memory_space<hbm>>) target(%arg13 : memref<80x64xf32, #tpu.memory_space<vmem>>) offsets(%dma_start3A_146 : memref<80xi32, #tpu.memory_space<vmem>>) semaphore(%arg18 : memref<!tpu.dma_semaphore, #tpu.memory_space<semaphore_mem>>)
    %dma_wait3A_150 = arith.constant 120 : i32
    %dma_wait3A_151 = arith.constant 0 : i32
    %dma_wait3A_152 = tpu.memref_slice %arg8[%dma_wait3A_150, %dma_wait3A_151] : memref<125x80xi32, #tpu.memory_space<vmem>> -> memref<1x80xi32, #tpu.memory_space<vmem>>
    %dma_wait3A_153 = tpu.memref_squeeze %dma_wait3A_152 : memref<1x80xi32, #tpu.memory_space<vmem>> -> memref<80xi32, #tpu.memory_space<vmem>>
    %dma_wait3A_154 = arith.constant 0 : i32
    %dma_wait3A_155 = arith.constant 0 : i32
    %dma_wait3A_156 = tpu.memref_slice %arg2[%dma_wait3A_154, %dma_wait3A_155] : memref<10240x64xf32, #tpu.memory_space<hbm>> -> memref<10240x64xf32, #tpu.memory_space<hbm>>
    tpu.wait_indirect_dma semaphore(%arg15 : memref<!tpu.dma_semaphore, #tpu.memory_space<semaphore_mem>>) src(%dma_wait3A_156 : memref<10240x64xf32, #tpu.memory_space<hbm>>) dst(%arg10 : memref<80x64xf32, #tpu.memory_space<vmem>>)
    %dma_start3A_157 = arith.constant 120 : i32
    %dma_start3A_158 = arith.constant 0 : i32
    %dma_start3A_159 = tpu.memref_slice %arg9[%dma_start3A_157, %dma_start3A_158] : memref<125x80xi32, #tpu.memory_space<vmem>> -> memref<1x80xi32, #tpu.memory_space<vmem>>
    %dma_start3A_160 = tpu.memref_squeeze %dma_start3A_159 : memref<1x80xi32, #tpu.memory_space<vmem>> -> memref<80xi32, #tpu.memory_space<vmem>>
    %dma_start3A_161 = arith.constant 0 : i32
    %dma_start3A_162 = arith.constant 0 : i32
    %dma_start3A_163 = tpu.memref_slice %arg14[%dma_start3A_161, %dma_start3A_162] : memref<10240x64xf32, #tpu.memory_space<vmem_shared>> -> memref<10240x64xf32, #tpu.memory_space<vmem_shared>>
    tpu.enqueue_indirect_dma source(%arg10 : memref<80x64xf32, #tpu.memory_space<vmem>>) target(%dma_start3A_163 : memref<10240x64xf32, #tpu.memory_space<vmem_shared>>) offsets(%dma_start3A_160 : memref<80xi32, #tpu.memory_space<vmem>>) semaphore(%arg19 : memref<!tpu.dma_semaphore, #tpu.memory_space<semaphore_mem>>) {add = true}
    %dma_wait3A_164 = arith.constant 120 : i32
    %dma_wait3A_165 = arith.constant 0 : i32
    %dma_wait3A_166 = tpu.memref_slice %arg9[%dma_wait3A_164, %dma_wait3A_165] : memref<125x80xi32, #tpu.memory_space<vmem>> -> memref<1x80xi32, #tpu.memory_space<vmem>>
    %dma_wait3A_167 = tpu.memref_squeeze %dma_wait3A_166 : memref<1x80xi32, #tpu.memory_space<vmem>> -> memref<80xi32, #tpu.memory_space<vmem>>
    %dma_wait3A_168 = arith.constant 0 : i32
    %dma_wait3A_169 = arith.constant 0 : i32
    %dma_wait3A_170 = tpu.memref_slice %arg14[%dma_wait3A_168, %dma_wait3A_169] : memref<10240x64xf32, #tpu.memory_space<vmem_shared>> -> memref<10240x64xf32, #tpu.memory_space<vmem_shared>>
    tpu.wait_indirect_dma semaphore(%arg19 : memref<!tpu.dma_semaphore, #tpu.memory_space<semaphore_mem>>) src(%arg10 : memref<80x64xf32, #tpu.memory_space<vmem>>) dst(%dma_wait3A_170 : memref<10240x64xf32, #tpu.memory_space<vmem_shared>>)
    %dma_start3A_171 = arith.constant 124 : i32
    %dma_start3A_172 = arith.constant 0 : i32
    %dma_start3A_173 = tpu.memref_slice %arg8[%dma_start3A_171, %dma_start3A_172] : memref<125x80xi32, #tpu.memory_space<vmem>> -> memref<1x80xi32, #tpu.memory_space<vmem>>
    %dma_start3A_174 = tpu.memref_squeeze %dma_start3A_173 : memref<1x80xi32, #tpu.memory_space<vmem>> -> memref<80xi32, #tpu.memory_space<vmem>>
    %dma_start3A_175 = arith.constant 0 : i32
    %dma_start3A_176 = arith.constant 0 : i32
    %dma_start3A_177 = tpu.memref_slice %arg2[%dma_start3A_175, %dma_start3A_176] : memref<10240x64xf32, #tpu.memory_space<hbm>> -> memref<10240x64xf32, #tpu.memory_space<hbm>>
    tpu.enqueue_indirect_dma source(%dma_start3A_177 : memref<10240x64xf32, #tpu.memory_space<hbm>>) target(%arg10 : memref<80x64xf32, #tpu.memory_space<vmem>>) offsets(%dma_start3A_174 : memref<80xi32, #tpu.memory_space<vmem>>) semaphore(%arg15 : memref<!tpu.dma_semaphore, #tpu.memory_space<semaphore_mem>>)
    %dma_wait3A_178 = arith.constant 121 : i32
    %dma_wait3A_179 = arith.constant 0 : i32
    %dma_wait3A_180 = tpu.memref_slice %arg8[%dma_wait3A_178, %dma_wait3A_179] : memref<125x80xi32, #tpu.memory_space<vmem>> -> memref<1x80xi32, #tpu.memory_space<vmem>>
    %dma_wait3A_181 = tpu.memref_squeeze %dma_wait3A_180 : memref<1x80xi32, #tpu.memory_space<vmem>> -> memref<80xi32, #tpu.memory_space<vmem>>
    %dma_wait3A_182 = arith.constant 0 : i32
    %dma_wait3A_183 = arith.constant 0 : i32
    %dma_wait3A_184 = tpu.memref_slice %arg2[%dma_wait3A_182, %dma_wait3A_183] : memref<10240x64xf32, #tpu.memory_space<hbm>> -> memref<10240x64xf32, #tpu.memory_space<hbm>>
    tpu.wait_indirect_dma semaphore(%arg16 : memref<!tpu.dma_semaphore, #tpu.memory_space<semaphore_mem>>) src(%dma_wait3A_184 : memref<10240x64xf32, #tpu.memory_space<hbm>>) dst(%arg11 : memref<80x64xf32, #tpu.memory_space<vmem>>)
    %dma_start3A_185 = arith.constant 121 : i32
    %dma_start3A_186 = arith.constant 0 : i32
    %dma_start3A_187 = tpu.memref_slice %arg9[%dma_start3A_185, %dma_start3A_186] : memref<125x80xi32, #tpu.memory_space<vmem>> -> memref<1x80xi32, #tpu.memory_space<vmem>>
    %dma_start3A_188 = tpu.memref_squeeze %dma_start3A_187 : memref<1x80xi32, #tpu.memory_space<vmem>> -> memref<80xi32, #tpu.memory_space<vmem>>
    %dma_start3A_189 = arith.constant 0 : i32
    %dma_start3A_190 = arith.constant 0 : i32
    %dma_start3A_191 = tpu.memref_slice %arg14[%dma_start3A_189, %dma_start3A_190] : memref<10240x64xf32, #tpu.memory_space<vmem_shared>> -> memref<10240x64xf32, #tpu.memory_space<vmem_shared>>
    tpu.enqueue_indirect_dma source(%arg11 : memref<80x64xf32, #tpu.memory_space<vmem>>) target(%dma_start3A_191 : memref<10240x64xf32, #tpu.memory_space<vmem_shared>>) offsets(%dma_start3A_188 : memref<80xi32, #tpu.memory_space<vmem>>) semaphore(%arg20 : memref<!tpu.dma_semaphore, #tpu.memory_space<semaphore_mem>>) {add = true}
    %dma_wait3A_192 = arith.constant 121 : i32
    %dma_wait3A_193 = arith.constant 0 : i32
    %dma_wait3A_194 = tpu.memref_slice %arg9[%dma_wait3A_192, %dma_wait3A_193] : memref<125x80xi32, #tpu.memory_space<vmem>> -> memref<1x80xi32, #tpu.memory_space<vmem>>
    %dma_wait3A_195 = tpu.memref_squeeze %dma_wait3A_194 : memref<1x80xi32, #tpu.memory_space<vmem>> -> memref<80xi32, #tpu.memory_space<vmem>>
    %dma_wait3A_196 = arith.constant 0 : i32
    %dma_wait3A_197 = arith.constant 0 : i32
    %dma_wait3A_198 = tpu.memref_slice %arg14[%dma_wait3A_196, %dma_wait3A_197] : memref<10240x64xf32, #tpu.memory_space<vmem_shared>> -> memref<10240x64xf32, #tpu.memory_space<vmem_shared>>
    tpu.wait_indirect_dma semaphore(%arg20 : memref<!tpu.dma_semaphore, #tpu.memory_space<semaphore_mem>>) src(%arg11 : memref<80x64xf32, #tpu.memory_space<vmem>>) dst(%dma_wait3A_198 : memref<10240x64xf32, #tpu.memory_space<vmem_shared>>)
    %dma_wait3A_199 = arith.constant 122 : i32
    %dma_wait3A_200 = arith.constant 0 : i32
    %dma_wait3A_201 = tpu.memref_slice %arg8[%dma_wait3A_199, %dma_wait3A_200] : memref<125x80xi32, #tpu.memory_space<vmem>> -> memref<1x80xi32, #tpu.memory_space<vmem>>
    %dma_wait3A_202 = tpu.memref_squeeze %dma_wait3A_201 : memref<1x80xi32, #tpu.memory_space<vmem>> -> memref<80xi32, #tpu.memory_space<vmem>>
    %dma_wait3A_203 = arith.constant 0 : i32
    %dma_wait3A_204 = arith.constant 0 : i32
    %dma_wait3A_205 = tpu.memref_slice %arg2[%dma_wait3A_203, %dma_wait3A_204] : memref<10240x64xf32, #tpu.memory_space<hbm>> -> memref<10240x64xf32, #tpu.memory_space<hbm>>
    tpu.wait_indirect_dma semaphore(%arg17 : memref<!tpu.dma_semaphore, #tpu.memory_space<semaphore_mem>>) src(%dma_wait3A_205 : memref<10240x64xf32, #tpu.memory_space<hbm>>) dst(%arg12 : memref<80x64xf32, #tpu.memory_space<vmem>>)
    %dma_start3A_206 = arith.constant 122 : i32
    %dma_start3A_207 = arith.constant 0 : i32
    %dma_start3A_208 = tpu.memref_slice %arg9[%dma_start3A_206, %dma_start3A_207] : memref<125x80xi32, #tpu.memory_space<vmem>> -> memref<1x80xi32, #tpu.memory_space<vmem>>
    %dma_start3A_209 = tpu.memref_squeeze %dma_start3A_208 : memref<1x80xi32, #tpu.memory_space<vmem>> -> memref<80xi32, #tpu.memory_space<vmem>>
    %dma_start3A_210 = arith.constant 0 : i32
    %dma_start3A_211 = arith.constant 0 : i32
    %dma_start3A_212 = tpu.memref_slice %arg14[%dma_start3A_210, %dma_start3A_211] : memref<10240x64xf32, #tpu.memory_space<vmem_shared>> -> memref<10240x64xf32, #tpu.memory_space<vmem_shared>>
    tpu.enqueue_indirect_dma source(%arg12 : memref<80x64xf32, #tpu.memory_space<vmem>>) target(%dma_start3A_212 : memref<10240x64xf32, #tpu.memory_space<vmem_shared>>) offsets(%dma_start3A_209 : memref<80xi32, #tpu.memory_space<vmem>>) semaphore(%arg21 : memref<!tpu.dma_semaphore, #tpu.memory_space<semaphore_mem>>) {add = true}
    %dma_wait3A_213 = arith.constant 122 : i32
    %dma_wait3A_214 = arith.constant 0 : i32
    %dma_wait3A_215 = tpu.memref_slice %arg9[%dma_wait3A_213, %dma_wait3A_214] : memref<125x80xi32, #tpu.memory_space<vmem>> -> memref<1x80xi32, #tpu.memory_space<vmem>>
    %dma_wait3A_216 = tpu.memref_squeeze %dma_wait3A_215 : memref<1x80xi32, #tpu.memory_space<vmem>> -> memref<80xi32, #tpu.memory_space<vmem>>
    %dma_wait3A_217 = arith.constant 0 : i32
    %dma_wait3A_218 = arith.constant 0 : i32
    %dma_wait3A_219 = tpu.memref_slice %arg14[%dma_wait3A_217, %dma_wait3A_218] : memref<10240x64xf32, #tpu.memory_space<vmem_shared>> -> memref<10240x64xf32, #tpu.memory_space<vmem_shared>>
    tpu.wait_indirect_dma semaphore(%arg21 : memref<!tpu.dma_semaphore, #tpu.memory_space<semaphore_mem>>) src(%arg12 : memref<80x64xf32, #tpu.memory_space<vmem>>) dst(%dma_wait3A_219 : memref<10240x64xf32, #tpu.memory_space<vmem_shared>>)
    %dma_wait3A_220 = arith.constant 123 : i32
    %dma_wait3A_221 = arith.constant 0 : i32
    %dma_wait3A_222 = tpu.memref_slice %arg8[%dma_wait3A_220, %dma_wait3A_221] : memref<125x80xi32, #tpu.memory_space<vmem>> -> memref<1x80xi32, #tpu.memory_space<vmem>>
    %dma_wait3A_223 = tpu.memref_squeeze %dma_wait3A_222 : memref<1x80xi32, #tpu.memory_space<vmem>> -> memref<80xi32, #tpu.memory_space<vmem>>
    %dma_wait3A_224 = arith.constant 0 : i32
    %dma_wait3A_225 = arith.constant 0 : i32
    %dma_wait3A_226 = tpu.memref_slice %arg2[%dma_wait3A_224, %dma_wait3A_225] : memref<10240x64xf32, #tpu.memory_space<hbm>> -> memref<10240x64xf32, #tpu.memory_space<hbm>>
    tpu.wait_indirect_dma semaphore(%arg18 : memref<!tpu.dma_semaphore, #tpu.memory_space<semaphore_mem>>) src(%dma_wait3A_226 : memref<10240x64xf32, #tpu.memory_space<hbm>>) dst(%arg13 : memref<80x64xf32, #tpu.memory_space<vmem>>)
    %dma_start3A_227 = arith.constant 123 : i32
    %dma_start3A_228 = arith.constant 0 : i32
    %dma_start3A_229 = tpu.memref_slice %arg9[%dma_start3A_227, %dma_start3A_228] : memref<125x80xi32, #tpu.memory_space<vmem>> -> memref<1x80xi32, #tpu.memory_space<vmem>>
    %dma_start3A_230 = tpu.memref_squeeze %dma_start3A_229 : memref<1x80xi32, #tpu.memory_space<vmem>> -> memref<80xi32, #tpu.memory_space<vmem>>
    %dma_start3A_231 = arith.constant 0 : i32
    %dma_start3A_232 = arith.constant 0 : i32
    %dma_start3A_233 = tpu.memref_slice %arg14[%dma_start3A_231, %dma_start3A_232] : memref<10240x64xf32, #tpu.memory_space<vmem_shared>> -> memref<10240x64xf32, #tpu.memory_space<vmem_shared>>
    tpu.enqueue_indirect_dma source(%arg13 : memref<80x64xf32, #tpu.memory_space<vmem>>) target(%dma_start3A_233 : memref<10240x64xf32, #tpu.memory_space<vmem_shared>>) offsets(%dma_start3A_230 : memref<80xi32, #tpu.memory_space<vmem>>) semaphore(%arg22 : memref<!tpu.dma_semaphore, #tpu.memory_space<semaphore_mem>>) {add = true}
    %dma_wait3A_234 = arith.constant 124 : i32
    %dma_wait3A_235 = arith.constant 0 : i32
    %dma_wait3A_236 = tpu.memref_slice %arg8[%dma_wait3A_234, %dma_wait3A_235] : memref<125x80xi32, #tpu.memory_space<vmem>> -> memref<1x80xi32, #tpu.memory_space<vmem>>
    %dma_wait3A_237 = tpu.memref_squeeze %dma_wait3A_236 : memref<1x80xi32, #tpu.memory_space<vmem>> -> memref<80xi32, #tpu.memory_space<vmem>>
    %dma_wait3A_238 = arith.constant 0 : i32
    %dma_wait3A_239 = arith.constant 0 : i32
    %dma_wait3A_240 = tpu.memref_slice %arg2[%dma_wait3A_238, %dma_wait3A_239] : memref<10240x64xf32, #tpu.memory_space<hbm>> -> memref<10240x64xf32, #tpu.memory_space<hbm>>
    tpu.wait_indirect_dma semaphore(%arg15 : memref<!tpu.dma_semaphore, #tpu.memory_space<semaphore_mem>>) src(%dma_wait3A_240 : memref<10240x64xf32, #tpu.memory_space<hbm>>) dst(%arg10 : memref<80x64xf32, #tpu.memory_space<vmem>>)
    %dma_start3A_241 = arith.constant 124 : i32
    %dma_start3A_242 = arith.constant 0 : i32
    %dma_start3A_243 = tpu.memref_slice %arg9[%dma_start3A_241, %dma_start3A_242] : memref<125x80xi32, #tpu.memory_space<vmem>> -> memref<1x80xi32, #tpu.memory_space<vmem>>
    %dma_start3A_244 = tpu.memref_squeeze %dma_start3A_243 : memref<1x80xi32, #tpu.memory_space<vmem>> -> memref<80xi32, #tpu.memory_space<vmem>>
    %dma_start3A_245 = arith.constant 0 : i32
    %dma_start3A_246 = arith.constant 0 : i32
    %dma_start3A_247 = tpu.memref_slice %arg14[%dma_start3A_245, %dma_start3A_246] : memref<10240x64xf32, #tpu.memory_space<vmem_shared>> -> memref<10240x64xf32, #tpu.memory_space<vmem_shared>>
    tpu.enqueue_indirect_dma source(%arg10 : memref<80x64xf32, #tpu.memory_space<vmem>>) target(%dma_start3A_247 : memref<10240x64xf32, #tpu.memory_space<vmem_shared>>) offsets(%dma_start3A_244 : memref<80xi32, #tpu.memory_space<vmem>>) semaphore(%arg19 : memref<!tpu.dma_semaphore, #tpu.memory_space<semaphore_mem>>) {add = true}
    %dma_wait3A_248 = arith.constant 123 : i32
    %dma_wait3A_249 = arith.constant 0 : i32
    %dma_wait3A_250 = tpu.memref_slice %arg9[%dma_wait3A_248, %dma_wait3A_249] : memref<125x80xi32, #tpu.memory_space<vmem>> -> memref<1x80xi32, #tpu.memory_space<vmem>>
    %dma_wait3A_251 = tpu.memref_squeeze %dma_wait3A_250 : memref<1x80xi32, #tpu.memory_space<vmem>> -> memref<80xi32, #tpu.memory_space<vmem>>
    %dma_wait3A_252 = arith.constant 0 : i32
    %dma_wait3A_253 = arith.constant 0 : i32
    %dma_wait3A_254 = tpu.memref_slice %arg14[%dma_wait3A_252, %dma_wait3A_253] : memref<10240x64xf32, #tpu.memory_space<vmem_shared>> -> memref<10240x64xf32, #tpu.memory_space<vmem_shared>>
    tpu.wait_indirect_dma semaphore(%arg22 : memref<!tpu.dma_semaphore, #tpu.memory_space<semaphore_mem>>) src(%arg13 : memref<80x64xf32, #tpu.memory_space<vmem>>) dst(%dma_wait3A_254 : memref<10240x64xf32, #tpu.memory_space<vmem_shared>>)
    %dma_wait3A_255 = arith.constant 124 : i32
    %dma_wait3A_256 = arith.constant 0 : i32
    %dma_wait3A_257 = tpu.memref_slice %arg9[%dma_wait3A_255, %dma_wait3A_256] : memref<125x80xi32, #tpu.memory_space<vmem>> -> memref<1x80xi32, #tpu.memory_space<vmem>>
    %dma_wait3A_258 = tpu.memref_squeeze %dma_wait3A_257 : memref<1x80xi32, #tpu.memory_space<vmem>> -> memref<80xi32, #tpu.memory_space<vmem>>
    %dma_wait3A_259 = arith.constant 0 : i32
    %dma_wait3A_260 = arith.constant 0 : i32
    %dma_wait3A_261 = tpu.memref_slice %arg14[%dma_wait3A_259, %dma_wait3A_260] : memref<10240x64xf32, #tpu.memory_space<vmem_shared>> -> memref<10240x64xf32, #tpu.memory_space<vmem_shared>>
    tpu.wait_indirect_dma semaphore(%arg19 : memref<!tpu.dma_semaphore, #tpu.memory_space<semaphore_mem>>) src(%arg10 : memref<80x64xf32, #tpu.memory_space<vmem>>) dst(%dma_wait3A_261 : memref<10240x64xf32, #tpu.memory_space<vmem_shared>>)
    %barrier3A_262 = arith.constant 0 : index
    tpu.barrier barrier_id(%barrier3A_262)
    %mul3A_263 = arith.constant 640 : i32
    %mul3A_264 = arith.muli %arg1, %mul3A_263 : i32
    %mul3A_265 = arith.constant 2 : i32
    %mul3A_266 = arith.muli %arg0, %mul3A_265 : i32
    %add3A_267 = arith.constant 0 : i32
    %add3A_268 = arith.addi %mul3A_266, %add3A_267 : i32
    %mul3A_269 = arith.constant 10240 : i32
    %mul3A_270 = arith.muli %add3A_268, %mul3A_269 : i32
    %mul3A_271 = arith.constant 640 : i32
    %mul3A_272 = arith.muli %arg1, %mul3A_271 : i32
    %add3A_273 = arith.addi %mul3A_270, %mul3A_272 : i32
    "tpu.region"() ({
      %run_scoped3A = tpu.sem_alloc : memref<!tpu.dma_semaphore, #tpu.memory_space<semaphore_mem>>
      %dma_start3A_549 = arith.constant 0 : i32
      %dma_start3A_550 = tpu.memref_slice %arg7[%add3A_273, %dma_start3A_549] : memref<40960x64xf32, #tpu.memory_space<hbm>> -> memref<640x64xf32, #tpu.memory_space<hbm>>
      %dma_start3A_551 = arith.constant 0 : i32
      %dma_start3A_552 = tpu.memref_slice %arg14[%mul3A_264, %dma_start3A_551] : memref<10240x64xf32, #tpu.memory_space<vmem_shared>> -> memref<640x64xf32, #tpu.memory_space<vmem_shared>>
      tpu.enqueue_dma source(%dma_start3A_552 : memref<640x64xf32, #tpu.memory_space<vmem_shared>>) target(%dma_start3A_550 : memref<640x64xf32, #tpu.memory_space<hbm>>) target_semaphore(%run_scoped3A : memref<!tpu.dma_semaphore, #tpu.memory_space<semaphore_mem>>)
      %dma_wait3A_553 = arith.constant 0 : i32
      %dma_wait3A_554 = tpu.memref_slice %arg7[%add3A_273, %dma_wait3A_553] : memref<40960x64xf32, #tpu.memory_space<hbm>> -> memref<640x64xf32, #tpu.memory_space<hbm>>
      %dma_wait3A_555 = arith.constant 0 : i32
      %dma_wait3A_556 = tpu.memref_slice %arg14[%mul3A_264, %dma_wait3A_555] : memref<10240x64xf32, #tpu.memory_space<vmem_shared>> -> memref<640x64xf32, #tpu.memory_space<vmem_shared>>
      tpu.wait_dma2 semaphore(%run_scoped3A : memref<!tpu.dma_semaphore, #tpu.memory_space<semaphore_mem>>) src(%dma_wait3A_556 : memref<640x64xf32, #tpu.memory_space<vmem_shared>>) dst(%dma_wait3A_554 : memref<640x64xf32, #tpu.memory_space<hbm>>)
      tpu.yield
    }) : () -> ()
    %barrier3A_274 = arith.constant 0 : index
    tpu.barrier barrier_id(%barrier3A_274)
    %mul3A_275 = arith.constant 640 : i32
    %mul3A_276 = arith.muli %arg1, %mul3A_275 : i32
    "tpu.region"() ({
      %run_scoped3A = tpu.sem_alloc : memref<!tpu.dma_semaphore, #tpu.memory_space<semaphore_mem>>
      %dma_start3A_549 = arith.constant 0 : i32
      %dma_start3A_550 = tpu.memref_slice %arg14[%mul3A_276, %dma_start3A_549] : memref<10240x64xf32, #tpu.memory_space<vmem_shared>> -> memref<640x64xf32, #tpu.memory_space<vmem_shared>>
      tpu.enqueue_dma source(%arg6 : memref<640x64xf32, #tpu.memory_space<hbm>>) target(%dma_start3A_550 : memref<640x64xf32, #tpu.memory_space<vmem_shared>>) target_semaphore(%run_scoped3A : memref<!tpu.dma_semaphore, #tpu.memory_space<semaphore_mem>>)
      %dma_wait3A_551 = arith.constant 0 : i32
      %dma_wait3A_552 = tpu.memref_slice %arg14[%mul3A_276, %dma_wait3A_551] : memref<10240x64xf32, #tpu.memory_space<vmem_shared>> -> memref<640x64xf32, #tpu.memory_space<vmem_shared>>
      tpu.wait_dma2 semaphore(%run_scoped3A : memref<!tpu.dma_semaphore, #tpu.memory_space<semaphore_mem>>) src(%arg6 : memref<640x64xf32, #tpu.memory_space<hbm>>) dst(%dma_wait3A_552 : memref<640x64xf32, #tpu.memory_space<vmem_shared>>)
      tpu.yield
    }) : () -> ()
    %barrier3A_277 = arith.constant 0 : index
    tpu.barrier barrier_id(%barrier3A_277)
    %dma_start3A_278 = arith.constant 0 : i32
    %dma_start3A_279 = arith.constant 0 : i32
    %dma_start3A_280 = tpu.memref_slice %arg8[%dma_start3A_278, %dma_start3A_279] : memref<125x80xi32, #tpu.memory_space<vmem>> -> memref<1x80xi32, #tpu.memory_space<vmem>>
    %dma_start3A_281 = tpu.memref_squeeze %dma_start3A_280 : memref<1x80xi32, #tpu.memory_space<vmem>> -> memref<80xi32, #tpu.memory_space<vmem>>
    %dma_start3A_282 = arith.constant 0 : i32
    %dma_start3A_283 = arith.constant 0 : i32
    %dma_start3A_284 = tpu.memref_slice %arg3[%dma_start3A_282, %dma_start3A_283] : memref<10240x64xf32, #tpu.memory_space<hbm>> -> memref<10240x64xf32, #tpu.memory_space<hbm>>
    tpu.enqueue_indirect_dma source(%dma_start3A_284 : memref<10240x64xf32, #tpu.memory_space<hbm>>) target(%arg10 : memref<80x64xf32, #tpu.memory_space<vmem>>) offsets(%dma_start3A_281 : memref<80xi32, #tpu.memory_space<vmem>>) semaphore(%arg15 : memref<!tpu.dma_semaphore, #tpu.memory_space<semaphore_mem>>)
    %dma_start3A_285 = arith.constant 1 : i32
    %dma_start3A_286 = arith.constant 0 : i32
    %dma_start3A_287 = tpu.memref_slice %arg8[%dma_start3A_285, %dma_start3A_286] : memref<125x80xi32, #tpu.memory_space<vmem>> -> memref<1x80xi32, #tpu.memory_space<vmem>>
    %dma_start3A_288 = tpu.memref_squeeze %dma_start3A_287 : memref<1x80xi32, #tpu.memory_space<vmem>> -> memref<80xi32, #tpu.memory_space<vmem>>
    %dma_start3A_289 = arith.constant 0 : i32
    %dma_start3A_290 = arith.constant 0 : i32
    %dma_start3A_291 = tpu.memref_slice %arg3[%dma_start3A_289, %dma_start3A_290] : memref<10240x64xf32, #tpu.memory_space<hbm>> -> memref<10240x64xf32, #tpu.memory_space<hbm>>
    tpu.enqueue_indirect_dma source(%dma_start3A_291 : memref<10240x64xf32, #tpu.memory_space<hbm>>) target(%arg11 : memref<80x64xf32, #tpu.memory_space<vmem>>) offsets(%dma_start3A_288 : memref<80xi32, #tpu.memory_space<vmem>>) semaphore(%arg16 : memref<!tpu.dma_semaphore, #tpu.memory_space<semaphore_mem>>)
    %dma_start3A_292 = arith.constant 2 : i32
    %dma_start3A_293 = arith.constant 0 : i32
    %dma_start3A_294 = tpu.memref_slice %arg8[%dma_start3A_292, %dma_start3A_293] : memref<125x80xi32, #tpu.memory_space<vmem>> -> memref<1x80xi32, #tpu.memory_space<vmem>>
    %dma_start3A_295 = tpu.memref_squeeze %dma_start3A_294 : memref<1x80xi32, #tpu.memory_space<vmem>> -> memref<80xi32, #tpu.memory_space<vmem>>
    %dma_start3A_296 = arith.constant 0 : i32
    %dma_start3A_297 = arith.constant 0 : i32
    %dma_start3A_298 = tpu.memref_slice %arg3[%dma_start3A_296, %dma_start3A_297] : memref<10240x64xf32, #tpu.memory_space<hbm>> -> memref<10240x64xf32, #tpu.memory_space<hbm>>
    tpu.enqueue_indirect_dma source(%dma_start3A_298 : memref<10240x64xf32, #tpu.memory_space<hbm>>) target(%arg12 : memref<80x64xf32, #tpu.memory_space<vmem>>) offsets(%dma_start3A_295 : memref<80xi32, #tpu.memory_space<vmem>>) semaphore(%arg17 : memref<!tpu.dma_semaphore, #tpu.memory_space<semaphore_mem>>)
    %dma_start3A_299 = arith.constant 3 : i32
    %dma_start3A_300 = arith.constant 0 : i32
    %dma_start3A_301 = tpu.memref_slice %arg8[%dma_start3A_299, %dma_start3A_300] : memref<125x80xi32, #tpu.memory_space<vmem>> -> memref<1x80xi32, #tpu.memory_space<vmem>>
    %dma_start3A_302 = tpu.memref_squeeze %dma_start3A_301 : memref<1x80xi32, #tpu.memory_space<vmem>> -> memref<80xi32, #tpu.memory_space<vmem>>
    %dma_start3A_303 = arith.constant 0 : i32
    %dma_start3A_304 = arith.constant 0 : i32
    %dma_start3A_305 = tpu.memref_slice %arg3[%dma_start3A_303, %dma_start3A_304] : memref<10240x64xf32, #tpu.memory_space<hbm>> -> memref<10240x64xf32, #tpu.memory_space<hbm>>
    tpu.enqueue_indirect_dma source(%dma_start3A_305 : memref<10240x64xf32, #tpu.memory_space<hbm>>) target(%arg13 : memref<80x64xf32, #tpu.memory_space<vmem>>) offsets(%dma_start3A_302 : memref<80xi32, #tpu.memory_space<vmem>>) semaphore(%arg18 : memref<!tpu.dma_semaphore, #tpu.memory_space<semaphore_mem>>)
    %dma_wait3A_306 = arith.constant 0 : i32
    %dma_wait3A_307 = arith.constant 0 : i32
    %dma_wait3A_308 = tpu.memref_slice %arg8[%dma_wait3A_306, %dma_wait3A_307] : memref<125x80xi32, #tpu.memory_space<vmem>> -> memref<1x80xi32, #tpu.memory_space<vmem>>
    %dma_wait3A_309 = tpu.memref_squeeze %dma_wait3A_308 : memref<1x80xi32, #tpu.memory_space<vmem>> -> memref<80xi32, #tpu.memory_space<vmem>>
    %dma_wait3A_310 = arith.constant 0 : i32
    %dma_wait3A_311 = arith.constant 0 : i32
    %dma_wait3A_312 = tpu.memref_slice %arg3[%dma_wait3A_310, %dma_wait3A_311] : memref<10240x64xf32, #tpu.memory_space<hbm>> -> memref<10240x64xf32, #tpu.memory_space<hbm>>
    tpu.wait_indirect_dma semaphore(%arg15 : memref<!tpu.dma_semaphore, #tpu.memory_space<semaphore_mem>>) src(%dma_wait3A_312 : memref<10240x64xf32, #tpu.memory_space<hbm>>) dst(%arg10 : memref<80x64xf32, #tpu.memory_space<vmem>>)
    %dma_start3A_313 = arith.constant 0 : i32
    %dma_start3A_314 = arith.constant 0 : i32
    %dma_start3A_315 = tpu.memref_slice %arg9[%dma_start3A_313, %dma_start3A_314] : memref<125x80xi32, #tpu.memory_space<vmem>> -> memref<1x80xi32, #tpu.memory_space<vmem>>
    %dma_start3A_316 = tpu.memref_squeeze %dma_start3A_315 : memref<1x80xi32, #tpu.memory_space<vmem>> -> memref<80xi32, #tpu.memory_space<vmem>>
    %dma_start3A_317 = arith.constant 0 : i32
    %dma_start3A_318 = arith.constant 0 : i32
    %dma_start3A_319 = tpu.memref_slice %arg14[%dma_start3A_317, %dma_start3A_318] : memref<10240x64xf32, #tpu.memory_space<vmem_shared>> -> memref<10240x64xf32, #tpu.memory_space<vmem_shared>>
    tpu.enqueue_indirect_dma source(%arg10 : memref<80x64xf32, #tpu.memory_space<vmem>>) target(%dma_start3A_319 : memref<10240x64xf32, #tpu.memory_space<vmem_shared>>) offsets(%dma_start3A_316 : memref<80xi32, #tpu.memory_space<vmem>>) semaphore(%arg19 : memref<!tpu.dma_semaphore, #tpu.memory_space<semaphore_mem>>) {add = true}
    %dma_wait3A_320 = arith.constant 0 : i32
    %dma_wait3A_321 = arith.constant 0 : i32
    %dma_wait3A_322 = tpu.memref_slice %arg9[%dma_wait3A_320, %dma_wait3A_321] : memref<125x80xi32, #tpu.memory_space<vmem>> -> memref<1x80xi32, #tpu.memory_space<vmem>>
    %dma_wait3A_323 = tpu.memref_squeeze %dma_wait3A_322 : memref<1x80xi32, #tpu.memory_space<vmem>> -> memref<80xi32, #tpu.memory_space<vmem>>
    %dma_wait3A_324 = arith.constant 0 : i32
    %dma_wait3A_325 = arith.constant 0 : i32
    %dma_wait3A_326 = tpu.memref_slice %arg14[%dma_wait3A_324, %dma_wait3A_325] : memref<10240x64xf32, #tpu.memory_space<vmem_shared>> -> memref<10240x64xf32, #tpu.memory_space<vmem_shared>>
    tpu.wait_indirect_dma semaphore(%arg19 : memref<!tpu.dma_semaphore, #tpu.memory_space<semaphore_mem>>) src(%arg10 : memref<80x64xf32, #tpu.memory_space<vmem>>) dst(%dma_wait3A_326 : memref<10240x64xf32, #tpu.memory_space<vmem_shared>>)
    %dma_start3A_327 = arith.constant 4 : i32
    %dma_start3A_328 = arith.constant 0 : i32
    %dma_start3A_329 = tpu.memref_slice %arg8[%dma_start3A_327, %dma_start3A_328] : memref<125x80xi32, #tpu.memory_space<vmem>> -> memref<1x80xi32, #tpu.memory_space<vmem>>
    %dma_start3A_330 = tpu.memref_squeeze %dma_start3A_329 : memref<1x80xi32, #tpu.memory_space<vmem>> -> memref<80xi32, #tpu.memory_space<vmem>>
    %dma_start3A_331 = arith.constant 0 : i32
    %dma_start3A_332 = arith.constant 0 : i32
    %dma_start3A_333 = tpu.memref_slice %arg3[%dma_start3A_331, %dma_start3A_332] : memref<10240x64xf32, #tpu.memory_space<hbm>> -> memref<10240x64xf32, #tpu.memory_space<hbm>>
    tpu.enqueue_indirect_dma source(%dma_start3A_333 : memref<10240x64xf32, #tpu.memory_space<hbm>>) target(%arg10 : memref<80x64xf32, #tpu.memory_space<vmem>>) offsets(%dma_start3A_330 : memref<80xi32, #tpu.memory_space<vmem>>) semaphore(%arg15 : memref<!tpu.dma_semaphore, #tpu.memory_space<semaphore_mem>>)
    %dma_wait3A_334 = arith.constant 1 : i32
    %dma_wait3A_335 = arith.constant 0 : i32
    %dma_wait3A_336 = tpu.memref_slice %arg8[%dma_wait3A_334, %dma_wait3A_335] : memref<125x80xi32, #tpu.memory_space<vmem>> -> memref<1x80xi32, #tpu.memory_space<vmem>>
    %dma_wait3A_337 = tpu.memref_squeeze %dma_wait3A_336 : memref<1x80xi32, #tpu.memory_space<vmem>> -> memref<80xi32, #tpu.memory_space<vmem>>
    %dma_wait3A_338 = arith.constant 0 : i32
    %dma_wait3A_339 = arith.constant 0 : i32
    %dma_wait3A_340 = tpu.memref_slice %arg3[%dma_wait3A_338, %dma_wait3A_339] : memref<10240x64xf32, #tpu.memory_space<hbm>> -> memref<10240x64xf32, #tpu.memory_space<hbm>>
    tpu.wait_indirect_dma semaphore(%arg16 : memref<!tpu.dma_semaphore, #tpu.memory_space<semaphore_mem>>) src(%dma_wait3A_340 : memref<10240x64xf32, #tpu.memory_space<hbm>>) dst(%arg11 : memref<80x64xf32, #tpu.memory_space<vmem>>)
    %dma_start3A_341 = arith.constant 1 : i32
    %dma_start3A_342 = arith.constant 0 : i32
    %dma_start3A_343 = tpu.memref_slice %arg9[%dma_start3A_341, %dma_start3A_342] : memref<125x80xi32, #tpu.memory_space<vmem>> -> memref<1x80xi32, #tpu.memory_space<vmem>>
    %dma_start3A_344 = tpu.memref_squeeze %dma_start3A_343 : memref<1x80xi32, #tpu.memory_space<vmem>> -> memref<80xi32, #tpu.memory_space<vmem>>
    %dma_start3A_345 = arith.constant 0 : i32
    %dma_start3A_346 = arith.constant 0 : i32
    %dma_start3A_347 = tpu.memref_slice %arg14[%dma_start3A_345, %dma_start3A_346] : memref<10240x64xf32, #tpu.memory_space<vmem_shared>> -> memref<10240x64xf32, #tpu.memory_space<vmem_shared>>
    tpu.enqueue_indirect_dma source(%arg11 : memref<80x64xf32, #tpu.memory_space<vmem>>) target(%dma_start3A_347 : memref<10240x64xf32, #tpu.memory_space<vmem_shared>>) offsets(%dma_start3A_344 : memref<80xi32, #tpu.memory_space<vmem>>) semaphore(%arg20 : memref<!tpu.dma_semaphore, #tpu.memory_space<semaphore_mem>>) {add = true}
    %dma_wait3A_348 = arith.constant 1 : i32
    %dma_wait3A_349 = arith.constant 0 : i32
    %dma_wait3A_350 = tpu.memref_slice %arg9[%dma_wait3A_348, %dma_wait3A_349] : memref<125x80xi32, #tpu.memory_space<vmem>> -> memref<1x80xi32, #tpu.memory_space<vmem>>
    %dma_wait3A_351 = tpu.memref_squeeze %dma_wait3A_350 : memref<1x80xi32, #tpu.memory_space<vmem>> -> memref<80xi32, #tpu.memory_space<vmem>>
    %dma_wait3A_352 = arith.constant 0 : i32
    %dma_wait3A_353 = arith.constant 0 : i32
    %dma_wait3A_354 = tpu.memref_slice %arg14[%dma_wait3A_352, %dma_wait3A_353] : memref<10240x64xf32, #tpu.memory_space<vmem_shared>> -> memref<10240x64xf32, #tpu.memory_space<vmem_shared>>
    tpu.wait_indirect_dma semaphore(%arg20 : memref<!tpu.dma_semaphore, #tpu.memory_space<semaphore_mem>>) src(%arg11 : memref<80x64xf32, #tpu.memory_space<vmem>>) dst(%dma_wait3A_354 : memref<10240x64xf32, #tpu.memory_space<vmem_shared>>)
    %dma_start3A_355 = arith.constant 5 : i32
    %dma_start3A_356 = arith.constant 0 : i32
    %dma_start3A_357 = tpu.memref_slice %arg8[%dma_start3A_355, %dma_start3A_356] : memref<125x80xi32, #tpu.memory_space<vmem>> -> memref<1x80xi32, #tpu.memory_space<vmem>>
    %dma_start3A_358 = tpu.memref_squeeze %dma_start3A_357 : memref<1x80xi32, #tpu.memory_space<vmem>> -> memref<80xi32, #tpu.memory_space<vmem>>
    %dma_start3A_359 = arith.constant 0 : i32
    %dma_start3A_360 = arith.constant 0 : i32
    %dma_start3A_361 = tpu.memref_slice %arg3[%dma_start3A_359, %dma_start3A_360] : memref<10240x64xf32, #tpu.memory_space<hbm>> -> memref<10240x64xf32, #tpu.memory_space<hbm>>
    tpu.enqueue_indirect_dma source(%dma_start3A_361 : memref<10240x64xf32, #tpu.memory_space<hbm>>) target(%arg11 : memref<80x64xf32, #tpu.memory_space<vmem>>) offsets(%dma_start3A_358 : memref<80xi32, #tpu.memory_space<vmem>>) semaphore(%arg16 : memref<!tpu.dma_semaphore, #tpu.memory_space<semaphore_mem>>)
    %dma_wait3A_362 = arith.constant 2 : i32
    %dma_wait3A_363 = arith.constant 0 : i32
    %dma_wait3A_364 = tpu.memref_slice %arg8[%dma_wait3A_362, %dma_wait3A_363] : memref<125x80xi32, #tpu.memory_space<vmem>> -> memref<1x80xi32, #tpu.memory_space<vmem>>
    %dma_wait3A_365 = tpu.memref_squeeze %dma_wait3A_364 : memref<1x80xi32, #tpu.memory_space<vmem>> -> memref<80xi32, #tpu.memory_space<vmem>>
    %dma_wait3A_366 = arith.constant 0 : i32
    %dma_wait3A_367 = arith.constant 0 : i32
    %dma_wait3A_368 = tpu.memref_slice %arg3[%dma_wait3A_366, %dma_wait3A_367] : memref<10240x64xf32, #tpu.memory_space<hbm>> -> memref<10240x64xf32, #tpu.memory_space<hbm>>
    tpu.wait_indirect_dma semaphore(%arg17 : memref<!tpu.dma_semaphore, #tpu.memory_space<semaphore_mem>>) src(%dma_wait3A_368 : memref<10240x64xf32, #tpu.memory_space<hbm>>) dst(%arg12 : memref<80x64xf32, #tpu.memory_space<vmem>>)
    %dma_start3A_369 = arith.constant 2 : i32
    %dma_start3A_370 = arith.constant 0 : i32
    %dma_start3A_371 = tpu.memref_slice %arg9[%dma_start3A_369, %dma_start3A_370] : memref<125x80xi32, #tpu.memory_space<vmem>> -> memref<1x80xi32, #tpu.memory_space<vmem>>
    %dma_start3A_372 = tpu.memref_squeeze %dma_start3A_371 : memref<1x80xi32, #tpu.memory_space<vmem>> -> memref<80xi32, #tpu.memory_space<vmem>>
    %dma_start3A_373 = arith.constant 0 : i32
    %dma_start3A_374 = arith.constant 0 : i32
    %dma_start3A_375 = tpu.memref_slice %arg14[%dma_start3A_373, %dma_start3A_374] : memref<10240x64xf32, #tpu.memory_space<vmem_shared>> -> memref<10240x64xf32, #tpu.memory_space<vmem_shared>>
    tpu.enqueue_indirect_dma source(%arg12 : memref<80x64xf32, #tpu.memory_space<vmem>>) target(%dma_start3A_375 : memref<10240x64xf32, #tpu.memory_space<vmem_shared>>) offsets(%dma_start3A_372 : memref<80xi32, #tpu.memory_space<vmem>>) semaphore(%arg21 : memref<!tpu.dma_semaphore, #tpu.memory_space<semaphore_mem>>) {add = true}
    %dma_wait3A_376 = arith.constant 2 : i32
    %dma_wait3A_377 = arith.constant 0 : i32
    %dma_wait3A_378 = tpu.memref_slice %arg9[%dma_wait3A_376, %dma_wait3A_377] : memref<125x80xi32, #tpu.memory_space<vmem>> -> memref<1x80xi32, #tpu.memory_space<vmem>>
    %dma_wait3A_379 = tpu.memref_squeeze %dma_wait3A_378 : memref<1x80xi32, #tpu.memory_space<vmem>> -> memref<80xi32, #tpu.memory_space<vmem>>
    %dma_wait3A_380 = arith.constant 0 : i32
    %dma_wait3A_381 = arith.constant 0 : i32
    %dma_wait3A_382 = tpu.memref_slice %arg14[%dma_wait3A_380, %dma_wait3A_381] : memref<10240x64xf32, #tpu.memory_space<vmem_shared>> -> memref<10240x64xf32, #tpu.memory_space<vmem_shared>>
    tpu.wait_indirect_dma semaphore(%arg21 : memref<!tpu.dma_semaphore, #tpu.memory_space<semaphore_mem>>) src(%arg12 : memref<80x64xf32, #tpu.memory_space<vmem>>) dst(%dma_wait3A_382 : memref<10240x64xf32, #tpu.memory_space<vmem_shared>>)
    %dma_start3A_383 = arith.constant 6 : i32
    %dma_start3A_384 = arith.constant 0 : i32
    %dma_start3A_385 = tpu.memref_slice %arg8[%dma_start3A_383, %dma_start3A_384] : memref<125x80xi32, #tpu.memory_space<vmem>> -> memref<1x80xi32, #tpu.memory_space<vmem>>
    %dma_start3A_386 = tpu.memref_squeeze %dma_start3A_385 : memref<1x80xi32, #tpu.memory_space<vmem>> -> memref<80xi32, #tpu.memory_space<vmem>>
    %dma_start3A_387 = arith.constant 0 : i32
    %dma_start3A_388 = arith.constant 0 : i32
    %dma_start3A_389 = tpu.memref_slice %arg3[%dma_start3A_387, %dma_start3A_388] : memref<10240x64xf32, #tpu.memory_space<hbm>> -> memref<10240x64xf32, #tpu.memory_space<hbm>>
    tpu.enqueue_indirect_dma source(%dma_start3A_389 : memref<10240x64xf32, #tpu.memory_space<hbm>>) target(%arg12 : memref<80x64xf32, #tpu.memory_space<vmem>>) offsets(%dma_start3A_386 : memref<80xi32, #tpu.memory_space<vmem>>) semaphore(%arg17 : memref<!tpu.dma_semaphore, #tpu.memory_space<semaphore_mem>>)
    %dma_wait3A_390 = arith.constant 3 : i32
    %dma_wait3A_391 = arith.constant 0 : i32
    %dma_wait3A_392 = tpu.memref_slice %arg8[%dma_wait3A_390, %dma_wait3A_391] : memref<125x80xi32, #tpu.memory_space<vmem>> -> memref<1x80xi32, #tpu.memory_space<vmem>>
    %dma_wait3A_393 = tpu.memref_squeeze %dma_wait3A_392 : memref<1x80xi32, #tpu.memory_space<vmem>> -> memref<80xi32, #tpu.memory_space<vmem>>
    %dma_wait3A_394 = arith.constant 0 : i32
    %dma_wait3A_395 = arith.constant 0 : i32
    %dma_wait3A_396 = tpu.memref_slice %arg3[%dma_wait3A_394, %dma_wait3A_395] : memref<10240x64xf32, #tpu.memory_space<hbm>> -> memref<10240x64xf32, #tpu.memory_space<hbm>>
    tpu.wait_indirect_dma semaphore(%arg18 : memref<!tpu.dma_semaphore, #tpu.memory_space<semaphore_mem>>) src(%dma_wait3A_396 : memref<10240x64xf32, #tpu.memory_space<hbm>>) dst(%arg13 : memref<80x64xf32, #tpu.memory_space<vmem>>)
    %dma_start3A_397 = arith.constant 3 : i32
    %dma_start3A_398 = arith.constant 0 : i32
    %dma_start3A_399 = tpu.memref_slice %arg9[%dma_start3A_397, %dma_start3A_398] : memref<125x80xi32, #tpu.memory_space<vmem>> -> memref<1x80xi32, #tpu.memory_space<vmem>>
    %dma_start3A_400 = tpu.memref_squeeze %dma_start3A_399 : memref<1x80xi32, #tpu.memory_space<vmem>> -> memref<80xi32, #tpu.memory_space<vmem>>
    %dma_start3A_401 = arith.constant 0 : i32
    %dma_start3A_402 = arith.constant 0 : i32
    %dma_start3A_403 = tpu.memref_slice %arg14[%dma_start3A_401, %dma_start3A_402] : memref<10240x64xf32, #tpu.memory_space<vmem_shared>> -> memref<10240x64xf32, #tpu.memory_space<vmem_shared>>
    tpu.enqueue_indirect_dma source(%arg13 : memref<80x64xf32, #tpu.memory_space<vmem>>) target(%dma_start3A_403 : memref<10240x64xf32, #tpu.memory_space<vmem_shared>>) offsets(%dma_start3A_400 : memref<80xi32, #tpu.memory_space<vmem>>) semaphore(%arg22 : memref<!tpu.dma_semaphore, #tpu.memory_space<semaphore_mem>>) {add = true}
    %scan3A_404 = arith.constant 0 : i32
    %scan3A_405 = arith.constant 1 : i32
    %scan3A_406 = arith.constant 29 : i32
    %scan3A_407 = arith.addi %scan3A_405, %scan3A_406 : i32
    %scan3A_408 = arith.constant 1 : i32
    scf.for %scan3A_549 = %scan3A_405 to %scan3A_407 step %scan3A_408  : i32 {
      %mul3A_550 = arith.constant 4 : i32
      %mul3A_551 = arith.muli %mul3A_550, %scan3A_549 : i32
      %add3A_552 = arith.constant 0 : i32
      %add3A_553 = arith.addi %mul3A_551, %add3A_552 : i32
      %sub3A = arith.constant 1 : i32
      %sub3A_554 = arith.subi %add3A_553, %sub3A : i32
      %dma_wait3A_555 = arith.constant 0 : i32
      %dma_wait3A_556 = tpu.memref_slice %arg9[%sub3A_554, %dma_wait3A_555] : memref<125x80xi32, #tpu.memory_space<vmem>> -> memref<1x80xi32, #tpu.memory_space<vmem>>
      %dma_wait3A_557 = tpu.memref_squeeze %dma_wait3A_556 : memref<1x80xi32, #tpu.memory_space<vmem>> -> memref<80xi32, #tpu.memory_space<vmem>>
      %dma_wait3A_558 = arith.constant 0 : i32
      %dma_wait3A_559 = arith.constant 0 : i32
      %dma_wait3A_560 = tpu.memref_slice %arg14[%dma_wait3A_558, %dma_wait3A_559] : memref<10240x64xf32, #tpu.memory_space<vmem_shared>> -> memref<10240x64xf32, #tpu.memory_space<vmem_shared>>
      tpu.wait_indirect_dma semaphore(%arg22 : memref<!tpu.dma_semaphore, #tpu.memory_space<semaphore_mem>>) src(%arg13 : memref<80x64xf32, #tpu.memory_space<vmem>>) dst(%dma_wait3A_560 : memref<10240x64xf32, #tpu.memory_space<vmem_shared>>)
      %add3A_561 = arith.constant 3 : i32
      %add3A_562 = arith.addi %add3A_553, %add3A_561 : i32
      %dma_start3A_563 = arith.constant 0 : i32
      %dma_start3A_564 = tpu.memref_slice %arg8[%add3A_562, %dma_start3A_563] : memref<125x80xi32, #tpu.memory_space<vmem>> -> memref<1x80xi32, #tpu.memory_space<vmem>>
      %dma_start3A_565 = tpu.memref_squeeze %dma_start3A_564 : memref<1x80xi32, #tpu.memory_space<vmem>> -> memref<80xi32, #tpu.memory_space<vmem>>
      %dma_start3A_566 = arith.constant 0 : i32
      %dma_start3A_567 = arith.constant 0 : i32
      %dma_start3A_568 = tpu.memref_slice %arg3[%dma_start3A_566, %dma_start3A_567] : memref<10240x64xf32, #tpu.memory_space<hbm>> -> memref<10240x64xf32, #tpu.memory_space<hbm>>
      tpu.enqueue_indirect_dma source(%dma_start3A_568 : memref<10240x64xf32, #tpu.memory_space<hbm>>) target(%arg13 : memref<80x64xf32, #tpu.memory_space<vmem>>) offsets(%dma_start3A_565 : memref<80xi32, #tpu.memory_space<vmem>>) semaphore(%arg18 : memref<!tpu.dma_semaphore, #tpu.memory_space<semaphore_mem>>)
      %dma_wait3A_569 = arith.constant 0 : i32
      %dma_wait3A_570 = tpu.memref_slice %arg8[%add3A_553, %dma_wait3A_569] : memref<125x80xi32, #tpu.memory_space<vmem>> -> memref<1x80xi32, #tpu.memory_space<vmem>>
      %dma_wait3A_571 = tpu.memref_squeeze %dma_wait3A_570 : memref<1x80xi32, #tpu.memory_space<vmem>> -> memref<80xi32, #tpu.memory_space<vmem>>
      %dma_wait3A_572 = arith.constant 0 : i32
      %dma_wait3A_573 = arith.constant 0 : i32
      %dma_wait3A_574 = tpu.memref_slice %arg3[%dma_wait3A_572, %dma_wait3A_573] : memref<10240x64xf32, #tpu.memory_space<hbm>> -> memref<10240x64xf32, #tpu.memory_space<hbm>>
      tpu.wait_indirect_dma semaphore(%arg15 : memref<!tpu.dma_semaphore, #tpu.memory_space<semaphore_mem>>) src(%dma_wait3A_574 : memref<10240x64xf32, #tpu.memory_space<hbm>>) dst(%arg10 : memref<80x64xf32, #tpu.memory_space<vmem>>)
      %dma_start3A_575 = arith.constant 0 : i32
      %dma_start3A_576 = tpu.memref_slice %arg9[%add3A_553, %dma_start3A_575] : memref<125x80xi32, #tpu.memory_space<vmem>> -> memref<1x80xi32, #tpu.memory_space<vmem>>
      %dma_start3A_577 = tpu.memref_squeeze %dma_start3A_576 : memref<1x80xi32, #tpu.memory_space<vmem>> -> memref<80xi32, #tpu.memory_space<vmem>>
      %dma_start3A_578 = arith.constant 0 : i32
      %dma_start3A_579 = arith.constant 0 : i32
      %dma_start3A_580 = tpu.memref_slice %arg14[%dma_start3A_578, %dma_start3A_579] : memref<10240x64xf32, #tpu.memory_space<vmem_shared>> -> memref<10240x64xf32, #tpu.memory_space<vmem_shared>>
      tpu.enqueue_indirect_dma source(%arg10 : memref<80x64xf32, #tpu.memory_space<vmem>>) target(%dma_start3A_580 : memref<10240x64xf32, #tpu.memory_space<vmem_shared>>) offsets(%dma_start3A_577 : memref<80xi32, #tpu.memory_space<vmem>>) semaphore(%arg19 : memref<!tpu.dma_semaphore, #tpu.memory_space<semaphore_mem>>) {add = true}
      %mul3A_581 = arith.constant 4 : i32
      %mul3A_582 = arith.muli %mul3A_581, %scan3A_549 : i32
      %add3A_583 = arith.constant 1 : i32
      %add3A_584 = arith.addi %mul3A_582, %add3A_583 : i32
      %sub3A_585 = arith.constant 1 : i32
      %sub3A_586 = arith.subi %add3A_584, %sub3A_585 : i32
      %dma_wait3A_587 = arith.constant 0 : i32
      %dma_wait3A_588 = tpu.memref_slice %arg9[%sub3A_586, %dma_wait3A_587] : memref<125x80xi32, #tpu.memory_space<vmem>> -> memref<1x80xi32, #tpu.memory_space<vmem>>
      %dma_wait3A_589 = tpu.memref_squeeze %dma_wait3A_588 : memref<1x80xi32, #tpu.memory_space<vmem>> -> memref<80xi32, #tpu.memory_space<vmem>>
      %dma_wait3A_590 = arith.constant 0 : i32
      %dma_wait3A_591 = arith.constant 0 : i32
      %dma_wait3A_592 = tpu.memref_slice %arg14[%dma_wait3A_590, %dma_wait3A_591] : memref<10240x64xf32, #tpu.memory_space<vmem_shared>> -> memref<10240x64xf32, #tpu.memory_space<vmem_shared>>
      tpu.wait_indirect_dma semaphore(%arg19 : memref<!tpu.dma_semaphore, #tpu.memory_space<semaphore_mem>>) src(%arg10 : memref<80x64xf32, #tpu.memory_space<vmem>>) dst(%dma_wait3A_592 : memref<10240x64xf32, #tpu.memory_space<vmem_shared>>)
      %add3A_593 = arith.constant 3 : i32
      %add3A_594 = arith.addi %add3A_584, %add3A_593 : i32
      %dma_start3A_595 = arith.constant 0 : i32
      %dma_start3A_596 = tpu.memref_slice %arg8[%add3A_594, %dma_start3A_595] : memref<125x80xi32, #tpu.memory_space<vmem>> -> memref<1x80xi32, #tpu.memory_space<vmem>>
      %dma_start3A_597 = tpu.memref_squeeze %dma_start3A_596 : memref<1x80xi32, #tpu.memory_space<vmem>> -> memref<80xi32, #tpu.memory_space<vmem>>
      %dma_start3A_598 = arith.constant 0 : i32
      %dma_start3A_599 = arith.constant 0 : i32
      %dma_start3A_600 = tpu.memref_slice %arg3[%dma_start3A_598, %dma_start3A_599] : memref<10240x64xf32, #tpu.memory_space<hbm>> -> memref<10240x64xf32, #tpu.memory_space<hbm>>
      tpu.enqueue_indirect_dma source(%dma_start3A_600 : memref<10240x64xf32, #tpu.memory_space<hbm>>) target(%arg10 : memref<80x64xf32, #tpu.memory_space<vmem>>) offsets(%dma_start3A_597 : memref<80xi32, #tpu.memory_space<vmem>>) semaphore(%arg15 : memref<!tpu.dma_semaphore, #tpu.memory_space<semaphore_mem>>)
      %dma_wait3A_601 = arith.constant 0 : i32
      %dma_wait3A_602 = tpu.memref_slice %arg8[%add3A_584, %dma_wait3A_601] : memref<125x80xi32, #tpu.memory_space<vmem>> -> memref<1x80xi32, #tpu.memory_space<vmem>>
      %dma_wait3A_603 = tpu.memref_squeeze %dma_wait3A_602 : memref<1x80xi32, #tpu.memory_space<vmem>> -> memref<80xi32, #tpu.memory_space<vmem>>
      %dma_wait3A_604 = arith.constant 0 : i32
      %dma_wait3A_605 = arith.constant 0 : i32
      %dma_wait3A_606 = tpu.memref_slice %arg3[%dma_wait3A_604, %dma_wait3A_605] : memref<10240x64xf32, #tpu.memory_space<hbm>> -> memref<10240x64xf32, #tpu.memory_space<hbm>>
      tpu.wait_indirect_dma semaphore(%arg16 : memref<!tpu.dma_semaphore, #tpu.memory_space<semaphore_mem>>) src(%dma_wait3A_606 : memref<10240x64xf32, #tpu.memory_space<hbm>>) dst(%arg11 : memref<80x64xf32, #tpu.memory_space<vmem>>)
      %dma_start3A_607 = arith.constant 0 : i32
      %dma_start3A_608 = tpu.memref_slice %arg9[%add3A_584, %dma_start3A_607] : memref<125x80xi32, #tpu.memory_space<vmem>> -> memref<1x80xi32, #tpu.memory_space<vmem>>
      %dma_start3A_609 = tpu.memref_squeeze %dma_start3A_608 : memref<1x80xi32, #tpu.memory_space<vmem>> -> memref<80xi32, #tpu.memory_space<vmem>>
      %dma_start3A_610 = arith.constant 0 : i32
      %dma_start3A_611 = arith.constant 0 : i32
      %dma_start3A_612 = tpu.memref_slice %arg14[%dma_start3A_610, %dma_start3A_611] : memref<10240x64xf32, #tpu.memory_space<vmem_shared>> -> memref<10240x64xf32, #tpu.memory_space<vmem_shared>>
      tpu.enqueue_indirect_dma source(%arg11 : memref<80x64xf32, #tpu.memory_space<vmem>>) target(%dma_start3A_612 : memref<10240x64xf32, #tpu.memory_space<vmem_shared>>) offsets(%dma_start3A_609 : memref<80xi32, #tpu.memory_space<vmem>>) semaphore(%arg20 : memref<!tpu.dma_semaphore, #tpu.memory_space<semaphore_mem>>) {add = true}
      %mul3A_613 = arith.constant 4 : i32
      %mul3A_614 = arith.muli %mul3A_613, %scan3A_549 : i32
      %add3A_615 = arith.constant 2 : i32
      %add3A_616 = arith.addi %mul3A_614, %add3A_615 : i32
      %sub3A_617 = arith.constant 1 : i32
      %sub3A_618 = arith.subi %add3A_616, %sub3A_617 : i32
      %dma_wait3A_619 = arith.constant 0 : i32
      %dma_wait3A_620 = tpu.memref_slice %arg9[%sub3A_618, %dma_wait3A_619] : memref<125x80xi32, #tpu.memory_space<vmem>> -> memref<1x80xi32, #tpu.memory_space<vmem>>
      %dma_wait3A_621 = tpu.memref_squeeze %dma_wait3A_620 : memref<1x80xi32, #tpu.memory_space<vmem>> -> memref<80xi32, #tpu.memory_space<vmem>>
      %dma_wait3A_622 = arith.constant 0 : i32
      %dma_wait3A_623 = arith.constant 0 : i32
      %dma_wait3A_624 = tpu.memref_slice %arg14[%dma_wait3A_622, %dma_wait3A_623] : memref<10240x64xf32, #tpu.memory_space<vmem_shared>> -> memref<10240x64xf32, #tpu.memory_space<vmem_shared>>
      tpu.wait_indirect_dma semaphore(%arg20 : memref<!tpu.dma_semaphore, #tpu.memory_space<semaphore_mem>>) src(%arg11 : memref<80x64xf32, #tpu.memory_space<vmem>>) dst(%dma_wait3A_624 : memref<10240x64xf32, #tpu.memory_space<vmem_shared>>)
      %add3A_625 = arith.constant 3 : i32
      %add3A_626 = arith.addi %add3A_616, %add3A_625 : i32
      %dma_start3A_627 = arith.constant 0 : i32
      %dma_start3A_628 = tpu.memref_slice %arg8[%add3A_626, %dma_start3A_627] : memref<125x80xi32, #tpu.memory_space<vmem>> -> memref<1x80xi32, #tpu.memory_space<vmem>>
      %dma_start3A_629 = tpu.memref_squeeze %dma_start3A_628 : memref<1x80xi32, #tpu.memory_space<vmem>> -> memref<80xi32, #tpu.memory_space<vmem>>
      %dma_start3A_630 = arith.constant 0 : i32
      %dma_start3A_631 = arith.constant 0 : i32
      %dma_start3A_632 = tpu.memref_slice %arg3[%dma_start3A_630, %dma_start3A_631] : memref<10240x64xf32, #tpu.memory_space<hbm>> -> memref<10240x64xf32, #tpu.memory_space<hbm>>
      tpu.enqueue_indirect_dma source(%dma_start3A_632 : memref<10240x64xf32, #tpu.memory_space<hbm>>) target(%arg11 : memref<80x64xf32, #tpu.memory_space<vmem>>) offsets(%dma_start3A_629 : memref<80xi32, #tpu.memory_space<vmem>>) semaphore(%arg16 : memref<!tpu.dma_semaphore, #tpu.memory_space<semaphore_mem>>)
      %dma_wait3A_633 = arith.constant 0 : i32
      %dma_wait3A_634 = tpu.memref_slice %arg8[%add3A_616, %dma_wait3A_633] : memref<125x80xi32, #tpu.memory_space<vmem>> -> memref<1x80xi32, #tpu.memory_space<vmem>>
      %dma_wait3A_635 = tpu.memref_squeeze %dma_wait3A_634 : memref<1x80xi32, #tpu.memory_space<vmem>> -> memref<80xi32, #tpu.memory_space<vmem>>
      %dma_wait3A_636 = arith.constant 0 : i32
      %dma_wait3A_637 = arith.constant 0 : i32
      %dma_wait3A_638 = tpu.memref_slice %arg3[%dma_wait3A_636, %dma_wait3A_637] : memref<10240x64xf32, #tpu.memory_space<hbm>> -> memref<10240x64xf32, #tpu.memory_space<hbm>>
      tpu.wait_indirect_dma semaphore(%arg17 : memref<!tpu.dma_semaphore, #tpu.memory_space<semaphore_mem>>) src(%dma_wait3A_638 : memref<10240x64xf32, #tpu.memory_space<hbm>>) dst(%arg12 : memref<80x64xf32, #tpu.memory_space<vmem>>)
      %dma_start3A_639 = arith.constant 0 : i32
      %dma_start3A_640 = tpu.memref_slice %arg9[%add3A_616, %dma_start3A_639] : memref<125x80xi32, #tpu.memory_space<vmem>> -> memref<1x80xi32, #tpu.memory_space<vmem>>
      %dma_start3A_641 = tpu.memref_squeeze %dma_start3A_640 : memref<1x80xi32, #tpu.memory_space<vmem>> -> memref<80xi32, #tpu.memory_space<vmem>>
      %dma_start3A_642 = arith.constant 0 : i32
      %dma_start3A_643 = arith.constant 0 : i32
      %dma_start3A_644 = tpu.memref_slice %arg14[%dma_start3A_642, %dma_start3A_643] : memref<10240x64xf32, #tpu.memory_space<vmem_shared>> -> memref<10240x64xf32, #tpu.memory_space<vmem_shared>>
      tpu.enqueue_indirect_dma source(%arg12 : memref<80x64xf32, #tpu.memory_space<vmem>>) target(%dma_start3A_644 : memref<10240x64xf32, #tpu.memory_space<vmem_shared>>) offsets(%dma_start3A_641 : memref<80xi32, #tpu.memory_space<vmem>>) semaphore(%arg21 : memref<!tpu.dma_semaphore, #tpu.memory_space<semaphore_mem>>) {add = true}
      %mul3A_645 = arith.constant 4 : i32
      %mul3A_646 = arith.muli %mul3A_645, %scan3A_549 : i32
      %add3A_647 = arith.constant 3 : i32
      %add3A_648 = arith.addi %mul3A_646, %add3A_647 : i32
      %sub3A_649 = arith.constant 1 : i32
      %sub3A_650 = arith.subi %add3A_648, %sub3A_649 : i32
      %dma_wait3A_651 = arith.constant 0 : i32
      %dma_wait3A_652 = tpu.memref_slice %arg9[%sub3A_650, %dma_wait3A_651] : memref<125x80xi32, #tpu.memory_space<vmem>> -> memref<1x80xi32, #tpu.memory_space<vmem>>
      %dma_wait3A_653 = tpu.memref_squeeze %dma_wait3A_652 : memref<1x80xi32, #tpu.memory_space<vmem>> -> memref<80xi32, #tpu.memory_space<vmem>>
      %dma_wait3A_654 = arith.constant 0 : i32
      %dma_wait3A_655 = arith.constant 0 : i32
      %dma_wait3A_656 = tpu.memref_slice %arg14[%dma_wait3A_654, %dma_wait3A_655] : memref<10240x64xf32, #tpu.memory_space<vmem_shared>> -> memref<10240x64xf32, #tpu.memory_space<vmem_shared>>
      tpu.wait_indirect_dma semaphore(%arg21 : memref<!tpu.dma_semaphore, #tpu.memory_space<semaphore_mem>>) src(%arg12 : memref<80x64xf32, #tpu.memory_space<vmem>>) dst(%dma_wait3A_656 : memref<10240x64xf32, #tpu.memory_space<vmem_shared>>)
      %add3A_657 = arith.constant 3 : i32
      %add3A_658 = arith.addi %add3A_648, %add3A_657 : i32
      %dma_start3A_659 = arith.constant 0 : i32
      %dma_start3A_660 = tpu.memref_slice %arg8[%add3A_658, %dma_start3A_659] : memref<125x80xi32, #tpu.memory_space<vmem>> -> memref<1x80xi32, #tpu.memory_space<vmem>>
      %dma_start3A_661 = tpu.memref_squeeze %dma_start3A_660 : memref<1x80xi32, #tpu.memory_space<vmem>> -> memref<80xi32, #tpu.memory_space<vmem>>
      %dma_start3A_662 = arith.constant 0 : i32
      %dma_start3A_663 = arith.constant 0 : i32
      %dma_start3A_664 = tpu.memref_slice %arg3[%dma_start3A_662, %dma_start3A_663] : memref<10240x64xf32, #tpu.memory_space<hbm>> -> memref<10240x64xf32, #tpu.memory_space<hbm>>
      tpu.enqueue_indirect_dma source(%dma_start3A_664 : memref<10240x64xf32, #tpu.memory_space<hbm>>) target(%arg12 : memref<80x64xf32, #tpu.memory_space<vmem>>) offsets(%dma_start3A_661 : memref<80xi32, #tpu.memory_space<vmem>>) semaphore(%arg17 : memref<!tpu.dma_semaphore, #tpu.memory_space<semaphore_mem>>)
      %dma_wait3A_665 = arith.constant 0 : i32
      %dma_wait3A_666 = tpu.memref_slice %arg8[%add3A_648, %dma_wait3A_665] : memref<125x80xi32, #tpu.memory_space<vmem>> -> memref<1x80xi32, #tpu.memory_space<vmem>>
      %dma_wait3A_667 = tpu.memref_squeeze %dma_wait3A_666 : memref<1x80xi32, #tpu.memory_space<vmem>> -> memref<80xi32, #tpu.memory_space<vmem>>
      %dma_wait3A_668 = arith.constant 0 : i32
      %dma_wait3A_669 = arith.constant 0 : i32
      %dma_wait3A_670 = tpu.memref_slice %arg3[%dma_wait3A_668, %dma_wait3A_669] : memref<10240x64xf32, #tpu.memory_space<hbm>> -> memref<10240x64xf32, #tpu.memory_space<hbm>>
      tpu.wait_indirect_dma semaphore(%arg18 : memref<!tpu.dma_semaphore, #tpu.memory_space<semaphore_mem>>) src(%dma_wait3A_670 : memref<10240x64xf32, #tpu.memory_space<hbm>>) dst(%arg13 : memref<80x64xf32, #tpu.memory_space<vmem>>)
      %dma_start3A_671 = arith.constant 0 : i32
      %dma_start3A_672 = tpu.memref_slice %arg9[%add3A_648, %dma_start3A_671] : memref<125x80xi32, #tpu.memory_space<vmem>> -> memref<1x80xi32, #tpu.memory_space<vmem>>
      %dma_start3A_673 = tpu.memref_squeeze %dma_start3A_672 : memref<1x80xi32, #tpu.memory_space<vmem>> -> memref<80xi32, #tpu.memory_space<vmem>>
      %dma_start3A_674 = arith.constant 0 : i32
      %dma_start3A_675 = arith.constant 0 : i32
      %dma_start3A_676 = tpu.memref_slice %arg14[%dma_start3A_674, %dma_start3A_675] : memref<10240x64xf32, #tpu.memory_space<vmem_shared>> -> memref<10240x64xf32, #tpu.memory_space<vmem_shared>>
      tpu.enqueue_indirect_dma source(%arg13 : memref<80x64xf32, #tpu.memory_space<vmem>>) target(%dma_start3A_676 : memref<10240x64xf32, #tpu.memory_space<vmem_shared>>) offsets(%dma_start3A_673 : memref<80xi32, #tpu.memory_space<vmem>>) semaphore(%arg22 : memref<!tpu.dma_semaphore, #tpu.memory_space<semaphore_mem>>) {add = true}
    }
    %scan3A_409 = arith.constant 29 : i32
    %dma_wait3A_410 = arith.constant 119 : i32
    %dma_wait3A_411 = arith.constant 0 : i32
    %dma_wait3A_412 = tpu.memref_slice %arg9[%dma_wait3A_410, %dma_wait3A_411] : memref<125x80xi32, #tpu.memory_space<vmem>> -> memref<1x80xi32, #tpu.memory_space<vmem>>
    %dma_wait3A_413 = tpu.memref_squeeze %dma_wait3A_412 : memref<1x80xi32, #tpu.memory_space<vmem>> -> memref<80xi32, #tpu.memory_space<vmem>>
    %dma_wait3A_414 = arith.constant 0 : i32
    %dma_wait3A_415 = arith.constant 0 : i32
    %dma_wait3A_416 = tpu.memref_slice %arg14[%dma_wait3A_414, %dma_wait3A_415] : memref<10240x64xf32, #tpu.memory_space<vmem_shared>> -> memref<10240x64xf32, #tpu.memory_space<vmem_shared>>
    tpu.wait_indirect_dma semaphore(%arg22 : memref<!tpu.dma_semaphore, #tpu.memory_space<semaphore_mem>>) src(%arg13 : memref<80x64xf32, #tpu.memory_space<vmem>>) dst(%dma_wait3A_416 : memref<10240x64xf32, #tpu.memory_space<vmem_shared>>)
    %dma_start3A_417 = arith.constant 123 : i32
    %dma_start3A_418 = arith.constant 0 : i32
    %dma_start3A_419 = tpu.memref_slice %arg8[%dma_start3A_417, %dma_start3A_418] : memref<125x80xi32, #tpu.memory_space<vmem>> -> memref<1x80xi32, #tpu.memory_space<vmem>>
    %dma_start3A_420 = tpu.memref_squeeze %dma_start3A_419 : memref<1x80xi32, #tpu.memory_space<vmem>> -> memref<80xi32, #tpu.memory_space<vmem>>
    %dma_start3A_421 = arith.constant 0 : i32
    %dma_start3A_422 = arith.constant 0 : i32
    %dma_start3A_423 = tpu.memref_slice %arg3[%dma_start3A_421, %dma_start3A_422] : memref<10240x64xf32, #tpu.memory_space<hbm>> -> memref<10240x64xf32, #tpu.memory_space<hbm>>
    tpu.enqueue_indirect_dma source(%dma_start3A_423 : memref<10240x64xf32, #tpu.memory_space<hbm>>) target(%arg13 : memref<80x64xf32, #tpu.memory_space<vmem>>) offsets(%dma_start3A_420 : memref<80xi32, #tpu.memory_space<vmem>>) semaphore(%arg18 : memref<!tpu.dma_semaphore, #tpu.memory_space<semaphore_mem>>)
    %dma_wait3A_424 = arith.constant 120 : i32
    %dma_wait3A_425 = arith.constant 0 : i32
    %dma_wait3A_426 = tpu.memref_slice %arg8[%dma_wait3A_424, %dma_wait3A_425] : memref<125x80xi32, #tpu.memory_space<vmem>> -> memref<1x80xi32, #tpu.memory_space<vmem>>
    %dma_wait3A_427 = tpu.memref_squeeze %dma_wait3A_426 : memref<1x80xi32, #tpu.memory_space<vmem>> -> memref<80xi32, #tpu.memory_space<vmem>>
    %dma_wait3A_428 = arith.constant 0 : i32
    %dma_wait3A_429 = arith.constant 0 : i32
    %dma_wait3A_430 = tpu.memref_slice %arg3[%dma_wait3A_428, %dma_wait3A_429] : memref<10240x64xf32, #tpu.memory_space<hbm>> -> memref<10240x64xf32, #tpu.memory_space<hbm>>
    tpu.wait_indirect_dma semaphore(%arg15 : memref<!tpu.dma_semaphore, #tpu.memory_space<semaphore_mem>>) src(%dma_wait3A_430 : memref<10240x64xf32, #tpu.memory_space<hbm>>) dst(%arg10 : memref<80x64xf32, #tpu.memory_space<vmem>>)
    %dma_start3A_431 = arith.constant 120 : i32
    %dma_start3A_432 = arith.constant 0 : i32
    %dma_start3A_433 = tpu.memref_slice %arg9[%dma_start3A_431, %dma_start3A_432] : memref<125x80xi32, #tpu.memory_space<vmem>> -> memref<1x80xi32, #tpu.memory_space<vmem>>
    %dma_start3A_434 = tpu.memref_squeeze %dma_start3A_433 : memref<1x80xi32, #tpu.memory_space<vmem>> -> memref<80xi32, #tpu.memory_space<vmem>>
    %dma_start3A_435 = arith.constant 0 : i32
    %dma_start3A_436 = arith.constant 0 : i32
    %dma_start3A_437 = tpu.memref_slice %arg14[%dma_start3A_435, %dma_start3A_436] : memref<10240x64xf32, #tpu.memory_space<vmem_shared>> -> memref<10240x64xf32, #tpu.memory_space<vmem_shared>>
    tpu.enqueue_indirect_dma source(%arg10 : memref<80x64xf32, #tpu.memory_space<vmem>>) target(%dma_start3A_437 : memref<10240x64xf32, #tpu.memory_space<vmem_shared>>) offsets(%dma_start3A_434 : memref<80xi32, #tpu.memory_space<vmem>>) semaphore(%arg19 : memref<!tpu.dma_semaphore, #tpu.memory_space<semaphore_mem>>) {add = true}
    %dma_wait3A_438 = arith.constant 120 : i32
    %dma_wait3A_439 = arith.constant 0 : i32
    %dma_wait3A_440 = tpu.memref_slice %arg9[%dma_wait3A_438, %dma_wait3A_439] : memref<125x80xi32, #tpu.memory_space<vmem>> -> memref<1x80xi32, #tpu.memory_space<vmem>>
    %dma_wait3A_441 = tpu.memref_squeeze %dma_wait3A_440 : memref<1x80xi32, #tpu.memory_space<vmem>> -> memref<80xi32, #tpu.memory_space<vmem>>
    %dma_wait3A_442 = arith.constant 0 : i32
    %dma_wait3A_443 = arith.constant 0 : i32
    %dma_wait3A_444 = tpu.memref_slice %arg14[%dma_wait3A_442, %dma_wait3A_443] : memref<10240x64xf32, #tpu.memory_space<vmem_shared>> -> memref<10240x64xf32, #tpu.memory_space<vmem_shared>>
    tpu.wait_indirect_dma semaphore(%arg19 : memref<!tpu.dma_semaphore, #tpu.memory_space<semaphore_mem>>) src(%arg10 : memref<80x64xf32, #tpu.memory_space<vmem>>) dst(%dma_wait3A_444 : memref<10240x64xf32, #tpu.memory_space<vmem_shared>>)
    %dma_start3A_445 = arith.constant 124 : i32
    %dma_start3A_446 = arith.constant 0 : i32
    %dma_start3A_447 = tpu.memref_slice %arg8[%dma_start3A_445, %dma_start3A_446] : memref<125x80xi32, #tpu.memory_space<vmem>> -> memref<1x80xi32, #tpu.memory_space<vmem>>
    %dma_start3A_448 = tpu.memref_squeeze %dma_start3A_447 : memref<1x80xi32, #tpu.memory_space<vmem>> -> memref<80xi32, #tpu.memory_space<vmem>>
    %dma_start3A_449 = arith.constant 0 : i32
    %dma_start3A_450 = arith.constant 0 : i32
    %dma_start3A_451 = tpu.memref_slice %arg3[%dma_start3A_449, %dma_start3A_450] : memref<10240x64xf32, #tpu.memory_space<hbm>> -> memref<10240x64xf32, #tpu.memory_space<hbm>>
    tpu.enqueue_indirect_dma source(%dma_start3A_451 : memref<10240x64xf32, #tpu.memory_space<hbm>>) target(%arg10 : memref<80x64xf32, #tpu.memory_space<vmem>>) offsets(%dma_start3A_448 : memref<80xi32, #tpu.memory_space<vmem>>) semaphore(%arg15 : memref<!tpu.dma_semaphore, #tpu.memory_space<semaphore_mem>>)
    %dma_wait3A_452 = arith.constant 121 : i32
    %dma_wait3A_453 = arith.constant 0 : i32
    %dma_wait3A_454 = tpu.memref_slice %arg8[%dma_wait3A_452, %dma_wait3A_453] : memref<125x80xi32, #tpu.memory_space<vmem>> -> memref<1x80xi32, #tpu.memory_space<vmem>>
    %dma_wait3A_455 = tpu.memref_squeeze %dma_wait3A_454 : memref<1x80xi32, #tpu.memory_space<vmem>> -> memref<80xi32, #tpu.memory_space<vmem>>
    %dma_wait3A_456 = arith.constant 0 : i32
    %dma_wait3A_457 = arith.constant 0 : i32
    %dma_wait3A_458 = tpu.memref_slice %arg3[%dma_wait3A_456, %dma_wait3A_457] : memref<10240x64xf32, #tpu.memory_space<hbm>> -> memref<10240x64xf32, #tpu.memory_space<hbm>>
    tpu.wait_indirect_dma semaphore(%arg16 : memref<!tpu.dma_semaphore, #tpu.memory_space<semaphore_mem>>) src(%dma_wait3A_458 : memref<10240x64xf32, #tpu.memory_space<hbm>>) dst(%arg11 : memref<80x64xf32, #tpu.memory_space<vmem>>)
    %dma_start3A_459 = arith.constant 121 : i32
    %dma_start3A_460 = arith.constant 0 : i32
    %dma_start3A_461 = tpu.memref_slice %arg9[%dma_start3A_459, %dma_start3A_460] : memref<125x80xi32, #tpu.memory_space<vmem>> -> memref<1x80xi32, #tpu.memory_space<vmem>>
    %dma_start3A_462 = tpu.memref_squeeze %dma_start3A_461 : memref<1x80xi32, #tpu.memory_space<vmem>> -> memref<80xi32, #tpu.memory_space<vmem>>
    %dma_start3A_463 = arith.constant 0 : i32
    %dma_start3A_464 = arith.constant 0 : i32
    %dma_start3A_465 = tpu.memref_slice %arg14[%dma_start3A_463, %dma_start3A_464] : memref<10240x64xf32, #tpu.memory_space<vmem_shared>> -> memref<10240x64xf32, #tpu.memory_space<vmem_shared>>
    tpu.enqueue_indirect_dma source(%arg11 : memref<80x64xf32, #tpu.memory_space<vmem>>) target(%dma_start3A_465 : memref<10240x64xf32, #tpu.memory_space<vmem_shared>>) offsets(%dma_start3A_462 : memref<80xi32, #tpu.memory_space<vmem>>) semaphore(%arg20 : memref<!tpu.dma_semaphore, #tpu.memory_space<semaphore_mem>>) {add = true}
    %dma_wait3A_466 = arith.constant 121 : i32
    %dma_wait3A_467 = arith.constant 0 : i32
    %dma_wait3A_468 = tpu.memref_slice %arg9[%dma_wait3A_466, %dma_wait3A_467] : memref<125x80xi32, #tpu.memory_space<vmem>> -> memref<1x80xi32, #tpu.memory_space<vmem>>
    %dma_wait3A_469 = tpu.memref_squeeze %dma_wait3A_468 : memref<1x80xi32, #tpu.memory_space<vmem>> -> memref<80xi32, #tpu.memory_space<vmem>>
    %dma_wait3A_470 = arith.constant 0 : i32
    %dma_wait3A_471 = arith.constant 0 : i32
    %dma_wait3A_472 = tpu.memref_slice %arg14[%dma_wait3A_470, %dma_wait3A_471] : memref<10240x64xf32, #tpu.memory_space<vmem_shared>> -> memref<10240x64xf32, #tpu.memory_space<vmem_shared>>
    tpu.wait_indirect_dma semaphore(%arg20 : memref<!tpu.dma_semaphore, #tpu.memory_space<semaphore_mem>>) src(%arg11 : memref<80x64xf32, #tpu.memory_space<vmem>>) dst(%dma_wait3A_472 : memref<10240x64xf32, #tpu.memory_space<vmem_shared>>)
    %dma_wait3A_473 = arith.constant 122 : i32
    %dma_wait3A_474 = arith.constant 0 : i32
    %dma_wait3A_475 = tpu.memref_slice %arg8[%dma_wait3A_473, %dma_wait3A_474] : memref<125x80xi32, #tpu.memory_space<vmem>> -> memref<1x80xi32, #tpu.memory_space<vmem>>
    %dma_wait3A_476 = tpu.memref_squeeze %dma_wait3A_475 : memref<1x80xi32, #tpu.memory_space<vmem>> -> memref<80xi32, #tpu.memory_space<vmem>>
    %dma_wait3A_477 = arith.constant 0 : i32
    %dma_wait3A_478 = arith.constant 0 : i32
    %dma_wait3A_479 = tpu.memref_slice %arg3[%dma_wait3A_477, %dma_wait3A_478] : memref<10240x64xf32, #tpu.memory_space<hbm>> -> memref<10240x64xf32, #tpu.memory_space<hbm>>
    tpu.wait_indirect_dma semaphore(%arg17 : memref<!tpu.dma_semaphore, #tpu.memory_space<semaphore_mem>>) src(%dma_wait3A_479 : memref<10240x64xf32, #tpu.memory_space<hbm>>) dst(%arg12 : memref<80x64xf32, #tpu.memory_space<vmem>>)
    %dma_start3A_480 = arith.constant 122 : i32
    %dma_start3A_481 = arith.constant 0 : i32
    %dma_start3A_482 = tpu.memref_slice %arg9[%dma_start3A_480, %dma_start3A_481] : memref<125x80xi32, #tpu.memory_space<vmem>> -> memref<1x80xi32, #tpu.memory_space<vmem>>
    %dma_start3A_483 = tpu.memref_squeeze %dma_start3A_482 : memref<1x80xi32, #tpu.memory_space<vmem>> -> memref<80xi32, #tpu.memory_space<vmem>>
    %dma_start3A_484 = arith.constant 0 : i32
    %dma_start3A_485 = arith.constant 0 : i32
    %dma_start3A_486 = tpu.memref_slice %arg14[%dma_start3A_484, %dma_start3A_485] : memref<10240x64xf32, #tpu.memory_space<vmem_shared>> -> memref<10240x64xf32, #tpu.memory_space<vmem_shared>>
    tpu.enqueue_indirect_dma source(%arg12 : memref<80x64xf32, #tpu.memory_space<vmem>>) target(%dma_start3A_486 : memref<10240x64xf32, #tpu.memory_space<vmem_shared>>) offsets(%dma_start3A_483 : memref<80xi32, #tpu.memory_space<vmem>>) semaphore(%arg21 : memref<!tpu.dma_semaphore, #tpu.memory_space<semaphore_mem>>) {add = true}
    %dma_wait3A_487 = arith.constant 122 : i32
    %dma_wait3A_488 = arith.constant 0 : i32
    %dma_wait3A_489 = tpu.memref_slice %arg9[%dma_wait3A_487, %dma_wait3A_488] : memref<125x80xi32, #tpu.memory_space<vmem>> -> memref<1x80xi32, #tpu.memory_space<vmem>>
    %dma_wait3A_490 = tpu.memref_squeeze %dma_wait3A_489 : memref<1x80xi32, #tpu.memory_space<vmem>> -> memref<80xi32, #tpu.memory_space<vmem>>
    %dma_wait3A_491 = arith.constant 0 : i32
    %dma_wait3A_492 = arith.constant 0 : i32
    %dma_wait3A_493 = tpu.memref_slice %arg14[%dma_wait3A_491, %dma_wait3A_492] : memref<10240x64xf32, #tpu.memory_space<vmem_shared>> -> memref<10240x64xf32, #tpu.memory_space<vmem_shared>>
    tpu.wait_indirect_dma semaphore(%arg21 : memref<!tpu.dma_semaphore, #tpu.memory_space<semaphore_mem>>) src(%arg12 : memref<80x64xf32, #tpu.memory_space<vmem>>) dst(%dma_wait3A_493 : memref<10240x64xf32, #tpu.memory_space<vmem_shared>>)
    %dma_wait3A_494 = arith.constant 123 : i32
    %dma_wait3A_495 = arith.constant 0 : i32
    %dma_wait3A_496 = tpu.memref_slice %arg8[%dma_wait3A_494, %dma_wait3A_495] : memref<125x80xi32, #tpu.memory_space<vmem>> -> memref<1x80xi32, #tpu.memory_space<vmem>>
    %dma_wait3A_497 = tpu.memref_squeeze %dma_wait3A_496 : memref<1x80xi32, #tpu.memory_space<vmem>> -> memref<80xi32, #tpu.memory_space<vmem>>
    %dma_wait3A_498 = arith.constant 0 : i32
    %dma_wait3A_499 = arith.constant 0 : i32
    %dma_wait3A_500 = tpu.memref_slice %arg3[%dma_wait3A_498, %dma_wait3A_499] : memref<10240x64xf32, #tpu.memory_space<hbm>> -> memref<10240x64xf32, #tpu.memory_space<hbm>>
    tpu.wait_indirect_dma semaphore(%arg18 : memref<!tpu.dma_semaphore, #tpu.memory_space<semaphore_mem>>) src(%dma_wait3A_500 : memref<10240x64xf32, #tpu.memory_space<hbm>>) dst(%arg13 : memref<80x64xf32, #tpu.memory_space<vmem>>)
    %dma_start3A_501 = arith.constant 123 : i32
    %dma_start3A_502 = arith.constant 0 : i32
    %dma_start3A_503 = tpu.memref_slice %arg9[%dma_start3A_501, %dma_start3A_502] : memref<125x80xi32, #tpu.memory_space<vmem>> -> memref<1x80xi32, #tpu.memory_space<vmem>>
    %dma_start3A_504 = tpu.memref_squeeze %dma_start3A_503 : memref<1x80xi32, #tpu.memory_space<vmem>> -> memref<80xi32, #tpu.memory_space<vmem>>
    %dma_start3A_505 = arith.constant 0 : i32
    %dma_start3A_506 = arith.constant 0 : i32
    %dma_start3A_507 = tpu.memref_slice %arg14[%dma_start3A_505, %dma_start3A_506] : memref<10240x64xf32, #tpu.memory_space<vmem_shared>> -> memref<10240x64xf32, #tpu.memory_space<vmem_shared>>
    tpu.enqueue_indirect_dma source(%arg13 : memref<80x64xf32, #tpu.memory_space<vmem>>) target(%dma_start3A_507 : memref<10240x64xf32, #tpu.memory_space<vmem_shared>>) offsets(%dma_start3A_504 : memref<80xi32, #tpu.memory_space<vmem>>) semaphore(%arg22 : memref<!tpu.dma_semaphore, #tpu.memory_space<semaphore_mem>>) {add = true}
    %dma_wait3A_508 = arith.constant 124 : i32
    %dma_wait3A_509 = arith.constant 0 : i32
    %dma_wait3A_510 = tpu.memref_slice %arg8[%dma_wait3A_508, %dma_wait3A_509] : memref<125x80xi32, #tpu.memory_space<vmem>> -> memref<1x80xi32, #tpu.memory_space<vmem>>
    %dma_wait3A_511 = tpu.memref_squeeze %dma_wait3A_510 : memref<1x80xi32, #tpu.memory_space<vmem>> -> memref<80xi32, #tpu.memory_space<vmem>>
    %dma_wait3A_512 = arith.constant 0 : i32
    %dma_wait3A_513 = arith.constant 0 : i32
    %dma_wait3A_514 = tpu.memref_slice %arg3[%dma_wait3A_512, %dma_wait3A_513] : memref<10240x64xf32, #tpu.memory_space<hbm>> -> memref<10240x64xf32, #tpu.memory_space<hbm>>
    tpu.wait_indirect_dma semaphore(%arg15 : memref<!tpu.dma_semaphore, #tpu.memory_space<semaphore_mem>>) src(%dma_wait3A_514 : memref<10240x64xf32, #tpu.memory_space<hbm>>) dst(%arg10 : memref<80x64xf32, #tpu.memory_space<vmem>>)
    %dma_start3A_515 = arith.constant 124 : i32
    %dma_start3A_516 = arith.constant 0 : i32
    %dma_start3A_517 = tpu.memref_slice %arg9[%dma_start3A_515, %dma_start3A_516] : memref<125x80xi32, #tpu.memory_space<vmem>> -> memref<1x80xi32, #tpu.memory_space<vmem>>
    %dma_start3A_518 = tpu.memref_squeeze %dma_start3A_517 : memref<1x80xi32, #tpu.memory_space<vmem>> -> memref<80xi32, #tpu.memory_space<vmem>>
    %dma_start3A_519 = arith.constant 0 : i32
    %dma_start3A_520 = arith.constant 0 : i32
    %dma_start3A_521 = tpu.memref_slice %arg14[%dma_start3A_519, %dma_start3A_520] : memref<10240x64xf32, #tpu.memory_space<vmem_shared>> -> memref<10240x64xf32, #tpu.memory_space<vmem_shared>>
    tpu.enqueue_indirect_dma source(%arg10 : memref<80x64xf32, #tpu.memory_space<vmem>>) target(%dma_start3A_521 : memref<10240x64xf32, #tpu.memory_space<vmem_shared>>) offsets(%dma_start3A_518 : memref<80xi32, #tpu.memory_space<vmem>>) semaphore(%arg19 : memref<!tpu.dma_semaphore, #tpu.memory_space<semaphore_mem>>) {add = true}
    %dma_wait3A_522 = arith.constant 123 : i32
    %dma_wait3A_523 = arith.constant 0 : i32
    %dma_wait3A_524 = tpu.memref_slice %arg9[%dma_wait3A_522, %dma_wait3A_523] : memref<125x80xi32, #tpu.memory_space<vmem>> -> memref<1x80xi32, #tpu.memory_space<vmem>>
    %dma_wait3A_525 = tpu.memref_squeeze %dma_wait3A_524 : memref<1x80xi32, #tpu.memory_space<vmem>> -> memref<80xi32, #tpu.memory_space<vmem>>
    %dma_wait3A_526 = arith.constant 0 : i32
    %dma_wait3A_527 = arith.constant 0 : i32
    %dma_wait3A_528 = tpu.memref_slice %arg14[%dma_wait3A_526, %dma_wait3A_527] : memref<10240x64xf32, #tpu.memory_space<vmem_shared>> -> memref<10240x64xf32, #tpu.memory_space<vmem_shared>>
    tpu.wait_indirect_dma semaphore(%arg22 : memref<!tpu.dma_semaphore, #tpu.memory_space<semaphore_mem>>) src(%arg13 : memref<80x64xf32, #tpu.memory_space<vmem>>) dst(%dma_wait3A_528 : memref<10240x64xf32, #tpu.memory_space<vmem_shared>>)
    %dma_wait3A_529 = arith.constant 124 : i32
    %dma_wait3A_530 = arith.constant 0 : i32
    %dma_wait3A_531 = tpu.memref_slice %arg9[%dma_wait3A_529, %dma_wait3A_530] : memref<125x80xi32, #tpu.memory_space<vmem>> -> memref<1x80xi32, #tpu.memory_space<vmem>>
    %dma_wait3A_532 = tpu.memref_squeeze %dma_wait3A_531 : memref<1x80xi32, #tpu.memory_space<vmem>> -> memref<80xi32, #tpu.memory_space<vmem>>
    %dma_wait3A_533 = arith.constant 0 : i32
    %dma_wait3A_534 = arith.constant 0 : i32
    %dma_wait3A_535 = tpu.memref_slice %arg14[%dma_wait3A_533, %dma_wait3A_534] : memref<10240x64xf32, #tpu.memory_space<vmem_shared>> -> memref<10240x64xf32, #tpu.memory_space<vmem_shared>>
    tpu.wait_indirect_dma semaphore(%arg19 : memref<!tpu.dma_semaphore, #tpu.memory_space<semaphore_mem>>) src(%arg10 : memref<80x64xf32, #tpu.memory_space<vmem>>) dst(%dma_wait3A_535 : memref<10240x64xf32, #tpu.memory_space<vmem_shared>>)
    %barrier3A_536 = arith.constant 0 : index
    tpu.barrier barrier_id(%barrier3A_536)
    %mul3A_537 = arith.constant 640 : i32
    %mul3A_538 = arith.muli %arg1, %mul3A_537 : i32
    %mul3A_539 = arith.constant 2 : i32
    %mul3A_540 = arith.muli %arg0, %mul3A_539 : i32
    %add3A_541 = arith.constant 1 : i32
    %add3A_542 = arith.addi %mul3A_540, %add3A_541 : i32
    %mul3A_543 = arith.constant 10240 : i32
    %mul3A_544 = arith.muli %add3A_542, %mul3A_543 : i32
    %mul3A_545 = arith.constant 640 : i32
    %mul3A_546 = arith.muli %arg1, %mul3A_545 : i32
    %add3A_547 = arith.addi %mul3A_544, %mul3A_546 : i32
    "tpu.region"() ({
      %run_scoped3A = tpu.sem_alloc : memref<!tpu.dma_semaphore, #tpu.memory_space<semaphore_mem>>
      %dma_start3A_549 = arith.constant 0 : i32
      %dma_start3A_550 = tpu.memref_slice %arg7[%add3A_547, %dma_start3A_549] : memref<40960x64xf32, #tpu.memory_space<hbm>> -> memref<640x64xf32, #tpu.memory_space<hbm>>
      %dma_start3A_551 = arith.constant 0 : i32
      %dma_start3A_552 = tpu.memref_slice %arg14[%mul3A_538, %dma_start3A_551] : memref<10240x64xf32, #tpu.memory_space<vmem_shared>> -> memref<640x64xf32, #tpu.memory_space<vmem_shared>>
      tpu.enqueue_dma source(%dma_start3A_552 : memref<640x64xf32, #tpu.memory_space<vmem_shared>>) target(%dma_start3A_550 : memref<640x64xf32, #tpu.memory_space<hbm>>) target_semaphore(%run_scoped3A : memref<!tpu.dma_semaphore, #tpu.memory_space<semaphore_mem>>)
      %dma_wait3A_553 = arith.constant 0 : i32
      %dma_wait3A_554 = tpu.memref_slice %arg7[%add3A_547, %dma_wait3A_553] : memref<40960x64xf32, #tpu.memory_space<hbm>> -> memref<640x64xf32, #tpu.memory_space<hbm>>
      %dma_wait3A_555 = arith.constant 0 : i32
      %dma_wait3A_556 = tpu.memref_slice %arg14[%mul3A_538, %dma_wait3A_555] : memref<10240x64xf32, #tpu.memory_space<vmem_shared>> -> memref<640x64xf32, #tpu.memory_space<vmem_shared>>
      tpu.wait_dma2 semaphore(%run_scoped3A : memref<!tpu.dma_semaphore, #tpu.memory_space<semaphore_mem>>) src(%dma_wait3A_556 : memref<640x64xf32, #tpu.memory_space<vmem_shared>>) dst(%dma_wait3A_554 : memref<640x64xf32, #tpu.memory_space<hbm>>)
      tpu.yield
    }) : () -> ()
    %barrier3A_548 = arith.constant 0 : index
    tpu.barrier barrier_id(%barrier3A_548)
    return
  }
}

#map = affine_map<(d0, d1) -> (0, 0)>
module attributes {stable_mosaic.version = 14 : i64} {
  func.func @deg(%arg0: i32, %arg1: i32, %arg2: memref<4000x80xi32, #tpu.memory_space<hbm>>, %arg3: memref<80x16xf32, #tpu.memory_space<hbm>>, %arg4: memref<640x16xf32, #tpu.memory_space<hbm>>, %arg5: memref<20480x16xf32, #tpu.memory_space<hbm>>, %arg6: memref<125x80xi32, #tpu.memory_space<vmem>>, %arg7: memref<80x16xf32, #tpu.memory_space<vmem>>, %arg8: memref<10240x16xf32, #tpu.memory_space<vmem_shared>>, %arg9: memref<!tpu.dma_semaphore, #tpu.memory_space<semaphore_mem>>) attributes {dimension_semantics = [#tpu.dimension_semantics<core_parallel>, #tpu.dimension_semantics<subcore_parallel>], iteration_bounds = array<i64: 2, 16>, scalar_prefetch = 0 : i64, scratch_operands = 4 : i64, tpu.core_type = #tpu.core_type<sc_vector_subcore>, window_params = [{transform_indices = #map}, {transform_indices = #map}, {transform_indices = #map}, {transform_indices = #map}]} {
    %mul3A = arith.constant 16 : i32
    %mul3A_0 = arith.muli %arg0, %mul3A : i32
    %add3A = arith.addi %mul3A_0, %arg1 : i32
    %mul3A_1 = arith.constant 125 : i32
    %mul3A_2 = arith.muli %add3A, %mul3A_1 : i32
    "tpu.region"() ({
      %run_scoped3A = tpu.sem_alloc : memref<!tpu.dma_semaphore, #tpu.memory_space<semaphore_mem>>
      %dma_start3A = arith.constant 0 : i32
      %dma_start3A_18 = tpu.memref_slice %arg2[%mul3A_2, %dma_start3A] : memref<4000x80xi32, #tpu.memory_space<hbm>> -> memref<125x80xi32, #tpu.memory_space<hbm>>
      %dma_start3A_19 = arith.constant 0 : i32
      %dma_start3A_20 = tpu.memref_slice %arg2[%mul3A_2, %dma_start3A_19] : memref<4000x80xi32, #tpu.memory_space<hbm>> -> memref<125x80xi32, #tpu.memory_space<hbm>>
      tpu.enqueue_dma source(%dma_start3A_20 : memref<125x80xi32, #tpu.memory_space<hbm>>) target(%arg6 : memref<125x80xi32, #tpu.memory_space<vmem>>) target_semaphore(%run_scoped3A : memref<!tpu.dma_semaphore, #tpu.memory_space<semaphore_mem>>)
      %dma_wait3A = arith.constant 0 : i32
      %dma_wait3A_21 = tpu.memref_slice %arg2[%mul3A_2, %dma_wait3A] : memref<4000x80xi32, #tpu.memory_space<hbm>> -> memref<125x80xi32, #tpu.memory_space<hbm>>
      %dma_wait3A_22 = arith.constant 0 : i32
      %dma_wait3A_23 = tpu.memref_slice %arg2[%mul3A_2, %dma_wait3A_22] : memref<4000x80xi32, #tpu.memory_space<hbm>> -> memref<125x80xi32, #tpu.memory_space<hbm>>
      tpu.wait_dma2 semaphore(%run_scoped3A : memref<!tpu.dma_semaphore, #tpu.memory_space<semaphore_mem>>) src(%dma_wait3A_23 : memref<125x80xi32, #tpu.memory_space<hbm>>) dst(%arg6 : memref<125x80xi32, #tpu.memory_space<vmem>>)
      tpu.yield
    }) : () -> ()
    %mul3A_3 = arith.constant 640 : i32
    %mul3A_4 = arith.muli %arg1, %mul3A_3 : i32
    "tpu.region"() ({
      %run_scoped3A = tpu.sem_alloc : memref<!tpu.dma_semaphore, #tpu.memory_space<semaphore_mem>>
      %dma_start3A = arith.constant 0 : i32
      %dma_start3A_18 = tpu.memref_slice %arg8[%mul3A_4, %dma_start3A] : memref<10240x16xf32, #tpu.memory_space<vmem_shared>> -> memref<640x16xf32, #tpu.memory_space<vmem_shared>>
      tpu.enqueue_dma source(%arg4 : memref<640x16xf32, #tpu.memory_space<hbm>>) target(%dma_start3A_18 : memref<640x16xf32, #tpu.memory_space<vmem_shared>>) target_semaphore(%run_scoped3A : memref<!tpu.dma_semaphore, #tpu.memory_space<semaphore_mem>>)
      %dma_wait3A = arith.constant 0 : i32
      %dma_wait3A_19 = tpu.memref_slice %arg8[%mul3A_4, %dma_wait3A] : memref<10240x16xf32, #tpu.memory_space<vmem_shared>> -> memref<640x16xf32, #tpu.memory_space<vmem_shared>>
      tpu.wait_dma2 semaphore(%run_scoped3A : memref<!tpu.dma_semaphore, #tpu.memory_space<semaphore_mem>>) src(%arg4 : memref<640x16xf32, #tpu.memory_space<hbm>>) dst(%dma_wait3A_19 : memref<640x16xf32, #tpu.memory_space<vmem_shared>>)
      tpu.yield
    }) : () -> ()
    "tpu.region"() ({
      %run_scoped3A = tpu.sem_alloc : memref<!tpu.dma_semaphore, #tpu.memory_space<semaphore_mem>>
      tpu.enqueue_dma source(%arg3 : memref<80x16xf32, #tpu.memory_space<hbm>>) target(%arg7 : memref<80x16xf32, #tpu.memory_space<vmem>>) target_semaphore(%run_scoped3A : memref<!tpu.dma_semaphore, #tpu.memory_space<semaphore_mem>>)
      tpu.wait_dma2 semaphore(%run_scoped3A : memref<!tpu.dma_semaphore, #tpu.memory_space<semaphore_mem>>) src(%arg3 : memref<80x16xf32, #tpu.memory_space<hbm>>) dst(%arg7 : memref<80x16xf32, #tpu.memory_space<vmem>>)
      tpu.yield
    }) : () -> ()
    %barrier3A = arith.constant 0 : index
    tpu.barrier barrier_id(%barrier3A)
    %scan3A = arith.constant 0 : i32
    %scan3A_5 = arith.constant 0 : i32
    %scan3A_6 = arith.constant 25 : i32
    %scan3A_7 = arith.addi %scan3A_5, %scan3A_6 : i32
    %scan3A_8 = arith.constant 1 : i32
    scf.for %scan3A_18 = %scan3A_5 to %scan3A_7 step %scan3A_8  : i32 {
      %mul3A_19 = arith.constant 5 : i32
      %mul3A_20 = arith.muli %mul3A_19, %scan3A_18 : i32
      %add3A_21 = arith.constant 0 : i32
      %add3A_22 = arith.addi %mul3A_20, %add3A_21 : i32
      %dma_start3A = arith.constant 0 : i32
      %dma_start3A_23 = tpu.memref_slice %arg6[%add3A_22, %dma_start3A] : memref<125x80xi32, #tpu.memory_space<vmem>> -> memref<1x80xi32, #tpu.memory_space<vmem>>
      %dma_start3A_24 = tpu.memref_squeeze %dma_start3A_23 : memref<1x80xi32, #tpu.memory_space<vmem>> -> memref<80xi32, #tpu.memory_space<vmem>>
      %dma_start3A_25 = arith.constant 0 : i32
      %dma_start3A_26 = arith.constant 0 : i32
      %dma_start3A_27 = tpu.memref_slice %arg8[%dma_start3A_25, %dma_start3A_26] : memref<10240x16xf32, #tpu.memory_space<vmem_shared>> -> memref<10240x16xf32, #tpu.memory_space<vmem_shared>>
      tpu.enqueue_indirect_dma source(%arg7 : memref<80x16xf32, #tpu.memory_space<vmem>>) target(%dma_start3A_27 : memref<10240x16xf32, #tpu.memory_space<vmem_shared>>) offsets(%dma_start3A_24 : memref<80xi32, #tpu.memory_space<vmem>>) semaphore(%arg9 : memref<!tpu.dma_semaphore, #tpu.memory_space<semaphore_mem>>) {add = true}
      %mul3A_28 = arith.constant 5 : i32
      %mul3A_29 = arith.muli %mul3A_28, %scan3A_18 : i32
      %add3A_30 = arith.constant 1 : i32
      %add3A_31 = arith.addi %mul3A_29, %add3A_30 : i32
      %dma_start3A_32 = arith.constant 0 : i32
      %dma_start3A_33 = tpu.memref_slice %arg6[%add3A_31, %dma_start3A_32] : memref<125x80xi32, #tpu.memory_space<vmem>> -> memref<1x80xi32, #tpu.memory_space<vmem>>
      %dma_start3A_34 = tpu.memref_squeeze %dma_start3A_33 : memref<1x80xi32, #tpu.memory_space<vmem>> -> memref<80xi32, #tpu.memory_space<vmem>>
      %dma_start3A_35 = arith.constant 0 : i32
      %dma_start3A_36 = arith.constant 0 : i32
      %dma_start3A_37 = tpu.memref_slice %arg8[%dma_start3A_35, %dma_start3A_36] : memref<10240x16xf32, #tpu.memory_space<vmem_shared>> -> memref<10240x16xf32, #tpu.memory_space<vmem_shared>>
      tpu.enqueue_indirect_dma source(%arg7 : memref<80x16xf32, #tpu.memory_space<vmem>>) target(%dma_start3A_37 : memref<10240x16xf32, #tpu.memory_space<vmem_shared>>) offsets(%dma_start3A_34 : memref<80xi32, #tpu.memory_space<vmem>>) semaphore(%arg9 : memref<!tpu.dma_semaphore, #tpu.memory_space<semaphore_mem>>) {add = true}
      %mul3A_38 = arith.constant 5 : i32
      %mul3A_39 = arith.muli %mul3A_38, %scan3A_18 : i32
      %add3A_40 = arith.constant 2 : i32
      %add3A_41 = arith.addi %mul3A_39, %add3A_40 : i32
      %dma_start3A_42 = arith.constant 0 : i32
      %dma_start3A_43 = tpu.memref_slice %arg6[%add3A_41, %dma_start3A_42] : memref<125x80xi32, #tpu.memory_space<vmem>> -> memref<1x80xi32, #tpu.memory_space<vmem>>
      %dma_start3A_44 = tpu.memref_squeeze %dma_start3A_43 : memref<1x80xi32, #tpu.memory_space<vmem>> -> memref<80xi32, #tpu.memory_space<vmem>>
      %dma_start3A_45 = arith.constant 0 : i32
      %dma_start3A_46 = arith.constant 0 : i32
      %dma_start3A_47 = tpu.memref_slice %arg8[%dma_start3A_45, %dma_start3A_46] : memref<10240x16xf32, #tpu.memory_space<vmem_shared>> -> memref<10240x16xf32, #tpu.memory_space<vmem_shared>>
      tpu.enqueue_indirect_dma source(%arg7 : memref<80x16xf32, #tpu.memory_space<vmem>>) target(%dma_start3A_47 : memref<10240x16xf32, #tpu.memory_space<vmem_shared>>) offsets(%dma_start3A_44 : memref<80xi32, #tpu.memory_space<vmem>>) semaphore(%arg9 : memref<!tpu.dma_semaphore, #tpu.memory_space<semaphore_mem>>) {add = true}
      %mul3A_48 = arith.constant 5 : i32
      %mul3A_49 = arith.muli %mul3A_48, %scan3A_18 : i32
      %add3A_50 = arith.constant 3 : i32
      %add3A_51 = arith.addi %mul3A_49, %add3A_50 : i32
      %dma_start3A_52 = arith.constant 0 : i32
      %dma_start3A_53 = tpu.memref_slice %arg6[%add3A_51, %dma_start3A_52] : memref<125x80xi32, #tpu.memory_space<vmem>> -> memref<1x80xi32, #tpu.memory_space<vmem>>
      %dma_start3A_54 = tpu.memref_squeeze %dma_start3A_53 : memref<1x80xi32, #tpu.memory_space<vmem>> -> memref<80xi32, #tpu.memory_space<vmem>>
      %dma_start3A_55 = arith.constant 0 : i32
      %dma_start3A_56 = arith.constant 0 : i32
      %dma_start3A_57 = tpu.memref_slice %arg8[%dma_start3A_55, %dma_start3A_56] : memref<10240x16xf32, #tpu.memory_space<vmem_shared>> -> memref<10240x16xf32, #tpu.memory_space<vmem_shared>>
      tpu.enqueue_indirect_dma source(%arg7 : memref<80x16xf32, #tpu.memory_space<vmem>>) target(%dma_start3A_57 : memref<10240x16xf32, #tpu.memory_space<vmem_shared>>) offsets(%dma_start3A_54 : memref<80xi32, #tpu.memory_space<vmem>>) semaphore(%arg9 : memref<!tpu.dma_semaphore, #tpu.memory_space<semaphore_mem>>) {add = true}
      %mul3A_58 = arith.constant 5 : i32
      %mul3A_59 = arith.muli %mul3A_58, %scan3A_18 : i32
      %add3A_60 = arith.constant 4 : i32
      %add3A_61 = arith.addi %mul3A_59, %add3A_60 : i32
      %dma_start3A_62 = arith.constant 0 : i32
      %dma_start3A_63 = tpu.memref_slice %arg6[%add3A_61, %dma_start3A_62] : memref<125x80xi32, #tpu.memory_space<vmem>> -> memref<1x80xi32, #tpu.memory_space<vmem>>
      %dma_start3A_64 = tpu.memref_squeeze %dma_start3A_63 : memref<1x80xi32, #tpu.memory_space<vmem>> -> memref<80xi32, #tpu.memory_space<vmem>>
      %dma_start3A_65 = arith.constant 0 : i32
      %dma_start3A_66 = arith.constant 0 : i32
      %dma_start3A_67 = tpu.memref_slice %arg8[%dma_start3A_65, %dma_start3A_66] : memref<10240x16xf32, #tpu.memory_space<vmem_shared>> -> memref<10240x16xf32, #tpu.memory_space<vmem_shared>>
      tpu.enqueue_indirect_dma source(%arg7 : memref<80x16xf32, #tpu.memory_space<vmem>>) target(%dma_start3A_67 : memref<10240x16xf32, #tpu.memory_space<vmem_shared>>) offsets(%dma_start3A_64 : memref<80xi32, #tpu.memory_space<vmem>>) semaphore(%arg9 : memref<!tpu.dma_semaphore, #tpu.memory_space<semaphore_mem>>) {add = true}
      %mul3A_68 = arith.constant 5 : i32
      %mul3A_69 = arith.muli %mul3A_68, %scan3A_18 : i32
      %add3A_70 = arith.constant 0 : i32
      %add3A_71 = arith.addi %mul3A_69, %add3A_70 : i32
      %dma_wait3A = arith.constant 0 : i32
      %dma_wait3A_72 = tpu.memref_slice %arg6[%add3A_71, %dma_wait3A] : memref<125x80xi32, #tpu.memory_space<vmem>> -> memref<1x80xi32, #tpu.memory_space<vmem>>
      %dma_wait3A_73 = tpu.memref_squeeze %dma_wait3A_72 : memref<1x80xi32, #tpu.memory_space<vmem>> -> memref<80xi32, #tpu.memory_space<vmem>>
      %dma_wait3A_74 = arith.constant 0 : i32
      %dma_wait3A_75 = arith.constant 0 : i32
      %dma_wait3A_76 = tpu.memref_slice %arg8[%dma_wait3A_74, %dma_wait3A_75] : memref<10240x16xf32, #tpu.memory_space<vmem_shared>> -> memref<10240x16xf32, #tpu.memory_space<vmem_shared>>
      tpu.wait_indirect_dma semaphore(%arg9 : memref<!tpu.dma_semaphore, #tpu.memory_space<semaphore_mem>>) src(%arg7 : memref<80x16xf32, #tpu.memory_space<vmem>>) dst(%dma_wait3A_76 : memref<10240x16xf32, #tpu.memory_space<vmem_shared>>)
      %mul3A_77 = arith.constant 5 : i32
      %mul3A_78 = arith.muli %mul3A_77, %scan3A_18 : i32
      %add3A_79 = arith.constant 1 : i32
      %add3A_80 = arith.addi %mul3A_78, %add3A_79 : i32
      %dma_wait3A_81 = arith.constant 0 : i32
      %dma_wait3A_82 = tpu.memref_slice %arg6[%add3A_80, %dma_wait3A_81] : memref<125x80xi32, #tpu.memory_space<vmem>> -> memref<1x80xi32, #tpu.memory_space<vmem>>
      %dma_wait3A_83 = tpu.memref_squeeze %dma_wait3A_82 : memref<1x80xi32, #tpu.memory_space<vmem>> -> memref<80xi32, #tpu.memory_space<vmem>>
      %dma_wait3A_84 = arith.constant 0 : i32
      %dma_wait3A_85 = arith.constant 0 : i32
      %dma_wait3A_86 = tpu.memref_slice %arg8[%dma_wait3A_84, %dma_wait3A_85] : memref<10240x16xf32, #tpu.memory_space<vmem_shared>> -> memref<10240x16xf32, #tpu.memory_space<vmem_shared>>
      tpu.wait_indirect_dma semaphore(%arg9 : memref<!tpu.dma_semaphore, #tpu.memory_space<semaphore_mem>>) src(%arg7 : memref<80x16xf32, #tpu.memory_space<vmem>>) dst(%dma_wait3A_86 : memref<10240x16xf32, #tpu.memory_space<vmem_shared>>)
      %mul3A_87 = arith.constant 5 : i32
      %mul3A_88 = arith.muli %mul3A_87, %scan3A_18 : i32
      %add3A_89 = arith.constant 2 : i32
      %add3A_90 = arith.addi %mul3A_88, %add3A_89 : i32
      %dma_wait3A_91 = arith.constant 0 : i32
      %dma_wait3A_92 = tpu.memref_slice %arg6[%add3A_90, %dma_wait3A_91] : memref<125x80xi32, #tpu.memory_space<vmem>> -> memref<1x80xi32, #tpu.memory_space<vmem>>
      %dma_wait3A_93 = tpu.memref_squeeze %dma_wait3A_92 : memref<1x80xi32, #tpu.memory_space<vmem>> -> memref<80xi32, #tpu.memory_space<vmem>>
      %dma_wait3A_94 = arith.constant 0 : i32
      %dma_wait3A_95 = arith.constant 0 : i32
      %dma_wait3A_96 = tpu.memref_slice %arg8[%dma_wait3A_94, %dma_wait3A_95] : memref<10240x16xf32, #tpu.memory_space<vmem_shared>> -> memref<10240x16xf32, #tpu.memory_space<vmem_shared>>
      tpu.wait_indirect_dma semaphore(%arg9 : memref<!tpu.dma_semaphore, #tpu.memory_space<semaphore_mem>>) src(%arg7 : memref<80x16xf32, #tpu.memory_space<vmem>>) dst(%dma_wait3A_96 : memref<10240x16xf32, #tpu.memory_space<vmem_shared>>)
      %mul3A_97 = arith.constant 5 : i32
      %mul3A_98 = arith.muli %mul3A_97, %scan3A_18 : i32
      %add3A_99 = arith.constant 3 : i32
      %add3A_100 = arith.addi %mul3A_98, %add3A_99 : i32
      %dma_wait3A_101 = arith.constant 0 : i32
      %dma_wait3A_102 = tpu.memref_slice %arg6[%add3A_100, %dma_wait3A_101] : memref<125x80xi32, #tpu.memory_space<vmem>> -> memref<1x80xi32, #tpu.memory_space<vmem>>
      %dma_wait3A_103 = tpu.memref_squeeze %dma_wait3A_102 : memref<1x80xi32, #tpu.memory_space<vmem>> -> memref<80xi32, #tpu.memory_space<vmem>>
      %dma_wait3A_104 = arith.constant 0 : i32
      %dma_wait3A_105 = arith.constant 0 : i32
      %dma_wait3A_106 = tpu.memref_slice %arg8[%dma_wait3A_104, %dma_wait3A_105] : memref<10240x16xf32, #tpu.memory_space<vmem_shared>> -> memref<10240x16xf32, #tpu.memory_space<vmem_shared>>
      tpu.wait_indirect_dma semaphore(%arg9 : memref<!tpu.dma_semaphore, #tpu.memory_space<semaphore_mem>>) src(%arg7 : memref<80x16xf32, #tpu.memory_space<vmem>>) dst(%dma_wait3A_106 : memref<10240x16xf32, #tpu.memory_space<vmem_shared>>)
      %mul3A_107 = arith.constant 5 : i32
      %mul3A_108 = arith.muli %mul3A_107, %scan3A_18 : i32
      %add3A_109 = arith.constant 4 : i32
      %add3A_110 = arith.addi %mul3A_108, %add3A_109 : i32
      %dma_wait3A_111 = arith.constant 0 : i32
      %dma_wait3A_112 = tpu.memref_slice %arg6[%add3A_110, %dma_wait3A_111] : memref<125x80xi32, #tpu.memory_space<vmem>> -> memref<1x80xi32, #tpu.memory_space<vmem>>
      %dma_wait3A_113 = tpu.memref_squeeze %dma_wait3A_112 : memref<1x80xi32, #tpu.memory_space<vmem>> -> memref<80xi32, #tpu.memory_space<vmem>>
      %dma_wait3A_114 = arith.constant 0 : i32
      %dma_wait3A_115 = arith.constant 0 : i32
      %dma_wait3A_116 = tpu.memref_slice %arg8[%dma_wait3A_114, %dma_wait3A_115] : memref<10240x16xf32, #tpu.memory_space<vmem_shared>> -> memref<10240x16xf32, #tpu.memory_space<vmem_shared>>
      tpu.wait_indirect_dma semaphore(%arg9 : memref<!tpu.dma_semaphore, #tpu.memory_space<semaphore_mem>>) src(%arg7 : memref<80x16xf32, #tpu.memory_space<vmem>>) dst(%dma_wait3A_116 : memref<10240x16xf32, #tpu.memory_space<vmem_shared>>)
    }
    %scan3A_9 = arith.constant 25 : i32
    %barrier3A_10 = arith.constant 0 : index
    tpu.barrier barrier_id(%barrier3A_10)
    %mul3A_11 = arith.constant 640 : i32
    %mul3A_12 = arith.muli %arg1, %mul3A_11 : i32
    %mul3A_13 = arith.constant 10240 : i32
    %mul3A_14 = arith.muli %arg0, %mul3A_13 : i32
    %mul3A_15 = arith.constant 640 : i32
    %mul3A_16 = arith.muli %arg1, %mul3A_15 : i32
    %add3A_17 = arith.addi %mul3A_14, %mul3A_16 : i32
    "tpu.region"() ({
      %run_scoped3A = tpu.sem_alloc : memref<!tpu.dma_semaphore, #tpu.memory_space<semaphore_mem>>
      %dma_start3A = arith.constant 0 : i32
      %dma_start3A_18 = tpu.memref_slice %arg5[%add3A_17, %dma_start3A] : memref<20480x16xf32, #tpu.memory_space<hbm>> -> memref<640x16xf32, #tpu.memory_space<hbm>>
      %dma_start3A_19 = arith.constant 0 : i32
      %dma_start3A_20 = tpu.memref_slice %arg8[%mul3A_12, %dma_start3A_19] : memref<10240x16xf32, #tpu.memory_space<vmem_shared>> -> memref<640x16xf32, #tpu.memory_space<vmem_shared>>
      tpu.enqueue_dma source(%dma_start3A_20 : memref<640x16xf32, #tpu.memory_space<vmem_shared>>) target(%dma_start3A_18 : memref<640x16xf32, #tpu.memory_space<hbm>>) target_semaphore(%run_scoped3A : memref<!tpu.dma_semaphore, #tpu.memory_space<semaphore_mem>>)
      %dma_wait3A = arith.constant 0 : i32
      %dma_wait3A_21 = tpu.memref_slice %arg5[%add3A_17, %dma_wait3A] : memref<20480x16xf32, #tpu.memory_space<hbm>> -> memref<640x16xf32, #tpu.memory_space<hbm>>
      %dma_wait3A_22 = arith.constant 0 : i32
      %dma_wait3A_23 = tpu.memref_slice %arg8[%mul3A_12, %dma_wait3A_22] : memref<10240x16xf32, #tpu.memory_space<vmem_shared>> -> memref<640x16xf32, #tpu.memory_space<vmem_shared>>
      tpu.wait_dma2 semaphore(%run_scoped3A : memref<!tpu.dma_semaphore, #tpu.memory_space<semaphore_mem>>) src(%dma_wait3A_23 : memref<640x16xf32, #tpu.memory_space<vmem_shared>>) dst(%dma_wait3A_21 : memref<640x16xf32, #tpu.memory_space<hbm>>)
      tpu.yield
    }) : () -> ()
    return
  }
}

#map = affine_map<(d0, d1) -> (0, 0)>
module attributes {stable_mosaic.version = 14 : i64} {
  func.func @spmv(%arg0: i32, %arg1: i32, %arg2: memref<10240x64xf32, #tpu.memory_space<hbm>>, %arg3: memref<10240x64xf32, #tpu.memory_space<hbm>>, %arg4: memref<4000x80xi32, #tpu.memory_space<hbm>>, %arg5: memref<4000x80xi32, #tpu.memory_space<hbm>>, %arg6: memref<640x64xf32, #tpu.memory_space<hbm>>, %arg7: memref<40960x64xf32, #tpu.memory_space<hbm>>, %arg8: memref<125x80xi32, #tpu.memory_space<vmem>>, %arg9: memref<125x80xi32, #tpu.memory_space<vmem>>, %arg10: memref<80x64xf32, #tpu.memory_space<vmem>>, %arg11: memref<80x64xf32, #tpu.memory_space<vmem>>, %arg12: memref<80x64xf32, #tpu.memory_space<vmem>>, %arg13: memref<80x64xf32, #tpu.memory_space<vmem>>, %arg14: memref<10240x64xf32, #tpu.memory_space<vmem_shared>>, %arg15: memref<!tpu.dma_semaphore, #tpu.memory_space<semaphore_mem>>, %arg16: memref<!tpu.dma_semaphore, #tpu.memory_space<semaphore_mem>>, %arg17: memref<!tpu.dma_semaphore, #tpu.memory_space<semaphore_mem>>, %arg18: memref<!tpu.dma_semaphore, #tpu.memory_space<semaphore_mem>>, %arg19: memref<!tpu.dma_semaphore, #tpu.memory_space<semaphore_mem>>, %arg20: memref<!tpu.dma_semaphore, #tpu.memory_space<semaphore_mem>>, %arg21: memref<!tpu.dma_semaphore, #tpu.memory_space<semaphore_mem>>, %arg22: memref<!tpu.dma_semaphore, #tpu.memory_space<semaphore_mem>>) attributes {dimension_semantics = [#tpu.dimension_semantics<core_parallel>, #tpu.dimension_semantics<subcore_parallel>], iteration_bounds = array<i64: 2, 16>, scalar_prefetch = 0 : i64, scratch_operands = 15 : i64, tpu.core_type = #tpu.core_type<sc_vector_subcore>, window_params = [{transform_indices = #map}, {transform_indices = #map}, {transform_indices = #map}, {transform_indices = #map}, {transform_indices = #map}, {transform_indices = #map}]} {
    %mul3A = arith.constant 16 : i32
    %mul3A_0 = arith.muli %arg0, %mul3A : i32
    %add3A = arith.addi %mul3A_0, %arg1 : i32
    %mul3A_1 = arith.constant 125 : i32
    %mul3A_2 = arith.muli %add3A, %mul3A_1 : i32
    "tpu.region"() ({
      %run_scoped3A = tpu.sem_alloc : memref<!tpu.dma_semaphore, #tpu.memory_space<semaphore_mem>>
      %dma_start3A_549 = arith.constant 0 : i32
      %dma_start3A_550 = tpu.memref_slice %arg4[%mul3A_2, %dma_start3A_549] : memref<4000x80xi32, #tpu.memory_space<hbm>> -> memref<125x80xi32, #tpu.memory_space<hbm>>
      %dma_start3A_551 = arith.constant 0 : i32
      %dma_start3A_552 = tpu.memref_slice %arg4[%mul3A_2, %dma_start3A_551] : memref<4000x80xi32, #tpu.memory_space<hbm>> -> memref<125x80xi32, #tpu.memory_space<hbm>>
      tpu.enqueue_dma source(%dma_start3A_552 : memref<125x80xi32, #tpu.memory_space<hbm>>) target(%arg8 : memref<125x80xi32, #tpu.memory_space<vmem>>) target_semaphore(%run_scoped3A : memref<!tpu.dma_semaphore, #tpu.memory_space<semaphore_mem>>)
      %dma_wait3A_553 = arith.constant 0 : i32
      %dma_wait3A_554 = tpu.memref_slice %arg4[%mul3A_2, %dma_wait3A_553] : memref<4000x80xi32, #tpu.memory_space<hbm>> -> memref<125x80xi32, #tpu.memory_space<hbm>>
      %dma_wait3A_555 = arith.constant 0 : i32
      %dma_wait3A_556 = tpu.memref_slice %arg4[%mul3A_2, %dma_wait3A_555] : memref<4000x80xi32, #tpu.memory_space<hbm>> -> memref<125x80xi32, #tpu.memory_space<hbm>>
      tpu.wait_dma2 semaphore(%run_scoped3A : memref<!tpu.dma_semaphore, #tpu.memory_space<semaphore_mem>>) src(%dma_wait3A_556 : memref<125x80xi32, #tpu.memory_space<hbm>>) dst(%arg8 : memref<125x80xi32, #tpu.memory_space<vmem>>)
      tpu.yield
    }) : () -> ()
    %mul3A_3 = arith.constant 125 : i32
    %mul3A_4 = arith.muli %add3A, %mul3A_3 : i32
    "tpu.region"() ({
      %run_scoped3A = tpu.sem_alloc : memref<!tpu.dma_semaphore, #tpu.memory_space<semaphore_mem>>
      %dma_start3A_549 = arith.constant 0 : i32
      %dma_start3A_550 = tpu.memref_slice %arg5[%mul3A_4, %dma_start3A_549] : memref<4000x80xi32, #tpu.memory_space<hbm>> -> memref<125x80xi32, #tpu.memory_space<hbm>>
      %dma_start3A_551 = arith.constant 0 : i32
      %dma_start3A_552 = tpu.memref_slice %arg5[%mul3A_4, %dma_start3A_551] : memref<4000x80xi32, #tpu.memory_space<hbm>> -> memref<125x80xi32, #tpu.memory_space<hbm>>
      tpu.enqueue_dma source(%dma_start3A_552 : memref<125x80xi32, #tpu.memory_space<hbm>>) target(%arg9 : memref<125x80xi32, #tpu.memory_space<vmem>>) target_semaphore(%run_scoped3A : memref<!tpu.dma_semaphore, #tpu.memory_space<semaphore_mem>>)
      %dma_wait3A_553 = arith.constant 0 : i32
      %dma_wait3A_554 = tpu.memref_slice %arg5[%mul3A_4, %dma_wait3A_553] : memref<4000x80xi32, #tpu.memory_space<hbm>> -> memref<125x80xi32, #tpu.memory_space<hbm>>
      %dma_wait3A_555 = arith.constant 0 : i32
      %dma_wait3A_556 = tpu.memref_slice %arg5[%mul3A_4, %dma_wait3A_555] : memref<4000x80xi32, #tpu.memory_space<hbm>> -> memref<125x80xi32, #tpu.memory_space<hbm>>
      tpu.wait_dma2 semaphore(%run_scoped3A : memref<!tpu.dma_semaphore, #tpu.memory_space<semaphore_mem>>) src(%dma_wait3A_556 : memref<125x80xi32, #tpu.memory_space<hbm>>) dst(%arg9 : memref<125x80xi32, #tpu.memory_space<vmem>>)
      tpu.yield
    }) : () -> ()
    %mul3A_5 = arith.constant 640 : i32
    %mul3A_6 = arith.muli %arg1, %mul3A_5 : i32
    "tpu.region"() ({
      %run_scoped3A = tpu.sem_alloc : memref<!tpu.dma_semaphore, #tpu.memory_space<semaphore_mem>>
      %dma_start3A_549 = arith.constant 0 : i32
      %dma_start3A_550 = tpu.memref_slice %arg14[%mul3A_6, %dma_start3A_549] : memref<10240x64xf32, #tpu.memory_space<vmem_shared>> -> memref<640x64xf32, #tpu.memory_space<vmem_shared>>
      tpu.enqueue_dma source(%arg6 : memref<640x64xf32, #tpu.memory_space<hbm>>) target(%dma_start3A_550 : memref<640x64xf32, #tpu.memory_space<vmem_shared>>) target_semaphore(%run_scoped3A : memref<!tpu.dma_semaphore, #tpu.memory_space<semaphore_mem>>)
      %dma_wait3A_551 = arith.constant 0 : i32
      %dma_wait3A_552 = tpu.memref_slice %arg14[%mul3A_6, %dma_wait3A_551] : memref<10240x64xf32, #tpu.memory_space<vmem_shared>> -> memref<640x64xf32, #tpu.memory_space<vmem_shared>>
      tpu.wait_dma2 semaphore(%run_scoped3A : memref<!tpu.dma_semaphore, #tpu.memory_space<semaphore_mem>>) src(%arg6 : memref<640x64xf32, #tpu.memory_space<hbm>>) dst(%dma_wait3A_552 : memref<640x64xf32, #tpu.memory_space<vmem_shared>>)
      tpu.yield
    }) : () -> ()
    %barrier3A = arith.constant 0 : index
    tpu.barrier barrier_id(%barrier3A)
    %dma_start3A = arith.constant 0 : i32
    %dma_start3A_7 = arith.constant 0 : i32
    %dma_start3A_8 = tpu.memref_slice %arg8[%dma_start3A, %dma_start3A_7] : memref<125x80xi32, #tpu.memory_space<vmem>> -> memref<1x80xi32, #tpu.memory_space<vmem>>
    %dma_start3A_9 = tpu.memref_squeeze %dma_start3A_8 : memref<1x80xi32, #tpu.memory_space<vmem>> -> memref<80xi32, #tpu.memory_space<vmem>>
    %dma_start3A_10 = arith.constant 0 : i32
    %dma_start3A_11 = arith.constant 0 : i32
    %dma_start3A_12 = tpu.memref_slice %arg2[%dma_start3A_10, %dma_start3A_11] : memref<10240x64xf32, #tpu.memory_space<hbm>> -> memref<10240x64xf32, #tpu.memory_space<hbm>>
    tpu.enqueue_indirect_dma source(%dma_start3A_12 : memref<10240x64xf32, #tpu.memory_space<hbm>>) target(%arg10 : memref<80x64xf32, #tpu.memory_space<vmem>>) offsets(%dma_start3A_9 : memref<80xi32, #tpu.memory_space<vmem>>) semaphore(%arg15 : memref<!tpu.dma_semaphore, #tpu.memory_space<semaphore_mem>>)
    %dma_start3A_13 = arith.constant 1 : i32
    %dma_start3A_14 = arith.constant 0 : i32
    %dma_start3A_15 = tpu.memref_slice %arg8[%dma_start3A_13, %dma_start3A_14] : memref<125x80xi32, #tpu.memory_space<vmem>> -> memref<1x80xi32, #tpu.memory_space<vmem>>
    %dma_start3A_16 = tpu.memref_squeeze %dma_start3A_15 : memref<1x80xi32, #tpu.memory_space<vmem>> -> memref<80xi32, #tpu.memory_space<vmem>>
    %dma_start3A_17 = arith.constant 0 : i32
    %dma_start3A_18 = arith.constant 0 : i32
    %dma_start3A_19 = tpu.memref_slice %arg2[%dma_start3A_17, %dma_start3A_18] : memref<10240x64xf32, #tpu.memory_space<hbm>> -> memref<10240x64xf32, #tpu.memory_space<hbm>>
    tpu.enqueue_indirect_dma source(%dma_start3A_19 : memref<10240x64xf32, #tpu.memory_space<hbm>>) target(%arg11 : memref<80x64xf32, #tpu.memory_space<vmem>>) offsets(%dma_start3A_16 : memref<80xi32, #tpu.memory_space<vmem>>) semaphore(%arg16 : memref<!tpu.dma_semaphore, #tpu.memory_space<semaphore_mem>>)
    %dma_start3A_20 = arith.constant 2 : i32
    %dma_start3A_21 = arith.constant 0 : i32
    %dma_start3A_22 = tpu.memref_slice %arg8[%dma_start3A_20, %dma_start3A_21] : memref<125x80xi32, #tpu.memory_space<vmem>> -> memref<1x80xi32, #tpu.memory_space<vmem>>
    %dma_start3A_23 = tpu.memref_squeeze %dma_start3A_22 : memref<1x80xi32, #tpu.memory_space<vmem>> -> memref<80xi32, #tpu.memory_space<vmem>>
    %dma_start3A_24 = arith.constant 0 : i32
    %dma_start3A_25 = arith.constant 0 : i32
    %dma_start3A_26 = tpu.memref_slice %arg2[%dma_start3A_24, %dma_start3A_25] : memref<10240x64xf32, #tpu.memory_space<hbm>> -> memref<10240x64xf32, #tpu.memory_space<hbm>>
    tpu.enqueue_indirect_dma source(%dma_start3A_26 : memref<10240x64xf32, #tpu.memory_space<hbm>>) target(%arg12 : memref<80x64xf32, #tpu.memory_space<vmem>>) offsets(%dma_start3A_23 : memref<80xi32, #tpu.memory_space<vmem>>) semaphore(%arg17 : memref<!tpu.dma_semaphore, #tpu.memory_space<semaphore_mem>>)
    %dma_start3A_27 = arith.constant 3 : i32
    %dma_start3A_28 = arith.constant 0 : i32
    %dma_start3A_29 = tpu.memref_slice %arg8[%dma_start3A_27, %dma_start3A_28] : memref<125x80xi32, #tpu.memory_space<vmem>> -> memref<1x80xi32, #tpu.memory_space<vmem>>
    %dma_start3A_30 = tpu.memref_squeeze %dma_start3A_29 : memref<1x80xi32, #tpu.memory_space<vmem>> -> memref<80xi32, #tpu.memory_space<vmem>>
    %dma_start3A_31 = arith.constant 0 : i32
    %dma_start3A_32 = arith.constant 0 : i32
    %dma_start3A_33 = tpu.memref_slice %arg2[%dma_start3A_31, %dma_start3A_32] : memref<10240x64xf32, #tpu.memory_space<hbm>> -> memref<10240x64xf32, #tpu.memory_space<hbm>>
    tpu.enqueue_indirect_dma source(%dma_start3A_33 : memref<10240x64xf32, #tpu.memory_space<hbm>>) target(%arg13 : memref<80x64xf32, #tpu.memory_space<vmem>>) offsets(%dma_start3A_30 : memref<80xi32, #tpu.memory_space<vmem>>) semaphore(%arg18 : memref<!tpu.dma_semaphore, #tpu.memory_space<semaphore_mem>>)
    %dma_wait3A = arith.constant 0 : i32
    %dma_wait3A_34 = arith.constant 0 : i32
    %dma_wait3A_35 = tpu.memref_slice %arg8[%dma_wait3A, %dma_wait3A_34] : memref<125x80xi32, #tpu.memory_space<vmem>> -> memref<1x80xi32, #tpu.memory_space<vmem>>
    %dma_wait3A_36 = tpu.memref_squeeze %dma_wait3A_35 : memref<1x80xi32, #tpu.memory_space<vmem>> -> memref<80xi32, #tpu.memory_space<vmem>>
    %dma_wait3A_37 = arith.constant 0 : i32
    %dma_wait3A_38 = arith.constant 0 : i32
    %dma_wait3A_39 = tpu.memref_slice %arg2[%dma_wait3A_37, %dma_wait3A_38] : memref<10240x64xf32, #tpu.memory_space<hbm>> -> memref<10240x64xf32, #tpu.memory_space<hbm>>
    tpu.wait_indirect_dma semaphore(%arg15 : memref<!tpu.dma_semaphore, #tpu.memory_space<semaphore_mem>>) src(%dma_wait3A_39 : memref<10240x64xf32, #tpu.memory_space<hbm>>) dst(%arg10 : memref<80x64xf32, #tpu.memory_space<vmem>>)
    %dma_start3A_40 = arith.constant 0 : i32
    %dma_start3A_41 = arith.constant 0 : i32
    %dma_start3A_42 = tpu.memref_slice %arg9[%dma_start3A_40, %dma_start3A_41] : memref<125x80xi32, #tpu.memory_space<vmem>> -> memref<1x80xi32, #tpu.memory_space<vmem>>
    %dma_start3A_43 = tpu.memref_squeeze %dma_start3A_42 : memref<1x80xi32, #tpu.memory_space<vmem>> -> memref<80xi32, #tpu.memory_space<vmem>>
    %dma_start3A_44 = arith.constant 0 : i32
    %dma_start3A_45 = arith.constant 0 : i32
    %dma_start3A_46 = tpu.memref_slice %arg14[%dma_start3A_44, %dma_start3A_45] : memref<10240x64xf32, #tpu.memory_space<vmem_shared>> -> memref<10240x64xf32, #tpu.memory_space<vmem_shared>>
    tpu.enqueue_indirect_dma source(%arg10 : memref<80x64xf32, #tpu.memory_space<vmem>>) target(%dma_start3A_46 : memref<10240x64xf32, #tpu.memory_space<vmem_shared>>) offsets(%dma_start3A_43 : memref<80xi32, #tpu.memory_space<vmem>>) semaphore(%arg19 : memref<!tpu.dma_semaphore, #tpu.memory_space<semaphore_mem>>) {add = true}
    %dma_wait3A_47 = arith.constant 0 : i32
    %dma_wait3A_48 = arith.constant 0 : i32
    %dma_wait3A_49 = tpu.memref_slice %arg9[%dma_wait3A_47, %dma_wait3A_48] : memref<125x80xi32, #tpu.memory_space<vmem>> -> memref<1x80xi32, #tpu.memory_space<vmem>>
    %dma_wait3A_50 = tpu.memref_squeeze %dma_wait3A_49 : memref<1x80xi32, #tpu.memory_space<vmem>> -> memref<80xi32, #tpu.memory_space<vmem>>
    %dma_wait3A_51 = arith.constant 0 : i32
    %dma_wait3A_52 = arith.constant 0 : i32
    %dma_wait3A_53 = tpu.memref_slice %arg14[%dma_wait3A_51, %dma_wait3A_52] : memref<10240x64xf32, #tpu.memory_space<vmem_shared>> -> memref<10240x64xf32, #tpu.memory_space<vmem_shared>>
    tpu.wait_indirect_dma semaphore(%arg19 : memref<!tpu.dma_semaphore, #tpu.memory_space<semaphore_mem>>) src(%arg10 : memref<80x64xf32, #tpu.memory_space<vmem>>) dst(%dma_wait3A_53 : memref<10240x64xf32, #tpu.memory_space<vmem_shared>>)
    %dma_start3A_54 = arith.constant 4 : i32
    %dma_start3A_55 = arith.constant 0 : i32
    %dma_start3A_56 = tpu.memref_slice %arg8[%dma_start3A_54, %dma_start3A_55] : memref<125x80xi32, #tpu.memory_space<vmem>> -> memref<1x80xi32, #tpu.memory_space<vmem>>
    %dma_start3A_57 = tpu.memref_squeeze %dma_start3A_56 : memref<1x80xi32, #tpu.memory_space<vmem>> -> memref<80xi32, #tpu.memory_space<vmem>>
    %dma_start3A_58 = arith.constant 0 : i32
    %dma_start3A_59 = arith.constant 0 : i32
    %dma_start3A_60 = tpu.memref_slice %arg2[%dma_start3A_58, %dma_start3A_59] : memref<10240x64xf32, #tpu.memory_space<hbm>> -> memref<10240x64xf32, #tpu.memory_space<hbm>>
    tpu.enqueue_indirect_dma source(%dma_start3A_60 : memref<10240x64xf32, #tpu.memory_space<hbm>>) target(%arg10 : memref<80x64xf32, #tpu.memory_space<vmem>>) offsets(%dma_start3A_57 : memref<80xi32, #tpu.memory_space<vmem>>) semaphore(%arg15 : memref<!tpu.dma_semaphore, #tpu.memory_space<semaphore_mem>>)
    %dma_wait3A_61 = arith.constant 1 : i32
    %dma_wait3A_62 = arith.constant 0 : i32
    %dma_wait3A_63 = tpu.memref_slice %arg8[%dma_wait3A_61, %dma_wait3A_62] : memref<125x80xi32, #tpu.memory_space<vmem>> -> memref<1x80xi32, #tpu.memory_space<vmem>>
    %dma_wait3A_64 = tpu.memref_squeeze %dma_wait3A_63 : memref<1x80xi32, #tpu.memory_space<vmem>> -> memref<80xi32, #tpu.memory_space<vmem>>
    %dma_wait3A_65 = arith.constant 0 : i32
    %dma_wait3A_66 = arith.constant 0 : i32
    %dma_wait3A_67 = tpu.memref_slice %arg2[%dma_wait3A_65, %dma_wait3A_66] : memref<10240x64xf32, #tpu.memory_space<hbm>> -> memref<10240x64xf32, #tpu.memory_space<hbm>>
    tpu.wait_indirect_dma semaphore(%arg16 : memref<!tpu.dma_semaphore, #tpu.memory_space<semaphore_mem>>) src(%dma_wait3A_67 : memref<10240x64xf32, #tpu.memory_space<hbm>>) dst(%arg11 : memref<80x64xf32, #tpu.memory_space<vmem>>)
    %dma_start3A_68 = arith.constant 1 : i32
    %dma_start3A_69 = arith.constant 0 : i32
    %dma_start3A_70 = tpu.memref_slice %arg9[%dma_start3A_68, %dma_start3A_69] : memref<125x80xi32, #tpu.memory_space<vmem>> -> memref<1x80xi32, #tpu.memory_space<vmem>>
    %dma_start3A_71 = tpu.memref_squeeze %dma_start3A_70 : memref<1x80xi32, #tpu.memory_space<vmem>> -> memref<80xi32, #tpu.memory_space<vmem>>
    %dma_start3A_72 = arith.constant 0 : i32
    %dma_start3A_73 = arith.constant 0 : i32
    %dma_start3A_74 = tpu.memref_slice %arg14[%dma_start3A_72, %dma_start3A_73] : memref<10240x64xf32, #tpu.memory_space<vmem_shared>> -> memref<10240x64xf32, #tpu.memory_space<vmem_shared>>
    tpu.enqueue_indirect_dma source(%arg11 : memref<80x64xf32, #tpu.memory_space<vmem>>) target(%dma_start3A_74 : memref<10240x64xf32, #tpu.memory_space<vmem_shared>>) offsets(%dma_start3A_71 : memref<80xi32, #tpu.memory_space<vmem>>) semaphore(%arg20 : memref<!tpu.dma_semaphore, #tpu.memory_space<semaphore_mem>>) {add = true}
    %dma_wait3A_75 = arith.constant 1 : i32
    %dma_wait3A_76 = arith.constant 0 : i32
    %dma_wait3A_77 = tpu.memref_slice %arg9[%dma_wait3A_75, %dma_wait3A_76] : memref<125x80xi32, #tpu.memory_space<vmem>> -> memref<1x80xi32, #tpu.memory_space<vmem>>
    %dma_wait3A_78 = tpu.memref_squeeze %dma_wait3A_77 : memref<1x80xi32, #tpu.memory_space<vmem>> -> memref<80xi32, #tpu.memory_space<vmem>>
    %dma_wait3A_79 = arith.constant 0 : i32
    %dma_wait3A_80 = arith.constant 0 : i32
    %dma_wait3A_81 = tpu.memref_slice %arg14[%dma_wait3A_79, %dma_wait3A_80] : memref<10240x64xf32, #tpu.memory_space<vmem_shared>> -> memref<10240x64xf32, #tpu.memory_space<vmem_shared>>
    tpu.wait_indirect_dma semaphore(%arg20 : memref<!tpu.dma_semaphore, #tpu.memory_space<semaphore_mem>>) src(%arg11 : memref<80x64xf32, #tpu.memory_space<vmem>>) dst(%dma_wait3A_81 : memref<10240x64xf32, #tpu.memory_space<vmem_shared>>)
    %dma_start3A_82 = arith.constant 5 : i32
    %dma_start3A_83 = arith.constant 0 : i32
    %dma_start3A_84 = tpu.memref_slice %arg8[%dma_start3A_82, %dma_start3A_83] : memref<125x80xi32, #tpu.memory_space<vmem>> -> memref<1x80xi32, #tpu.memory_space<vmem>>
    %dma_start3A_85 = tpu.memref_squeeze %dma_start3A_84 : memref<1x80xi32, #tpu.memory_space<vmem>> -> memref<80xi32, #tpu.memory_space<vmem>>
    %dma_start3A_86 = arith.constant 0 : i32
    %dma_start3A_87 = arith.constant 0 : i32
    %dma_start3A_88 = tpu.memref_slice %arg2[%dma_start3A_86, %dma_start3A_87] : memref<10240x64xf32, #tpu.memory_space<hbm>> -> memref<10240x64xf32, #tpu.memory_space<hbm>>
    tpu.enqueue_indirect_dma source(%dma_start3A_88 : memref<10240x64xf32, #tpu.memory_space<hbm>>) target(%arg11 : memref<80x64xf32, #tpu.memory_space<vmem>>) offsets(%dma_start3A_85 : memref<80xi32, #tpu.memory_space<vmem>>) semaphore(%arg16 : memref<!tpu.dma_semaphore, #tpu.memory_space<semaphore_mem>>)
    %dma_wait3A_89 = arith.constant 2 : i32
    %dma_wait3A_90 = arith.constant 0 : i32
    %dma_wait3A_91 = tpu.memref_slice %arg8[%dma_wait3A_89, %dma_wait3A_90] : memref<125x80xi32, #tpu.memory_space<vmem>> -> memref<1x80xi32, #tpu.memory_space<vmem>>
    %dma_wait3A_92 = tpu.memref_squeeze %dma_wait3A_91 : memref<1x80xi32, #tpu.memory_space<vmem>> -> memref<80xi32, #tpu.memory_space<vmem>>
    %dma_wait3A_93 = arith.constant 0 : i32
    %dma_wait3A_94 = arith.constant 0 : i32
    %dma_wait3A_95 = tpu.memref_slice %arg2[%dma_wait3A_93, %dma_wait3A_94] : memref<10240x64xf32, #tpu.memory_space<hbm>> -> memref<10240x64xf32, #tpu.memory_space<hbm>>
    tpu.wait_indirect_dma semaphore(%arg17 : memref<!tpu.dma_semaphore, #tpu.memory_space<semaphore_mem>>) src(%dma_wait3A_95 : memref<10240x64xf32, #tpu.memory_space<hbm>>) dst(%arg12 : memref<80x64xf32, #tpu.memory_space<vmem>>)
    %dma_start3A_96 = arith.constant 2 : i32
    %dma_start3A_97 = arith.constant 0 : i32
    %dma_start3A_98 = tpu.memref_slice %arg9[%dma_start3A_96, %dma_start3A_97] : memref<125x80xi32, #tpu.memory_space<vmem>> -> memref<1x80xi32, #tpu.memory_space<vmem>>
    %dma_start3A_99 = tpu.memref_squeeze %dma_start3A_98 : memref<1x80xi32, #tpu.memory_space<vmem>> -> memref<80xi32, #tpu.memory_space<vmem>>
    %dma_start3A_100 = arith.constant 0 : i32
    %dma_start3A_101 = arith.constant 0 : i32
    %dma_start3A_102 = tpu.memref_slice %arg14[%dma_start3A_100, %dma_start3A_101] : memref<10240x64xf32, #tpu.memory_space<vmem_shared>> -> memref<10240x64xf32, #tpu.memory_space<vmem_shared>>
    tpu.enqueue_indirect_dma source(%arg12 : memref<80x64xf32, #tpu.memory_space<vmem>>) target(%dma_start3A_102 : memref<10240x64xf32, #tpu.memory_space<vmem_shared>>) offsets(%dma_start3A_99 : memref<80xi32, #tpu.memory_space<vmem>>) semaphore(%arg21 : memref<!tpu.dma_semaphore, #tpu.memory_space<semaphore_mem>>) {add = true}
    %dma_wait3A_103 = arith.constant 2 : i32
    %dma_wait3A_104 = arith.constant 0 : i32
    %dma_wait3A_105 = tpu.memref_slice %arg9[%dma_wait3A_103, %dma_wait3A_104] : memref<125x80xi32, #tpu.memory_space<vmem>> -> memref<1x80xi32, #tpu.memory_space<vmem>>
    %dma_wait3A_106 = tpu.memref_squeeze %dma_wait3A_105 : memref<1x80xi32, #tpu.memory_space<vmem>> -> memref<80xi32, #tpu.memory_space<vmem>>
    %dma_wait3A_107 = arith.constant 0 : i32
    %dma_wait3A_108 = arith.constant 0 : i32
    %dma_wait3A_109 = tpu.memref_slice %arg14[%dma_wait3A_107, %dma_wait3A_108] : memref<10240x64xf32, #tpu.memory_space<vmem_shared>> -> memref<10240x64xf32, #tpu.memory_space<vmem_shared>>
    tpu.wait_indirect_dma semaphore(%arg21 : memref<!tpu.dma_semaphore, #tpu.memory_space<semaphore_mem>>) src(%arg12 : memref<80x64xf32, #tpu.memory_space<vmem>>) dst(%dma_wait3A_109 : memref<10240x64xf32, #tpu.memory_space<vmem_shared>>)
    %dma_start3A_110 = arith.constant 6 : i32
    %dma_start3A_111 = arith.constant 0 : i32
    %dma_start3A_112 = tpu.memref_slice %arg8[%dma_start3A_110, %dma_start3A_111] : memref<125x80xi32, #tpu.memory_space<vmem>> -> memref<1x80xi32, #tpu.memory_space<vmem>>
    %dma_start3A_113 = tpu.memref_squeeze %dma_start3A_112 : memref<1x80xi32, #tpu.memory_space<vmem>> -> memref<80xi32, #tpu.memory_space<vmem>>
    %dma_start3A_114 = arith.constant 0 : i32
    %dma_start3A_115 = arith.constant 0 : i32
    %dma_start3A_116 = tpu.memref_slice %arg2[%dma_start3A_114, %dma_start3A_115] : memref<10240x64xf32, #tpu.memory_space<hbm>> -> memref<10240x64xf32, #tpu.memory_space<hbm>>
    tpu.enqueue_indirect_dma source(%dma_start3A_116 : memref<10240x64xf32, #tpu.memory_space<hbm>>) target(%arg12 : memref<80x64xf32, #tpu.memory_space<vmem>>) offsets(%dma_start3A_113 : memref<80xi32, #tpu.memory_space<vmem>>) semaphore(%arg17 : memref<!tpu.dma_semaphore, #tpu.memory_space<semaphore_mem>>)
    %dma_wait3A_117 = arith.constant 3 : i32
    %dma_wait3A_118 = arith.constant 0 : i32
    %dma_wait3A_119 = tpu.memref_slice %arg8[%dma_wait3A_117, %dma_wait3A_118] : memref<125x80xi32, #tpu.memory_space<vmem>> -> memref<1x80xi32, #tpu.memory_space<vmem>>
    %dma_wait3A_120 = tpu.memref_squeeze %dma_wait3A_119 : memref<1x80xi32, #tpu.memory_space<vmem>> -> memref<80xi32, #tpu.memory_space<vmem>>
    %dma_wait3A_121 = arith.constant 0 : i32
    %dma_wait3A_122 = arith.constant 0 : i32
    %dma_wait3A_123 = tpu.memref_slice %arg2[%dma_wait3A_121, %dma_wait3A_122] : memref<10240x64xf32, #tpu.memory_space<hbm>> -> memref<10240x64xf32, #tpu.memory_space<hbm>>
    tpu.wait_indirect_dma semaphore(%arg18 : memref<!tpu.dma_semaphore, #tpu.memory_space<semaphore_mem>>) src(%dma_wait3A_123 : memref<10240x64xf32, #tpu.memory_space<hbm>>) dst(%arg13 : memref<80x64xf32, #tpu.memory_space<vmem>>)
    %dma_start3A_124 = arith.constant 3 : i32
    %dma_start3A_125 = arith.constant 0 : i32
    %dma_start3A_126 = tpu.memref_slice %arg9[%dma_start3A_124, %dma_start3A_125] : memref<125x80xi32, #tpu.memory_space<vmem>> -> memref<1x80xi32, #tpu.memory_space<vmem>>
    %dma_start3A_127 = tpu.memref_squeeze %dma_start3A_126 : memref<1x80xi32, #tpu.memory_space<vmem>> -> memref<80xi32, #tpu.memory_space<vmem>>
    %dma_start3A_128 = arith.constant 0 : i32
    %dma_start3A_129 = arith.constant 0 : i32
    %dma_start3A_130 = tpu.memref_slice %arg14[%dma_start3A_128, %dma_start3A_129] : memref<10240x64xf32, #tpu.memory_space<vmem_shared>> -> memref<10240x64xf32, #tpu.memory_space<vmem_shared>>
    tpu.enqueue_indirect_dma source(%arg13 : memref<80x64xf32, #tpu.memory_space<vmem>>) target(%dma_start3A_130 : memref<10240x64xf32, #tpu.memory_space<vmem_shared>>) offsets(%dma_start3A_127 : memref<80xi32, #tpu.memory_space<vmem>>) semaphore(%arg22 : memref<!tpu.dma_semaphore, #tpu.memory_space<semaphore_mem>>) {add = true}
    %scan3A = arith.constant 0 : i32
    %scan3A_131 = arith.constant 1 : i32
    %scan3A_132 = arith.constant 29 : i32
    %scan3A_133 = arith.addi %scan3A_131, %scan3A_132 : i32
    %scan3A_134 = arith.constant 1 : i32
    scf.for %scan3A_549 = %scan3A_131 to %scan3A_133 step %scan3A_134  : i32 {
      %mul3A_550 = arith.constant 4 : i32
      %mul3A_551 = arith.muli %mul3A_550, %scan3A_549 : i32
      %add3A_552 = arith.constant 0 : i32
      %add3A_553 = arith.addi %mul3A_551, %add3A_552 : i32
      %sub3A = arith.constant 1 : i32
      %sub3A_554 = arith.subi %add3A_553, %sub3A : i32
      %dma_wait3A_555 = arith.constant 0 : i32
      %dma_wait3A_556 = tpu.memref_slice %arg9[%sub3A_554, %dma_wait3A_555] : memref<125x80xi32, #tpu.memory_space<vmem>> -> memref<1x80xi32, #tpu.memory_space<vmem>>
      %dma_wait3A_557 = tpu.memref_squeeze %dma_wait3A_556 : memref<1x80xi32, #tpu.memory_space<vmem>> -> memref<80xi32, #tpu.memory_space<vmem>>
      %dma_wait3A_558 = arith.constant 0 : i32
      %dma_wait3A_559 = arith.constant 0 : i32
      %dma_wait3A_560 = tpu.memref_slice %arg14[%dma_wait3A_558, %dma_wait3A_559] : memref<10240x64xf32, #tpu.memory_space<vmem_shared>> -> memref<10240x64xf32, #tpu.memory_space<vmem_shared>>
      tpu.wait_indirect_dma semaphore(%arg22 : memref<!tpu.dma_semaphore, #tpu.memory_space<semaphore_mem>>) src(%arg13 : memref<80x64xf32, #tpu.memory_space<vmem>>) dst(%dma_wait3A_560 : memref<10240x64xf32, #tpu.memory_space<vmem_shared>>)
      %add3A_561 = arith.constant 3 : i32
      %add3A_562 = arith.addi %add3A_553, %add3A_561 : i32
      %dma_start3A_563 = arith.constant 0 : i32
      %dma_start3A_564 = tpu.memref_slice %arg8[%add3A_562, %dma_start3A_563] : memref<125x80xi32, #tpu.memory_space<vmem>> -> memref<1x80xi32, #tpu.memory_space<vmem>>
      %dma_start3A_565 = tpu.memref_squeeze %dma_start3A_564 : memref<1x80xi32, #tpu.memory_space<vmem>> -> memref<80xi32, #tpu.memory_space<vmem>>
      %dma_start3A_566 = arith.constant 0 : i32
      %dma_start3A_567 = arith.constant 0 : i32
      %dma_start3A_568 = tpu.memref_slice %arg2[%dma_start3A_566, %dma_start3A_567] : memref<10240x64xf32, #tpu.memory_space<hbm>> -> memref<10240x64xf32, #tpu.memory_space<hbm>>
      tpu.enqueue_indirect_dma source(%dma_start3A_568 : memref<10240x64xf32, #tpu.memory_space<hbm>>) target(%arg13 : memref<80x64xf32, #tpu.memory_space<vmem>>) offsets(%dma_start3A_565 : memref<80xi32, #tpu.memory_space<vmem>>) semaphore(%arg18 : memref<!tpu.dma_semaphore, #tpu.memory_space<semaphore_mem>>)
      %dma_wait3A_569 = arith.constant 0 : i32
      %dma_wait3A_570 = tpu.memref_slice %arg8[%add3A_553, %dma_wait3A_569] : memref<125x80xi32, #tpu.memory_space<vmem>> -> memref<1x80xi32, #tpu.memory_space<vmem>>
      %dma_wait3A_571 = tpu.memref_squeeze %dma_wait3A_570 : memref<1x80xi32, #tpu.memory_space<vmem>> -> memref<80xi32, #tpu.memory_space<vmem>>
      %dma_wait3A_572 = arith.constant 0 : i32
      %dma_wait3A_573 = arith.constant 0 : i32
      %dma_wait3A_574 = tpu.memref_slice %arg2[%dma_wait3A_572, %dma_wait3A_573] : memref<10240x64xf32, #tpu.memory_space<hbm>> -> memref<10240x64xf32, #tpu.memory_space<hbm>>
      tpu.wait_indirect_dma semaphore(%arg15 : memref<!tpu.dma_semaphore, #tpu.memory_space<semaphore_mem>>) src(%dma_wait3A_574 : memref<10240x64xf32, #tpu.memory_space<hbm>>) dst(%arg10 : memref<80x64xf32, #tpu.memory_space<vmem>>)
      %dma_start3A_575 = arith.constant 0 : i32
      %dma_start3A_576 = tpu.memref_slice %arg9[%add3A_553, %dma_start3A_575] : memref<125x80xi32, #tpu.memory_space<vmem>> -> memref<1x80xi32, #tpu.memory_space<vmem>>
      %dma_start3A_577 = tpu.memref_squeeze %dma_start3A_576 : memref<1x80xi32, #tpu.memory_space<vmem>> -> memref<80xi32, #tpu.memory_space<vmem>>
      %dma_start3A_578 = arith.constant 0 : i32
      %dma_start3A_579 = arith.constant 0 : i32
      %dma_start3A_580 = tpu.memref_slice %arg14[%dma_start3A_578, %dma_start3A_579] : memref<10240x64xf32, #tpu.memory_space<vmem_shared>> -> memref<10240x64xf32, #tpu.memory_space<vmem_shared>>
      tpu.enqueue_indirect_dma source(%arg10 : memref<80x64xf32, #tpu.memory_space<vmem>>) target(%dma_start3A_580 : memref<10240x64xf32, #tpu.memory_space<vmem_shared>>) offsets(%dma_start3A_577 : memref<80xi32, #tpu.memory_space<vmem>>) semaphore(%arg19 : memref<!tpu.dma_semaphore, #tpu.memory_space<semaphore_mem>>) {add = true}
      %mul3A_581 = arith.constant 4 : i32
      %mul3A_582 = arith.muli %mul3A_581, %scan3A_549 : i32
      %add3A_583 = arith.constant 1 : i32
      %add3A_584 = arith.addi %mul3A_582, %add3A_583 : i32
      %sub3A_585 = arith.constant 1 : i32
      %sub3A_586 = arith.subi %add3A_584, %sub3A_585 : i32
      %dma_wait3A_587 = arith.constant 0 : i32
      %dma_wait3A_588 = tpu.memref_slice %arg9[%sub3A_586, %dma_wait3A_587] : memref<125x80xi32, #tpu.memory_space<vmem>> -> memref<1x80xi32, #tpu.memory_space<vmem>>
      %dma_wait3A_589 = tpu.memref_squeeze %dma_wait3A_588 : memref<1x80xi32, #tpu.memory_space<vmem>> -> memref<80xi32, #tpu.memory_space<vmem>>
      %dma_wait3A_590 = arith.constant 0 : i32
      %dma_wait3A_591 = arith.constant 0 : i32
      %dma_wait3A_592 = tpu.memref_slice %arg14[%dma_wait3A_590, %dma_wait3A_591] : memref<10240x64xf32, #tpu.memory_space<vmem_shared>> -> memref<10240x64xf32, #tpu.memory_space<vmem_shared>>
      tpu.wait_indirect_dma semaphore(%arg19 : memref<!tpu.dma_semaphore, #tpu.memory_space<semaphore_mem>>) src(%arg10 : memref<80x64xf32, #tpu.memory_space<vmem>>) dst(%dma_wait3A_592 : memref<10240x64xf32, #tpu.memory_space<vmem_shared>>)
      %add3A_593 = arith.constant 3 : i32
      %add3A_594 = arith.addi %add3A_584, %add3A_593 : i32
      %dma_start3A_595 = arith.constant 0 : i32
      %dma_start3A_596 = tpu.memref_slice %arg8[%add3A_594, %dma_start3A_595] : memref<125x80xi32, #tpu.memory_space<vmem>> -> memref<1x80xi32, #tpu.memory_space<vmem>>
      %dma_start3A_597 = tpu.memref_squeeze %dma_start3A_596 : memref<1x80xi32, #tpu.memory_space<vmem>> -> memref<80xi32, #tpu.memory_space<vmem>>
      %dma_start3A_598 = arith.constant 0 : i32
      %dma_start3A_599 = arith.constant 0 : i32
      %dma_start3A_600 = tpu.memref_slice %arg2[%dma_start3A_598, %dma_start3A_599] : memref<10240x64xf32, #tpu.memory_space<hbm>> -> memref<10240x64xf32, #tpu.memory_space<hbm>>
      tpu.enqueue_indirect_dma source(%dma_start3A_600 : memref<10240x64xf32, #tpu.memory_space<hbm>>) target(%arg10 : memref<80x64xf32, #tpu.memory_space<vmem>>) offsets(%dma_start3A_597 : memref<80xi32, #tpu.memory_space<vmem>>) semaphore(%arg15 : memref<!tpu.dma_semaphore, #tpu.memory_space<semaphore_mem>>)
      %dma_wait3A_601 = arith.constant 0 : i32
      %dma_wait3A_602 = tpu.memref_slice %arg8[%add3A_584, %dma_wait3A_601] : memref<125x80xi32, #tpu.memory_space<vmem>> -> memref<1x80xi32, #tpu.memory_space<vmem>>
      %dma_wait3A_603 = tpu.memref_squeeze %dma_wait3A_602 : memref<1x80xi32, #tpu.memory_space<vmem>> -> memref<80xi32, #tpu.memory_space<vmem>>
      %dma_wait3A_604 = arith.constant 0 : i32
      %dma_wait3A_605 = arith.constant 0 : i32
      %dma_wait3A_606 = tpu.memref_slice %arg2[%dma_wait3A_604, %dma_wait3A_605] : memref<10240x64xf32, #tpu.memory_space<hbm>> -> memref<10240x64xf32, #tpu.memory_space<hbm>>
      tpu.wait_indirect_dma semaphore(%arg16 : memref<!tpu.dma_semaphore, #tpu.memory_space<semaphore_mem>>) src(%dma_wait3A_606 : memref<10240x64xf32, #tpu.memory_space<hbm>>) dst(%arg11 : memref<80x64xf32, #tpu.memory_space<vmem>>)
      %dma_start3A_607 = arith.constant 0 : i32
      %dma_start3A_608 = tpu.memref_slice %arg9[%add3A_584, %dma_start3A_607] : memref<125x80xi32, #tpu.memory_space<vmem>> -> memref<1x80xi32, #tpu.memory_space<vmem>>
      %dma_start3A_609 = tpu.memref_squeeze %dma_start3A_608 : memref<1x80xi32, #tpu.memory_space<vmem>> -> memref<80xi32, #tpu.memory_space<vmem>>
      %dma_start3A_610 = arith.constant 0 : i32
      %dma_start3A_611 = arith.constant 0 : i32
      %dma_start3A_612 = tpu.memref_slice %arg14[%dma_start3A_610, %dma_start3A_611] : memref<10240x64xf32, #tpu.memory_space<vmem_shared>> -> memref<10240x64xf32, #tpu.memory_space<vmem_shared>>
      tpu.enqueue_indirect_dma source(%arg11 : memref<80x64xf32, #tpu.memory_space<vmem>>) target(%dma_start3A_612 : memref<10240x64xf32, #tpu.memory_space<vmem_shared>>) offsets(%dma_start3A_609 : memref<80xi32, #tpu.memory_space<vmem>>) semaphore(%arg20 : memref<!tpu.dma_semaphore, #tpu.memory_space<semaphore_mem>>) {add = true}
      %mul3A_613 = arith.constant 4 : i32
      %mul3A_614 = arith.muli %mul3A_613, %scan3A_549 : i32
      %add3A_615 = arith.constant 2 : i32
      %add3A_616 = arith.addi %mul3A_614, %add3A_615 : i32
      %sub3A_617 = arith.constant 1 : i32
      %sub3A_618 = arith.subi %add3A_616, %sub3A_617 : i32
      %dma_wait3A_619 = arith.constant 0 : i32
      %dma_wait3A_620 = tpu.memref_slice %arg9[%sub3A_618, %dma_wait3A_619] : memref<125x80xi32, #tpu.memory_space<vmem>> -> memref<1x80xi32, #tpu.memory_space<vmem>>
      %dma_wait3A_621 = tpu.memref_squeeze %dma_wait3A_620 : memref<1x80xi32, #tpu.memory_space<vmem>> -> memref<80xi32, #tpu.memory_space<vmem>>
      %dma_wait3A_622 = arith.constant 0 : i32
      %dma_wait3A_623 = arith.constant 0 : i32
      %dma_wait3A_624 = tpu.memref_slice %arg14[%dma_wait3A_622, %dma_wait3A_623] : memref<10240x64xf32, #tpu.memory_space<vmem_shared>> -> memref<10240x64xf32, #tpu.memory_space<vmem_shared>>
      tpu.wait_indirect_dma semaphore(%arg20 : memref<!tpu.dma_semaphore, #tpu.memory_space<semaphore_mem>>) src(%arg11 : memref<80x64xf32, #tpu.memory_space<vmem>>) dst(%dma_wait3A_624 : memref<10240x64xf32, #tpu.memory_space<vmem_shared>>)
      %add3A_625 = arith.constant 3 : i32
      %add3A_626 = arith.addi %add3A_616, %add3A_625 : i32
      %dma_start3A_627 = arith.constant 0 : i32
      %dma_start3A_628 = tpu.memref_slice %arg8[%add3A_626, %dma_start3A_627] : memref<125x80xi32, #tpu.memory_space<vmem>> -> memref<1x80xi32, #tpu.memory_space<vmem>>
      %dma_start3A_629 = tpu.memref_squeeze %dma_start3A_628 : memref<1x80xi32, #tpu.memory_space<vmem>> -> memref<80xi32, #tpu.memory_space<vmem>>
      %dma_start3A_630 = arith.constant 0 : i32
      %dma_start3A_631 = arith.constant 0 : i32
      %dma_start3A_632 = tpu.memref_slice %arg2[%dma_start3A_630, %dma_start3A_631] : memref<10240x64xf32, #tpu.memory_space<hbm>> -> memref<10240x64xf32, #tpu.memory_space<hbm>>
      tpu.enqueue_indirect_dma source(%dma_start3A_632 : memref<10240x64xf32, #tpu.memory_space<hbm>>) target(%arg11 : memref<80x64xf32, #tpu.memory_space<vmem>>) offsets(%dma_start3A_629 : memref<80xi32, #tpu.memory_space<vmem>>) semaphore(%arg16 : memref<!tpu.dma_semaphore, #tpu.memory_space<semaphore_mem>>)
      %dma_wait3A_633 = arith.constant 0 : i32
      %dma_wait3A_634 = tpu.memref_slice %arg8[%add3A_616, %dma_wait3A_633] : memref<125x80xi32, #tpu.memory_space<vmem>> -> memref<1x80xi32, #tpu.memory_space<vmem>>
      %dma_wait3A_635 = tpu.memref_squeeze %dma_wait3A_634 : memref<1x80xi32, #tpu.memory_space<vmem>> -> memref<80xi32, #tpu.memory_space<vmem>>
      %dma_wait3A_636 = arith.constant 0 : i32
      %dma_wait3A_637 = arith.constant 0 : i32
      %dma_wait3A_638 = tpu.memref_slice %arg2[%dma_wait3A_636, %dma_wait3A_637] : memref<10240x64xf32, #tpu.memory_space<hbm>> -> memref<10240x64xf32, #tpu.memory_space<hbm>>
      tpu.wait_indirect_dma semaphore(%arg17 : memref<!tpu.dma_semaphore, #tpu.memory_space<semaphore_mem>>) src(%dma_wait3A_638 : memref<10240x64xf32, #tpu.memory_space<hbm>>) dst(%arg12 : memref<80x64xf32, #tpu.memory_space<vmem>>)
      %dma_start3A_639 = arith.constant 0 : i32
      %dma_start3A_640 = tpu.memref_slice %arg9[%add3A_616, %dma_start3A_639] : memref<125x80xi32, #tpu.memory_space<vmem>> -> memref<1x80xi32, #tpu.memory_space<vmem>>
      %dma_start3A_641 = tpu.memref_squeeze %dma_start3A_640 : memref<1x80xi32, #tpu.memory_space<vmem>> -> memref<80xi32, #tpu.memory_space<vmem>>
      %dma_start3A_642 = arith.constant 0 : i32
      %dma_start3A_643 = arith.constant 0 : i32
      %dma_start3A_644 = tpu.memref_slice %arg14[%dma_start3A_642, %dma_start3A_643] : memref<10240x64xf32, #tpu.memory_space<vmem_shared>> -> memref<10240x64xf32, #tpu.memory_space<vmem_shared>>
      tpu.enqueue_indirect_dma source(%arg12 : memref<80x64xf32, #tpu.memory_space<vmem>>) target(%dma_start3A_644 : memref<10240x64xf32, #tpu.memory_space<vmem_shared>>) offsets(%dma_start3A_641 : memref<80xi32, #tpu.memory_space<vmem>>) semaphore(%arg21 : memref<!tpu.dma_semaphore, #tpu.memory_space<semaphore_mem>>) {add = true}
      %mul3A_645 = arith.constant 4 : i32
      %mul3A_646 = arith.muli %mul3A_645, %scan3A_549 : i32
      %add3A_647 = arith.constant 3 : i32
      %add3A_648 = arith.addi %mul3A_646, %add3A_647 : i32
      %sub3A_649 = arith.constant 1 : i32
      %sub3A_650 = arith.subi %add3A_648, %sub3A_649 : i32
      %dma_wait3A_651 = arith.constant 0 : i32
      %dma_wait3A_652 = tpu.memref_slice %arg9[%sub3A_650, %dma_wait3A_651] : memref<125x80xi32, #tpu.memory_space<vmem>> -> memref<1x80xi32, #tpu.memory_space<vmem>>
      %dma_wait3A_653 = tpu.memref_squeeze %dma_wait3A_652 : memref<1x80xi32, #tpu.memory_space<vmem>> -> memref<80xi32, #tpu.memory_space<vmem>>
      %dma_wait3A_654 = arith.constant 0 : i32
      %dma_wait3A_655 = arith.constant 0 : i32
      %dma_wait3A_656 = tpu.memref_slice %arg14[%dma_wait3A_654, %dma_wait3A_655] : memref<10240x64xf32, #tpu.memory_space<vmem_shared>> -> memref<10240x64xf32, #tpu.memory_space<vmem_shared>>
      tpu.wait_indirect_dma semaphore(%arg21 : memref<!tpu.dma_semaphore, #tpu.memory_space<semaphore_mem>>) src(%arg12 : memref<80x64xf32, #tpu.memory_space<vmem>>) dst(%dma_wait3A_656 : memref<10240x64xf32, #tpu.memory_space<vmem_shared>>)
      %add3A_657 = arith.constant 3 : i32
      %add3A_658 = arith.addi %add3A_648, %add3A_657 : i32
      %dma_start3A_659 = arith.constant 0 : i32
      %dma_start3A_660 = tpu.memref_slice %arg8[%add3A_658, %dma_start3A_659] : memref<125x80xi32, #tpu.memory_space<vmem>> -> memref<1x80xi32, #tpu.memory_space<vmem>>
      %dma_start3A_661 = tpu.memref_squeeze %dma_start3A_660 : memref<1x80xi32, #tpu.memory_space<vmem>> -> memref<80xi32, #tpu.memory_space<vmem>>
      %dma_start3A_662 = arith.constant 0 : i32
      %dma_start3A_663 = arith.constant 0 : i32
      %dma_start3A_664 = tpu.memref_slice %arg2[%dma_start3A_662, %dma_start3A_663] : memref<10240x64xf32, #tpu.memory_space<hbm>> -> memref<10240x64xf32, #tpu.memory_space<hbm>>
      tpu.enqueue_indirect_dma source(%dma_start3A_664 : memref<10240x64xf32, #tpu.memory_space<hbm>>) target(%arg12 : memref<80x64xf32, #tpu.memory_space<vmem>>) offsets(%dma_start3A_661 : memref<80xi32, #tpu.memory_space<vmem>>) semaphore(%arg17 : memref<!tpu.dma_semaphore, #tpu.memory_space<semaphore_mem>>)
      %dma_wait3A_665 = arith.constant 0 : i32
      %dma_wait3A_666 = tpu.memref_slice %arg8[%add3A_648, %dma_wait3A_665] : memref<125x80xi32, #tpu.memory_space<vmem>> -> memref<1x80xi32, #tpu.memory_space<vmem>>
      %dma_wait3A_667 = tpu.memref_squeeze %dma_wait3A_666 : memref<1x80xi32, #tpu.memory_space<vmem>> -> memref<80xi32, #tpu.memory_space<vmem>>
      %dma_wait3A_668 = arith.constant 0 : i32
      %dma_wait3A_669 = arith.constant 0 : i32
      %dma_wait3A_670 = tpu.memref_slice %arg2[%dma_wait3A_668, %dma_wait3A_669] : memref<10240x64xf32, #tpu.memory_space<hbm>> -> memref<10240x64xf32, #tpu.memory_space<hbm>>
      tpu.wait_indirect_dma semaphore(%arg18 : memref<!tpu.dma_semaphore, #tpu.memory_space<semaphore_mem>>) src(%dma_wait3A_670 : memref<10240x64xf32, #tpu.memory_space<hbm>>) dst(%arg13 : memref<80x64xf32, #tpu.memory_space<vmem>>)
      %dma_start3A_671 = arith.constant 0 : i32
      %dma_start3A_672 = tpu.memref_slice %arg9[%add3A_648, %dma_start3A_671] : memref<125x80xi32, #tpu.memory_space<vmem>> -> memref<1x80xi32, #tpu.memory_space<vmem>>
      %dma_start3A_673 = tpu.memref_squeeze %dma_start3A_672 : memref<1x80xi32, #tpu.memory_space<vmem>> -> memref<80xi32, #tpu.memory_space<vmem>>
      %dma_start3A_674 = arith.constant 0 : i32
      %dma_start3A_675 = arith.constant 0 : i32
      %dma_start3A_676 = tpu.memref_slice %arg14[%dma_start3A_674, %dma_start3A_675] : memref<10240x64xf32, #tpu.memory_space<vmem_shared>> -> memref<10240x64xf32, #tpu.memory_space<vmem_shared>>
      tpu.enqueue_indirect_dma source(%arg13 : memref<80x64xf32, #tpu.memory_space<vmem>>) target(%dma_start3A_676 : memref<10240x64xf32, #tpu.memory_space<vmem_shared>>) offsets(%dma_start3A_673 : memref<80xi32, #tpu.memory_space<vmem>>) semaphore(%arg22 : memref<!tpu.dma_semaphore, #tpu.memory_space<semaphore_mem>>) {add = true}
    }
    %scan3A_135 = arith.constant 29 : i32
    %dma_wait3A_136 = arith.constant 119 : i32
    %dma_wait3A_137 = arith.constant 0 : i32
    %dma_wait3A_138 = tpu.memref_slice %arg9[%dma_wait3A_136, %dma_wait3A_137] : memref<125x80xi32, #tpu.memory_space<vmem>> -> memref<1x80xi32, #tpu.memory_space<vmem>>
    %dma_wait3A_139 = tpu.memref_squeeze %dma_wait3A_138 : memref<1x80xi32, #tpu.memory_space<vmem>> -> memref<80xi32, #tpu.memory_space<vmem>>
    %dma_wait3A_140 = arith.constant 0 : i32
    %dma_wait3A_141 = arith.constant 0 : i32
    %dma_wait3A_142 = tpu.memref_slice %arg14[%dma_wait3A_140, %dma_wait3A_141] : memref<10240x64xf32, #tpu.memory_space<vmem_shared>> -> memref<10240x64xf32, #tpu.memory_space<vmem_shared>>
    tpu.wait_indirect_dma semaphore(%arg22 : memref<!tpu.dma_semaphore, #tpu.memory_space<semaphore_mem>>) src(%arg13 : memref<80x64xf32, #tpu.memory_space<vmem>>) dst(%dma_wait3A_142 : memref<10240x64xf32, #tpu.memory_space<vmem_shared>>)
    %dma_start3A_143 = arith.constant 123 : i32
    %dma_start3A_144 = arith.constant 0 : i32
    %dma_start3A_145 = tpu.memref_slice %arg8[%dma_start3A_143, %dma_start3A_144] : memref<125x80xi32, #tpu.memory_space<vmem>> -> memref<1x80xi32, #tpu.memory_space<vmem>>
    %dma_start3A_146 = tpu.memref_squeeze %dma_start3A_145 : memref<1x80xi32, #tpu.memory_space<vmem>> -> memref<80xi32, #tpu.memory_space<vmem>>
    %dma_start3A_147 = arith.constant 0 : i32
    %dma_start3A_148 = arith.constant 0 : i32
    %dma_start3A_149 = tpu.memref_slice %arg2[%dma_start3A_147, %dma_start3A_148] : memref<10240x64xf32, #tpu.memory_space<hbm>> -> memref<10240x64xf32, #tpu.memory_space<hbm>>
    tpu.enqueue_indirect_dma source(%dma_start3A_149 : memref<10240x64xf32, #tpu.memory_space<hbm>>) target(%arg13 : memref<80x64xf32, #tpu.memory_space<vmem>>) offsets(%dma_start3A_146 : memref<80xi32, #tpu.memory_space<vmem>>) semaphore(%arg18 : memref<!tpu.dma_semaphore, #tpu.memory_space<semaphore_mem>>)
    %dma_wait3A_150 = arith.constant 120 : i32
    %dma_wait3A_151 = arith.constant 0 : i32
    %dma_wait3A_152 = tpu.memref_slice %arg8[%dma_wait3A_150, %dma_wait3A_151] : memref<125x80xi32, #tpu.memory_space<vmem>> -> memref<1x80xi32, #tpu.memory_space<vmem>>
    %dma_wait3A_153 = tpu.memref_squeeze %dma_wait3A_152 : memref<1x80xi32, #tpu.memory_space<vmem>> -> memref<80xi32, #tpu.memory_space<vmem>>
    %dma_wait3A_154 = arith.constant 0 : i32
    %dma_wait3A_155 = arith.constant 0 : i32
    %dma_wait3A_156 = tpu.memref_slice %arg2[%dma_wait3A_154, %dma_wait3A_155] : memref<10240x64xf32, #tpu.memory_space<hbm>> -> memref<10240x64xf32, #tpu.memory_space<hbm>>
    tpu.wait_indirect_dma semaphore(%arg15 : memref<!tpu.dma_semaphore, #tpu.memory_space<semaphore_mem>>) src(%dma_wait3A_156 : memref<10240x64xf32, #tpu.memory_space<hbm>>) dst(%arg10 : memref<80x64xf32, #tpu.memory_space<vmem>>)
    %dma_start3A_157 = arith.constant 120 : i32
    %dma_start3A_158 = arith.constant 0 : i32
    %dma_start3A_159 = tpu.memref_slice %arg9[%dma_start3A_157, %dma_start3A_158] : memref<125x80xi32, #tpu.memory_space<vmem>> -> memref<1x80xi32, #tpu.memory_space<vmem>>
    %dma_start3A_160 = tpu.memref_squeeze %dma_start3A_159 : memref<1x80xi32, #tpu.memory_space<vmem>> -> memref<80xi32, #tpu.memory_space<vmem>>
    %dma_start3A_161 = arith.constant 0 : i32
    %dma_start3A_162 = arith.constant 0 : i32
    %dma_start3A_163 = tpu.memref_slice %arg14[%dma_start3A_161, %dma_start3A_162] : memref<10240x64xf32, #tpu.memory_space<vmem_shared>> -> memref<10240x64xf32, #tpu.memory_space<vmem_shared>>
    tpu.enqueue_indirect_dma source(%arg10 : memref<80x64xf32, #tpu.memory_space<vmem>>) target(%dma_start3A_163 : memref<10240x64xf32, #tpu.memory_space<vmem_shared>>) offsets(%dma_start3A_160 : memref<80xi32, #tpu.memory_space<vmem>>) semaphore(%arg19 : memref<!tpu.dma_semaphore, #tpu.memory_space<semaphore_mem>>) {add = true}
    %dma_wait3A_164 = arith.constant 120 : i32
    %dma_wait3A_165 = arith.constant 0 : i32
    %dma_wait3A_166 = tpu.memref_slice %arg9[%dma_wait3A_164, %dma_wait3A_165] : memref<125x80xi32, #tpu.memory_space<vmem>> -> memref<1x80xi32, #tpu.memory_space<vmem>>
    %dma_wait3A_167 = tpu.memref_squeeze %dma_wait3A_166 : memref<1x80xi32, #tpu.memory_space<vmem>> -> memref<80xi32, #tpu.memory_space<vmem>>
    %dma_wait3A_168 = arith.constant 0 : i32
    %dma_wait3A_169 = arith.constant 0 : i32
    %dma_wait3A_170 = tpu.memref_slice %arg14[%dma_wait3A_168, %dma_wait3A_169] : memref<10240x64xf32, #tpu.memory_space<vmem_shared>> -> memref<10240x64xf32, #tpu.memory_space<vmem_shared>>
    tpu.wait_indirect_dma semaphore(%arg19 : memref<!tpu.dma_semaphore, #tpu.memory_space<semaphore_mem>>) src(%arg10 : memref<80x64xf32, #tpu.memory_space<vmem>>) dst(%dma_wait3A_170 : memref<10240x64xf32, #tpu.memory_space<vmem_shared>>)
    %dma_start3A_171 = arith.constant 124 : i32
    %dma_start3A_172 = arith.constant 0 : i32
    %dma_start3A_173 = tpu.memref_slice %arg8[%dma_start3A_171, %dma_start3A_172] : memref<125x80xi32, #tpu.memory_space<vmem>> -> memref<1x80xi32, #tpu.memory_space<vmem>>
    %dma_start3A_174 = tpu.memref_squeeze %dma_start3A_173 : memref<1x80xi32, #tpu.memory_space<vmem>> -> memref<80xi32, #tpu.memory_space<vmem>>
    %dma_start3A_175 = arith.constant 0 : i32
    %dma_start3A_176 = arith.constant 0 : i32
    %dma_start3A_177 = tpu.memref_slice %arg2[%dma_start3A_175, %dma_start3A_176] : memref<10240x64xf32, #tpu.memory_space<hbm>> -> memref<10240x64xf32, #tpu.memory_space<hbm>>
    tpu.enqueue_indirect_dma source(%dma_start3A_177 : memref<10240x64xf32, #tpu.memory_space<hbm>>) target(%arg10 : memref<80x64xf32, #tpu.memory_space<vmem>>) offsets(%dma_start3A_174 : memref<80xi32, #tpu.memory_space<vmem>>) semaphore(%arg15 : memref<!tpu.dma_semaphore, #tpu.memory_space<semaphore_mem>>)
    %dma_wait3A_178 = arith.constant 121 : i32
    %dma_wait3A_179 = arith.constant 0 : i32
    %dma_wait3A_180 = tpu.memref_slice %arg8[%dma_wait3A_178, %dma_wait3A_179] : memref<125x80xi32, #tpu.memory_space<vmem>> -> memref<1x80xi32, #tpu.memory_space<vmem>>
    %dma_wait3A_181 = tpu.memref_squeeze %dma_wait3A_180 : memref<1x80xi32, #tpu.memory_space<vmem>> -> memref<80xi32, #tpu.memory_space<vmem>>
    %dma_wait3A_182 = arith.constant 0 : i32
    %dma_wait3A_183 = arith.constant 0 : i32
    %dma_wait3A_184 = tpu.memref_slice %arg2[%dma_wait3A_182, %dma_wait3A_183] : memref<10240x64xf32, #tpu.memory_space<hbm>> -> memref<10240x64xf32, #tpu.memory_space<hbm>>
    tpu.wait_indirect_dma semaphore(%arg16 : memref<!tpu.dma_semaphore, #tpu.memory_space<semaphore_mem>>) src(%dma_wait3A_184 : memref<10240x64xf32, #tpu.memory_space<hbm>>) dst(%arg11 : memref<80x64xf32, #tpu.memory_space<vmem>>)
    %dma_start3A_185 = arith.constant 121 : i32
    %dma_start3A_186 = arith.constant 0 : i32
    %dma_start3A_187 = tpu.memref_slice %arg9[%dma_start3A_185, %dma_start3A_186] : memref<125x80xi32, #tpu.memory_space<vmem>> -> memref<1x80xi32, #tpu.memory_space<vmem>>
    %dma_start3A_188 = tpu.memref_squeeze %dma_start3A_187 : memref<1x80xi32, #tpu.memory_space<vmem>> -> memref<80xi32, #tpu.memory_space<vmem>>
    %dma_start3A_189 = arith.constant 0 : i32
    %dma_start3A_190 = arith.constant 0 : i32
    %dma_start3A_191 = tpu.memref_slice %arg14[%dma_start3A_189, %dma_start3A_190] : memref<10240x64xf32, #tpu.memory_space<vmem_shared>> -> memref<10240x64xf32, #tpu.memory_space<vmem_shared>>
    tpu.enqueue_indirect_dma source(%arg11 : memref<80x64xf32, #tpu.memory_space<vmem>>) target(%dma_start3A_191 : memref<10240x64xf32, #tpu.memory_space<vmem_shared>>) offsets(%dma_start3A_188 : memref<80xi32, #tpu.memory_space<vmem>>) semaphore(%arg20 : memref<!tpu.dma_semaphore, #tpu.memory_space<semaphore_mem>>) {add = true}
    %dma_wait3A_192 = arith.constant 121 : i32
    %dma_wait3A_193 = arith.constant 0 : i32
    %dma_wait3A_194 = tpu.memref_slice %arg9[%dma_wait3A_192, %dma_wait3A_193] : memref<125x80xi32, #tpu.memory_space<vmem>> -> memref<1x80xi32, #tpu.memory_space<vmem>>
    %dma_wait3A_195 = tpu.memref_squeeze %dma_wait3A_194 : memref<1x80xi32, #tpu.memory_space<vmem>> -> memref<80xi32, #tpu.memory_space<vmem>>
    %dma_wait3A_196 = arith.constant 0 : i32
    %dma_wait3A_197 = arith.constant 0 : i32
    %dma_wait3A_198 = tpu.memref_slice %arg14[%dma_wait3A_196, %dma_wait3A_197] : memref<10240x64xf32, #tpu.memory_space<vmem_shared>> -> memref<10240x64xf32, #tpu.memory_space<vmem_shared>>
    tpu.wait_indirect_dma semaphore(%arg20 : memref<!tpu.dma_semaphore, #tpu.memory_space<semaphore_mem>>) src(%arg11 : memref<80x64xf32, #tpu.memory_space<vmem>>) dst(%dma_wait3A_198 : memref<10240x64xf32, #tpu.memory_space<vmem_shared>>)
    %dma_wait3A_199 = arith.constant 122 : i32
    %dma_wait3A_200 = arith.constant 0 : i32
    %dma_wait3A_201 = tpu.memref_slice %arg8[%dma_wait3A_199, %dma_wait3A_200] : memref<125x80xi32, #tpu.memory_space<vmem>> -> memref<1x80xi32, #tpu.memory_space<vmem>>
    %dma_wait3A_202 = tpu.memref_squeeze %dma_wait3A_201 : memref<1x80xi32, #tpu.memory_space<vmem>> -> memref<80xi32, #tpu.memory_space<vmem>>
    %dma_wait3A_203 = arith.constant 0 : i32
    %dma_wait3A_204 = arith.constant 0 : i32
    %dma_wait3A_205 = tpu.memref_slice %arg2[%dma_wait3A_203, %dma_wait3A_204] : memref<10240x64xf32, #tpu.memory_space<hbm>> -> memref<10240x64xf32, #tpu.memory_space<hbm>>
    tpu.wait_indirect_dma semaphore(%arg17 : memref<!tpu.dma_semaphore, #tpu.memory_space<semaphore_mem>>) src(%dma_wait3A_205 : memref<10240x64xf32, #tpu.memory_space<hbm>>) dst(%arg12 : memref<80x64xf32, #tpu.memory_space<vmem>>)
    %dma_start3A_206 = arith.constant 122 : i32
    %dma_start3A_207 = arith.constant 0 : i32
    %dma_start3A_208 = tpu.memref_slice %arg9[%dma_start3A_206, %dma_start3A_207] : memref<125x80xi32, #tpu.memory_space<vmem>> -> memref<1x80xi32, #tpu.memory_space<vmem>>
    %dma_start3A_209 = tpu.memref_squeeze %dma_start3A_208 : memref<1x80xi32, #tpu.memory_space<vmem>> -> memref<80xi32, #tpu.memory_space<vmem>>
    %dma_start3A_210 = arith.constant 0 : i32
    %dma_start3A_211 = arith.constant 0 : i32
    %dma_start3A_212 = tpu.memref_slice %arg14[%dma_start3A_210, %dma_start3A_211] : memref<10240x64xf32, #tpu.memory_space<vmem_shared>> -> memref<10240x64xf32, #tpu.memory_space<vmem_shared>>
    tpu.enqueue_indirect_dma source(%arg12 : memref<80x64xf32, #tpu.memory_space<vmem>>) target(%dma_start3A_212 : memref<10240x64xf32, #tpu.memory_space<vmem_shared>>) offsets(%dma_start3A_209 : memref<80xi32, #tpu.memory_space<vmem>>) semaphore(%arg21 : memref<!tpu.dma_semaphore, #tpu.memory_space<semaphore_mem>>) {add = true}
    %dma_wait3A_213 = arith.constant 122 : i32
    %dma_wait3A_214 = arith.constant 0 : i32
    %dma_wait3A_215 = tpu.memref_slice %arg9[%dma_wait3A_213, %dma_wait3A_214] : memref<125x80xi32, #tpu.memory_space<vmem>> -> memref<1x80xi32, #tpu.memory_space<vmem>>
    %dma_wait3A_216 = tpu.memref_squeeze %dma_wait3A_215 : memref<1x80xi32, #tpu.memory_space<vmem>> -> memref<80xi32, #tpu.memory_space<vmem>>
    %dma_wait3A_217 = arith.constant 0 : i32
    %dma_wait3A_218 = arith.constant 0 : i32
    %dma_wait3A_219 = tpu.memref_slice %arg14[%dma_wait3A_217, %dma_wait3A_218] : memref<10240x64xf32, #tpu.memory_space<vmem_shared>> -> memref<10240x64xf32, #tpu.memory_space<vmem_shared>>
    tpu.wait_indirect_dma semaphore(%arg21 : memref<!tpu.dma_semaphore, #tpu.memory_space<semaphore_mem>>) src(%arg12 : memref<80x64xf32, #tpu.memory_space<vmem>>) dst(%dma_wait3A_219 : memref<10240x64xf32, #tpu.memory_space<vmem_shared>>)
    %dma_wait3A_220 = arith.constant 123 : i32
    %dma_wait3A_221 = arith.constant 0 : i32
    %dma_wait3A_222 = tpu.memref_slice %arg8[%dma_wait3A_220, %dma_wait3A_221] : memref<125x80xi32, #tpu.memory_space<vmem>> -> memref<1x80xi32, #tpu.memory_space<vmem>>
    %dma_wait3A_223 = tpu.memref_squeeze %dma_wait3A_222 : memref<1x80xi32, #tpu.memory_space<vmem>> -> memref<80xi32, #tpu.memory_space<vmem>>
    %dma_wait3A_224 = arith.constant 0 : i32
    %dma_wait3A_225 = arith.constant 0 : i32
    %dma_wait3A_226 = tpu.memref_slice %arg2[%dma_wait3A_224, %dma_wait3A_225] : memref<10240x64xf32, #tpu.memory_space<hbm>> -> memref<10240x64xf32, #tpu.memory_space<hbm>>
    tpu.wait_indirect_dma semaphore(%arg18 : memref<!tpu.dma_semaphore, #tpu.memory_space<semaphore_mem>>) src(%dma_wait3A_226 : memref<10240x64xf32, #tpu.memory_space<hbm>>) dst(%arg13 : memref<80x64xf32, #tpu.memory_space<vmem>>)
    %dma_start3A_227 = arith.constant 123 : i32
    %dma_start3A_228 = arith.constant 0 : i32
    %dma_start3A_229 = tpu.memref_slice %arg9[%dma_start3A_227, %dma_start3A_228] : memref<125x80xi32, #tpu.memory_space<vmem>> -> memref<1x80xi32, #tpu.memory_space<vmem>>
    %dma_start3A_230 = tpu.memref_squeeze %dma_start3A_229 : memref<1x80xi32, #tpu.memory_space<vmem>> -> memref<80xi32, #tpu.memory_space<vmem>>
    %dma_start3A_231 = arith.constant 0 : i32
    %dma_start3A_232 = arith.constant 0 : i32
    %dma_start3A_233 = tpu.memref_slice %arg14[%dma_start3A_231, %dma_start3A_232] : memref<10240x64xf32, #tpu.memory_space<vmem_shared>> -> memref<10240x64xf32, #tpu.memory_space<vmem_shared>>
    tpu.enqueue_indirect_dma source(%arg13 : memref<80x64xf32, #tpu.memory_space<vmem>>) target(%dma_start3A_233 : memref<10240x64xf32, #tpu.memory_space<vmem_shared>>) offsets(%dma_start3A_230 : memref<80xi32, #tpu.memory_space<vmem>>) semaphore(%arg22 : memref<!tpu.dma_semaphore, #tpu.memory_space<semaphore_mem>>) {add = true}
    %dma_wait3A_234 = arith.constant 124 : i32
    %dma_wait3A_235 = arith.constant 0 : i32
    %dma_wait3A_236 = tpu.memref_slice %arg8[%dma_wait3A_234, %dma_wait3A_235] : memref<125x80xi32, #tpu.memory_space<vmem>> -> memref<1x80xi32, #tpu.memory_space<vmem>>
    %dma_wait3A_237 = tpu.memref_squeeze %dma_wait3A_236 : memref<1x80xi32, #tpu.memory_space<vmem>> -> memref<80xi32, #tpu.memory_space<vmem>>
    %dma_wait3A_238 = arith.constant 0 : i32
    %dma_wait3A_239 = arith.constant 0 : i32
    %dma_wait3A_240 = tpu.memref_slice %arg2[%dma_wait3A_238, %dma_wait3A_239] : memref<10240x64xf32, #tpu.memory_space<hbm>> -> memref<10240x64xf32, #tpu.memory_space<hbm>>
    tpu.wait_indirect_dma semaphore(%arg15 : memref<!tpu.dma_semaphore, #tpu.memory_space<semaphore_mem>>) src(%dma_wait3A_240 : memref<10240x64xf32, #tpu.memory_space<hbm>>) dst(%arg10 : memref<80x64xf32, #tpu.memory_space<vmem>>)
    %dma_start3A_241 = arith.constant 124 : i32
    %dma_start3A_242 = arith.constant 0 : i32
    %dma_start3A_243 = tpu.memref_slice %arg9[%dma_start3A_241, %dma_start3A_242] : memref<125x80xi32, #tpu.memory_space<vmem>> -> memref<1x80xi32, #tpu.memory_space<vmem>>
    %dma_start3A_244 = tpu.memref_squeeze %dma_start3A_243 : memref<1x80xi32, #tpu.memory_space<vmem>> -> memref<80xi32, #tpu.memory_space<vmem>>
    %dma_start3A_245 = arith.constant 0 : i32
    %dma_start3A_246 = arith.constant 0 : i32
    %dma_start3A_247 = tpu.memref_slice %arg14[%dma_start3A_245, %dma_start3A_246] : memref<10240x64xf32, #tpu.memory_space<vmem_shared>> -> memref<10240x64xf32, #tpu.memory_space<vmem_shared>>
    tpu.enqueue_indirect_dma source(%arg10 : memref<80x64xf32, #tpu.memory_space<vmem>>) target(%dma_start3A_247 : memref<10240x64xf32, #tpu.memory_space<vmem_shared>>) offsets(%dma_start3A_244 : memref<80xi32, #tpu.memory_space<vmem>>) semaphore(%arg19 : memref<!tpu.dma_semaphore, #tpu.memory_space<semaphore_mem>>) {add = true}
    %dma_wait3A_248 = arith.constant 123 : i32
    %dma_wait3A_249 = arith.constant 0 : i32
    %dma_wait3A_250 = tpu.memref_slice %arg9[%dma_wait3A_248, %dma_wait3A_249] : memref<125x80xi32, #tpu.memory_space<vmem>> -> memref<1x80xi32, #tpu.memory_space<vmem>>
    %dma_wait3A_251 = tpu.memref_squeeze %dma_wait3A_250 : memref<1x80xi32, #tpu.memory_space<vmem>> -> memref<80xi32, #tpu.memory_space<vmem>>
    %dma_wait3A_252 = arith.constant 0 : i32
    %dma_wait3A_253 = arith.constant 0 : i32
    %dma_wait3A_254 = tpu.memref_slice %arg14[%dma_wait3A_252, %dma_wait3A_253] : memref<10240x64xf32, #tpu.memory_space<vmem_shared>> -> memref<10240x64xf32, #tpu.memory_space<vmem_shared>>
    tpu.wait_indirect_dma semaphore(%arg22 : memref<!tpu.dma_semaphore, #tpu.memory_space<semaphore_mem>>) src(%arg13 : memref<80x64xf32, #tpu.memory_space<vmem>>) dst(%dma_wait3A_254 : memref<10240x64xf32, #tpu.memory_space<vmem_shared>>)
    %dma_wait3A_255 = arith.constant 124 : i32
    %dma_wait3A_256 = arith.constant 0 : i32
    %dma_wait3A_257 = tpu.memref_slice %arg9[%dma_wait3A_255, %dma_wait3A_256] : memref<125x80xi32, #tpu.memory_space<vmem>> -> memref<1x80xi32, #tpu.memory_space<vmem>>
    %dma_wait3A_258 = tpu.memref_squeeze %dma_wait3A_257 : memref<1x80xi32, #tpu.memory_space<vmem>> -> memref<80xi32, #tpu.memory_space<vmem>>
    %dma_wait3A_259 = arith.constant 0 : i32
    %dma_wait3A_260 = arith.constant 0 : i32
    %dma_wait3A_261 = tpu.memref_slice %arg14[%dma_wait3A_259, %dma_wait3A_260] : memref<10240x64xf32, #tpu.memory_space<vmem_shared>> -> memref<10240x64xf32, #tpu.memory_space<vmem_shared>>
    tpu.wait_indirect_dma semaphore(%arg19 : memref<!tpu.dma_semaphore, #tpu.memory_space<semaphore_mem>>) src(%arg10 : memref<80x64xf32, #tpu.memory_space<vmem>>) dst(%dma_wait3A_261 : memref<10240x64xf32, #tpu.memory_space<vmem_shared>>)
    %barrier3A_262 = arith.constant 0 : index
    tpu.barrier barrier_id(%barrier3A_262)
    %mul3A_263 = arith.constant 640 : i32
    %mul3A_264 = arith.muli %arg1, %mul3A_263 : i32
    %mul3A_265 = arith.constant 2 : i32
    %mul3A_266 = arith.muli %arg0, %mul3A_265 : i32
    %add3A_267 = arith.constant 0 : i32
    %add3A_268 = arith.addi %mul3A_266, %add3A_267 : i32
    %mul3A_269 = arith.constant 10240 : i32
    %mul3A_270 = arith.muli %add3A_268, %mul3A_269 : i32
    %mul3A_271 = arith.constant 640 : i32
    %mul3A_272 = arith.muli %arg1, %mul3A_271 : i32
    %add3A_273 = arith.addi %mul3A_270, %mul3A_272 : i32
    "tpu.region"() ({
      %run_scoped3A = tpu.sem_alloc : memref<!tpu.dma_semaphore, #tpu.memory_space<semaphore_mem>>
      %dma_start3A_549 = arith.constant 0 : i32
      %dma_start3A_550 = tpu.memref_slice %arg7[%add3A_273, %dma_start3A_549] : memref<40960x64xf32, #tpu.memory_space<hbm>> -> memref<640x64xf32, #tpu.memory_space<hbm>>
      %dma_start3A_551 = arith.constant 0 : i32
      %dma_start3A_552 = tpu.memref_slice %arg14[%mul3A_264, %dma_start3A_551] : memref<10240x64xf32, #tpu.memory_space<vmem_shared>> -> memref<640x64xf32, #tpu.memory_space<vmem_shared>>
      tpu.enqueue_dma source(%dma_start3A_552 : memref<640x64xf32, #tpu.memory_space<vmem_shared>>) target(%dma_start3A_550 : memref<640x64xf32, #tpu.memory_space<hbm>>) target_semaphore(%run_scoped3A : memref<!tpu.dma_semaphore, #tpu.memory_space<semaphore_mem>>)
      %dma_wait3A_553 = arith.constant 0 : i32
      %dma_wait3A_554 = tpu.memref_slice %arg7[%add3A_273, %dma_wait3A_553] : memref<40960x64xf32, #tpu.memory_space<hbm>> -> memref<640x64xf32, #tpu.memory_space<hbm>>
      %dma_wait3A_555 = arith.constant 0 : i32
      %dma_wait3A_556 = tpu.memref_slice %arg14[%mul3A_264, %dma_wait3A_555] : memref<10240x64xf32, #tpu.memory_space<vmem_shared>> -> memref<640x64xf32, #tpu.memory_space<vmem_shared>>
      tpu.wait_dma2 semaphore(%run_scoped3A : memref<!tpu.dma_semaphore, #tpu.memory_space<semaphore_mem>>) src(%dma_wait3A_556 : memref<640x64xf32, #tpu.memory_space<vmem_shared>>) dst(%dma_wait3A_554 : memref<640x64xf32, #tpu.memory_space<hbm>>)
      tpu.yield
    }) : () -> ()
    %barrier3A_274 = arith.constant 0 : index
    tpu.barrier barrier_id(%barrier3A_274)
    %mul3A_275 = arith.constant 640 : i32
    %mul3A_276 = arith.muli %arg1, %mul3A_275 : i32
    "tpu.region"() ({
      %run_scoped3A = tpu.sem_alloc : memref<!tpu.dma_semaphore, #tpu.memory_space<semaphore_mem>>
      %dma_start3A_549 = arith.constant 0 : i32
      %dma_start3A_550 = tpu.memref_slice %arg14[%mul3A_276, %dma_start3A_549] : memref<10240x64xf32, #tpu.memory_space<vmem_shared>> -> memref<640x64xf32, #tpu.memory_space<vmem_shared>>
      tpu.enqueue_dma source(%arg6 : memref<640x64xf32, #tpu.memory_space<hbm>>) target(%dma_start3A_550 : memref<640x64xf32, #tpu.memory_space<vmem_shared>>) target_semaphore(%run_scoped3A : memref<!tpu.dma_semaphore, #tpu.memory_space<semaphore_mem>>)
      %dma_wait3A_551 = arith.constant 0 : i32
      %dma_wait3A_552 = tpu.memref_slice %arg14[%mul3A_276, %dma_wait3A_551] : memref<10240x64xf32, #tpu.memory_space<vmem_shared>> -> memref<640x64xf32, #tpu.memory_space<vmem_shared>>
      tpu.wait_dma2 semaphore(%run_scoped3A : memref<!tpu.dma_semaphore, #tpu.memory_space<semaphore_mem>>) src(%arg6 : memref<640x64xf32, #tpu.memory_space<hbm>>) dst(%dma_wait3A_552 : memref<640x64xf32, #tpu.memory_space<vmem_shared>>)
      tpu.yield
    }) : () -> ()
    %barrier3A_277 = arith.constant 0 : index
    tpu.barrier barrier_id(%barrier3A_277)
    %dma_start3A_278 = arith.constant 0 : i32
    %dma_start3A_279 = arith.constant 0 : i32
    %dma_start3A_280 = tpu.memref_slice %arg8[%dma_start3A_278, %dma_start3A_279] : memref<125x80xi32, #tpu.memory_space<vmem>> -> memref<1x80xi32, #tpu.memory_space<vmem>>
    %dma_start3A_281 = tpu.memref_squeeze %dma_start3A_280 : memref<1x80xi32, #tpu.memory_space<vmem>> -> memref<80xi32, #tpu.memory_space<vmem>>
    %dma_start3A_282 = arith.constant 0 : i32
    %dma_start3A_283 = arith.constant 0 : i32
    %dma_start3A_284 = tpu.memref_slice %arg3[%dma_start3A_282, %dma_start3A_283] : memref<10240x64xf32, #tpu.memory_space<hbm>> -> memref<10240x64xf32, #tpu.memory_space<hbm>>
    tpu.enqueue_indirect_dma source(%dma_start3A_284 : memref<10240x64xf32, #tpu.memory_space<hbm>>) target(%arg10 : memref<80x64xf32, #tpu.memory_space<vmem>>) offsets(%dma_start3A_281 : memref<80xi32, #tpu.memory_space<vmem>>) semaphore(%arg15 : memref<!tpu.dma_semaphore, #tpu.memory_space<semaphore_mem>>)
    %dma_start3A_285 = arith.constant 1 : i32
    %dma_start3A_286 = arith.constant 0 : i32
    %dma_start3A_287 = tpu.memref_slice %arg8[%dma_start3A_285, %dma_start3A_286] : memref<125x80xi32, #tpu.memory_space<vmem>> -> memref<1x80xi32, #tpu.memory_space<vmem>>
    %dma_start3A_288 = tpu.memref_squeeze %dma_start3A_287 : memref<1x80xi32, #tpu.memory_space<vmem>> -> memref<80xi32, #tpu.memory_space<vmem>>
    %dma_start3A_289 = arith.constant 0 : i32
    %dma_start3A_290 = arith.constant 0 : i32
    %dma_start3A_291 = tpu.memref_slice %arg3[%dma_start3A_289, %dma_start3A_290] : memref<10240x64xf32, #tpu.memory_space<hbm>> -> memref<10240x64xf32, #tpu.memory_space<hbm>>
    tpu.enqueue_indirect_dma source(%dma_start3A_291 : memref<10240x64xf32, #tpu.memory_space<hbm>>) target(%arg11 : memref<80x64xf32, #tpu.memory_space<vmem>>) offsets(%dma_start3A_288 : memref<80xi32, #tpu.memory_space<vmem>>) semaphore(%arg16 : memref<!tpu.dma_semaphore, #tpu.memory_space<semaphore_mem>>)
    %dma_start3A_292 = arith.constant 2 : i32
    %dma_start3A_293 = arith.constant 0 : i32
    %dma_start3A_294 = tpu.memref_slice %arg8[%dma_start3A_292, %dma_start3A_293] : memref<125x80xi32, #tpu.memory_space<vmem>> -> memref<1x80xi32, #tpu.memory_space<vmem>>
    %dma_start3A_295 = tpu.memref_squeeze %dma_start3A_294 : memref<1x80xi32, #tpu.memory_space<vmem>> -> memref<80xi32, #tpu.memory_space<vmem>>
    %dma_start3A_296 = arith.constant 0 : i32
    %dma_start3A_297 = arith.constant 0 : i32
    %dma_start3A_298 = tpu.memref_slice %arg3[%dma_start3A_296, %dma_start3A_297] : memref<10240x64xf32, #tpu.memory_space<hbm>> -> memref<10240x64xf32, #tpu.memory_space<hbm>>
    tpu.enqueue_indirect_dma source(%dma_start3A_298 : memref<10240x64xf32, #tpu.memory_space<hbm>>) target(%arg12 : memref<80x64xf32, #tpu.memory_space<vmem>>) offsets(%dma_start3A_295 : memref<80xi32, #tpu.memory_space<vmem>>) semaphore(%arg17 : memref<!tpu.dma_semaphore, #tpu.memory_space<semaphore_mem>>)
    %dma_start3A_299 = arith.constant 3 : i32
    %dma_start3A_300 = arith.constant 0 : i32
    %dma_start3A_301 = tpu.memref_slice %arg8[%dma_start3A_299, %dma_start3A_300] : memref<125x80xi32, #tpu.memory_space<vmem>> -> memref<1x80xi32, #tpu.memory_space<vmem>>
    %dma_start3A_302 = tpu.memref_squeeze %dma_start3A_301 : memref<1x80xi32, #tpu.memory_space<vmem>> -> memref<80xi32, #tpu.memory_space<vmem>>
    %dma_start3A_303 = arith.constant 0 : i32
    %dma_start3A_304 = arith.constant 0 : i32
    %dma_start3A_305 = tpu.memref_slice %arg3[%dma_start3A_303, %dma_start3A_304] : memref<10240x64xf32, #tpu.memory_space<hbm>> -> memref<10240x64xf32, #tpu.memory_space<hbm>>
    tpu.enqueue_indirect_dma source(%dma_start3A_305 : memref<10240x64xf32, #tpu.memory_space<hbm>>) target(%arg13 : memref<80x64xf32, #tpu.memory_space<vmem>>) offsets(%dma_start3A_302 : memref<80xi32, #tpu.memory_space<vmem>>) semaphore(%arg18 : memref<!tpu.dma_semaphore, #tpu.memory_space<semaphore_mem>>)
    %dma_wait3A_306 = arith.constant 0 : i32
    %dma_wait3A_307 = arith.constant 0 : i32
    %dma_wait3A_308 = tpu.memref_slice %arg8[%dma_wait3A_306, %dma_wait3A_307] : memref<125x80xi32, #tpu.memory_space<vmem>> -> memref<1x80xi32, #tpu.memory_space<vmem>>
    %dma_wait3A_309 = tpu.memref_squeeze %dma_wait3A_308 : memref<1x80xi32, #tpu.memory_space<vmem>> -> memref<80xi32, #tpu.memory_space<vmem>>
    %dma_wait3A_310 = arith.constant 0 : i32
    %dma_wait3A_311 = arith.constant 0 : i32
    %dma_wait3A_312 = tpu.memref_slice %arg3[%dma_wait3A_310, %dma_wait3A_311] : memref<10240x64xf32, #tpu.memory_space<hbm>> -> memref<10240x64xf32, #tpu.memory_space<hbm>>
    tpu.wait_indirect_dma semaphore(%arg15 : memref<!tpu.dma_semaphore, #tpu.memory_space<semaphore_mem>>) src(%dma_wait3A_312 : memref<10240x64xf32, #tpu.memory_space<hbm>>) dst(%arg10 : memref<80x64xf32, #tpu.memory_space<vmem>>)
    %dma_start3A_313 = arith.constant 0 : i32
    %dma_start3A_314 = arith.constant 0 : i32
    %dma_start3A_315 = tpu.memref_slice %arg9[%dma_start3A_313, %dma_start3A_314] : memref<125x80xi32, #tpu.memory_space<vmem>> -> memref<1x80xi32, #tpu.memory_space<vmem>>
    %dma_start3A_316 = tpu.memref_squeeze %dma_start3A_315 : memref<1x80xi32, #tpu.memory_space<vmem>> -> memref<80xi32, #tpu.memory_space<vmem>>
    %dma_start3A_317 = arith.constant 0 : i32
    %dma_start3A_318 = arith.constant 0 : i32
    %dma_start3A_319 = tpu.memref_slice %arg14[%dma_start3A_317, %dma_start3A_318] : memref<10240x64xf32, #tpu.memory_space<vmem_shared>> -> memref<10240x64xf32, #tpu.memory_space<vmem_shared>>
    tpu.enqueue_indirect_dma source(%arg10 : memref<80x64xf32, #tpu.memory_space<vmem>>) target(%dma_start3A_319 : memref<10240x64xf32, #tpu.memory_space<vmem_shared>>) offsets(%dma_start3A_316 : memref<80xi32, #tpu.memory_space<vmem>>) semaphore(%arg19 : memref<!tpu.dma_semaphore, #tpu.memory_space<semaphore_mem>>) {add = true}
    %dma_wait3A_320 = arith.constant 0 : i32
    %dma_wait3A_321 = arith.constant 0 : i32
    %dma_wait3A_322 = tpu.memref_slice %arg9[%dma_wait3A_320, %dma_wait3A_321] : memref<125x80xi32, #tpu.memory_space<vmem>> -> memref<1x80xi32, #tpu.memory_space<vmem>>
    %dma_wait3A_323 = tpu.memref_squeeze %dma_wait3A_322 : memref<1x80xi32, #tpu.memory_space<vmem>> -> memref<80xi32, #tpu.memory_space<vmem>>
    %dma_wait3A_324 = arith.constant 0 : i32
    %dma_wait3A_325 = arith.constant 0 : i32
    %dma_wait3A_326 = tpu.memref_slice %arg14[%dma_wait3A_324, %dma_wait3A_325] : memref<10240x64xf32, #tpu.memory_space<vmem_shared>> -> memref<10240x64xf32, #tpu.memory_space<vmem_shared>>
    tpu.wait_indirect_dma semaphore(%arg19 : memref<!tpu.dma_semaphore, #tpu.memory_space<semaphore_mem>>) src(%arg10 : memref<80x64xf32, #tpu.memory_space<vmem>>) dst(%dma_wait3A_326 : memref<10240x64xf32, #tpu.memory_space<vmem_shared>>)
    %dma_start3A_327 = arith.constant 4 : i32
    %dma_start3A_328 = arith.constant 0 : i32
    %dma_start3A_329 = tpu.memref_slice %arg8[%dma_start3A_327, %dma_start3A_328] : memref<125x80xi32, #tpu.memory_space<vmem>> -> memref<1x80xi32, #tpu.memory_space<vmem>>
    %dma_start3A_330 = tpu.memref_squeeze %dma_start3A_329 : memref<1x80xi32, #tpu.memory_space<vmem>> -> memref<80xi32, #tpu.memory_space<vmem>>
    %dma_start3A_331 = arith.constant 0 : i32
    %dma_start3A_332 = arith.constant 0 : i32
    %dma_start3A_333 = tpu.memref_slice %arg3[%dma_start3A_331, %dma_start3A_332] : memref<10240x64xf32, #tpu.memory_space<hbm>> -> memref<10240x64xf32, #tpu.memory_space<hbm>>
    tpu.enqueue_indirect_dma source(%dma_start3A_333 : memref<10240x64xf32, #tpu.memory_space<hbm>>) target(%arg10 : memref<80x64xf32, #tpu.memory_space<vmem>>) offsets(%dma_start3A_330 : memref<80xi32, #tpu.memory_space<vmem>>) semaphore(%arg15 : memref<!tpu.dma_semaphore, #tpu.memory_space<semaphore_mem>>)
    %dma_wait3A_334 = arith.constant 1 : i32
    %dma_wait3A_335 = arith.constant 0 : i32
    %dma_wait3A_336 = tpu.memref_slice %arg8[%dma_wait3A_334, %dma_wait3A_335] : memref<125x80xi32, #tpu.memory_space<vmem>> -> memref<1x80xi32, #tpu.memory_space<vmem>>
    %dma_wait3A_337 = tpu.memref_squeeze %dma_wait3A_336 : memref<1x80xi32, #tpu.memory_space<vmem>> -> memref<80xi32, #tpu.memory_space<vmem>>
    %dma_wait3A_338 = arith.constant 0 : i32
    %dma_wait3A_339 = arith.constant 0 : i32
    %dma_wait3A_340 = tpu.memref_slice %arg3[%dma_wait3A_338, %dma_wait3A_339] : memref<10240x64xf32, #tpu.memory_space<hbm>> -> memref<10240x64xf32, #tpu.memory_space<hbm>>
    tpu.wait_indirect_dma semaphore(%arg16 : memref<!tpu.dma_semaphore, #tpu.memory_space<semaphore_mem>>) src(%dma_wait3A_340 : memref<10240x64xf32, #tpu.memory_space<hbm>>) dst(%arg11 : memref<80x64xf32, #tpu.memory_space<vmem>>)
    %dma_start3A_341 = arith.constant 1 : i32
    %dma_start3A_342 = arith.constant 0 : i32
    %dma_start3A_343 = tpu.memref_slice %arg9[%dma_start3A_341, %dma_start3A_342] : memref<125x80xi32, #tpu.memory_space<vmem>> -> memref<1x80xi32, #tpu.memory_space<vmem>>
    %dma_start3A_344 = tpu.memref_squeeze %dma_start3A_343 : memref<1x80xi32, #tpu.memory_space<vmem>> -> memref<80xi32, #tpu.memory_space<vmem>>
    %dma_start3A_345 = arith.constant 0 : i32
    %dma_start3A_346 = arith.constant 0 : i32
    %dma_start3A_347 = tpu.memref_slice %arg14[%dma_start3A_345, %dma_start3A_346] : memref<10240x64xf32, #tpu.memory_space<vmem_shared>> -> memref<10240x64xf32, #tpu.memory_space<vmem_shared>>
    tpu.enqueue_indirect_dma source(%arg11 : memref<80x64xf32, #tpu.memory_space<vmem>>) target(%dma_start3A_347 : memref<10240x64xf32, #tpu.memory_space<vmem_shared>>) offsets(%dma_start3A_344 : memref<80xi32, #tpu.memory_space<vmem>>) semaphore(%arg20 : memref<!tpu.dma_semaphore, #tpu.memory_space<semaphore_mem>>) {add = true}
    %dma_wait3A_348 = arith.constant 1 : i32
    %dma_wait3A_349 = arith.constant 0 : i32
    %dma_wait3A_350 = tpu.memref_slice %arg9[%dma_wait3A_348, %dma_wait3A_349] : memref<125x80xi32, #tpu.memory_space<vmem>> -> memref<1x80xi32, #tpu.memory_space<vmem>>
    %dma_wait3A_351 = tpu.memref_squeeze %dma_wait3A_350 : memref<1x80xi32, #tpu.memory_space<vmem>> -> memref<80xi32, #tpu.memory_space<vmem>>
    %dma_wait3A_352 = arith.constant 0 : i32
    %dma_wait3A_353 = arith.constant 0 : i32
    %dma_wait3A_354 = tpu.memref_slice %arg14[%dma_wait3A_352, %dma_wait3A_353] : memref<10240x64xf32, #tpu.memory_space<vmem_shared>> -> memref<10240x64xf32, #tpu.memory_space<vmem_shared>>
    tpu.wait_indirect_dma semaphore(%arg20 : memref<!tpu.dma_semaphore, #tpu.memory_space<semaphore_mem>>) src(%arg11 : memref<80x64xf32, #tpu.memory_space<vmem>>) dst(%dma_wait3A_354 : memref<10240x64xf32, #tpu.memory_space<vmem_shared>>)
    %dma_start3A_355 = arith.constant 5 : i32
    %dma_start3A_356 = arith.constant 0 : i32
    %dma_start3A_357 = tpu.memref_slice %arg8[%dma_start3A_355, %dma_start3A_356] : memref<125x80xi32, #tpu.memory_space<vmem>> -> memref<1x80xi32, #tpu.memory_space<vmem>>
    %dma_start3A_358 = tpu.memref_squeeze %dma_start3A_357 : memref<1x80xi32, #tpu.memory_space<vmem>> -> memref<80xi32, #tpu.memory_space<vmem>>
    %dma_start3A_359 = arith.constant 0 : i32
    %dma_start3A_360 = arith.constant 0 : i32
    %dma_start3A_361 = tpu.memref_slice %arg3[%dma_start3A_359, %dma_start3A_360] : memref<10240x64xf32, #tpu.memory_space<hbm>> -> memref<10240x64xf32, #tpu.memory_space<hbm>>
    tpu.enqueue_indirect_dma source(%dma_start3A_361 : memref<10240x64xf32, #tpu.memory_space<hbm>>) target(%arg11 : memref<80x64xf32, #tpu.memory_space<vmem>>) offsets(%dma_start3A_358 : memref<80xi32, #tpu.memory_space<vmem>>) semaphore(%arg16 : memref<!tpu.dma_semaphore, #tpu.memory_space<semaphore_mem>>)
    %dma_wait3A_362 = arith.constant 2 : i32
    %dma_wait3A_363 = arith.constant 0 : i32
    %dma_wait3A_364 = tpu.memref_slice %arg8[%dma_wait3A_362, %dma_wait3A_363] : memref<125x80xi32, #tpu.memory_space<vmem>> -> memref<1x80xi32, #tpu.memory_space<vmem>>
    %dma_wait3A_365 = tpu.memref_squeeze %dma_wait3A_364 : memref<1x80xi32, #tpu.memory_space<vmem>> -> memref<80xi32, #tpu.memory_space<vmem>>
    %dma_wait3A_366 = arith.constant 0 : i32
    %dma_wait3A_367 = arith.constant 0 : i32
    %dma_wait3A_368 = tpu.memref_slice %arg3[%dma_wait3A_366, %dma_wait3A_367] : memref<10240x64xf32, #tpu.memory_space<hbm>> -> memref<10240x64xf32, #tpu.memory_space<hbm>>
    tpu.wait_indirect_dma semaphore(%arg17 : memref<!tpu.dma_semaphore, #tpu.memory_space<semaphore_mem>>) src(%dma_wait3A_368 : memref<10240x64xf32, #tpu.memory_space<hbm>>) dst(%arg12 : memref<80x64xf32, #tpu.memory_space<vmem>>)
    %dma_start3A_369 = arith.constant 2 : i32
    %dma_start3A_370 = arith.constant 0 : i32
    %dma_start3A_371 = tpu.memref_slice %arg9[%dma_start3A_369, %dma_start3A_370] : memref<125x80xi32, #tpu.memory_space<vmem>> -> memref<1x80xi32, #tpu.memory_space<vmem>>
    %dma_start3A_372 = tpu.memref_squeeze %dma_start3A_371 : memref<1x80xi32, #tpu.memory_space<vmem>> -> memref<80xi32, #tpu.memory_space<vmem>>
    %dma_start3A_373 = arith.constant 0 : i32
    %dma_start3A_374 = arith.constant 0 : i32
    %dma_start3A_375 = tpu.memref_slice %arg14[%dma_start3A_373, %dma_start3A_374] : memref<10240x64xf32, #tpu.memory_space<vmem_shared>> -> memref<10240x64xf32, #tpu.memory_space<vmem_shared>>
    tpu.enqueue_indirect_dma source(%arg12 : memref<80x64xf32, #tpu.memory_space<vmem>>) target(%dma_start3A_375 : memref<10240x64xf32, #tpu.memory_space<vmem_shared>>) offsets(%dma_start3A_372 : memref<80xi32, #tpu.memory_space<vmem>>) semaphore(%arg21 : memref<!tpu.dma_semaphore, #tpu.memory_space<semaphore_mem>>) {add = true}
    %dma_wait3A_376 = arith.constant 2 : i32
    %dma_wait3A_377 = arith.constant 0 : i32
    %dma_wait3A_378 = tpu.memref_slice %arg9[%dma_wait3A_376, %dma_wait3A_377] : memref<125x80xi32, #tpu.memory_space<vmem>> -> memref<1x80xi32, #tpu.memory_space<vmem>>
    %dma_wait3A_379 = tpu.memref_squeeze %dma_wait3A_378 : memref<1x80xi32, #tpu.memory_space<vmem>> -> memref<80xi32, #tpu.memory_space<vmem>>
    %dma_wait3A_380 = arith.constant 0 : i32
    %dma_wait3A_381 = arith.constant 0 : i32
    %dma_wait3A_382 = tpu.memref_slice %arg14[%dma_wait3A_380, %dma_wait3A_381] : memref<10240x64xf32, #tpu.memory_space<vmem_shared>> -> memref<10240x64xf32, #tpu.memory_space<vmem_shared>>
    tpu.wait_indirect_dma semaphore(%arg21 : memref<!tpu.dma_semaphore, #tpu.memory_space<semaphore_mem>>) src(%arg12 : memref<80x64xf32, #tpu.memory_space<vmem>>) dst(%dma_wait3A_382 : memref<10240x64xf32, #tpu.memory_space<vmem_shared>>)
    %dma_start3A_383 = arith.constant 6 : i32
    %dma_start3A_384 = arith.constant 0 : i32
    %dma_start3A_385 = tpu.memref_slice %arg8[%dma_start3A_383, %dma_start3A_384] : memref<125x80xi32, #tpu.memory_space<vmem>> -> memref<1x80xi32, #tpu.memory_space<vmem>>
    %dma_start3A_386 = tpu.memref_squeeze %dma_start3A_385 : memref<1x80xi32, #tpu.memory_space<vmem>> -> memref<80xi32, #tpu.memory_space<vmem>>
    %dma_start3A_387 = arith.constant 0 : i32
    %dma_start3A_388 = arith.constant 0 : i32
    %dma_start3A_389 = tpu.memref_slice %arg3[%dma_start3A_387, %dma_start3A_388] : memref<10240x64xf32, #tpu.memory_space<hbm>> -> memref<10240x64xf32, #tpu.memory_space<hbm>>
    tpu.enqueue_indirect_dma source(%dma_start3A_389 : memref<10240x64xf32, #tpu.memory_space<hbm>>) target(%arg12 : memref<80x64xf32, #tpu.memory_space<vmem>>) offsets(%dma_start3A_386 : memref<80xi32, #tpu.memory_space<vmem>>) semaphore(%arg17 : memref<!tpu.dma_semaphore, #tpu.memory_space<semaphore_mem>>)
    %dma_wait3A_390 = arith.constant 3 : i32
    %dma_wait3A_391 = arith.constant 0 : i32
    %dma_wait3A_392 = tpu.memref_slice %arg8[%dma_wait3A_390, %dma_wait3A_391] : memref<125x80xi32, #tpu.memory_space<vmem>> -> memref<1x80xi32, #tpu.memory_space<vmem>>
    %dma_wait3A_393 = tpu.memref_squeeze %dma_wait3A_392 : memref<1x80xi32, #tpu.memory_space<vmem>> -> memref<80xi32, #tpu.memory_space<vmem>>
    %dma_wait3A_394 = arith.constant 0 : i32
    %dma_wait3A_395 = arith.constant 0 : i32
    %dma_wait3A_396 = tpu.memref_slice %arg3[%dma_wait3A_394, %dma_wait3A_395] : memref<10240x64xf32, #tpu.memory_space<hbm>> -> memref<10240x64xf32, #tpu.memory_space<hbm>>
    tpu.wait_indirect_dma semaphore(%arg18 : memref<!tpu.dma_semaphore, #tpu.memory_space<semaphore_mem>>) src(%dma_wait3A_396 : memref<10240x64xf32, #tpu.memory_space<hbm>>) dst(%arg13 : memref<80x64xf32, #tpu.memory_space<vmem>>)
    %dma_start3A_397 = arith.constant 3 : i32
    %dma_start3A_398 = arith.constant 0 : i32
    %dma_start3A_399 = tpu.memref_slice %arg9[%dma_start3A_397, %dma_start3A_398] : memref<125x80xi32, #tpu.memory_space<vmem>> -> memref<1x80xi32, #tpu.memory_space<vmem>>
    %dma_start3A_400 = tpu.memref_squeeze %dma_start3A_399 : memref<1x80xi32, #tpu.memory_space<vmem>> -> memref<80xi32, #tpu.memory_space<vmem>>
    %dma_start3A_401 = arith.constant 0 : i32
    %dma_start3A_402 = arith.constant 0 : i32
    %dma_start3A_403 = tpu.memref_slice %arg14[%dma_start3A_401, %dma_start3A_402] : memref<10240x64xf32, #tpu.memory_space<vmem_shared>> -> memref<10240x64xf32, #tpu.memory_space<vmem_shared>>
    tpu.enqueue_indirect_dma source(%arg13 : memref<80x64xf32, #tpu.memory_space<vmem>>) target(%dma_start3A_403 : memref<10240x64xf32, #tpu.memory_space<vmem_shared>>) offsets(%dma_start3A_400 : memref<80xi32, #tpu.memory_space<vmem>>) semaphore(%arg22 : memref<!tpu.dma_semaphore, #tpu.memory_space<semaphore_mem>>) {add = true}
    %scan3A_404 = arith.constant 0 : i32
    %scan3A_405 = arith.constant 1 : i32
    %scan3A_406 = arith.constant 29 : i32
    %scan3A_407 = arith.addi %scan3A_405, %scan3A_406 : i32
    %scan3A_408 = arith.constant 1 : i32
    scf.for %scan3A_549 = %scan3A_405 to %scan3A_407 step %scan3A_408  : i32 {
      %mul3A_550 = arith.constant 4 : i32
      %mul3A_551 = arith.muli %mul3A_550, %scan3A_549 : i32
      %add3A_552 = arith.constant 0 : i32
      %add3A_553 = arith.addi %mul3A_551, %add3A_552 : i32
      %sub3A = arith.constant 1 : i32
      %sub3A_554 = arith.subi %add3A_553, %sub3A : i32
      %dma_wait3A_555 = arith.constant 0 : i32
      %dma_wait3A_556 = tpu.memref_slice %arg9[%sub3A_554, %dma_wait3A_555] : memref<125x80xi32, #tpu.memory_space<vmem>> -> memref<1x80xi32, #tpu.memory_space<vmem>>
      %dma_wait3A_557 = tpu.memref_squeeze %dma_wait3A_556 : memref<1x80xi32, #tpu.memory_space<vmem>> -> memref<80xi32, #tpu.memory_space<vmem>>
      %dma_wait3A_558 = arith.constant 0 : i32
      %dma_wait3A_559 = arith.constant 0 : i32
      %dma_wait3A_560 = tpu.memref_slice %arg14[%dma_wait3A_558, %dma_wait3A_559] : memref<10240x64xf32, #tpu.memory_space<vmem_shared>> -> memref<10240x64xf32, #tpu.memory_space<vmem_shared>>
      tpu.wait_indirect_dma semaphore(%arg22 : memref<!tpu.dma_semaphore, #tpu.memory_space<semaphore_mem>>) src(%arg13 : memref<80x64xf32, #tpu.memory_space<vmem>>) dst(%dma_wait3A_560 : memref<10240x64xf32, #tpu.memory_space<vmem_shared>>)
      %add3A_561 = arith.constant 3 : i32
      %add3A_562 = arith.addi %add3A_553, %add3A_561 : i32
      %dma_start3A_563 = arith.constant 0 : i32
      %dma_start3A_564 = tpu.memref_slice %arg8[%add3A_562, %dma_start3A_563] : memref<125x80xi32, #tpu.memory_space<vmem>> -> memref<1x80xi32, #tpu.memory_space<vmem>>
      %dma_start3A_565 = tpu.memref_squeeze %dma_start3A_564 : memref<1x80xi32, #tpu.memory_space<vmem>> -> memref<80xi32, #tpu.memory_space<vmem>>
      %dma_start3A_566 = arith.constant 0 : i32
      %dma_start3A_567 = arith.constant 0 : i32
      %dma_start3A_568 = tpu.memref_slice %arg3[%dma_start3A_566, %dma_start3A_567] : memref<10240x64xf32, #tpu.memory_space<hbm>> -> memref<10240x64xf32, #tpu.memory_space<hbm>>
      tpu.enqueue_indirect_dma source(%dma_start3A_568 : memref<10240x64xf32, #tpu.memory_space<hbm>>) target(%arg13 : memref<80x64xf32, #tpu.memory_space<vmem>>) offsets(%dma_start3A_565 : memref<80xi32, #tpu.memory_space<vmem>>) semaphore(%arg18 : memref<!tpu.dma_semaphore, #tpu.memory_space<semaphore_mem>>)
      %dma_wait3A_569 = arith.constant 0 : i32
      %dma_wait3A_570 = tpu.memref_slice %arg8[%add3A_553, %dma_wait3A_569] : memref<125x80xi32, #tpu.memory_space<vmem>> -> memref<1x80xi32, #tpu.memory_space<vmem>>
      %dma_wait3A_571 = tpu.memref_squeeze %dma_wait3A_570 : memref<1x80xi32, #tpu.memory_space<vmem>> -> memref<80xi32, #tpu.memory_space<vmem>>
      %dma_wait3A_572 = arith.constant 0 : i32
      %dma_wait3A_573 = arith.constant 0 : i32
      %dma_wait3A_574 = tpu.memref_slice %arg3[%dma_wait3A_572, %dma_wait3A_573] : memref<10240x64xf32, #tpu.memory_space<hbm>> -> memref<10240x64xf32, #tpu.memory_space<hbm>>
      tpu.wait_indirect_dma semaphore(%arg15 : memref<!tpu.dma_semaphore, #tpu.memory_space<semaphore_mem>>) src(%dma_wait3A_574 : memref<10240x64xf32, #tpu.memory_space<hbm>>) dst(%arg10 : memref<80x64xf32, #tpu.memory_space<vmem>>)
      %dma_start3A_575 = arith.constant 0 : i32
      %dma_start3A_576 = tpu.memref_slice %arg9[%add3A_553, %dma_start3A_575] : memref<125x80xi32, #tpu.memory_space<vmem>> -> memref<1x80xi32, #tpu.memory_space<vmem>>
      %dma_start3A_577 = tpu.memref_squeeze %dma_start3A_576 : memref<1x80xi32, #tpu.memory_space<vmem>> -> memref<80xi32, #tpu.memory_space<vmem>>
      %dma_start3A_578 = arith.constant 0 : i32
      %dma_start3A_579 = arith.constant 0 : i32
      %dma_start3A_580 = tpu.memref_slice %arg14[%dma_start3A_578, %dma_start3A_579] : memref<10240x64xf32, #tpu.memory_space<vmem_shared>> -> memref<10240x64xf32, #tpu.memory_space<vmem_shared>>
      tpu.enqueue_indirect_dma source(%arg10 : memref<80x64xf32, #tpu.memory_space<vmem>>) target(%dma_start3A_580 : memref<10240x64xf32, #tpu.memory_space<vmem_shared>>) offsets(%dma_start3A_577 : memref<80xi32, #tpu.memory_space<vmem>>) semaphore(%arg19 : memref<!tpu.dma_semaphore, #tpu.memory_space<semaphore_mem>>) {add = true}
      %mul3A_581 = arith.constant 4 : i32
      %mul3A_582 = arith.muli %mul3A_581, %scan3A_549 : i32
      %add3A_583 = arith.constant 1 : i32
      %add3A_584 = arith.addi %mul3A_582, %add3A_583 : i32
      %sub3A_585 = arith.constant 1 : i32
      %sub3A_586 = arith.subi %add3A_584, %sub3A_585 : i32
      %dma_wait3A_587 = arith.constant 0 : i32
      %dma_wait3A_588 = tpu.memref_slice %arg9[%sub3A_586, %dma_wait3A_587] : memref<125x80xi32, #tpu.memory_space<vmem>> -> memref<1x80xi32, #tpu.memory_space<vmem>>
      %dma_wait3A_589 = tpu.memref_squeeze %dma_wait3A_588 : memref<1x80xi32, #tpu.memory_space<vmem>> -> memref<80xi32, #tpu.memory_space<vmem>>
      %dma_wait3A_590 = arith.constant 0 : i32
      %dma_wait3A_591 = arith.constant 0 : i32
      %dma_wait3A_592 = tpu.memref_slice %arg14[%dma_wait3A_590, %dma_wait3A_591] : memref<10240x64xf32, #tpu.memory_space<vmem_shared>> -> memref<10240x64xf32, #tpu.memory_space<vmem_shared>>
      tpu.wait_indirect_dma semaphore(%arg19 : memref<!tpu.dma_semaphore, #tpu.memory_space<semaphore_mem>>) src(%arg10 : memref<80x64xf32, #tpu.memory_space<vmem>>) dst(%dma_wait3A_592 : memref<10240x64xf32, #tpu.memory_space<vmem_shared>>)
      %add3A_593 = arith.constant 3 : i32
      %add3A_594 = arith.addi %add3A_584, %add3A_593 : i32
      %dma_start3A_595 = arith.constant 0 : i32
      %dma_start3A_596 = tpu.memref_slice %arg8[%add3A_594, %dma_start3A_595] : memref<125x80xi32, #tpu.memory_space<vmem>> -> memref<1x80xi32, #tpu.memory_space<vmem>>
      %dma_start3A_597 = tpu.memref_squeeze %dma_start3A_596 : memref<1x80xi32, #tpu.memory_space<vmem>> -> memref<80xi32, #tpu.memory_space<vmem>>
      %dma_start3A_598 = arith.constant 0 : i32
      %dma_start3A_599 = arith.constant 0 : i32
      %dma_start3A_600 = tpu.memref_slice %arg3[%dma_start3A_598, %dma_start3A_599] : memref<10240x64xf32, #tpu.memory_space<hbm>> -> memref<10240x64xf32, #tpu.memory_space<hbm>>
      tpu.enqueue_indirect_dma source(%dma_start3A_600 : memref<10240x64xf32, #tpu.memory_space<hbm>>) target(%arg10 : memref<80x64xf32, #tpu.memory_space<vmem>>) offsets(%dma_start3A_597 : memref<80xi32, #tpu.memory_space<vmem>>) semaphore(%arg15 : memref<!tpu.dma_semaphore, #tpu.memory_space<semaphore_mem>>)
      %dma_wait3A_601 = arith.constant 0 : i32
      %dma_wait3A_602 = tpu.memref_slice %arg8[%add3A_584, %dma_wait3A_601] : memref<125x80xi32, #tpu.memory_space<vmem>> -> memref<1x80xi32, #tpu.memory_space<vmem>>
      %dma_wait3A_603 = tpu.memref_squeeze %dma_wait3A_602 : memref<1x80xi32, #tpu.memory_space<vmem>> -> memref<80xi32, #tpu.memory_space<vmem>>
      %dma_wait3A_604 = arith.constant 0 : i32
      %dma_wait3A_605 = arith.constant 0 : i32
      %dma_wait3A_606 = tpu.memref_slice %arg3[%dma_wait3A_604, %dma_wait3A_605] : memref<10240x64xf32, #tpu.memory_space<hbm>> -> memref<10240x64xf32, #tpu.memory_space<hbm>>
      tpu.wait_indirect_dma semaphore(%arg16 : memref<!tpu.dma_semaphore, #tpu.memory_space<semaphore_mem>>) src(%dma_wait3A_606 : memref<10240x64xf32, #tpu.memory_space<hbm>>) dst(%arg11 : memref<80x64xf32, #tpu.memory_space<vmem>>)
      %dma_start3A_607 = arith.constant 0 : i32
      %dma_start3A_608 = tpu.memref_slice %arg9[%add3A_584, %dma_start3A_607] : memref<125x80xi32, #tpu.memory_space<vmem>> -> memref<1x80xi32, #tpu.memory_space<vmem>>
      %dma_start3A_609 = tpu.memref_squeeze %dma_start3A_608 : memref<1x80xi32, #tpu.memory_space<vmem>> -> memref<80xi32, #tpu.memory_space<vmem>>
      %dma_start3A_610 = arith.constant 0 : i32
      %dma_start3A_611 = arith.constant 0 : i32
      %dma_start3A_612 = tpu.memref_slice %arg14[%dma_start3A_610, %dma_start3A_611] : memref<10240x64xf32, #tpu.memory_space<vmem_shared>> -> memref<10240x64xf32, #tpu.memory_space<vmem_shared>>
      tpu.enqueue_indirect_dma source(%arg11 : memref<80x64xf32, #tpu.memory_space<vmem>>) target(%dma_start3A_612 : memref<10240x64xf32, #tpu.memory_space<vmem_shared>>) offsets(%dma_start3A_609 : memref<80xi32, #tpu.memory_space<vmem>>) semaphore(%arg20 : memref<!tpu.dma_semaphore, #tpu.memory_space<semaphore_mem>>) {add = true}
      %mul3A_613 = arith.constant 4 : i32
      %mul3A_614 = arith.muli %mul3A_613, %scan3A_549 : i32
      %add3A_615 = arith.constant 2 : i32
      %add3A_616 = arith.addi %mul3A_614, %add3A_615 : i32
      %sub3A_617 = arith.constant 1 : i32
      %sub3A_618 = arith.subi %add3A_616, %sub3A_617 : i32
      %dma_wait3A_619 = arith.constant 0 : i32
      %dma_wait3A_620 = tpu.memref_slice %arg9[%sub3A_618, %dma_wait3A_619] : memref<125x80xi32, #tpu.memory_space<vmem>> -> memref<1x80xi32, #tpu.memory_space<vmem>>
      %dma_wait3A_621 = tpu.memref_squeeze %dma_wait3A_620 : memref<1x80xi32, #tpu.memory_space<vmem>> -> memref<80xi32, #tpu.memory_space<vmem>>
      %dma_wait3A_622 = arith.constant 0 : i32
      %dma_wait3A_623 = arith.constant 0 : i32
      %dma_wait3A_624 = tpu.memref_slice %arg14[%dma_wait3A_622, %dma_wait3A_623] : memref<10240x64xf32, #tpu.memory_space<vmem_shared>> -> memref<10240x64xf32, #tpu.memory_space<vmem_shared>>
      tpu.wait_indirect_dma semaphore(%arg20 : memref<!tpu.dma_semaphore, #tpu.memory_space<semaphore_mem>>) src(%arg11 : memref<80x64xf32, #tpu.memory_space<vmem>>) dst(%dma_wait3A_624 : memref<10240x64xf32, #tpu.memory_space<vmem_shared>>)
      %add3A_625 = arith.constant 3 : i32
      %add3A_626 = arith.addi %add3A_616, %add3A_625 : i32
      %dma_start3A_627 = arith.constant 0 : i32
      %dma_start3A_628 = tpu.memref_slice %arg8[%add3A_626, %dma_start3A_627] : memref<125x80xi32, #tpu.memory_space<vmem>> -> memref<1x80xi32, #tpu.memory_space<vmem>>
      %dma_start3A_629 = tpu.memref_squeeze %dma_start3A_628 : memref<1x80xi32, #tpu.memory_space<vmem>> -> memref<80xi32, #tpu.memory_space<vmem>>
      %dma_start3A_630 = arith.constant 0 : i32
      %dma_start3A_631 = arith.constant 0 : i32
      %dma_start3A_632 = tpu.memref_slice %arg3[%dma_start3A_630, %dma_start3A_631] : memref<10240x64xf32, #tpu.memory_space<hbm>> -> memref<10240x64xf32, #tpu.memory_space<hbm>>
      tpu.enqueue_indirect_dma source(%dma_start3A_632 : memref<10240x64xf32, #tpu.memory_space<hbm>>) target(%arg11 : memref<80x64xf32, #tpu.memory_space<vmem>>) offsets(%dma_start3A_629 : memref<80xi32, #tpu.memory_space<vmem>>) semaphore(%arg16 : memref<!tpu.dma_semaphore, #tpu.memory_space<semaphore_mem>>)
      %dma_wait3A_633 = arith.constant 0 : i32
      %dma_wait3A_634 = tpu.memref_slice %arg8[%add3A_616, %dma_wait3A_633] : memref<125x80xi32, #tpu.memory_space<vmem>> -> memref<1x80xi32, #tpu.memory_space<vmem>>
      %dma_wait3A_635 = tpu.memref_squeeze %dma_wait3A_634 : memref<1x80xi32, #tpu.memory_space<vmem>> -> memref<80xi32, #tpu.memory_space<vmem>>
      %dma_wait3A_636 = arith.constant 0 : i32
      %dma_wait3A_637 = arith.constant 0 : i32
      %dma_wait3A_638 = tpu.memref_slice %arg3[%dma_wait3A_636, %dma_wait3A_637] : memref<10240x64xf32, #tpu.memory_space<hbm>> -> memref<10240x64xf32, #tpu.memory_space<hbm>>
      tpu.wait_indirect_dma semaphore(%arg17 : memref<!tpu.dma_semaphore, #tpu.memory_space<semaphore_mem>>) src(%dma_wait3A_638 : memref<10240x64xf32, #tpu.memory_space<hbm>>) dst(%arg12 : memref<80x64xf32, #tpu.memory_space<vmem>>)
      %dma_start3A_639 = arith.constant 0 : i32
      %dma_start3A_640 = tpu.memref_slice %arg9[%add3A_616, %dma_start3A_639] : memref<125x80xi32, #tpu.memory_space<vmem>> -> memref<1x80xi32, #tpu.memory_space<vmem>>
      %dma_start3A_641 = tpu.memref_squeeze %dma_start3A_640 : memref<1x80xi32, #tpu.memory_space<vmem>> -> memref<80xi32, #tpu.memory_space<vmem>>
      %dma_start3A_642 = arith.constant 0 : i32
      %dma_start3A_643 = arith.constant 0 : i32
      %dma_start3A_644 = tpu.memref_slice %arg14[%dma_start3A_642, %dma_start3A_643] : memref<10240x64xf32, #tpu.memory_space<vmem_shared>> -> memref<10240x64xf32, #tpu.memory_space<vmem_shared>>
      tpu.enqueue_indirect_dma source(%arg12 : memref<80x64xf32, #tpu.memory_space<vmem>>) target(%dma_start3A_644 : memref<10240x64xf32, #tpu.memory_space<vmem_shared>>) offsets(%dma_start3A_641 : memref<80xi32, #tpu.memory_space<vmem>>) semaphore(%arg21 : memref<!tpu.dma_semaphore, #tpu.memory_space<semaphore_mem>>) {add = true}
      %mul3A_645 = arith.constant 4 : i32
      %mul3A_646 = arith.muli %mul3A_645, %scan3A_549 : i32
      %add3A_647 = arith.constant 3 : i32
      %add3A_648 = arith.addi %mul3A_646, %add3A_647 : i32
      %sub3A_649 = arith.constant 1 : i32
      %sub3A_650 = arith.subi %add3A_648, %sub3A_649 : i32
      %dma_wait3A_651 = arith.constant 0 : i32
      %dma_wait3A_652 = tpu.memref_slice %arg9[%sub3A_650, %dma_wait3A_651] : memref<125x80xi32, #tpu.memory_space<vmem>> -> memref<1x80xi32, #tpu.memory_space<vmem>>
      %dma_wait3A_653 = tpu.memref_squeeze %dma_wait3A_652 : memref<1x80xi32, #tpu.memory_space<vmem>> -> memref<80xi32, #tpu.memory_space<vmem>>
      %dma_wait3A_654 = arith.constant 0 : i32
      %dma_wait3A_655 = arith.constant 0 : i32
      %dma_wait3A_656 = tpu.memref_slice %arg14[%dma_wait3A_654, %dma_wait3A_655] : memref<10240x64xf32, #tpu.memory_space<vmem_shared>> -> memref<10240x64xf32, #tpu.memory_space<vmem_shared>>
      tpu.wait_indirect_dma semaphore(%arg21 : memref<!tpu.dma_semaphore, #tpu.memory_space<semaphore_mem>>) src(%arg12 : memref<80x64xf32, #tpu.memory_space<vmem>>) dst(%dma_wait3A_656 : memref<10240x64xf32, #tpu.memory_space<vmem_shared>>)
      %add3A_657 = arith.constant 3 : i32
      %add3A_658 = arith.addi %add3A_648, %add3A_657 : i32
      %dma_start3A_659 = arith.constant 0 : i32
      %dma_start3A_660 = tpu.memref_slice %arg8[%add3A_658, %dma_start3A_659] : memref<125x80xi32, #tpu.memory_space<vmem>> -> memref<1x80xi32, #tpu.memory_space<vmem>>
      %dma_start3A_661 = tpu.memref_squeeze %dma_start3A_660 : memref<1x80xi32, #tpu.memory_space<vmem>> -> memref<80xi32, #tpu.memory_space<vmem>>
      %dma_start3A_662 = arith.constant 0 : i32
      %dma_start3A_663 = arith.constant 0 : i32
      %dma_start3A_664 = tpu.memref_slice %arg3[%dma_start3A_662, %dma_start3A_663] : memref<10240x64xf32, #tpu.memory_space<hbm>> -> memref<10240x64xf32, #tpu.memory_space<hbm>>
      tpu.enqueue_indirect_dma source(%dma_start3A_664 : memref<10240x64xf32, #tpu.memory_space<hbm>>) target(%arg12 : memref<80x64xf32, #tpu.memory_space<vmem>>) offsets(%dma_start3A_661 : memref<80xi32, #tpu.memory_space<vmem>>) semaphore(%arg17 : memref<!tpu.dma_semaphore, #tpu.memory_space<semaphore_mem>>)
      %dma_wait3A_665 = arith.constant 0 : i32
      %dma_wait3A_666 = tpu.memref_slice %arg8[%add3A_648, %dma_wait3A_665] : memref<125x80xi32, #tpu.memory_space<vmem>> -> memref<1x80xi32, #tpu.memory_space<vmem>>
      %dma_wait3A_667 = tpu.memref_squeeze %dma_wait3A_666 : memref<1x80xi32, #tpu.memory_space<vmem>> -> memref<80xi32, #tpu.memory_space<vmem>>
      %dma_wait3A_668 = arith.constant 0 : i32
      %dma_wait3A_669 = arith.constant 0 : i32
      %dma_wait3A_670 = tpu.memref_slice %arg3[%dma_wait3A_668, %dma_wait3A_669] : memref<10240x64xf32, #tpu.memory_space<hbm>> -> memref<10240x64xf32, #tpu.memory_space<hbm>>
      tpu.wait_indirect_dma semaphore(%arg18 : memref<!tpu.dma_semaphore, #tpu.memory_space<semaphore_mem>>) src(%dma_wait3A_670 : memref<10240x64xf32, #tpu.memory_space<hbm>>) dst(%arg13 : memref<80x64xf32, #tpu.memory_space<vmem>>)
      %dma_start3A_671 = arith.constant 0 : i32
      %dma_start3A_672 = tpu.memref_slice %arg9[%add3A_648, %dma_start3A_671] : memref<125x80xi32, #tpu.memory_space<vmem>> -> memref<1x80xi32, #tpu.memory_space<vmem>>
      %dma_start3A_673 = tpu.memref_squeeze %dma_start3A_672 : memref<1x80xi32, #tpu.memory_space<vmem>> -> memref<80xi32, #tpu.memory_space<vmem>>
      %dma_start3A_674 = arith.constant 0 : i32
      %dma_start3A_675 = arith.constant 0 : i32
      %dma_start3A_676 = tpu.memref_slice %arg14[%dma_start3A_674, %dma_start3A_675] : memref<10240x64xf32, #tpu.memory_space<vmem_shared>> -> memref<10240x64xf32, #tpu.memory_space<vmem_shared>>
      tpu.enqueue_indirect_dma source(%arg13 : memref<80x64xf32, #tpu.memory_space<vmem>>) target(%dma_start3A_676 : memref<10240x64xf32, #tpu.memory_space<vmem_shared>>) offsets(%dma_start3A_673 : memref<80xi32, #tpu.memory_space<vmem>>) semaphore(%arg22 : memref<!tpu.dma_semaphore, #tpu.memory_space<semaphore_mem>>) {add = true}
    }
    %scan3A_409 = arith.constant 29 : i32
    %dma_wait3A_410 = arith.constant 119 : i32
    %dma_wait3A_411 = arith.constant 0 : i32
    %dma_wait3A_412 = tpu.memref_slice %arg9[%dma_wait3A_410, %dma_wait3A_411] : memref<125x80xi32, #tpu.memory_space<vmem>> -> memref<1x80xi32, #tpu.memory_space<vmem>>
    %dma_wait3A_413 = tpu.memref_squeeze %dma_wait3A_412 : memref<1x80xi32, #tpu.memory_space<vmem>> -> memref<80xi32, #tpu.memory_space<vmem>>
    %dma_wait3A_414 = arith.constant 0 : i32
    %dma_wait3A_415 = arith.constant 0 : i32
    %dma_wait3A_416 = tpu.memref_slice %arg14[%dma_wait3A_414, %dma_wait3A_415] : memref<10240x64xf32, #tpu.memory_space<vmem_shared>> -> memref<10240x64xf32, #tpu.memory_space<vmem_shared>>
    tpu.wait_indirect_dma semaphore(%arg22 : memref<!tpu.dma_semaphore, #tpu.memory_space<semaphore_mem>>) src(%arg13 : memref<80x64xf32, #tpu.memory_space<vmem>>) dst(%dma_wait3A_416 : memref<10240x64xf32, #tpu.memory_space<vmem_shared>>)
    %dma_start3A_417 = arith.constant 123 : i32
    %dma_start3A_418 = arith.constant 0 : i32
    %dma_start3A_419 = tpu.memref_slice %arg8[%dma_start3A_417, %dma_start3A_418] : memref<125x80xi32, #tpu.memory_space<vmem>> -> memref<1x80xi32, #tpu.memory_space<vmem>>
    %dma_start3A_420 = tpu.memref_squeeze %dma_start3A_419 : memref<1x80xi32, #tpu.memory_space<vmem>> -> memref<80xi32, #tpu.memory_space<vmem>>
    %dma_start3A_421 = arith.constant 0 : i32
    %dma_start3A_422 = arith.constant 0 : i32
    %dma_start3A_423 = tpu.memref_slice %arg3[%dma_start3A_421, %dma_start3A_422] : memref<10240x64xf32, #tpu.memory_space<hbm>> -> memref<10240x64xf32, #tpu.memory_space<hbm>>
    tpu.enqueue_indirect_dma source(%dma_start3A_423 : memref<10240x64xf32, #tpu.memory_space<hbm>>) target(%arg13 : memref<80x64xf32, #tpu.memory_space<vmem>>) offsets(%dma_start3A_420 : memref<80xi32, #tpu.memory_space<vmem>>) semaphore(%arg18 : memref<!tpu.dma_semaphore, #tpu.memory_space<semaphore_mem>>)
    %dma_wait3A_424 = arith.constant 120 : i32
    %dma_wait3A_425 = arith.constant 0 : i32
    %dma_wait3A_426 = tpu.memref_slice %arg8[%dma_wait3A_424, %dma_wait3A_425] : memref<125x80xi32, #tpu.memory_space<vmem>> -> memref<1x80xi32, #tpu.memory_space<vmem>>
    %dma_wait3A_427 = tpu.memref_squeeze %dma_wait3A_426 : memref<1x80xi32, #tpu.memory_space<vmem>> -> memref<80xi32, #tpu.memory_space<vmem>>
    %dma_wait3A_428 = arith.constant 0 : i32
    %dma_wait3A_429 = arith.constant 0 : i32
    %dma_wait3A_430 = tpu.memref_slice %arg3[%dma_wait3A_428, %dma_wait3A_429] : memref<10240x64xf32, #tpu.memory_space<hbm>> -> memref<10240x64xf32, #tpu.memory_space<hbm>>
    tpu.wait_indirect_dma semaphore(%arg15 : memref<!tpu.dma_semaphore, #tpu.memory_space<semaphore_mem>>) src(%dma_wait3A_430 : memref<10240x64xf32, #tpu.memory_space<hbm>>) dst(%arg10 : memref<80x64xf32, #tpu.memory_space<vmem>>)
    %dma_start3A_431 = arith.constant 120 : i32
    %dma_start3A_432 = arith.constant 0 : i32
    %dma_start3A_433 = tpu.memref_slice %arg9[%dma_start3A_431, %dma_start3A_432] : memref<125x80xi32, #tpu.memory_space<vmem>> -> memref<1x80xi32, #tpu.memory_space<vmem>>
    %dma_start3A_434 = tpu.memref_squeeze %dma_start3A_433 : memref<1x80xi32, #tpu.memory_space<vmem>> -> memref<80xi32, #tpu.memory_space<vmem>>
    %dma_start3A_435 = arith.constant 0 : i32
    %dma_start3A_436 = arith.constant 0 : i32
    %dma_start3A_437 = tpu.memref_slice %arg14[%dma_start3A_435, %dma_start3A_436] : memref<10240x64xf32, #tpu.memory_space<vmem_shared>> -> memref<10240x64xf32, #tpu.memory_space<vmem_shared>>
    tpu.enqueue_indirect_dma source(%arg10 : memref<80x64xf32, #tpu.memory_space<vmem>>) target(%dma_start3A_437 : memref<10240x64xf32, #tpu.memory_space<vmem_shared>>) offsets(%dma_start3A_434 : memref<80xi32, #tpu.memory_space<vmem>>) semaphore(%arg19 : memref<!tpu.dma_semaphore, #tpu.memory_space<semaphore_mem>>) {add = true}
    %dma_wait3A_438 = arith.constant 120 : i32
    %dma_wait3A_439 = arith.constant 0 : i32
    %dma_wait3A_440 = tpu.memref_slice %arg9[%dma_wait3A_438, %dma_wait3A_439] : memref<125x80xi32, #tpu.memory_space<vmem>> -> memref<1x80xi32, #tpu.memory_space<vmem>>
    %dma_wait3A_441 = tpu.memref_squeeze %dma_wait3A_440 : memref<1x80xi32, #tpu.memory_space<vmem>> -> memref<80xi32, #tpu.memory_space<vmem>>
    %dma_wait3A_442 = arith.constant 0 : i32
    %dma_wait3A_443 = arith.constant 0 : i32
    %dma_wait3A_444 = tpu.memref_slice %arg14[%dma_wait3A_442, %dma_wait3A_443] : memref<10240x64xf32, #tpu.memory_space<vmem_shared>> -> memref<10240x64xf32, #tpu.memory_space<vmem_shared>>
    tpu.wait_indirect_dma semaphore(%arg19 : memref<!tpu.dma_semaphore, #tpu.memory_space<semaphore_mem>>) src(%arg10 : memref<80x64xf32, #tpu.memory_space<vmem>>) dst(%dma_wait3A_444 : memref<10240x64xf32, #tpu.memory_space<vmem_shared>>)
    %dma_start3A_445 = arith.constant 124 : i32
    %dma_start3A_446 = arith.constant 0 : i32
    %dma_start3A_447 = tpu.memref_slice %arg8[%dma_start3A_445, %dma_start3A_446] : memref<125x80xi32, #tpu.memory_space<vmem>> -> memref<1x80xi32, #tpu.memory_space<vmem>>
    %dma_start3A_448 = tpu.memref_squeeze %dma_start3A_447 : memref<1x80xi32, #tpu.memory_space<vmem>> -> memref<80xi32, #tpu.memory_space<vmem>>
    %dma_start3A_449 = arith.constant 0 : i32
    %dma_start3A_450 = arith.constant 0 : i32
    %dma_start3A_451 = tpu.memref_slice %arg3[%dma_start3A_449, %dma_start3A_450] : memref<10240x64xf32, #tpu.memory_space<hbm>> -> memref<10240x64xf32, #tpu.memory_space<hbm>>
    tpu.enqueue_indirect_dma source(%dma_start3A_451 : memref<10240x64xf32, #tpu.memory_space<hbm>>) target(%arg10 : memref<80x64xf32, #tpu.memory_space<vmem>>) offsets(%dma_start3A_448 : memref<80xi32, #tpu.memory_space<vmem>>) semaphore(%arg15 : memref<!tpu.dma_semaphore, #tpu.memory_space<semaphore_mem>>)
    %dma_wait3A_452 = arith.constant 121 : i32
    %dma_wait3A_453 = arith.constant 0 : i32
    %dma_wait3A_454 = tpu.memref_slice %arg8[%dma_wait3A_452, %dma_wait3A_453] : memref<125x80xi32, #tpu.memory_space<vmem>> -> memref<1x80xi32, #tpu.memory_space<vmem>>
    %dma_wait3A_455 = tpu.memref_squeeze %dma_wait3A_454 : memref<1x80xi32, #tpu.memory_space<vmem>> -> memref<80xi32, #tpu.memory_space<vmem>>
    %dma_wait3A_456 = arith.constant 0 : i32
    %dma_wait3A_457 = arith.constant 0 : i32
    %dma_wait3A_458 = tpu.memref_slice %arg3[%dma_wait3A_456, %dma_wait3A_457] : memref<10240x64xf32, #tpu.memory_space<hbm>> -> memref<10240x64xf32, #tpu.memory_space<hbm>>
    tpu.wait_indirect_dma semaphore(%arg16 : memref<!tpu.dma_semaphore, #tpu.memory_space<semaphore_mem>>) src(%dma_wait3A_458 : memref<10240x64xf32, #tpu.memory_space<hbm>>) dst(%arg11 : memref<80x64xf32, #tpu.memory_space<vmem>>)
    %dma_start3A_459 = arith.constant 121 : i32
    %dma_start3A_460 = arith.constant 0 : i32
    %dma_start3A_461 = tpu.memref_slice %arg9[%dma_start3A_459, %dma_start3A_460] : memref<125x80xi32, #tpu.memory_space<vmem>> -> memref<1x80xi32, #tpu.memory_space<vmem>>
    %dma_start3A_462 = tpu.memref_squeeze %dma_start3A_461 : memref<1x80xi32, #tpu.memory_space<vmem>> -> memref<80xi32, #tpu.memory_space<vmem>>
    %dma_start3A_463 = arith.constant 0 : i32
    %dma_start3A_464 = arith.constant 0 : i32
    %dma_start3A_465 = tpu.memref_slice %arg14[%dma_start3A_463, %dma_start3A_464] : memref<10240x64xf32, #tpu.memory_space<vmem_shared>> -> memref<10240x64xf32, #tpu.memory_space<vmem_shared>>
    tpu.enqueue_indirect_dma source(%arg11 : memref<80x64xf32, #tpu.memory_space<vmem>>) target(%dma_start3A_465 : memref<10240x64xf32, #tpu.memory_space<vmem_shared>>) offsets(%dma_start3A_462 : memref<80xi32, #tpu.memory_space<vmem>>) semaphore(%arg20 : memref<!tpu.dma_semaphore, #tpu.memory_space<semaphore_mem>>) {add = true}
    %dma_wait3A_466 = arith.constant 121 : i32
    %dma_wait3A_467 = arith.constant 0 : i32
    %dma_wait3A_468 = tpu.memref_slice %arg9[%dma_wait3A_466, %dma_wait3A_467] : memref<125x80xi32, #tpu.memory_space<vmem>> -> memref<1x80xi32, #tpu.memory_space<vmem>>
    %dma_wait3A_469 = tpu.memref_squeeze %dma_wait3A_468 : memref<1x80xi32, #tpu.memory_space<vmem>> -> memref<80xi32, #tpu.memory_space<vmem>>
    %dma_wait3A_470 = arith.constant 0 : i32
    %dma_wait3A_471 = arith.constant 0 : i32
    %dma_wait3A_472 = tpu.memref_slice %arg14[%dma_wait3A_470, %dma_wait3A_471] : memref<10240x64xf32, #tpu.memory_space<vmem_shared>> -> memref<10240x64xf32, #tpu.memory_space<vmem_shared>>
    tpu.wait_indirect_dma semaphore(%arg20 : memref<!tpu.dma_semaphore, #tpu.memory_space<semaphore_mem>>) src(%arg11 : memref<80x64xf32, #tpu.memory_space<vmem>>) dst(%dma_wait3A_472 : memref<10240x64xf32, #tpu.memory_space<vmem_shared>>)
    %dma_wait3A_473 = arith.constant 122 : i32
    %dma_wait3A_474 = arith.constant 0 : i32
    %dma_wait3A_475 = tpu.memref_slice %arg8[%dma_wait3A_473, %dma_wait3A_474] : memref<125x80xi32, #tpu.memory_space<vmem>> -> memref<1x80xi32, #tpu.memory_space<vmem>>
    %dma_wait3A_476 = tpu.memref_squeeze %dma_wait3A_475 : memref<1x80xi32, #tpu.memory_space<vmem>> -> memref<80xi32, #tpu.memory_space<vmem>>
    %dma_wait3A_477 = arith.constant 0 : i32
    %dma_wait3A_478 = arith.constant 0 : i32
    %dma_wait3A_479 = tpu.memref_slice %arg3[%dma_wait3A_477, %dma_wait3A_478] : memref<10240x64xf32, #tpu.memory_space<hbm>> -> memref<10240x64xf32, #tpu.memory_space<hbm>>
    tpu.wait_indirect_dma semaphore(%arg17 : memref<!tpu.dma_semaphore, #tpu.memory_space<semaphore_mem>>) src(%dma_wait3A_479 : memref<10240x64xf32, #tpu.memory_space<hbm>>) dst(%arg12 : memref<80x64xf32, #tpu.memory_space<vmem>>)
    %dma_start3A_480 = arith.constant 122 : i32
    %dma_start3A_481 = arith.constant 0 : i32
    %dma_start3A_482 = tpu.memref_slice %arg9[%dma_start3A_480, %dma_start3A_481] : memref<125x80xi32, #tpu.memory_space<vmem>> -> memref<1x80xi32, #tpu.memory_space<vmem>>
    %dma_start3A_483 = tpu.memref_squeeze %dma_start3A_482 : memref<1x80xi32, #tpu.memory_space<vmem>> -> memref<80xi32, #tpu.memory_space<vmem>>
    %dma_start3A_484 = arith.constant 0 : i32
    %dma_start3A_485 = arith.constant 0 : i32
    %dma_start3A_486 = tpu.memref_slice %arg14[%dma_start3A_484, %dma_start3A_485] : memref<10240x64xf32, #tpu.memory_space<vmem_shared>> -> memref<10240x64xf32, #tpu.memory_space<vmem_shared>>
    tpu.enqueue_indirect_dma source(%arg12 : memref<80x64xf32, #tpu.memory_space<vmem>>) target(%dma_start3A_486 : memref<10240x64xf32, #tpu.memory_space<vmem_shared>>) offsets(%dma_start3A_483 : memref<80xi32, #tpu.memory_space<vmem>>) semaphore(%arg21 : memref<!tpu.dma_semaphore, #tpu.memory_space<semaphore_mem>>) {add = true}
    %dma_wait3A_487 = arith.constant 122 : i32
    %dma_wait3A_488 = arith.constant 0 : i32
    %dma_wait3A_489 = tpu.memref_slice %arg9[%dma_wait3A_487, %dma_wait3A_488] : memref<125x80xi32, #tpu.memory_space<vmem>> -> memref<1x80xi32, #tpu.memory_space<vmem>>
    %dma_wait3A_490 = tpu.memref_squeeze %dma_wait3A_489 : memref<1x80xi32, #tpu.memory_space<vmem>> -> memref<80xi32, #tpu.memory_space<vmem>>
    %dma_wait3A_491 = arith.constant 0 : i32
    %dma_wait3A_492 = arith.constant 0 : i32
    %dma_wait3A_493 = tpu.memref_slice %arg14[%dma_wait3A_491, %dma_wait3A_492] : memref<10240x64xf32, #tpu.memory_space<vmem_shared>> -> memref<10240x64xf32, #tpu.memory_space<vmem_shared>>
    tpu.wait_indirect_dma semaphore(%arg21 : memref<!tpu.dma_semaphore, #tpu.memory_space<semaphore_mem>>) src(%arg12 : memref<80x64xf32, #tpu.memory_space<vmem>>) dst(%dma_wait3A_493 : memref<10240x64xf32, #tpu.memory_space<vmem_shared>>)
    %dma_wait3A_494 = arith.constant 123 : i32
    %dma_wait3A_495 = arith.constant 0 : i32
    %dma_wait3A_496 = tpu.memref_slice %arg8[%dma_wait3A_494, %dma_wait3A_495] : memref<125x80xi32, #tpu.memory_space<vmem>> -> memref<1x80xi32, #tpu.memory_space<vmem>>
    %dma_wait3A_497 = tpu.memref_squeeze %dma_wait3A_496 : memref<1x80xi32, #tpu.memory_space<vmem>> -> memref<80xi32, #tpu.memory_space<vmem>>
    %dma_wait3A_498 = arith.constant 0 : i32
    %dma_wait3A_499 = arith.constant 0 : i32
    %dma_wait3A_500 = tpu.memref_slice %arg3[%dma_wait3A_498, %dma_wait3A_499] : memref<10240x64xf32, #tpu.memory_space<hbm>> -> memref<10240x64xf32, #tpu.memory_space<hbm>>
    tpu.wait_indirect_dma semaphore(%arg18 : memref<!tpu.dma_semaphore, #tpu.memory_space<semaphore_mem>>) src(%dma_wait3A_500 : memref<10240x64xf32, #tpu.memory_space<hbm>>) dst(%arg13 : memref<80x64xf32, #tpu.memory_space<vmem>>)
    %dma_start3A_501 = arith.constant 123 : i32
    %dma_start3A_502 = arith.constant 0 : i32
    %dma_start3A_503 = tpu.memref_slice %arg9[%dma_start3A_501, %dma_start3A_502] : memref<125x80xi32, #tpu.memory_space<vmem>> -> memref<1x80xi32, #tpu.memory_space<vmem>>
    %dma_start3A_504 = tpu.memref_squeeze %dma_start3A_503 : memref<1x80xi32, #tpu.memory_space<vmem>> -> memref<80xi32, #tpu.memory_space<vmem>>
    %dma_start3A_505 = arith.constant 0 : i32
    %dma_start3A_506 = arith.constant 0 : i32
    %dma_start3A_507 = tpu.memref_slice %arg14[%dma_start3A_505, %dma_start3A_506] : memref<10240x64xf32, #tpu.memory_space<vmem_shared>> -> memref<10240x64xf32, #tpu.memory_space<vmem_shared>>
    tpu.enqueue_indirect_dma source(%arg13 : memref<80x64xf32, #tpu.memory_space<vmem>>) target(%dma_start3A_507 : memref<10240x64xf32, #tpu.memory_space<vmem_shared>>) offsets(%dma_start3A_504 : memref<80xi32, #tpu.memory_space<vmem>>) semaphore(%arg22 : memref<!tpu.dma_semaphore, #tpu.memory_space<semaphore_mem>>) {add = true}
    %dma_wait3A_508 = arith.constant 124 : i32
    %dma_wait3A_509 = arith.constant 0 : i32
    %dma_wait3A_510 = tpu.memref_slice %arg8[%dma_wait3A_508, %dma_wait3A_509] : memref<125x80xi32, #tpu.memory_space<vmem>> -> memref<1x80xi32, #tpu.memory_space<vmem>>
    %dma_wait3A_511 = tpu.memref_squeeze %dma_wait3A_510 : memref<1x80xi32, #tpu.memory_space<vmem>> -> memref<80xi32, #tpu.memory_space<vmem>>
    %dma_wait3A_512 = arith.constant 0 : i32
    %dma_wait3A_513 = arith.constant 0 : i32
    %dma_wait3A_514 = tpu.memref_slice %arg3[%dma_wait3A_512, %dma_wait3A_513] : memref<10240x64xf32, #tpu.memory_space<hbm>> -> memref<10240x64xf32, #tpu.memory_space<hbm>>
    tpu.wait_indirect_dma semaphore(%arg15 : memref<!tpu.dma_semaphore, #tpu.memory_space<semaphore_mem>>) src(%dma_wait3A_514 : memref<10240x64xf32, #tpu.memory_space<hbm>>) dst(%arg10 : memref<80x64xf32, #tpu.memory_space<vmem>>)
    %dma_start3A_515 = arith.constant 124 : i32
    %dma_start3A_516 = arith.constant 0 : i32
    %dma_start3A_517 = tpu.memref_slice %arg9[%dma_start3A_515, %dma_start3A_516] : memref<125x80xi32, #tpu.memory_space<vmem>> -> memref<1x80xi32, #tpu.memory_space<vmem>>
    %dma_start3A_518 = tpu.memref_squeeze %dma_start3A_517 : memref<1x80xi32, #tpu.memory_space<vmem>> -> memref<80xi32, #tpu.memory_space<vmem>>
    %dma_start3A_519 = arith.constant 0 : i32
    %dma_start3A_520 = arith.constant 0 : i32
    %dma_start3A_521 = tpu.memref_slice %arg14[%dma_start3A_519, %dma_start3A_520] : memref<10240x64xf32, #tpu.memory_space<vmem_shared>> -> memref<10240x64xf32, #tpu.memory_space<vmem_shared>>
    tpu.enqueue_indirect_dma source(%arg10 : memref<80x64xf32, #tpu.memory_space<vmem>>) target(%dma_start3A_521 : memref<10240x64xf32, #tpu.memory_space<vmem_shared>>) offsets(%dma_start3A_518 : memref<80xi32, #tpu.memory_space<vmem>>) semaphore(%arg19 : memref<!tpu.dma_semaphore, #tpu.memory_space<semaphore_mem>>) {add = true}
    %dma_wait3A_522 = arith.constant 123 : i32
    %dma_wait3A_523 = arith.constant 0 : i32
    %dma_wait3A_524 = tpu.memref_slice %arg9[%dma_wait3A_522, %dma_wait3A_523] : memref<125x80xi32, #tpu.memory_space<vmem>> -> memref<1x80xi32, #tpu.memory_space<vmem>>
    %dma_wait3A_525 = tpu.memref_squeeze %dma_wait3A_524 : memref<1x80xi32, #tpu.memory_space<vmem>> -> memref<80xi32, #tpu.memory_space<vmem>>
    %dma_wait3A_526 = arith.constant 0 : i32
    %dma_wait3A_527 = arith.constant 0 : i32
    %dma_wait3A_528 = tpu.memref_slice %arg14[%dma_wait3A_526, %dma_wait3A_527] : memref<10240x64xf32, #tpu.memory_space<vmem_shared>> -> memref<10240x64xf32, #tpu.memory_space<vmem_shared>>
    tpu.wait_indirect_dma semaphore(%arg22 : memref<!tpu.dma_semaphore, #tpu.memory_space<semaphore_mem>>) src(%arg13 : memref<80x64xf32, #tpu.memory_space<vmem>>) dst(%dma_wait3A_528 : memref<10240x64xf32, #tpu.memory_space<vmem_shared>>)
    %dma_wait3A_529 = arith.constant 124 : i32
    %dma_wait3A_530 = arith.constant 0 : i32
    %dma_wait3A_531 = tpu.memref_slice %arg9[%dma_wait3A_529, %dma_wait3A_530] : memref<125x80xi32, #tpu.memory_space<vmem>> -> memref<1x80xi32, #tpu.memory_space<vmem>>
    %dma_wait3A_532 = tpu.memref_squeeze %dma_wait3A_531 : memref<1x80xi32, #tpu.memory_space<vmem>> -> memref<80xi32, #tpu.memory_space<vmem>>
    %dma_wait3A_533 = arith.constant 0 : i32
    %dma_wait3A_534 = arith.constant 0 : i32
    %dma_wait3A_535 = tpu.memref_slice %arg14[%dma_wait3A_533, %dma_wait3A_534] : memref<10240x64xf32, #tpu.memory_space<vmem_shared>> -> memref<10240x64xf32, #tpu.memory_space<vmem_shared>>
    tpu.wait_indirect_dma semaphore(%arg19 : memref<!tpu.dma_semaphore, #tpu.memory_space<semaphore_mem>>) src(%arg10 : memref<80x64xf32, #tpu.memory_space<vmem>>) dst(%dma_wait3A_535 : memref<10240x64xf32, #tpu.memory_space<vmem_shared>>)
    %barrier3A_536 = arith.constant 0 : index
    tpu.barrier barrier_id(%barrier3A_536)
    %mul3A_537 = arith.constant 640 : i32
    %mul3A_538 = arith.muli %arg1, %mul3A_537 : i32
    %mul3A_539 = arith.constant 2 : i32
    %mul3A_540 = arith.muli %arg0, %mul3A_539 : i32
    %add3A_541 = arith.constant 1 : i32
    %add3A_542 = arith.addi %mul3A_540, %add3A_541 : i32
    %mul3A_543 = arith.constant 10240 : i32
    %mul3A_544 = arith.muli %add3A_542, %mul3A_543 : i32
    %mul3A_545 = arith.constant 640 : i32
    %mul3A_546 = arith.muli %arg1, %mul3A_545 : i32
    %add3A_547 = arith.addi %mul3A_544, %mul3A_546 : i32
    "tpu.region"() ({
      %run_scoped3A = tpu.sem_alloc : memref<!tpu.dma_semaphore, #tpu.memory_space<semaphore_mem>>
      %dma_start3A_549 = arith.constant 0 : i32
      %dma_start3A_550 = tpu.memref_slice %arg7[%add3A_547, %dma_start3A_549] : memref<40960x64xf32, #tpu.memory_space<hbm>> -> memref<640x64xf32, #tpu.memory_space<hbm>>
      %dma_start3A_551 = arith.constant 0 : i32
      %dma_start3A_552 = tpu.memref_slice %arg14[%mul3A_538, %dma_start3A_551] : memref<10240x64xf32, #tpu.memory_space<vmem_shared>> -> memref<640x64xf32, #tpu.memory_space<vmem_shared>>
      tpu.enqueue_dma source(%dma_start3A_552 : memref<640x64xf32, #tpu.memory_space<vmem_shared>>) target(%dma_start3A_550 : memref<640x64xf32, #tpu.memory_space<hbm>>) target_semaphore(%run_scoped3A : memref<!tpu.dma_semaphore, #tpu.memory_space<semaphore_mem>>)
      %dma_wait3A_553 = arith.constant 0 : i32
      %dma_wait3A_554 = tpu.memref_slice %arg7[%add3A_547, %dma_wait3A_553] : memref<40960x64xf32, #tpu.memory_space<hbm>> -> memref<640x64xf32, #tpu.memory_space<hbm>>
      %dma_wait3A_555 = arith.constant 0 : i32
      %dma_wait3A_556 = tpu.memref_slice %arg14[%mul3A_538, %dma_wait3A_555] : memref<10240x64xf32, #tpu.memory_space<vmem_shared>> -> memref<640x64xf32, #tpu.memory_space<vmem_shared>>
      tpu.wait_dma2 semaphore(%run_scoped3A : memref<!tpu.dma_semaphore, #tpu.memory_space<semaphore_mem>>) src(%dma_wait3A_556 : memref<640x64xf32, #tpu.memory_space<vmem_shared>>) dst(%dma_wait3A_554 : memref<640x64xf32, #tpu.memory_space<hbm>>)
      tpu.yield
    }) : () -> ()
    %barrier3A_548 = arith.constant 0 : index
    tpu.barrier barrier_id(%barrier3A_548)
    return
  }
}

module attributes {stable_mosaic.version = 14 : i64} {
  func.func @body(%arg0: i32, %arg1: memref<2x1024x16xf32, #tpu.memory_space<vmem>>, %arg2: memref<1024x16xf32, #tpu.memory_space<vmem>>) attributes {dimension_semantics = [#tpu.dimension_semantics<arbitrary>], iteration_bounds = array<i64: 10>, scalar_prefetch = 0 : i64, scratch_operands = 0 : i64, tpu.core_type = #tpu.core_type<tc>, window_params = [{transform_indices = @transform_0, window_bounds = array<i64: 2, 1024, 16>}, {transform_indices = @transform_1, window_bounds = array<i64: 1024, 16>}]} {
    %get3A = arith.constant 0 : index
    %get3A_0 = arith.constant 0 : index
    %get3A_1 = arith.constant 0 : index
    %get3A_2 = vector.load %arg1[%get3A, %get3A_0, %get3A_1] : memref<2x1024x16xf32, #tpu.memory_space<vmem>>, vector<1x1024x1xf32>
    %get3A_3 = vector.shape_cast %get3A_2 : vector<1x1024x1xf32> to vector<1024x1xf32>
    %get3A_4 = arith.constant 1 : index
    %get3A_5 = arith.constant 0 : index
    %get3A_6 = arith.constant 0 : index
    %get3A_7 = vector.load %arg1[%get3A_4, %get3A_5, %get3A_6] : memref<2x1024x16xf32, #tpu.memory_space<vmem>>, vector<1x1024x1xf32>
    %get3A_8 = vector.shape_cast %get3A_7 : vector<1x1024x1xf32> to vector<1024x1xf32>
    %add3A = arith.addf %get3A_3, %get3A_8 : vector<1024x1xf32>
    %gt3A = arith.constant 0.000000e+00 : f32
    %gt3A_9 = vector.broadcast %gt3A : f32 to vector<1024x1xf32>
    %gt3A_10 = arith.cmpf ogt, %add3A, %gt3A_9 : vector<1024x1xf32>
    %max3A = arith.constant 1.000000e-30 : f32
    %max3A_11 = vector.broadcast %max3A : f32 to vector<1024x1xf32>
    %max3A_12 = arith.maximumf %add3A, %max3A_11 : vector<1024x1xf32>
    %rsqrt3A = math.rsqrt %max3A_12 : vector<1024x1xf32>
    %jit3A = arith.constant 0.000000e+00 : f32
    %broadcast_in_dim3A = vector.broadcast %jit3A : f32 to vector<1024x1xf32>
    %select_n3A = arith.select %gt3A_10, %rsqrt3A, %broadcast_in_dim3A : vector<1024x1xi1>, vector<1024x1xf32>
    %broadcast_in_dim3A_13 = vector.shape_cast %select_n3A : vector<1024x1xf32> to vector<1024x1xf32>
    %broadcast_in_dim3A_14 = vector.broadcast %broadcast_in_dim3A_13 : vector<1024x1xf32> to vector<1024x16xf32>
    %swap3A = arith.constant 0 : index
    %swap3A_15 = arith.constant 0 : index
    %swap3A_16 = vector.load %arg2[%swap3A, %swap3A_15] : memref<1024x16xf32, #tpu.memory_space<vmem>>, vector<1024x16xf32>
    tpu.vector_store %arg2[%swap3A, %swap3A_15], %broadcast_in_dim3A_14 {strides = array<i32>} : memref<1024x16xf32, #tpu.memory_space<vmem>>, vector<1024x16xf32>,
    return
  }
  func.func @transform_0(%arg0: i32) -> (i32, i32, i32) {
    %c0_i32 = arith.constant 0 : i32
    %c0_i32_0 = arith.constant 0 : i32
    %c0_i32_1 = arith.constant 0 : i32
    return %c0_i32, %arg0, %c0_i32_0 : i32, i32, i32
  }
  func.func @transform_1(%arg0: i32) -> (i32, i32) {
    %c0_i32 = arith.constant 0 : i32
    %c0_i32_0 = arith.constant 0 : i32
    return %arg0, %c0_i32 : i32, i32
  }
}

module attributes {stable_mosaic.version = 14 : i64} {
  func.func @body(%arg0: i32, %arg1: memref<1024x16xf32, #tpu.memory_space<vmem>>, %arg2: memref<1024x128xf32, #tpu.memory_space<vmem>>, %arg3: memref<128x128xf32, #tpu.memory_space<vmem>>, %arg4: memref<1024x64xf32, #tpu.memory_space<vmem>>, %arg5: memref<1024x64xf32, #tpu.memory_space<vmem>>, %arg6: memref<1024x128xf32, #tpu.memory_space<vmem>>) attributes {dimension_semantics = [#tpu.dimension_semantics<arbitrary>], iteration_bounds = array<i64: 10>, scalar_prefetch = 0 : i64, scratch_operands = 0 : i64, tpu.core_type = #tpu.core_type<tc>, window_params = [{transform_indices = @transform_0, window_bounds = array<i64: 1024, 16>}, {transform_indices = @transform_1, window_bounds = array<i64: 1024, 128>}, {pipeline_mode = #tpu.pipeline_mode<synchronous>, transform_indices = @transform_2, window_bounds = array<i64: 128, 128>}, {transform_indices = @transform_3, window_bounds = array<i64: 1024, 64>}, {transform_indices = @transform_4, window_bounds = array<i64: 1024, 64>}, {transform_indices = @transform_5, window_bounds = array<i64: 1024, 128>}]} {
    %get3A = arith.constant 0 : index
    %get3A_0 = arith.constant 0 : index
    %get3A_1 = vector.load %arg1[%get3A, %get3A_0] : memref<1024x16xf32, #tpu.memory_space<vmem>>, vector<1024x1xf32>
    %get3A_2 = arith.constant 0 : index
    %get3A_3 = arith.constant 0 : index
    %get3A_4 = vector.load %arg2[%get3A_2, %get3A_3] : memref<1024x128xf32, #tpu.memory_space<vmem>>, vector<1024x128xf32>
    %mul3A = vector.broadcast %get3A_1 : vector<1024x1xf32> to vector<1024x128xf32>
    %mul3A_5 = arith.mulf %mul3A, %get3A_4 : vector<1024x128xf32>
    %slice3A = vector.extract_strided_slice %mul3A_5 {offsets = [0, 0], sizes = [1024, 64], strides = [1, 1]} : vector<1024x128xf32> to vector<1024x64xf32>
    %swap3A = arith.constant 0 : index
    %swap3A_6 = arith.constant 0 : index
    %swap3A_7 = vector.load %arg4[%swap3A, %swap3A_6] : memref<1024x64xf32, #tpu.memory_space<vmem>>, vector<1024x64xf32>
    tpu.vector_store %arg4[%swap3A, %swap3A_6], %slice3A {strides = array<i32>} : memref<1024x64xf32, #tpu.memory_space<vmem>>, vector<1024x64xf32>,
    %slice3A_8 = vector.extract_strided_slice %mul3A_5 {offsets = [0, 64], sizes = [1024, 64], strides = [1, 1]} : vector<1024x128xf32> to vector<1024x64xf32>
    %swap3A_9 = arith.constant 0 : index
    %swap3A_10 = arith.constant 0 : index
    %swap3A_11 = vector.load %arg5[%swap3A_9, %swap3A_10] : memref<1024x64xf32, #tpu.memory_space<vmem>>, vector<1024x64xf32>
    tpu.vector_store %arg5[%swap3A_9, %swap3A_10], %slice3A_8 {strides = array<i32>} : memref<1024x64xf32, #tpu.memory_space<vmem>>, vector<1024x64xf32>,
    %get3A_12 = arith.constant 0 : index
    %get3A_13 = arith.constant 0 : index
    %get3A_14 = vector.load %arg3[%get3A_12, %get3A_13] : memref<128x128xf32, #tpu.memory_space<vmem>>, vector<128x128xf32>
    %dot_general3A = arith.constant dense<0.000000e+00> : vector<1024x128xf32>
    %dot_general3A_15 = tpu.matmul %get3A_4, %get3A_14, %dot_general3A {dimension_numbers = #tpu.dot_dimension_numbers<[1], [0], [0], [1], [0, 0, 1, 1], [], []>, transpose_lhs_hint = false} : vector<1024x128xf32>, vector<128x128xf32>, vector<1024x128xf32> -> vector<1024x128xf32>
    %swap3A_16 = arith.constant 0 : index
    %swap3A_17 = arith.constant 0 : index
    %swap3A_18 = vector.load %arg6[%swap3A_16, %swap3A_17] : memref<1024x128xf32, #tpu.memory_space<vmem>>, vector<1024x128xf32>
    tpu.vector_store %arg6[%swap3A_16, %swap3A_17], %dot_general3A_15 {strides = array<i32>} : memref<1024x128xf32, #tpu.memory_space<vmem>>, vector<1024x128xf32>,
    return
  }
  func.func @transform_0(%arg0: i32) -> (i32, i32) {
    %c0_i32 = arith.constant 0 : i32
    %c0_i32_0 = arith.constant 0 : i32
    return %arg0, %c0_i32 : i32, i32
  }
  func.func @transform_1(%arg0: i32) -> (i32, i32) {
    %c0_i32 = arith.constant 0 : i32
    %c0_i32_0 = arith.constant 0 : i32
    return %arg0, %c0_i32 : i32, i32
  }
  func.func @transform_2(%arg0: i32) -> (i32, i32) {
    %c0_i32 = arith.constant 0 : i32
    %c0_i32_0 = arith.constant 0 : i32
    %c0_i32_1 = arith.constant 0 : i32
    return %c0_i32, %c0_i32_0 : i32, i32
  }
  func.func @transform_3(%arg0: i32) -> (i32, i32) {
    %c0_i32 = arith.constant 0 : i32
    %c0_i32_0 = arith.constant 0 : i32
    return %arg0, %c0_i32 : i32, i32
  }
  func.func @transform_4(%arg0: i32) -> (i32, i32) {
    %c0_i32 = arith.constant 0 : i32
    %c0_i32_0 = arith.constant 0 : i32
    return %arg0, %c0_i32 : i32, i32
  }
  func.func @transform_5(%arg0: i32) -> (i32, i32) {
    %c0_i32 = arith.constant 0 : i32
    %c0_i32_0 = arith.constant 0 : i32
    return %arg0, %c0_i32 : i32, i32
  }
}

module attributes {stable_mosaic.version = 14 : i64} {
  func.func @body(%arg0: i32, %arg1: memref<2x2x1024x64xf32, #tpu.memory_space<vmem>>, %arg2: memref<1024x16xf32, #tpu.memory_space<vmem>>, %arg3: memref<128x128xf32, #tpu.memory_space<vmem>>, %arg4: memref<1024x128xf32, #tpu.memory_space<vmem>>, %arg5: memref<1024x64xf32, #tpu.memory_space<vmem>>, %arg6: memref<1024x64xf32, #tpu.memory_space<vmem>>, %arg7: memref<1024x128xf32, #tpu.memory_space<vmem>>) attributes {dimension_semantics = [#tpu.dimension_semantics<arbitrary>], iteration_bounds = array<i64: 10>, scalar_prefetch = 0 : i64, scratch_operands = 0 : i64, tpu.core_type = #tpu.core_type<tc>, window_params = [{transform_indices = @transform_0, window_bounds = array<i64: 2, 2, 1024, 64>}, {transform_indices = @transform_1, window_bounds = array<i64: 1024, 16>}, {pipeline_mode = #tpu.pipeline_mode<synchronous>, transform_indices = @transform_2, window_bounds = array<i64: 128, 128>}, {transform_indices = @transform_3, window_bounds = array<i64: 1024, 128>}, {transform_indices = @transform_4, window_bounds = array<i64: 1024, 64>}, {transform_indices = @transform_5, window_bounds = array<i64: 1024, 64>}, {transform_indices = @transform_6, window_bounds = array<i64: 1024, 128>}]} {
    %get3A = arith.constant 0 : index
    %get3A_0 = arith.constant 0 : index
    %get3A_1 = vector.load %arg2[%get3A, %get3A_0] : memref<1024x16xf32, #tpu.memory_space<vmem>>, vector<1024x1xf32>
    %neg3A = arith.constant 0.000000e+00 : f32
    %neg3A_2 = vector.broadcast %neg3A : f32 to vector<1024x1xf32>
    %neg3A_3 = arith.subf %neg3A_2, %get3A_1 : vector<1024x1xf32>
    %get3A_4 = arith.constant 0 : index
    %get3A_5 = arith.constant 0 : index
    %get3A_6 = arith.constant 0 : index
    %get3A_7 = arith.constant 0 : index
    %get3A_8 = vector.load %arg1[%get3A_4, %get3A_5, %get3A_6, %get3A_7] : memref<2x2x1024x64xf32, #tpu.memory_space<vmem>>, vector<1x1x1024x64xf32>
    %get3A_9 = vector.shape_cast %get3A_8 : vector<1x1x1024x64xf32> to vector<1024x64xf32>
    %get3A_10 = arith.constant 1 : index
    %get3A_11 = arith.constant 0 : index
    %get3A_12 = arith.constant 0 : index
    %get3A_13 = arith.constant 0 : index
    %get3A_14 = vector.load %arg1[%get3A_10, %get3A_11, %get3A_12, %get3A_13] : memref<2x2x1024x64xf32, #tpu.memory_space<vmem>>, vector<1x1x1024x64xf32>
    %get3A_15 = vector.shape_cast %get3A_14 : vector<1x1x1024x64xf32> to vector<1024x64xf32>
    %add3A = arith.addf %get3A_9, %get3A_15 : vector<1024x64xf32>
    %get3A_16 = arith.constant 0 : index
    %get3A_17 = arith.constant 1 : index
    %get3A_18 = arith.constant 0 : index
    %get3A_19 = arith.constant 0 : index
    %get3A_20 = vector.load %arg1[%get3A_16, %get3A_17, %get3A_18, %get3A_19] : memref<2x2x1024x64xf32, #tpu.memory_space<vmem>>, vector<1x1x1024x64xf32>
    %get3A_21 = vector.shape_cast %get3A_20 : vector<1x1x1024x64xf32> to vector<1024x64xf32>
    %get3A_22 = arith.constant 1 : index
    %get3A_23 = arith.constant 1 : index
    %get3A_24 = arith.constant 0 : index
    %get3A_25 = arith.constant 0 : index
    %get3A_26 = vector.load %arg1[%get3A_22, %get3A_23, %get3A_24, %get3A_25] : memref<2x2x1024x64xf32, #tpu.memory_space<vmem>>, vector<1x1x1024x64xf32>
    %get3A_27 = vector.shape_cast %get3A_26 : vector<1x1x1024x64xf32> to vector<1024x64xf32>
    %add3A_28 = arith.addf %get3A_21, %get3A_27 : vector<1024x64xf32>
    %concatenate3A = tpu.concatenate %add3A, %add3A_28 in 1 : vector<1024x64xf32>, vector<1024x64xf32> -> vector<1024x128xf32>
    %mul3A = vector.broadcast %neg3A_3 : vector<1024x1xf32> to vector<1024x128xf32>
    %mul3A_29 = arith.mulf %mul3A, %concatenate3A : vector<1024x128xf32>
    %mul3A_30 = vector.broadcast %get3A_1 : vector<1024x1xf32> to vector<1024x128xf32>
    %mul3A_31 = arith.mulf %mul3A_30, %mul3A_29 : vector<1024x128xf32>
    %slice3A = vector.extract_strided_slice %mul3A_31 {offsets = [0, 0], sizes = [1024, 64], strides = [1, 1]} : vector<1024x128xf32> to vector<1024x64xf32>
    %swap3A = arith.constant 0 : index
    %swap3A_32 = arith.constant 0 : index
    %swap3A_33 = vector.load %arg5[%swap3A, %swap3A_32] : memref<1024x64xf32, #tpu.memory_space<vmem>>, vector<1024x64xf32>
    tpu.vector_store %arg5[%swap3A, %swap3A_32], %slice3A {strides = array<i32>} : memref<1024x64xf32, #tpu.memory_space<vmem>>, vector<1024x64xf32>,
    %slice3A_34 = vector.extract_strided_slice %mul3A_31 {offsets = [0, 64], sizes = [1024, 64], strides = [1, 1]} : vector<1024x128xf32> to vector<1024x64xf32>
    %swap3A_35 = arith.constant 0 : index
    %swap3A_36 = arith.constant 0 : index
    %swap3A_37 = vector.load %arg6[%swap3A_35, %swap3A_36] : memref<1024x64xf32, #tpu.memory_space<vmem>>, vector<1024x64xf32>
    tpu.vector_store %arg6[%swap3A_35, %swap3A_36], %slice3A_34 {strides = array<i32>} : memref<1024x64xf32, #tpu.memory_space<vmem>>, vector<1024x64xf32>,
    %get3A_38 = arith.constant 0 : index
    %get3A_39 = arith.constant 0 : index
    %get3A_40 = vector.load %arg4[%get3A_38, %get3A_39] : memref<1024x128xf32, #tpu.memory_space<vmem>>, vector<1024x128xf32>
    %get3A_41 = arith.constant 0 : index
    %get3A_42 = arith.constant 0 : index
    %get3A_43 = vector.load %arg3[%get3A_41, %get3A_42] : memref<128x128xf32, #tpu.memory_space<vmem>>, vector<128x128xf32>
    %dot_general3A = arith.constant dense<0.000000e+00> : vector<1024x128xf32>
    %dot_general3A_44 = tpu.matmul %mul3A_29, %get3A_43, %dot_general3A {dimension_numbers = #tpu.dot_dimension_numbers<[1], [0], [0], [1], [0, 0, 1, 1], [], []>, transpose_lhs_hint = false} : vector<1024x128xf32>, vector<128x128xf32>, vector<1024x128xf32> -> vector<1024x128xf32>
    %add3A_45 = arith.addf %get3A_40, %dot_general3A_44 : vector<1024x128xf32>
    %swap3A_46 = arith.constant 0 : index
    %swap3A_47 = arith.constant 0 : index
    %swap3A_48 = vector.load %arg7[%swap3A_46, %swap3A_47] : memref<1024x128xf32, #tpu.memory_space<vmem>>, vector<1024x128xf32>
    tpu.vector_store %arg7[%swap3A_46, %swap3A_47], %add3A_45 {strides = array<i32>} : memref<1024x128xf32, #tpu.memory_space<vmem>>, vector<1024x128xf32>,
    return
  }
  func.func @transform_0(%arg0: i32) -> (i32, i32, i32, i32) {
    %c0_i32 = arith.constant 0 : i32
    %c0_i32_0 = arith.constant 0 : i32
    %c0_i32_1 = arith.constant 0 : i32
    %c0_i32_2 = arith.constant 0 : i32
    return %c0_i32, %c0_i32_0, %arg0, %c0_i32_1 : i32, i32, i32, i32
  }
  func.func @transform_1(%arg0: i32) -> (i32, i32) {
    %c0_i32 = arith.constant 0 : i32
    %c0_i32_0 = arith.constant 0 : i32
    return %arg0, %c0_i32 : i32, i32
  }
  func.func @transform_2(%arg0: i32) -> (i32, i32) {
    %c0_i32 = arith.constant 0 : i32
    %c0_i32_0 = arith.constant 0 : i32
    %c0_i32_1 = arith.constant 0 : i32
    return %c0_i32, %c0_i32_0 : i32, i32
  }
  func.func @transform_3(%arg0: i32) -> (i32, i32) {
    %c0_i32 = arith.constant 0 : i32
    %c0_i32_0 = arith.constant 0 : i32
    return %arg0, %c0_i32 : i32, i32
  }
  func.func @transform_4(%arg0: i32) -> (i32, i32) {
    %c0_i32 = arith.constant 0 : i32
    %c0_i32_0 = arith.constant 0 : i32
    return %arg0, %c0_i32 : i32, i32
  }
  func.func @transform_5(%arg0: i32) -> (i32, i32) {
    %c0_i32 = arith.constant 0 : i32
    %c0_i32_0 = arith.constant 0 : i32
    return %arg0, %c0_i32 : i32, i32
  }
  func.func @transform_6(%arg0: i32) -> (i32, i32) {
    %c0_i32 = arith.constant 0 : i32
    %c0_i32_0 = arith.constant 0 : i32
    return %arg0, %c0_i32 : i32, i32
  }
}

module attributes {stable_mosaic.version = 14 : i64} {
  func.func @body(%arg0: i32, %arg1: memref<2x2x1024x64xf32, #tpu.memory_space<vmem>>, %arg2: memref<1024x16xf32, #tpu.memory_space<vmem>>, %arg3: memref<1024x128xf32, #tpu.memory_space<vmem>>, %arg4: memref<1024x128xf32, #tpu.memory_space<vmem>>, %arg5: memref<128x128xf32, #tpu.memory_space<vmem>>, %arg6: memref<1x128xf32, #tpu.memory_space<vmem>>, %arg7: memref<1x128xf32, #tpu.memory_space<vmem>>, %arg8: memref<1024x128xf32, #tpu.memory_space<vmem>>) attributes {dimension_semantics = [#tpu.dimension_semantics<arbitrary>], iteration_bounds = array<i64: 10>, scalar_prefetch = 0 : i64, scratch_operands = 0 : i64, tpu.core_type = #tpu.core_type<tc>, window_params = [{transform_indices = @transform_0, window_bounds = array<i64: 2, 2, 1024, 64>}, {transform_indices = @transform_1, window_bounds = array<i64: 1024, 16>}, {transform_indices = @transform_2, window_bounds = array<i64: 1024, 128>}, {transform_indices = @transform_3, window_bounds = array<i64: 1024, 128>}, {pipeline_mode = #tpu.pipeline_mode<synchronous>, transform_indices = @transform_4, window_bounds = array<i64: 128, 128>}, {pipeline_mode = #tpu.pipeline_mode<synchronous>, transform_indices = @transform_5, window_bounds = array<i64: 1, 128>}, {pipeline_mode = #tpu.pipeline_mode<synchronous>, transform_indices = @transform_6, window_bounds = array<i64: 1, 128>}, {transform_indices = @transform_7, window_bounds = array<i64: 1024, 128>}]} {
    %get3A = arith.constant 0 : index
    %get3A_0 = arith.constant 0 : index
    %get3A_1 = vector.load %arg2[%get3A, %get3A_0] : memref<1024x16xf32, #tpu.memory_space<vmem>>, vector<1024x1xf32>
    %mul3A = arith.constant -2.000000e+00 : f32
    %mul3A_2 = vector.broadcast %mul3A : f32 to vector<1024x1xf32>
    %mul3A_3 = arith.mulf %mul3A_2, %get3A_1 : vector<1024x1xf32>
    %get3A_4 = arith.constant 0 : index
    %get3A_5 = arith.constant 0 : index
    %get3A_6 = arith.constant 0 : index
    %get3A_7 = arith.constant 0 : index
    %get3A_8 = vector.load %arg1[%get3A_4, %get3A_5, %get3A_6, %get3A_7] : memref<2x2x1024x64xf32, #tpu.memory_space<vmem>>, vector<1x1x1024x64xf32>
    %get3A_9 = vector.shape_cast %get3A_8 : vector<1x1x1024x64xf32> to vector<1024x64xf32>
    %get3A_10 = arith.constant 1 : index
    %get3A_11 = arith.constant 0 : index
    %get3A_12 = arith.constant 0 : index
    %get3A_13 = arith.constant 0 : index
    %get3A_14 = vector.load %arg1[%get3A_10, %get3A_11, %get3A_12, %get3A_13] : memref<2x2x1024x64xf32, #tpu.memory_space<vmem>>, vector<1x1x1024x64xf32>
    %get3A_15 = vector.shape_cast %get3A_14 : vector<1x1x1024x64xf32> to vector<1024x64xf32>
    %add3A = arith.addf %get3A_9, %get3A_15 : vector<1024x64xf32>
    %get3A_16 = arith.constant 0 : index
    %get3A_17 = arith.constant 1 : index
    %get3A_18 = arith.constant 0 : index
    %get3A_19 = arith.constant 0 : index
    %get3A_20 = vector.load %arg1[%get3A_16, %get3A_17, %get3A_18, %get3A_19] : memref<2x2x1024x64xf32, #tpu.memory_space<vmem>>, vector<1x1x1024x64xf32>
    %get3A_21 = vector.shape_cast %get3A_20 : vector<1x1x1024x64xf32> to vector<1024x64xf32>
    %get3A_22 = arith.constant 1 : index
    %get3A_23 = arith.constant 1 : index
    %get3A_24 = arith.constant 0 : index
    %get3A_25 = arith.constant 0 : index
    %get3A_26 = vector.load %arg1[%get3A_22, %get3A_23, %get3A_24, %get3A_25] : memref<2x2x1024x64xf32, #tpu.memory_space<vmem>>, vector<1x1x1024x64xf32>
    %get3A_27 = vector.shape_cast %get3A_26 : vector<1x1x1024x64xf32> to vector<1024x64xf32>
    %add3A_28 = arith.addf %get3A_21, %get3A_27 : vector<1024x64xf32>
    %concatenate3A = tpu.concatenate %add3A, %add3A_28 in 1 : vector<1024x64xf32>, vector<1024x64xf32> -> vector<1024x128xf32>
    %mul3A_29 = vector.broadcast %mul3A_3 : vector<1024x1xf32> to vector<1024x128xf32>
    %mul3A_30 = arith.mulf %mul3A_29, %concatenate3A : vector<1024x128xf32>
    %get3A_31 = arith.constant 0 : index
    %get3A_32 = arith.constant 0 : index
    %get3A_33 = vector.load %arg3[%get3A_31, %get3A_32] : memref<1024x128xf32, #tpu.memory_space<vmem>>, vector<1024x128xf32>
    %sub3A = arith.subf %mul3A_30, %get3A_33 : vector<1024x128xf32>
    %get3A_34 = arith.constant 0 : index
    %get3A_35 = arith.constant 0 : index
    %get3A_36 = vector.load %arg4[%get3A_34, %get3A_35] : memref<1024x128xf32, #tpu.memory_space<vmem>>, vector<1024x128xf32>
    %get3A_37 = arith.constant 0 : index
    %get3A_38 = arith.constant 0 : index
    %get3A_39 = vector.load %arg5[%get3A_37, %get3A_38] : memref<128x128xf32, #tpu.memory_space<vmem>>, vector<128x128xf32>
    %dot_general3A = arith.constant dense<0.000000e+00> : vector<1024x128xf32>
    %dot_general3A_40 = tpu.matmul %sub3A, %get3A_39, %dot_general3A {dimension_numbers = #tpu.dot_dimension_numbers<[1], [0], [0], [1], [0, 0, 1, 1], [], []>, transpose_lhs_hint = false} : vector<1024x128xf32>, vector<128x128xf32>, vector<1024x128xf32> -> vector<1024x128xf32>
    %add3A_41 = arith.addf %get3A_36, %dot_general3A_40 : vector<1024x128xf32>
    %get3A_42 = arith.constant 0 : index
    %get3A_43 = arith.constant 0 : index
    %get3A_44 = vector.load %arg6[%get3A_42, %get3A_43] : memref<1x128xf32, #tpu.memory_space<vmem>>, vector<1x128xf32>
    %add3A_45 = vector.broadcast %get3A_44 : vector<1x128xf32> to vector<1024x128xf32>
    %add3A_46 = arith.addf %add3A_41, %add3A_45 : vector<1024x128xf32>
    %get3A_47 = arith.constant 0 : index
    %get3A_48 = arith.constant 0 : index
    %get3A_49 = vector.load %arg7[%get3A_47, %get3A_48] : memref<1x128xf32, #tpu.memory_space<vmem>>, vector<1x128xf32>
    %gt3A = arith.constant 0.000000e+00 : f32
    %gt3A_50 = vector.broadcast %gt3A : f32 to vector<1x128xf32>
    %gt3A_51 = arith.cmpf ogt, %get3A_49, %gt3A_50 : vector<1x128xf32>
    %max3A = arith.constant 0.000000e+00 : f32
    %max3A_52 = vector.broadcast %max3A : f32 to vector<1024x128xf32>
    %max3A_53 = arith.maximumf %add3A_46, %max3A_52 : vector<1024x128xf32>
    %broadcast_in_dim3A = vector.shape_cast %gt3A_51 : vector<1x128xi1> to vector<1x128xi1>
    %broadcast_in_dim3A_54 = vector.broadcast %broadcast_in_dim3A : vector<1x128xi1> to vector<1024x128xi1>
    %select_n3A = arith.select %broadcast_in_dim3A_54, %max3A_53, %add3A_46 : vector<1024x128xi1>, vector<1024x128xf32>
    %swap3A = arith.constant 0 : index
    %swap3A_55 = arith.constant 0 : index
    %swap3A_56 = vector.load %arg8[%swap3A, %swap3A_55] : memref<1024x128xf32, #tpu.memory_space<vmem>>, vector<1024x128xf32>
    tpu.vector_store %arg8[%swap3A, %swap3A_55], %select_n3A {strides = array<i32>} : memref<1024x128xf32, #tpu.memory_space<vmem>>, vector<1024x128xf32>,
    return
  }
  func.func @transform_0(%arg0: i32) -> (i32, i32, i32, i32) {
    %c0_i32 = arith.constant 0 : i32
    %c0_i32_0 = arith.constant 0 : i32
    %c0_i32_1 = arith.constant 0 : i32
    %c0_i32_2 = arith.constant 0 : i32
    return %c0_i32, %c0_i32_0, %arg0, %c0_i32_1 : i32, i32, i32, i32
  }
  func.func @transform_1(%arg0: i32) -> (i32, i32) {
    %c0_i32 = arith.constant 0 : i32
    %c0_i32_0 = arith.constant 0 : i32
    return %arg0, %c0_i32 : i32, i32
  }
  func.func @transform_2(%arg0: i32) -> (i32, i32) {
    %c0_i32 = arith.constant 0 : i32
    %c0_i32_0 = arith.constant 0 : i32
    return %arg0, %c0_i32 : i32, i32
  }
  func.func @transform_3(%arg0: i32) -> (i32, i32) {
    %c0_i32 = arith.constant 0 : i32
    %c0_i32_0 = arith.constant 0 : i32
    return %arg0, %c0_i32 : i32, i32
  }
  func.func @transform_4(%arg0: i32) -> (i32, i32) {
    %c0_i32 = arith.constant 0 : i32
    %c0_i32_0 = arith.constant 0 : i32
    %c0_i32_1 = arith.constant 0 : i32
    return %c0_i32, %c0_i32_0 : i32, i32
  }
  func.func @transform_5(%arg0: i32) -> (i32, i32) {
    %c0_i32 = arith.constant 0 : i32
    %c0_i32_0 = arith.constant 0 : i32
    %c0_i32_1 = arith.constant 0 : i32
    return %c0_i32, %c0_i32_0 : i32, i32
  }
  func.func @transform_6(%arg0: i32) -> (i32, i32) {
    %c0_i32 = arith.constant 0 : i32
    %c0_i32_0 = arith.constant 0 : i32
    %c0_i32_1 = arith.constant 0 : i32
    return %c0_i32, %c0_i32_0 : i32, i32
  }
  func.func @transform_7(%arg0: i32) -> (i32, i32) {
    %c0_i32 = arith.constant 0 : i32
    %c0_i32_0 = arith.constant 0 : i32
    return %arg0, %c0_i32 : i32, i32
  }
}

</mosaic_0001>

<sc_bundles>
// kernel: closed_call.23.cloned.1.call-start
scs
__scs_entry_jumppad:
0x0: {  	(pc) =	sbr.rel $0x88, $3  }
0x1: {  	(tag) =	ssettag $0x0;
	lr =	simm.s32 $0x1  }
0x2: {  	[smem:$0x3F9B] =	sst lr;
	_ =	strace $0xD0000000  }
0x3: {  	_ = 	snop  }
0x4: {  	_ = 	snop  }
0x5: {  	_ = 	snop  }
0x6: {  	_ = 	snop  }
0x7: {  	_ = 	snop  }
__scs_overlays_trampoline_lowered:
0x8: {  	[smem:$0x3FAA] =	sst s0  }
0x9: {  	[smem:$0x3FAB] =	sst s1  }
0xa: {  	[smem:$0x3FAC] =	sst s2  }
0xb: {  	[smem:$0x3FAD] =	sst s3  }
0xc: {  	[smem:$0x3FAE] =	sst s4  }
0xd: {  	[smem:$0x3FAF] =	sst s5  }
0xe: {  	[smem:$0x3FB0] =	sst s6  }
0xf: {  	[smem:$0x3FB1] =	sst s7  }
0x10: {  	[smem:$0x3FB2] =	sst s8  }
0x11: {  	[smem:$0x3FB3] =	sst s9;
	s0 =	simm.s32 @!p0 $0x0  }
0x12: {  	s1 =	sld [smem:$0x3F99];
	s0 =	simm.s32 @p0 $0x1  }
0x13: {  	[smem:$0x3FB4] =	sst s0;
	s0 =	simm.s32 @!p1 $0x0  }
0x14: {  	s2 =	sld [smem:$0x3F98];
	s0 =	simm.s32 @p1 $0x1  }
0x15: {  	[smem:$0x3FB5] =	sst s0;
	s0 =	simm.s32 @!p2 $0x0  }
0x16: {  	s3 =	sld [smem:$0x3FDB];
	s0 =	simm.s32 @p2 $0x1  }
0x17: {  	s4 =	simm.s32 $0x1BF5;
	[smem:$0x3FB7] =	sst s0  }
0x18: {  	s0 =	sld [smem:$0x3F9A];
	_ =	swait.ge [sflag:s4], $0x0  }
0x19: {  	s7 =	sld [smem:$0x3F9B]  }
0x1a: {  	s8 =	sadd.s32 $0xFFFFE003, lr  }
0x1b: {  	s9 =	sadd.s32 $0xFFFFFEF7, lr;
	s5 =	simm.s32 $0xFFFFFFFF;
	p2 =	slt.u32 s8, $0xFFFFF086  }
0x1c: {  	p1 =	slt.u32 s9, $0xF7A;
	s5 =	simm.s32 @!p2 $0x0  }
0x1d: {  	s5 =	simm.s32 @p1 $0x1;
	p0 =	seq.s32 s7, s2  }
0x1e: {  	s7 =	smul.u32 @!p0 $0xF7A, s2;
	p2 =	seq.s32 @!p0 s5, $0x0  }
0x1f: {  	s9 =	smul.u32 $0xF7A, s1;
	s8 =	simm.s32 @!p0 $0x1BF5;
	p2 =	por !p2, p0  }
0x20: {  	[sflag:s8] =	ssyncset.s32 @!p0 $0xFFFFF086;
	s6 =	sadd.s32 @!p0 s3, s7;
	s7 =	simm.s32 @!p0 $0x108  }
0x21: {  	s3 =	sadd.s32 s3, s9;
	s6 =	sadd.s32 @!p0 $0x88, s6;
	s7 =	simm.s32 @p2 $0x1082  }
0x22: {  	[simem:s7], [sflag:s8] =	dma.local @!p0 [hbm:s6], $0xF7A  }
0x23: {  	s9 =	sor.u32 $0xD0000000, s2;
	s6 =	simm.s32 $0x108;
	_ =	swait.ge @!p0 [sflag:s8], $0x0  }
0x24: {  	s3 =	sadd.s32 $0x88, s3;
	s6 =	simm.s32 @!p1 $0x1082;
	[sflag:s4] =	ssyncset.s32 $0xFFFFF086  }
0x25: {  	[simem:s6], [sflag:s4] =	dma.local [hbm:s3], $0xF7A  }
0x26: {  	[smem:$0x3F9B] =	sst s1;
	(tag) =	ssettag s2;
	_ =	strace s9  }
0x27: {  	s1 =	sld [smem:$0x3FAB]  }
0x28: {  	s2 =	sld [smem:$0x3FAC]  }
0x29: {  	s4 =	sld [smem:$0x3FAE]  }
0x2a: {  	p0 =	seq.s32 s5, $0x0;
	s5 =	sld [smem:$0x3FAF]  }
0x2b: {  	s6 =	sld [smem:$0x3FB0]  }
0x2c: {  	s7 =	sld [smem:$0x3FB1]  }
0x2d: {  	s3 =	simm.s32 $0x108;
	s8 =	sld [smem:$0x3FB2]  }
0x2e: {  	s3 =	simm.s32 @!p0 $0x1082;
	s9 =	sld [smem:$0x3FB3]  }
0x2f: {  	lr =	sadd.s32 s0, s3;
	s0 =	sld [smem:$0x3FAA]  }
0x30: {  	s3 =	sld [smem:$0x3FAD]  }
0x31: {  	[smem:$0x3FB6] =	sst s10  }
0x32: {  	s10 =	sld [smem:$0x3FB4];
	_ =	sdelay $0x3  }
0x33: {  	p0 =	seq.s32 s10, $0x1;
	s10 =	sld [smem:$0x3FB6];
	_ =	sdelay $0x3  }
0x34: {  	[smem:$0x3FB6] =	sst s10  }
0x35: {  	s10 =	sld [smem:$0x3FB5];
	_ =	sdelay $0x3  }
0x36: {  	p1 =	seq.s32 s10, $0x1;
	s10 =	sld [smem:$0x3FB6];
	_ =	sdelay $0x3  }
0x37: {  	[smem:$0x3FB6] =	sst s10  }
0x38: {  	s10 =	sld [smem:$0x3FB7]  }
0x39: {  	_ = 	snop;
	(pc) =	sbr.ind lr, $3  }
0x3a: {  	_ = 	snop  }
0x3b: {  	_ = 	snop  }
0x3c: {  	p2 =	seq.s32 s10, $0x1;
	s10 =	sld [smem:$0x3FB6]  }
0x3d: {  	_ =	shalt  }
0x3e: {  	_ =	shalt  }
0x3f: {  	_ =	shalt  }
0x40: {  	_ =	shalt  }
0x41: {  	_ =	shalt  }
0x42: {  	_ =	shalt  }
0x43: {  	_ =	shalt  }
0x44: {  	_ =	shalt  }
0x45: {  	_ =	shalt  }
0x46: {  	_ =	shalt  }
0x47: {  	_ =	shalt  }
0x48: {  	_ =	shalt  }
0x49: {  	_ =	shalt  }
0x4a: {  	_ =	shalt  }
0x4b: {  	_ =	shalt  }
0x4c: {  	_ =	shalt  }
0x4d: {  	_ =	shalt  }
0x4e: {  	_ =	shalt  }
0x4f: {  	_ =	shalt  }
0x50: {  	_ =	shalt  }
0x51: {  	_ =	shalt  }
0x52: {  	_ =	shalt  }
0x53: {  	_ =	shalt  }
0x54: {  	_ =	shalt  }
0x55: {  	_ =	shalt  }
0x56: {  	_ =	shalt  }
0x57: {  	_ =	shalt  }
0x58: {  	_ =	shalt  }
0x59: {  	_ =	shalt  }
0x5a: {  	_ =	shalt  }
0x5b: {  	_ =	shalt  }
0x5c: {  	_ =	shalt  }
0x5d: {  	_ =	shalt  }
0x5e: {  	_ =	shalt  }
0x5f: {  	_ =	shalt  }
0x60: {  	_ =	shalt  }
0x61: {  	_ =	shalt  }
0x62: {  	_ =	shalt  }
0x63: {  	_ =	shalt  }
0x64: {  	_ =	shalt  }
0x65: {  	_ =	shalt  }
0x66: {  	_ =	shalt  }
0x67: {  	_ =	shalt  }
0x68: {  	_ =	shalt  }
0x69: {  	_ =	shalt  }
0x6a: {  	_ =	shalt  }
0x6b: {  	_ =	shalt  }
0x6c: {  	_ =	shalt  }
0x6d: {  	_ =	shalt  }
0x6e: {  	_ =	shalt  }
0x6f: {  	_ =	shalt  }
0x70: {  	_ =	shalt  }
0x71: {  	_ =	shalt  }
0x72: {  	_ =	shalt  }
0x73: {  	_ =	shalt  }
0x74: {  	_ =	shalt  }
0x75: {  	_ =	shalt  }
0x76: {  	_ =	shalt  }
0x77: {  	_ =	shalt  }
0x78: {  	_ =	shalt  }
0x79: {  	_ =	shalt  }
0x7a: {  	_ =	shalt  }
0x7b: {  	_ =	shalt  }
0x7c: {  	_ =	shalt  }
0x7d: {  	_ =	shalt  }
0x7e: {  	_ =	shalt  }
0x7f: {  	_ =	shalt  }
0x80: {  	_ =	shalt  }
0x81: {  	_ =	shalt  }
0x82: {  	_ =	shalt  }
0x83: {  	_ =	shalt  }
0x84: {  	_ =	shalt  }
0x85: {  	_ =	shalt  }
0x86: {  	_ =	shalt  }
0x87: {  	_ =	shalt  }
.Lfunc_end0:
.L_simem_size_0:
called_computation_lowered:
.L_overlay_start_0:
0x88: {  	s2 =	sld [smem:$0x3FD9]  }
0x89: {  	s3 =	sld [smem:$0x3FFE];
	_ =	sdelay $0x1  }
0x8a: {  	s1 =	srdreg.scid  }
0x8b: {  	s0 =	sand.u32 $0x1, s1  }
0x8c: {  	s17 =	sshll.u32 s0, $0xA;
	s2 =	sadd.s32 s3, s2  }
0x8d: {  	s2 =	sadd.s32 s2, s17  }
0x8e: {  	[smem:$0x3FC2] =	sst s2  }
0x8f: {  	_ = 	snop  }
0x90: {  	s2 =	sld [smem:$0x3FD0];
	(tm) =	ssettm $0x1  }
0x91: {  	s18 =	sld [smem:$0x3FFB];
	_ =	sdelay $0x3  }
0x92: {  	_ =	strace s18  }
0x93: {  	s3 =	sld [smem:$0x3FFC];
	_ =	sdelay $0x3  }
0x94: {  	_ =	strace s3  }
0x95: {  	s3 =	sld [smem:$0x3FFD];
	_ =	sdelay $0x3  }
0x96: {  	_ =	strace s3  }
0x97: {  	_ =	strace $0x8FFFFFFF  }
0x98: {  	s19 =	sld [smem:$0x3FDB];
	_ =	sdelay $0x1  }
0x99: {  	s4 =	simm.s32 $_scs_section_size  }
0x9a: {  	s5 =	simm.s32 $_size__tile_overlayer_lowered;
	s6 =	simm.s32 $_tile_overlayer_lowered  }
0x9b: {  	s22 =	simm.s32 $0x1BFF;
	s21 =	sshll.u32 s6, $0x1;
	s3 =	sadd.s32 s4, s19  }
0x9c: {  	s7 =	simm.s32 $0x0;
	s20 =	sshll.u32 s5, $0x1;
	s5 =	sadd.s32 s21, s3  }
0x9d: {  	[timem:s7], [sflag:s22] =	dma.local [hbm:s5], s20  }
0x9e: {  	_ =	swait.ge [sflag:s22], s20  }
0x9f: {  	s4 =	ssub.s32 $0x0, s20;
	[sflag:s22] =	ssyncset.done $0x0  }
0xa0: {  	[sflag:s22] =	ssyncadd.s32 s4;
	_ =	sdelay $0x1  }
0xa1: {  	s23 =	simm.s32 $0x1B8B  }
0xa2: {  	_ =	swait.ge [sflag:s23], $0x1  }
0xa3: {  	[sflag:s23] =	ssyncset.done $0x0  }
0xa4: {  	s25 =	simm.s32 $0x1B8E;
	s24 =	sld [smem:$0x3FFE];
	[sflag:s23] =	ssyncadd.s32 $0xFFFFFFFF  }
0xa5: {  	s26 =	simm.s32 $execute0_lowered;
	[smem:$0x3FD2] =	sst s25  }
0xa6: {  	s5 =	sshll.u32 s26, $0x1;
	_ =	strace $0x80000049;
	[dreg:$0x1] =	wrdreg $0xFFFFFFFF  }
0xa7: {  	s28 =	simm.s32 $_size_execute0_lowered;
	s3 =	sadd.s32 s3, s5;
	[dreg:$0x0] =	wrdreg $0x0  }
0xa8: {  	s5 =	sshll.u32 s28, $0x1;
	[dreg:$0x2] =	wrdreg s3  }
0xa9: {  	[dreg:$0x3] =	wrdreg s5  }
0xaa: {  	[dreg:$0x4] =	wrdreg $0xC0  }
0xab: {  	_ =	task [dreg:s7], $0x5FFFF  }
0xac: {  	[dreg:$0x1] =	wrdreg $0xFFFFFFFF  }
0xad: {  	[dreg:$0x0] =	wrdreg $0x60  }
0xae: {  	[dreg:$0x2] =	wrdreg s2  }
0xaf: {  	[dreg:$0x3] =	wrdreg s24  }
0xb0: {  	[dreg:$0x4] =	wrdreg $0x9E200  }
0xb1: {  	[dreg:$0x5] =	wrdreg $0x9  }
0xb2: {  	_ =	task.clear_ibuf [dreg:s7], $0x6FFFF;
	_ =	strace $0x90000049  }
0xb3: {  	s29 =	simm.s32 $0x9;
	_ =	strace $0x8000004B  }
0xb4: {  	_ =	swait.ge [sflag:s29], $0x1  }
0xb5: {  	[sflag:s29] =	ssyncadd.s32 $0xFFFFFFFF  }
0xb6: {  	_ =	strace $0x9000004B  }
0xb7: {  	_ =	sfence  }
0xb8: {  	s30 =	sld [smem:$0x0];
	_ =	sdelay $0x2  }
0xb9: {  	s31 =	sshll.u32 s1, $0xD;
	s1 =	sshrl.u32 s1, $0x2  }
0xba: {  	s3 =	sand.u32 $0x4000, s31;
	s1 =	sadd.s32 s1, s30  }
0xbb: {  	s0 =	sor.u32 s3, s0;
	s1 =	sshll.u32 s1, $0x11  }
0xbc: {  	s0 =	sor.u32 s1, s0  }
0xbd: {  	s0 =	sadd.s32 $0x8F2B, s0  }
0xbe: {  	[sflag:s0] =	ssyncadd.remote.s32 $0x1  }
0xbf: {  	_ =	sfence.sel $0xFFFF  }
0xc0: {  	[dreg:$0x0] =	wrdreg $0xFFFFFFFF;
	(pc) =	sbr.abs _section_cstart, $3  }
0xc1: {  	[dreg:$0x1] =	wrdreg $0xFFFFFFFF  }
0xc2: {  	_ =	task.clear_ibuf [dreg:s7], $0x2FFFF;
	_ =	strace $0x9FFFFFFF  }
0xc3: {  	(tm) =	ssettm $0x7FFFFFFF  }
tec
execute0_lowered:
.L_overlay_start_1:
0x0: {  	(tag) =	ssettag $0x1  }
0x1: {  	s1 =	rddreg [dreg:$0x0]  }
0x2: {  	s0 =	srdreg.scid;
	s7 =	rddreg [dreg:$0x1]  }
0x3: {  	s10 =	stileid.u32;
	s3 =	rddreg [dreg:$0x2];
	s4 =	simm.s32 $0x0  }
0x4: {  	s12 =	simm.s32 $0x9;
	s13 =	simm.s32 $0x2710;
	s16 =	simm.s32 $0x50  }
0x5: {  	s17 =	simm.s32 $0x4E20;
	s18 =	simm.s32 $0x6220;
	s20 =	simm.s32 $0x7620  }
0x6: {  	s29 =	simm.s32 $0x6;
	s31 =	simm.s32 $0x3;
	s28 =	simm.s32 $0x4D30  }
0x7: {  	s30 =	simm.s32 $0x4D80;
	s0 =	sand.u32 $0x1, s0;
	s6 =	smul.u32 $0x280, s10  }
0x8: {  	[smem:$0x7FF] =	sst s4;
	s5 =	sadd.s32 $0x5E400, s7;
	s9 =	smul.u32 $0x28000, s10  }
0x9: {  	s26 =	sshll.u32 s10, $0x6;
	s2 =	sshll.u32 s0, $0x4;
	s8 =	smul.u32 $0x5000, s0  }
0xa: {  	_ =	strace $0x8000004A;
	s0 =	ssub.s32 $0x2, s0;
	s14 =	sor.u32 $0x1C09, s26  }
0xb: {  	s26 =	simm.s32 $0x2;
	s2 =	sor.u32 s10, s2;
	s21 =	sshrl.u32 s0, $0x1  }
0xc: {  	s23 =	sshrl.u32 s9, $0x2;
	s10 =	simm.s32 $0x8;
	s2 =	smul.u32 $0x4E2, s2  }
0xd: {  	s6 =	sadd.s32 s6, s8;
	s0 =	ssub.s32 s0, s21;
	s24 =	sadd.s32 s23, s3  }
0xe: {  	s23 =	simm.s32 $0x1;
	s21 =	simm.s32 $0x26C0;
	s8 =	sshll.u32 s6, $0x3  }
0xf: {  	s6 =	sadd.s32 $0x72400, s7;
	s0 =	smax.u32 s0, $0x1;
	s2 =	sadd.s32 s2, s7  }
0x10: {  	s15 =	sshrl.u32 s24, $0x3;
	[dreg:$0x8] =	wrdreg s0;
	s22 =	sadd.s32 $0x2A00, s2  }
0x11: {  	s7 =	sadd.s32 s8, s7;
	s2 =	sadd.s32 $0x2C400, s2;
	[dreg:$0x4] =	wrdreg s22  }
0x12: {  	s24 =	simm.s32 $0x5;
	s25 =	sadd.s32 $0x73800, s7;
	[dreg:$0x5] =	wrdreg s2  }
0x13: {  	s0 =	simm.s32 $0x7;
	s7 =	sadd.s32 $0x87800, s7;
	[dreg:$0x6] =	wrdreg s25  }
0x14: {  	s8 =	simm.s32 $0x4;
	[dreg:$0x7] =	wrdreg s7;
	s22 =	simm.s32 $0x8A20  }
0x15: {  	s25 =	simm.s32 $0x4CE0;
	s2 =	simm.s32 $0x4DD0;
	s7 =	simm.s32 $0x0  }
.LBB2_1:
0x16: {  	s9 =	rddreg [dreg:$0x4]  }
0x17: {  	[tilespmem:s4], [sflag:$0x9] =	stream.linear.gather [hbm4b:s9+s4], $0x2710, $0x38;
	[tilespmem:$0x13E20] =	vst v63  }
0x18: {  	_ =	swait.ge [sflag:s12], $0x2710  }
0x19: {  	[sflag:s12] =	ssyncset.done $0x0  }
0x1a: {  	s11 =	rddreg [dreg:$0x5];
	[sflag:s12] =	ssyncadd.s32 $0xFFFFD8F0  }
0x1b: {  	[tilespmem:s13], [sflag:$0x9] =	stream.linear.gather [hbm4b:s11+s4], $0x2710, $0x38;
	[tilespmem:$0x13E20] =	vst v63  }
0x1c: {  	_ =	swait.ge [sflag:s12], $0x2710  }
0x1d: {  	[sflag:s12] =	ssyncset.done $0x0  }
0x1e: {  	[sflag:s12] =	ssyncadd.s32 $0xFFFFD8F0  }
0x1f: {  	[spmem:s15], [sflag:s14] =	dma.local [hbm:s6], $0x1400  }
0x20: {  	_ =	swait.ge [sflag:s12], $0x1400  }
0x21: {  	[sflag:s12] =	ssyncset.done $0x0  }
0x22: {  	[sflag:s12] =	ssyncadd.s32 $0xFFFFEC00  }
0x23: {  	[bflag:$0x0] =	sbarrier.arrive $0xFFFF  }
0x24: {  	[tilespmem:s17], [sflag:$0x1] =	stream.indirect.gather [hbm4b:s1+s16], $0x40, s4, s16, $0xb8;
	[tilespmem:$0x13E20] =	vst v63  }
0x25: {  	_ = 	snop  }
0x26: {  	[tilespmem:s18], [sflag:$0x2] =	stream.indirect.gather [hbm4b:s1+s16], $0x40, s16, s16, $0xb8;
	[tilespmem:$0x13E20] =	vst v63  }
0x27: {  	s19 =	simm.s32 $0xA0  }
0x28: {  	[tilespmem:s20], [sflag:$0x3] =	stream.indirect.gather [hbm4b:s1+s16], $0x40, s19, s16, $0xb8;
	[tilespmem:$0x13E20] =	vst v63  }
0x29: {  	s11 =	simm.s32 $0xF0  }
0x2a: {  	[tilespmem:s22], [sflag:$0x4] =	stream.indirect.gather [hbm4b:s1+s16], $0x40, s11, s16, $0xb8;
	[tilespmem:$0x13E20] =	vst v63  }
0x2b: {  	_ =	swait.ge [sflag:s23], $0x1400  }
0x2c: {  	[sflag:s23] =	ssyncset.done $0x0  }
0x2d: {  	[sflag:s23] =	ssyncadd.s32 $0xFFFFEC00  }
0x2e: {  	[spmem:s3] =	stream.indirect.scatter.add.f32 [tilespmem:s17], [sflag:$0x5], $0x40, s13, s16, $0xb8;
	[tilespmem:$0x13E20] =	vst v63  }
0x2f: {  	_ =	swait.ge [sflag:s24], $0x1400  }
0x30: {  	[sflag:s24] =	ssyncset.done $0x0  }
0x31: {  	s19 =	simm.s32 $0x140;
	[sflag:s24] =	ssyncadd.s32 $0xFFFFEC00  }
0x32: {  	[tilespmem:s17], [sflag:$0x1] =	stream.indirect.gather [hbm4b:s1+s16], $0x40, s19, s16, $0xb8;
	[tilespmem:$0x13E20] =	vst v63  }
0x33: {  	_ =	swait.ge [sflag:s26], $0x1400  }
0x34: {  	[sflag:s26] =	ssyncset.done $0x0  }
0x35: {  	s11 =	simm.s32 $0x2760;
	[sflag:s26] =	ssyncadd.s32 $0xFFFFEC00  }
0x36: {  	[spmem:s3] =	stream.indirect.scatter.add.f32 [tilespmem:s18], [sflag:$0x6], $0x40, s11, s16, $0xb8;
	[tilespmem:$0x13E20] =	vst v63  }
0x37: {  	_ =	swait.ge [sflag:s29], $0x1400  }
0x38: {  	[sflag:s29] =	ssyncset.done $0x0  }
0x39: {  	s19 =	simm.s32 $0x190;
	[sflag:s29] =	ssyncadd.s32 $0xFFFFEC00  }
0x3a: {  	[tilespmem:s18], [sflag:$0x2] =	stream.indirect.gather [hbm4b:s1+s16], $0x40, s19, s16, $0xb8;
	[tilespmem:$0x13E20] =	vst v63  }
0x3b: {  	_ =	swait.ge [sflag:s31], $0x1400  }
0x3c: {  	[sflag:s31] =	ssyncset.done $0x0  }
0x3d: {  	s11 =	simm.s32 $0x27B0;
	[sflag:s31] =	ssyncadd.s32 $0xFFFFEC00  }
0x3e: {  	[spmem:s3] =	stream.indirect.scatter.add.f32 [tilespmem:s20], [sflag:$0x7], $0x40, s11, s16, $0xb8;
	[tilespmem:$0x13E20] =	vst v63  }
0x3f: {  	_ =	swait.ge [sflag:s0], $0x1400  }
0x40: {  	[sflag:s0] =	ssyncset.done $0x0  }
0x41: {  	s19 =	simm.s32 $0x1E0;
	[sflag:s0] =	ssyncadd.s32 $0xFFFFEC00  }
0x42: {  	[tilespmem:s20], [sflag:$0x3] =	stream.indirect.gather [hbm4b:s1+s16], $0x40, s19, s16, $0xb8;
	[tilespmem:$0x13E20] =	vst v63  }
0x43: {  	_ =	swait.ge [sflag:s8], $0x1400  }
0x44: {  	[sflag:s8] =	ssyncset.done $0x0  }
0x45: {  	s11 =	simm.s32 $0x2800;
	[sflag:s8] =	ssyncadd.s32 $0xFFFFEC00  }
0x46: {  	[spmem:s3] =	stream.indirect.scatter.add.f32 [tilespmem:s22], [sflag:$0x8], $0x40, s11, s16, $0xb8;
	[tilespmem:$0x13E20] =	vst v63  }
0x47: {  	_ =	swait.ge [sflag:s10], $0x1400  }
0x48: {  	[sflag:s10] =	ssyncset.done $0x0  }
0x49: {  	s19 =	simm.s32 $0x230;
	[sflag:s10] =	ssyncadd.s32 $0xFFFFEC00  }
0x4a: {  	[tilespmem:s22], [sflag:$0x4] =	stream.indirect.gather [hbm4b:s1+s16], $0x40, s19, s16, $0xb8;
	[tilespmem:$0x13E20] =	vst v63  }
0x4b: {  	_ =	swait.ge [sflag:s23], $0x1400  }
0x4c: {  	[sflag:s23] =	ssyncset.done $0x0  }
0x4d: {  	s11 =	simm.s32 $0x2850;
	[sflag:s23] =	ssyncadd.s32 $0xFFFFEC00  }
0x4e: {  	[spmem:s3] =	stream.indirect.scatter.add.f32 [tilespmem:s17], [sflag:$0x5], $0x40, s11, s16, $0xb8;
	[tilespmem:$0x13E20] =	vst v63  }
0x4f: {  	_ =	swait.ge [sflag:s24], $0x1400  }
0x50: {  	[sflag:s24] =	ssyncset.done $0x0  }
0x51: {  	s19 =	simm.s32 $0x280;
	[sflag:s24] =	ssyncadd.s32 $0xFFFFEC00  }
0x52: {  	[tilespmem:s17], [sflag:$0x1] =	stream.indirect.gather [hbm4b:s1+s16], $0x40, s19, s16, $0xb8;
	[tilespmem:$0x13E20] =	vst v63  }
0x53: {  	_ =	swait.ge [sflag:s26], $0x1400  }
0x54: {  	[sflag:s26] =	ssyncset.done $0x0  }
0x55: {  	s11 =	simm.s32 $0x28A0;
	[sflag:s26] =	ssyncadd.s32 $0xFFFFEC00  }
0x56: {  	[spmem:s3] =	stream.indirect.scatter.add.f32 [tilespmem:s18], [sflag:$0x6], $0x40, s11, s16, $0xb8;
	[tilespmem:$0x13E20] =	vst v63  }
0x57: {  	_ =	swait.ge [sflag:s29], $0x1400  }
0x58: {  	[sflag:s29] =	ssyncset.done $0x0  }
0x59: {  	s19 =	simm.s32 $0x2D0;
	[sflag:s29] =	ssyncadd.s32 $0xFFFFEC00  }
0x5a: {  	[tilespmem:s18], [sflag:$0x2] =	stream.indirect.gather [hbm4b:s1+s16], $0x40, s19, s16, $0xb8;
	[tilespmem:$0x13E20] =	vst v63  }
0x5b: {  	_ =	swait.ge [sflag:s31], $0x1400  }
0x5c: {  	[sflag:s31] =	ssyncset.done $0x0  }
0x5d: {  	s11 =	simm.s32 $0x28F0;
	[sflag:s31] =	ssyncadd.s32 $0xFFFFEC00  }
0x5e: {  	[spmem:s3] =	stream.indirect.scatter.add.f32 [tilespmem:s20], [sflag:$0x7], $0x40, s11, s16, $0xb8;
	[tilespmem:$0x13E20] =	vst v63  }
0x5f: {  	_ =	swait.ge [sflag:s0], $0x1400  }
0x60: {  	[sflag:s0] =	ssyncset.done $0x0  }
0x61: {  	s19 =	simm.s32 $0x320;
	[sflag:s0] =	ssyncadd.s32 $0xFFFFEC00  }
0x62: {  	[tilespmem:s20], [sflag:$0x3] =	stream.indirect.gather [hbm4b:s1+s16], $0x40, s19, s16, $0xb8;
	[tilespmem:$0x13E20] =	vst v63  }
0x63: {  	_ =	swait.ge [sflag:s8], $0x1400  }
0x64: {  	[sflag:s8] =	ssyncset.done $0x0  }
0x65: {  	s9 =	simm.s32 $0x500;
	s11 =	simm.s32 $0x2940;
	[sflag:s8] =	ssyncadd.s32 $0xFFFFEC00  }
.LBB2_2:
0x66: {  	[spmem:s3] =	stream.indirect.scatter.add.f32 [tilespmem:s22], [sflag:$0x8], $0x40, s11, s16, $0xb8;
	[tilespmem:$0x13E20] =	vst v63  }
0x67: {  	s11 =	smov.u32 s9  }
0x68: {  	p0 =	sne.s32 s9, $0x8C00;
	s9 =	sadd.s32 $0x500, s9;
	_ =	swait.ge [sflag:s10], $0x1400  }
0x69: {  	s11 =	sshra.s32 s11, $0x2;
	[sflag:s10] =	ssyncset.done $0x0  }
0x6a: {  	s19 =	sadd.s32 $0x230, s11;
	[sflag:s10] =	ssyncadd.s32 $0xFFFFEC00  }
0x6b: {  	[tilespmem:s22], [sflag:$0x4] =	stream.indirect.gather [hbm4b:s1+s16], $0x40, s19, s16, $0xb8;
	[tilespmem:$0x13E20] =	vst v63  }
0x6c: {  	_ =	swait.ge [sflag:s23], $0x1400  }
0x6d: {  	[sflag:s23] =	ssyncset.done $0x0  }
0x6e: {  	s19 =	sadd.s32 $0x2850, s11;
	[sflag:s23] =	ssyncadd.s32 $0xFFFFEC00  }
0x6f: {  	[spmem:s3] =	stream.indirect.scatter.add.f32 [tilespmem:s17], [sflag:$0x5], $0x40, s19, s16, $0xb8;
	[tilespmem:$0x13E20] =	vst v63  }
0x70: {  	_ =	swait.ge [sflag:s24], $0x1400  }
0x71: {  	[sflag:s24] =	ssyncset.done $0x0  }
0x72: {  	s19 =	sadd.s32 $0x280, s11;
	[sflag:s24] =	ssyncadd.s32 $0xFFFFEC00  }
0x73: {  	[tilespmem:s17], [sflag:$0x1] =	stream.indirect.gather [hbm4b:s1+s16], $0x40, s19, s16, $0xb8;
	[tilespmem:$0x13E20] =	vst v63  }
0x74: {  	_ =	swait.ge [sflag:s26], $0x1400  }
0x75: {  	[sflag:s26] =	ssyncset.done $0x0  }
0x76: {  	s19 =	sadd.s32 $0x28A0, s11;
	[sflag:s26] =	ssyncadd.s32 $0xFFFFEC00  }
0x77: {  	[spmem:s3] =	stream.indirect.scatter.add.f32 [tilespmem:s18], [sflag:$0x6], $0x40, s19, s16, $0xb8;
	[tilespmem:$0x13E20] =	vst v63  }
0x78: {  	_ =	swait.ge [sflag:s29], $0x1400  }
0x79: {  	[sflag:s29] =	ssyncset.done $0x0  }
0x7a: {  	s19 =	sadd.s32 $0x2D0, s11;
	[sflag:s29] =	ssyncadd.s32 $0xFFFFEC00  }
0x7b: {  	[tilespmem:s18], [sflag:$0x2] =	stream.indirect.gather [hbm4b:s1+s16], $0x40, s19, s16, $0xb8;
	[tilespmem:$0x13E20] =	vst v63  }
0x7c: {  	_ =	swait.ge [sflag:s31], $0x1400  }
0x7d: {  	[sflag:s31] =	ssyncset.done $0x0  }
0x7e: {  	s19 =	sadd.s32 $0x28F0, s11;
	[sflag:s31] =	ssyncadd.s32 $0xFFFFEC00  }
0x7f: {  	[spmem:s3] =	stream.indirect.scatter.add.f32 [tilespmem:s20], [sflag:$0x7], $0x40, s19, s16, $0xb8;
	[tilespmem:$0x13E20] =	vst v63  }
0x80: {  	_ =	swait.ge [sflag:s0], $0x1400  }
0x81: {  	[sflag:s0] =	ssyncset.done $0x0  }
.Ltmp0:
0x82: {  	s19 =	sadd.s32 $0x320, s11;
	[sflag:s0] =	ssyncadd.s32 $0xFFFFEC00;
	(pc) =	sbr.rel @p0 .LBB2_2-.Ltmp0, $4  }
0x83: {  	[tilespmem:s20], [sflag:$0x3] =	stream.indirect.gather [hbm4b:s1+s16], $0x40, s19, s16, $0xb8;
	[tilespmem:$0x13E20] =	vst v63  }
0x84: {  	_ =	swait.ge [sflag:s8], $0x1400  }
0x85: {  	[sflag:s8] =	ssyncset.done $0x0  }
0x86: {  	s11 =	sadd.s32 $0x2940, s11;
	[sflag:s8] =	ssyncadd.s32 $0xFFFFEC00  }
0x87: {  	[spmem:s3] =	stream.indirect.scatter.add.f32 [tilespmem:s22], [sflag:$0x8], $0x40, s11, s16, $0xb8;
	[tilespmem:$0x13E20] =	vst v63  }
0x88: {  	_ =	swait.ge [sflag:s10], $0x1400  }
0x89: {  	[sflag:s10] =	ssyncset.done $0x0  }
0x8a: {  	s9 =	simm.s32 $0x2670;
	[sflag:s10] =	ssyncadd.s32 $0xFFFFEC00  }
0x8b: {  	[tilespmem:s22], [sflag:$0x4] =	stream.indirect.gather [hbm4b:s1+s16], $0x40, s9, s16, $0xb8;
	[tilespmem:$0x13E20] =	vst v63  }
0x8c: {  	_ =	swait.ge [sflag:s23], $0x1400  }
0x8d: {  	[sflag:s23] =	ssyncset.done $0x0  }
0x8e: {  	s11 =	simm.s32 $0x4C90;
	[sflag:s23] =	ssyncadd.s32 $0xFFFFEC00  }
0x8f: {  	[spmem:s3] =	stream.indirect.scatter.add.f32 [tilespmem:s17], [sflag:$0x5], $0x40, s11, s16, $0xb8;
	[tilespmem:$0x13E20] =	vst v63  }
0x90: {  	_ =	swait.ge [sflag:s24], $0x1400  }
0x91: {  	[sflag:s24] =	ssyncset.done $0x0  }
0x92: {  	[sflag:s24] =	ssyncadd.s32 $0xFFFFEC00  }
0x93: {  	[tilespmem:s17], [sflag:$0x1] =	stream.indirect.gather [hbm4b:s1+s16], $0x40, s21, s16, $0xb8;
	[tilespmem:$0x13E20] =	vst v63  }
0x94: {  	_ =	swait.ge [sflag:s26], $0x1400  }
0x95: {  	[sflag:s26] =	ssyncset.done $0x0  }
0x96: {  	[sflag:s26] =	ssyncadd.s32 $0xFFFFEC00  }
0x97: {  	[spmem:s3] =	stream.indirect.scatter.add.f32 [tilespmem:s18], [sflag:$0x6], $0x40, s25, s16, $0xb8;
	[tilespmem:$0x13E20] =	vst v63  }
0x98: {  	_ =	swait.ge [sflag:s29], $0x1400  }
0x99: {  	[sflag:s29] =	ssyncset.done $0x0  }
0x9a: {  	[sflag:s29] =	ssyncadd.s32 $0xFFFFEC00  }
0x9b: {  	_ =	swait.ge [sflag:s31], $0x1400  }
0x9c: {  	[sflag:s31] =	ssyncset.done $0x0  }
0x9d: {  	[sflag:s31] =	ssyncadd.s32 $0xFFFFEC00  }
0x9e: {  	[spmem:s3] =	stream.indirect.scatter.add.f32 [tilespmem:s20], [sflag:$0x7], $0x40, s28, s16, $0xb8;
	[tilespmem:$0x13E20] =	vst v63  }
0x9f: {  	_ =	swait.ge [sflag:s0], $0x1400  }
0xa0: {  	[sflag:s0] =	ssyncset.done $0x0  }
0xa1: {  	[sflag:s0] =	ssyncadd.s32 $0xFFFFEC00  }
0xa2: {  	_ =	swait.ge [sflag:s8], $0x1400  }
0xa3: {  	[sflag:s8] =	ssyncset.done $0x0  }
0xa4: {  	[sflag:s8] =	ssyncadd.s32 $0xFFFFEC00  }
0xa5: {  	[spmem:s3] =	stream.indirect.scatter.add.f32 [tilespmem:s22], [sflag:$0x8], $0x40, s30, s16, $0xb8;
	[tilespmem:$0x13E20] =	vst v63  }
0xa6: {  	_ =	swait.ge [sflag:s23], $0x1400  }
0xa7: {  	[sflag:s23] =	ssyncset.done $0x0  }
0xa8: {  	[sflag:s23] =	ssyncadd.s32 $0xFFFFEC00  }
0xa9: {  	[spmem:s3] =	stream.indirect.scatter.add.f32 [tilespmem:s17], [sflag:$0x5], $0x40, s2, s16, $0xb8;
	[tilespmem:$0x13E20] =	vst v63  }
0xaa: {  	_ =	swait.ge [sflag:s10], $0x1400  }
0xab: {  	[sflag:s10] =	ssyncset.done $0x0  }
0xac: {  	[sflag:s10] =	ssyncadd.s32 $0xFFFFEC00  }
0xad: {  	_ =	swait.ge [sflag:s24], $0x1400  }
0xae: {  	[sflag:s24] =	ssyncset.done $0x0  }
0xaf: {  	[sflag:s24] =	ssyncadd.s32 $0xFFFFEC00  }
0xb0: {  	[bflag:$0x0] =	sbarrier.arrive $0xFFFF  }
0xb1: {  	s19 =	rddreg [dreg:$0x6]  }
0xb2: {  	[hbm:s19], [sflag:s14] =	dma.local [spmem:s15], $0x1400  }
0xb3: {  	_ =	swait.ge [sflag:s12], $0x1400  }
0xb4: {  	[sflag:s12] =	ssyncset.done $0x0  }
0xb5: {  	[sflag:s12] =	ssyncadd.s32 $0xFFFFEC00  }
0xb6: {  	[bflag:$0x0] =	sbarrier.arrive $0xFFFF  }
0xb7: {  	[spmem:s15], [sflag:s14] =	dma.local [hbm:s6], $0x1400  }
0xb8: {  	_ =	swait.ge [sflag:s12], $0x1400  }
0xb9: {  	[sflag:s12] =	ssyncset.done $0x0  }
0xba: {  	[sflag:s12] =	ssyncadd.s32 $0xFFFFEC00  }
0xbb: {  	s11 =	simm.s32 $0x0;
	[bflag:$0x0] =	sbarrier.arrive $0xFFFF  }
0xbc: {  	[tilespmem:s17], [sflag:$0x1] =	stream.indirect.gather [hbm4b:s5+s16], $0x40, s11, s16, $0xb8;
	[tilespmem:$0x13E20] =	vst v63  }
0xbd: {  	_ = 	snop  }
0xbe: {  	[tilespmem:s18], [sflag:$0x2] =	stream.indirect.gather [hbm4b:s5+s16], $0x40, s16, s16, $0xb8;
	[tilespmem:$0x13E20] =	vst v63  }
0xbf: {  	s19 =	simm.s32 $0xA0  }
0xc0: {  	[tilespmem:s20], [sflag:$0x3] =	stream.indirect.gather [hbm4b:s5+s16], $0x40, s19, s16, $0xb8;
	[tilespmem:$0x13E20] =	vst v63  }
0xc1: {  	s11 =	simm.s32 $0xF0  }
0xc2: {  	[tilespmem:s22], [sflag:$0x4] =	stream.indirect.gather [hbm4b:s5+s16], $0x40, s11, s16, $0xb8;
	[tilespmem:$0x13E20] =	vst v63  }
0xc3: {  	_ =	swait.ge [sflag:s23], $0x1400  }
0xc4: {  	[sflag:s23] =	ssyncset.done $0x0  }
0xc5: {  	[sflag:s23] =	ssyncadd.s32 $0xFFFFEC00  }
0xc6: {  	[spmem:s3] =	stream.indirect.scatter.add.f32 [tilespmem:s17], [sflag:$0x5], $0x40, s13, s16, $0xb8;
	[tilespmem:$0x13E20] =	vst v63  }
0xc7: {  	_ =	swait.ge [sflag:s24], $0x1400  }
0xc8: {  	[sflag:s24] =	ssyncset.done $0x0  }
0xc9: {  	s19 =	simm.s32 $0x140;
	[sflag:s24] =	ssyncadd.s32 $0xFFFFEC00  }
0xca: {  	[tilespmem:s17], [sflag:$0x1] =	stream.indirect.gather [hbm4b:s5+s16], $0x40, s19, s16, $0xb8;
	[tilespmem:$0x13E20] =	vst v63  }
0xcb: {  	_ =	swait.ge [sflag:s26], $0x1400  }
0xcc: {  	[sflag:s26] =	ssyncset.done $0x0  }
0xcd: {  	s11 =	simm.s32 $0x2760;
	[sflag:s26] =	ssyncadd.s32 $0xFFFFEC00  }
0xce: {  	[spmem:s3] =	stream.indirect.scatter.add.f32 [tilespmem:s18], [sflag:$0x6], $0x40, s11, s16, $0xb8;
	[tilespmem:$0x13E20] =	vst v63  }
0xcf: {  	_ =	swait.ge [sflag:s29], $0x1400  }
0xd0: {  	[sflag:s29] =	ssyncset.done $0x0  }
0xd1: {  	s19 =	simm.s32 $0x190;
	[sflag:s29] =	ssyncadd.s32 $0xFFFFEC00  }
0xd2: {  	[tilespmem:s18], [sflag:$0x2] =	stream.indirect.gather [hbm4b:s5+s16], $0x40, s19, s16, $0xb8;
	[tilespmem:$0x13E20] =	vst v63  }
0xd3: {  	_ =	swait.ge [sflag:s31], $0x1400  }
0xd4: {  	[sflag:s31] =	ssyncset.done $0x0  }
0xd5: {  	s11 =	simm.s32 $0x27B0;
	[sflag:s31] =	ssyncadd.s32 $0xFFFFEC00  }
0xd6: {  	[spmem:s3] =	stream.indirect.scatter.add.f32 [tilespmem:s20], [sflag:$0x7], $0x40, s11, s16, $0xb8;
	[tilespmem:$0x13E20] =	vst v63  }
0xd7: {  	_ =	swait.ge [sflag:s0], $0x1400  }
0xd8: {  	[sflag:s0] =	ssyncset.done $0x0  }
0xd9: {  	s19 =	simm.s32 $0x1E0;
	[sflag:s0] =	ssyncadd.s32 $0xFFFFEC00  }
0xda: {  	[tilespmem:s20], [sflag:$0x3] =	stream.indirect.gather [hbm4b:s5+s16], $0x40, s19, s16, $0xb8;
	[tilespmem:$0x13E20] =	vst v63  }
0xdb: {  	_ =	swait.ge [sflag:s8], $0x1400  }
0xdc: {  	[sflag:s8] =	ssyncset.done $0x0  }
0xdd: {  	s11 =	simm.s32 $0x2800;
	[sflag:s8] =	ssyncadd.s32 $0xFFFFEC00  }
0xde: {  	[spmem:s3] =	stream.indirect.scatter.add.f32 [tilespmem:s22], [sflag:$0x8], $0x40, s11, s16, $0xb8;
	[tilespmem:$0x13E20] =	vst v63  }
0xdf: {  	_ =	swait.ge [sflag:s10], $0x1400  }
0xe0: {  	[sflag:s10] =	ssyncset.done $0x0  }
0xe1: {  	s19 =	simm.s32 $0x230;
	[sflag:s10] =	ssyncadd.s32 $0xFFFFEC00  }
0xe2: {  	[tilespmem:s22], [sflag:$0x4] =	stream.indirect.gather [hbm4b:s5+s16], $0x40, s19, s16, $0xb8;
	[tilespmem:$0x13E20] =	vst v63  }
0xe3: {  	_ =	swait.ge [sflag:s23], $0x1400  }
0xe4: {  	[sflag:s23] =	ssyncset.done $0x0  }
0xe5: {  	s11 =	simm.s32 $0x2850;
	[sflag:s23] =	ssyncadd.s32 $0xFFFFEC00  }
0xe6: {  	[spmem:s3] =	stream.indirect.scatter.add.f32 [tilespmem:s17], [sflag:$0x5], $0x40, s11, s16, $0xb8;
	[tilespmem:$0x13E20] =	vst v63  }
0xe7: {  	_ =	swait.ge [sflag:s24], $0x1400  }
0xe8: {  	[sflag:s24] =	ssyncset.done $0x0  }
0xe9: {  	s19 =	simm.s32 $0x280;
	[sflag:s24] =	ssyncadd.s32 $0xFFFFEC00  }
0xea: {  	[tilespmem:s17], [sflag:$0x1] =	stream.indirect.gather [hbm4b:s5+s16], $0x40, s19, s16, $0xb8;
	[tilespmem:$0x13E20] =	vst v63  }
0xeb: {  	_ =	swait.ge [sflag:s26], $0x1400  }
0xec: {  	[sflag:s26] =	ssyncset.done $0x0  }
0xed: {  	s11 =	simm.s32 $0x28A0;
	[sflag:s26] =	ssyncadd.s32 $0xFFFFEC00  }
0xee: {  	[spmem:s3] =	stream.indirect.scatter.add.f32 [tilespmem:s18], [sflag:$0x6], $0x40, s11, s16, $0xb8;
	[tilespmem:$0x13E20] =	vst v63  }
0xef: {  	_ =	swait.ge [sflag:s29], $0x1400  }
0xf0: {  	[sflag:s29] =	ssyncset.done $0x0  }
0xf1: {  	s19 =	simm.s32 $0x2D0;
	[sflag:s29] =	ssyncadd.s32 $0xFFFFEC00  }
0xf2: {  	[tilespmem:s18], [sflag:$0x2] =	stream.indirect.gather [hbm4b:s5+s16], $0x40, s19, s16, $0xb8;
	[tilespmem:$0x13E20] =	vst v63  }
0xf3: {  	_ =	swait.ge [sflag:s31], $0x1400  }
0xf4: {  	[sflag:s31] =	ssyncset.done $0x0  }
0xf5: {  	s11 =	simm.s32 $0x28F0;
	[sflag:s31] =	ssyncadd.s32 $0xFFFFEC00  }
0xf6: {  	[spmem:s3] =	stream.indirect.scatter.add.f32 [tilespmem:s20], [sflag:$0x7], $0x40, s11, s16, $0xb8;
	[tilespmem:$0x13E20] =	vst v63  }
0xf7: {  	_ =	swait.ge [sflag:s0], $0x1400  }
0xf8: {  	[sflag:s0] =	ssyncset.done $0x0  }
0xf9: {  	s19 =	simm.s32 $0x320;
	[sflag:s0] =	ssyncadd.s32 $0xFFFFEC00  }
0xfa: {  	[tilespmem:s20], [sflag:$0x3] =	stream.indirect.gather [hbm4b:s5+s16], $0x40, s19, s16, $0xb8;
	[tilespmem:$0x13E20] =	vst v63  }
0xfb: {  	_ =	swait.ge [sflag:s8], $0x1400  }
0xfc: {  	[sflag:s8] =	ssyncset.done $0x0  }
0xfd: {  	s9 =	simm.s32 $0x500;
	s11 =	simm.s32 $0x2940;
	[sflag:s8] =	ssyncadd.s32 $0xFFFFEC00  }
.LBB2_4:
0xfe: {  	[spmem:s3] =	stream.indirect.scatter.add.f32 [tilespmem:s22], [sflag:$0x8], $0x40, s11, s16, $0xb8;
	[tilespmem:$0x13E20] =	vst v63  }
0xff: {  	s11 =	smov.u32 s9  }
0x100: {  	p0 =	sne.s32 s9, $0x8C00;
	s9 =	sadd.s32 $0x500, s9;
	_ =	swait.ge [sflag:s10], $0x1400  }
0x101: {  	s11 =	sshra.s32 s11, $0x2;
	[sflag:s10] =	ssyncset.done $0x0  }
0x102: {  	s19 =	sadd.s32 $0x230, s11;
	[sflag:s10] =	ssyncadd.s32 $0xFFFFEC00  }
0x103: {  	[tilespmem:s22], [sflag:$0x4] =	stream.indirect.gather [hbm4b:s5+s16], $0x40, s19, s16, $0xb8;
	[tilespmem:$0x13E20] =	vst v63  }
0x104: {  	_ =	swait.ge [sflag:s23], $0x1400  }
0x105: {  	[sflag:s23] =	ssyncset.done $0x0  }
0x106: {  	s19 =	sadd.s32 $0x2850, s11;
	[sflag:s23] =	ssyncadd.s32 $0xFFFFEC00  }
0x107: {  	[spmem:s3] =	stream.indirect.scatter.add.f32 [tilespmem:s17], [sflag:$0x5], $0x40, s19, s16, $0xb8;
	[tilespmem:$0x13E20] =	vst v63  }
0x108: {  	_ =	swait.ge [sflag:s24], $0x1400  }
0x109: {  	[sflag:s24] =	ssyncset.done $0x0  }
0x10a: {  	s19 =	sadd.s32 $0x280, s11;
	[sflag:s24] =	ssyncadd.s32 $0xFFFFEC00  }
0x10b: {  	[tilespmem:s17], [sflag:$0x1] =	stream.indirect.gather [hbm4b:s5+s16], $0x40, s19, s16, $0xb8;
	[tilespmem:$0x13E20] =	vst v63  }
0x10c: {  	_ =	swait.ge [sflag:s26], $0x1400  }
0x10d: {  	[sflag:s26] =	ssyncset.done $0x0  }
0x10e: {  	s19 =	sadd.s32 $0x28A0, s11;
	[sflag:s26] =	ssyncadd.s32 $0xFFFFEC00  }
0x10f: {  	[spmem:s3] =	stream.indirect.scatter.add.f32 [tilespmem:s18], [sflag:$0x6], $0x40, s19, s16, $0xb8;
	[tilespmem:$0x13E20] =	vst v63  }
0x110: {  	_ =	swait.ge [sflag:s29], $0x1400  }
0x111: {  	[sflag:s29] =	ssyncset.done $0x0  }
0x112: {  	s19 =	sadd.s32 $0x2D0, s11;
	[sflag:s29] =	ssyncadd.s32 $0xFFFFEC00  }
0x113: {  	[tilespmem:s18], [sflag:$0x2] =	stream.indirect.gather [hbm4b:s5+s16], $0x40, s19, s16, $0xb8;
	[tilespmem:$0x13E20] =	vst v63  }
0x114: {  	_ =	swait.ge [sflag:s31], $0x1400  }
0x115: {  	[sflag:s31] =	ssyncset.done $0x0  }
0x116: {  	s19 =	sadd.s32 $0x28F0, s11;
	[sflag:s31] =	ssyncadd.s32 $0xFFFFEC00  }
0x117: {  	[spmem:s3] =	stream.indirect.scatter.add.f32 [tilespmem:s20], [sflag:$0x7], $0x40, s19, s16, $0xb8;
	[tilespmem:$0x13E20] =	vst v63  }
0x118: {  	_ =	swait.ge [sflag:s0], $0x1400  }
0x119: {  	[sflag:s0] =	ssyncset.done $0x0  }
.Ltmp1:
0x11a: {  	s19 =	sadd.s32 $0x320, s11;
	[sflag:s0] =	ssyncadd.s32 $0xFFFFEC00;
	(pc) =	sbr.rel @p0 .LBB2_4-.Ltmp1, $4  }
0x11b: {  	[tilespmem:s20], [sflag:$0x3] =	stream.indirect.gather [hbm4b:s5+s16], $0x40, s19, s16, $0xb8;
	[tilespmem:$0x13E20] =	vst v63  }
0x11c: {  	_ =	swait.ge [sflag:s8], $0x1400  }
0x11d: {  	[sflag:s8] =	ssyncset.done $0x0  }
0x11e: {  	s11 =	sadd.s32 $0x2940, s11;
	[sflag:s8] =	ssyncadd.s32 $0xFFFFEC00  }
0x11f: {  	[spmem:s3] =	stream.indirect.scatter.add.f32 [tilespmem:s22], [sflag:$0x8], $0x40, s11, s16, $0xb8;
	[tilespmem:$0x13E20] =	vst v63  }
0x120: {  	_ =	swait.ge [sflag:s10], $0x1400  }
0x121: {  	[sflag:s10] =	ssyncset.done $0x0  }
0x122: {  	s9 =	simm.s32 $0x2670;
	[sflag:s10] =	ssyncadd.s32 $0xFFFFEC00  }
0x123: {  	[tilespmem:s22], [sflag:$0x4] =	stream.indirect.gather [hbm4b:s5+s16], $0x40, s9, s16, $0xb8;
	[tilespmem:$0x13E20] =	vst v63  }
0x124: {  	_ =	swait.ge [sflag:s23], $0x1400  }
0x125: {  	[sflag:s23] =	ssyncset.done $0x0  }
0x126: {  	s19 =	simm.s32 $0x4C90;
	[sflag:s23] =	ssyncadd.s32 $0xFFFFEC00  }
0x127: {  	[spmem:s3] =	stream.indirect.scatter.add.f32 [tilespmem:s17], [sflag:$0x5], $0x40, s19, s16, $0xb8;
	[tilespmem:$0x13E20] =	vst v63  }
0x128: {  	_ =	swait.ge [sflag:s24], $0x1400  }
0x129: {  	[sflag:s24] =	ssyncset.done $0x0  }
0x12a: {  	[sflag:s24] =	ssyncadd.s32 $0xFFFFEC00  }
0x12b: {  	[tilespmem:s17], [sflag:$0x1] =	stream.indirect.gather [hbm4b:s5+s16], $0x40, s21, s16, $0xb8;
	[tilespmem:$0x13E20] =	vst v63  }
0x12c: {  	_ =	swait.ge [sflag:s26], $0x1400  }
0x12d: {  	[sflag:s26] =	ssyncset.done $0x0  }
0x12e: {  	[sflag:s26] =	ssyncadd.s32 $0xFFFFEC00  }
0x12f: {  	[spmem:s3] =	stream.indirect.scatter.add.f32 [tilespmem:s18], [sflag:$0x6], $0x40, s25, s16, $0xb8;
	[tilespmem:$0x13E20] =	vst v63  }
0x130: {  	_ =	swait.ge [sflag:s29], $0x1400  }
0x131: {  	[sflag:s29] =	ssyncset.done $0x0  }
0x132: {  	[sflag:s29] =	ssyncadd.s32 $0xFFFFEC00  }
0x133: {  	_ =	swait.ge [sflag:s31], $0x1400  }
0x134: {  	[sflag:s31] =	ssyncset.done $0x0  }
0x135: {  	[sflag:s31] =	ssyncadd.s32 $0xFFFFEC00  }
0x136: {  	[spmem:s3] =	stream.indirect.scatter.add.f32 [tilespmem:s20], [sflag:$0x7], $0x40, s28, s16, $0xb8;
	[tilespmem:$0x13E20] =	vst v63  }
0x137: {  	_ =	swait.ge [sflag:s0], $0x1400  }
0x138: {  	[sflag:s0] =	ssyncset.done $0x0  }
0x139: {  	[sflag:s0] =	ssyncadd.s32 $0xFFFFEC00  }
0x13a: {  	_ =	swait.ge [sflag:s8], $0x1400  }
0x13b: {  	[sflag:s8] =	ssyncset.done $0x0  }
0x13c: {  	[sflag:s8] =	ssyncadd.s32 $0xFFFFEC00  }
0x13d: {  	[spmem:s3] =	stream.indirect.scatter.add.f32 [tilespmem:s22], [sflag:$0x8], $0x40, s30, s16, $0xb8;
	[tilespmem:$0x13E20] =	vst v63  }
0x13e: {  	_ =	swait.ge [sflag:s23], $0x1400  }
0x13f: {  	[sflag:s23] =	ssyncset.done $0x0  }
0x140: {  	[sflag:s23] =	ssyncadd.s32 $0xFFFFEC00  }
0x141: {  	[spmem:s3] =	stream.indirect.scatter.add.f32 [tilespmem:s17], [sflag:$0x5], $0x40, s2, s16, $0xb8;
	[tilespmem:$0x13E20] =	vst v63  }
0x142: {  	_ =	swait.ge [sflag:s10], $0x1400  }
0x143: {  	[sflag:s10] =	ssyncset.done $0x0  }
0x144: {  	[sflag:s10] =	ssyncadd.s32 $0xFFFFEC00  }
0x145: {  	_ =	swait.ge [sflag:s24], $0x1400  }
0x146: {  	[sflag:s24] =	ssyncset.done $0x0  }
0x147: {  	[sflag:s24] =	ssyncadd.s32 $0xFFFFEC00  }
0x148: {  	[bflag:$0x0] =	sbarrier.arrive $0xFFFF  }
0x149: {  	s11 =	rddreg [dreg:$0x7]  }
0x14a: {  	[hbm:s11], [sflag:s14] =	dma.local [spmem:s15], $0x1400  }
0x14b: {  	_ =	swait.ge [sflag:s12], $0x1400  }
0x14c: {  	s7 =	sadd.s32 $0x1, s7;
	s19 =	rddreg [dreg:$0x8]  }
0x14d: {  	p0 =	sne.s32 s7, s19  }
.Ltmp2:
0x14e: {  	_ = 	snop;
	(pc) =	sbr.rel @p0 .LBB2_1-.Ltmp2, $3  }
0x14f: {  	[sflag:s12] =	ssyncset.done $0x0  }
0x150: {  	[sflag:s12] =	ssyncadd.s32 $0xFFFFEC00  }
0x151: {  	[bflag:$0x0] =	sbarrier.arrive $0xFFFF;
	_ =	sdelay $0x1  }
0x152: {  	_ =	sfence.sel $0x180000  }
0x153: {  	[bflag:$0x0] =	sbarrier.arrive $0xFFFF  }
0x154: {  	_ =	strace $0x9000004A  }
0x155: {  	s0 =	stileid.u32;
	[bflag:$0x2] =	sbarrier.arrive $0xFFFF  }
0x156: {  	p0 =	sne.s32 s0, $0x0;
	s0 =	rddreg [dreg:$0x3]  }
0x157: {  	s0 =	sadd.s32 @!p0 $0x100000, s0  }
0x158: {  	[sflag:s0] =	ssyncadd.tile.s32 @!p0 $0x1;
	_ =	shalt  }
.Lfunc_end2:
_tile_overlayer_lowered:
.L_overlay_start_2:
0x159: {  	(tag) =	ssettag $0x2  }
0x15a: {  	s0 =	rddreg [dreg:$0x0];
	s2 =	stileid.u32  }
0x15b: {  	s1 =	rddreg [dreg:$0x1];
	p0 =	sne.s32 s2, $0x0  }
0x15c: {  	s3 =	rddreg [dreg:$0x2];
	[bflag:$0x3] =	sbarrier.arrive $0xFFFF;
	s2 =	simm.s32 @!p0 $0x1C09  }
0x15d: {  	[timem:s3], [sflag:s2] =	dma.local @!p0 [hbm:s0], s1  }
0x15e: {  	s0 =	simm.s32 @!p0 $0x9  }
0x15f: {  	_ =	swait.ge @!p0 [sflag:s0], s1  }
0x160: {  	s1 =	ssub.s32 @!p0 $0x0, s1;
	[sflag:s0] =	ssyncset.done @!p0 $0x0  }
0x161: {  	[sflag:s0] =	ssyncadd.s32 @!p0 s1  }
0x162: {  	[bflag:$0x3] =	sbarrier.arrive $0xFFFF  }
0x163: {  	_ =	shalt  }

// kernel: closed_call.26.cloned.1.call-start
scs
__scs_entry_jumppad:
0x0: {  	(pc) =	sbr.rel $0x88, $3  }
0x1: {  	(tag) =	ssettag $0x0;
	lr =	simm.s32 $0x1  }
0x2: {  	[smem:$0x3F9B] =	sst lr;
	_ =	strace $0xD0000000  }
0x3: {  	_ = 	snop  }
0x4: {  	_ = 	snop  }
0x5: {  	_ = 	snop  }
0x6: {  	_ = 	snop  }
0x7: {  	_ = 	snop  }
__scs_overlays_trampoline_lowered:
0x8: {  	[smem:$0x3FAA] =	sst s0  }
0x9: {  	[smem:$0x3FAB] =	sst s1  }
0xa: {  	[smem:$0x3FAC] =	sst s2  }
0xb: {  	[smem:$0x3FAD] =	sst s3  }
0xc: {  	[smem:$0x3FAE] =	sst s4  }
0xd: {  	[smem:$0x3FAF] =	sst s5  }
0xe: {  	[smem:$0x3FB0] =	sst s6  }
0xf: {  	[smem:$0x3FB1] =	sst s7  }
0x10: {  	[smem:$0x3FB2] =	sst s8  }
0x11: {  	[smem:$0x3FB3] =	sst s9;
	s0 =	simm.s32 @!p0 $0x0  }
0x12: {  	s1 =	sld [smem:$0x3F99];
	s0 =	simm.s32 @p0 $0x1  }
0x13: {  	[smem:$0x3FB4] =	sst s0;
	s0 =	simm.s32 @!p1 $0x0  }
0x14: {  	s2 =	sld [smem:$0x3F98];
	s0 =	simm.s32 @p1 $0x1  }
0x15: {  	[smem:$0x3FB5] =	sst s0;
	s0 =	simm.s32 @!p2 $0x0  }
0x16: {  	s3 =	sld [smem:$0x3FDB];
	s0 =	simm.s32 @p2 $0x1  }
0x17: {  	s4 =	simm.s32 $0x1BF5;
	[smem:$0x3FB7] =	sst s0  }
0x18: {  	s0 =	sld [smem:$0x3F9A];
	_ =	swait.ge [sflag:s4], $0x0  }
0x19: {  	s7 =	sld [smem:$0x3F9B]  }
0x1a: {  	s8 =	sadd.s32 $0xFFFFE003, lr  }
0x1b: {  	s9 =	sadd.s32 $0xFFFFFEF7, lr;
	s5 =	simm.s32 $0xFFFFFFFF;
	p2 =	slt.u32 s8, $0xFFFFF086  }
0x1c: {  	p1 =	slt.u32 s9, $0xF7A;
	s5 =	simm.s32 @!p2 $0x0  }
0x1d: {  	s5 =	simm.s32 @p1 $0x1;
	p0 =	seq.s32 s7, s2  }
0x1e: {  	s7 =	smul.u32 @!p0 $0xF7A, s2;
	p2 =	seq.s32 @!p0 s5, $0x0  }
0x1f: {  	s9 =	smul.u32 $0xF7A, s1;
	s8 =	simm.s32 @!p0 $0x1BF5;
	p2 =	por !p2, p0  }
0x20: {  	[sflag:s8] =	ssyncset.s32 @!p0 $0xFFFFF086;
	s6 =	sadd.s32 @!p0 s3, s7;
	s7 =	simm.s32 @!p0 $0x108  }
0x21: {  	s3 =	sadd.s32 s3, s9;
	s6 =	sadd.s32 @!p0 $0x88, s6;
	s7 =	simm.s32 @p2 $0x1082  }
0x22: {  	[simem:s7], [sflag:s8] =	dma.local @!p0 [hbm:s6], $0xF7A  }
0x23: {  	s9 =	sor.u32 $0xD0000000, s2;
	s6 =	simm.s32 $0x108;
	_ =	swait.ge @!p0 [sflag:s8], $0x0  }
0x24: {  	s3 =	sadd.s32 $0x88, s3;
	s6 =	simm.s32 @!p1 $0x1082;
	[sflag:s4] =	ssyncset.s32 $0xFFFFF086  }
0x25: {  	[simem:s6], [sflag:s4] =	dma.local [hbm:s3], $0xF7A  }
0x26: {  	[smem:$0x3F9B] =	sst s1;
	(tag) =	ssettag s2;
	_ =	strace s9  }
0x27: {  	s1 =	sld [smem:$0x3FAB]  }
0x28: {  	s2 =	sld [smem:$0x3FAC]  }
0x29: {  	s4 =	sld [smem:$0x3FAE]  }
0x2a: {  	p0 =	seq.s32 s5, $0x0;
	s5 =	sld [smem:$0x3FAF]  }
0x2b: {  	s6 =	sld [smem:$0x3FB0]  }
0x2c: {  	s7 =	sld [smem:$0x3FB1]  }
0x2d: {  	s3 =	simm.s32 $0x108;
	s8 =	sld [smem:$0x3FB2]  }
0x2e: {  	s3 =	simm.s32 @!p0 $0x1082;
	s9 =	sld [smem:$0x3FB3]  }
0x2f: {  	lr =	sadd.s32 s0, s3;
	s0 =	sld [smem:$0x3FAA]  }
0x30: {  	s3 =	sld [smem:$0x3FAD]  }
0x31: {  	[smem:$0x3FB6] =	sst s10  }
0x32: {  	s10 =	sld [smem:$0x3FB4];
	_ =	sdelay $0x3  }
0x33: {  	p0 =	seq.s32 s10, $0x1;
	s10 =	sld [smem:$0x3FB6];
	_ =	sdelay $0x3  }
0x34: {  	[smem:$0x3FB6] =	sst s10  }
0x35: {  	s10 =	sld [smem:$0x3FB5];
	_ =	sdelay $0x3  }
0x36: {  	p1 =	seq.s32 s10, $0x1;
	s10 =	sld [smem:$0x3FB6];
	_ =	sdelay $0x3  }
0x37: {  	[smem:$0x3FB6] =	sst s10  }
0x38: {  	s10 =	sld [smem:$0x3FB7]  }
0x39: {  	_ = 	snop;
	(pc) =	sbr.ind lr, $3  }
0x3a: {  	_ = 	snop  }
0x3b: {  	_ = 	snop  }
0x3c: {  	p2 =	seq.s32 s10, $0x1;
	s10 =	sld [smem:$0x3FB6]  }
0x3d: {  	_ =	shalt  }
0x3e: {  	_ =	shalt  }
0x3f: {  	_ =	shalt  }
0x40: {  	_ =	shalt  }
0x41: {  	_ =	shalt  }
0x42: {  	_ =	shalt  }
0x43: {  	_ =	shalt  }
0x44: {  	_ =	shalt  }
0x45: {  	_ =	shalt  }
0x46: {  	_ =	shalt  }
0x47: {  	_ =	shalt  }
0x48: {  	_ =	shalt  }
0x49: {  	_ =	shalt  }
0x4a: {  	_ =	shalt  }
0x4b: {  	_ =	shalt  }
0x4c: {  	_ =	shalt  }
0x4d: {  	_ =	shalt  }
0x4e: {  	_ =	shalt  }
0x4f: {  	_ =	shalt  }
0x50: {  	_ =	shalt  }
0x51: {  	_ =	shalt  }
0x52: {  	_ =	shalt  }
0x53: {  	_ =	shalt  }
0x54: {  	_ =	shalt  }
0x55: {  	_ =	shalt  }
0x56: {  	_ =	shalt  }
0x57: {  	_ =	shalt  }
0x58: {  	_ =	shalt  }
0x59: {  	_ =	shalt  }
0x5a: {  	_ =	shalt  }
0x5b: {  	_ =	shalt  }
0x5c: {  	_ =	shalt  }
0x5d: {  	_ =	shalt  }
0x5e: {  	_ =	shalt  }
0x5f: {  	_ =	shalt  }
0x60: {  	_ =	shalt  }
0x61: {  	_ =	shalt  }
0x62: {  	_ =	shalt  }
0x63: {  	_ =	shalt  }
0x64: {  	_ =	shalt  }
0x65: {  	_ =	shalt  }
0x66: {  	_ =	shalt  }
0x67: {  	_ =	shalt  }
0x68: {  	_ =	shalt  }
0x69: {  	_ =	shalt  }
0x6a: {  	_ =	shalt  }
0x6b: {  	_ =	shalt  }
0x6c: {  	_ =	shalt  }
0x6d: {  	_ =	shalt  }
0x6e: {  	_ =	shalt  }
0x6f: {  	_ =	shalt  }
0x70: {  	_ =	shalt  }
0x71: {  	_ =	shalt  }
0x72: {  	_ =	shalt  }
0x73: {  	_ =	shalt  }
0x74: {  	_ =	shalt  }
0x75: {  	_ =	shalt  }
0x76: {  	_ =	shalt  }
0x77: {  	_ =	shalt  }
0x78: {  	_ =	shalt  }
0x79: {  	_ =	shalt  }
0x7a: {  	_ =	shalt  }
0x7b: {  	_ =	shalt  }
0x7c: {  	_ =	shalt  }
0x7d: {  	_ =	shalt  }
0x7e: {  	_ =	shalt  }
0x7f: {  	_ =	shalt  }
0x80: {  	_ =	shalt  }
0x81: {  	_ =	shalt  }
0x82: {  	_ =	shalt  }
0x83: {  	_ =	shalt  }
0x84: {  	_ =	shalt  }
0x85: {  	_ =	shalt  }
0x86: {  	_ =	shalt  }
0x87: {  	_ =	shalt  }
.Lfunc_end0:
.L_simem_size_0:
called_computation.1_lowered:
.L_overlay_start_0:
0x88: {  	s2 =	sld [smem:$0x3FD9]  }
0x89: {  	s3 =	sld [smem:$0x3FFE];
	_ =	sdelay $0x1  }
0x8a: {  	s1 =	srdreg.scid  }
0x8b: {  	s0 =	sand.u32 $0x1, s1  }
0x8c: {  	s17 =	sshll.u32 s0, $0xA;
	s2 =	sadd.s32 s3, s2  }
0x8d: {  	s2 =	sadd.s32 s2, s17  }
0x8e: {  	[smem:$0x3FC2] =	sst s2  }
0x8f: {  	_ = 	snop  }
0x90: {  	s2 =	sld [smem:$0x3FD0];
	(tm) =	ssettm $0x1  }
0x91: {  	s18 =	sld [smem:$0x3FFB];
	_ =	sdelay $0x3  }
0x92: {  	_ =	strace s18  }
0x93: {  	s3 =	sld [smem:$0x3FFC];
	_ =	sdelay $0x3  }
0x94: {  	_ =	strace s3  }
0x95: {  	s3 =	sld [smem:$0x3FFD];
	_ =	sdelay $0x3  }
0x96: {  	_ =	strace s3  }
0x97: {  	_ =	strace $0x8FFFFFFF  }
0x98: {  	s19 =	sld [smem:$0x3FDB];
	_ =	sdelay $0x1  }
0x99: {  	s4 =	simm.s32 $_scs_section_size  }
0x9a: {  	s5 =	simm.s32 $_size__tile_overlayer_lowered;
	s6 =	simm.s32 $_tile_overlayer_lowered  }
0x9b: {  	s22 =	simm.s32 $0x1BFF;
	s21 =	sshll.u32 s6, $0x1;
	s3 =	sadd.s32 s4, s19  }
0x9c: {  	s7 =	simm.s32 $0x0;
	s20 =	sshll.u32 s5, $0x1;
	s5 =	sadd.s32 s21, s3  }
0x9d: {  	[timem:s7], [sflag:s22] =	dma.local [hbm:s5], s20  }
0x9e: {  	_ =	swait.ge [sflag:s22], s20  }
0x9f: {  	s4 =	ssub.s32 $0x0, s20;
	[sflag:s22] =	ssyncset.done $0x0  }
0xa0: {  	[sflag:s22] =	ssyncadd.s32 s4;
	_ =	sdelay $0x1  }
0xa1: {  	s23 =	simm.s32 $0x1B8B  }
0xa2: {  	_ =	swait.ge [sflag:s23], $0x1  }
0xa3: {  	[sflag:s23] =	ssyncset.done $0x0  }
0xa4: {  	s25 =	simm.s32 $0x1B8E;
	s24 =	sld [smem:$0x3FFE];
	[sflag:s23] =	ssyncadd.s32 $0xFFFFFFFF  }
0xa5: {  	s26 =	simm.s32 $execute0_lowered;
	[smem:$0x3FD2] =	sst s25  }
0xa6: {  	s5 =	sshll.u32 s26, $0x1;
	_ =	strace $0x8000004C;
	[dreg:$0x1] =	wrdreg $0xFFFFFFFF  }
0xa7: {  	s28 =	simm.s32 $_size_execute0_lowered;
	s3 =	sadd.s32 s3, s5;
	[dreg:$0x0] =	wrdreg $0x0  }
0xa8: {  	s5 =	sshll.u32 s28, $0x1;
	[dreg:$0x2] =	wrdreg s3  }
0xa9: {  	[dreg:$0x3] =	wrdreg s5  }
0xaa: {  	[dreg:$0x4] =	wrdreg $0xC0  }
0xab: {  	_ =	task [dreg:s7], $0x5FFFF  }
0xac: {  	[dreg:$0x1] =	wrdreg $0xFFFFFFFF  }
0xad: {  	[dreg:$0x0] =	wrdreg $0x60  }
0xae: {  	[dreg:$0x2] =	wrdreg s2  }
0xaf: {  	[dreg:$0x3] =	wrdreg s24  }
0xb0: {  	[dreg:$0x4] =	wrdreg $0x9E200  }
0xb1: {  	[dreg:$0x5] =	wrdreg $0x9  }
0xb2: {  	_ =	task.clear_ibuf [dreg:s7], $0x6FFFF;
	_ =	strace $0x9000004C  }
0xb3: {  	s29 =	simm.s32 $0x9;
	_ =	strace $0x8000004E  }
0xb4: {  	_ =	swait.ge [sflag:s29], $0x1  }
0xb5: {  	[sflag:s29] =	ssyncadd.s32 $0xFFFFFFFF  }
0xb6: {  	_ =	strace $0x9000004E  }
0xb7: {  	_ =	sfence  }
0xb8: {  	s30 =	sld [smem:$0x0];
	_ =	sdelay $0x2  }
0xb9: {  	s31 =	sshll.u32 s1, $0xD;
	s1 =	sshrl.u32 s1, $0x2  }
0xba: {  	s3 =	sand.u32 $0x4000, s31;
	s1 =	sadd.s32 s1, s30  }
0xbb: {  	s0 =	sor.u32 s3, s0;
	s1 =	sshll.u32 s1, $0x11  }
0xbc: {  	s0 =	sor.u32 s1, s0  }
0xbd: {  	s0 =	sadd.s32 $0x8F2B, s0  }
0xbe: {  	[sflag:s0] =	ssyncadd.remote.s32 $0x1  }
0xbf: {  	_ =	sfence.sel $0xFFFF  }
0xc0: {  	[dreg:$0x0] =	wrdreg $0xFFFFFFFF;
	(pc) =	sbr.abs _section_cstart, $3  }
0xc1: {  	[dreg:$0x1] =	wrdreg $0xFFFFFFFF  }
0xc2: {  	_ =	task.clear_ibuf [dreg:s7], $0x2FFFF;
	_ =	strace $0x9FFFFFFF  }
0xc3: {  	(tm) =	ssettm $0x7FFFFFFF  }
tec
execute0_lowered:
.L_overlay_start_1:
0x0: {  	(tag) =	ssettag $0x1  }
0x1: {  	s1 =	rddreg [dreg:$0x0]  }
0x2: {  	s0 =	srdreg.scid;
	s7 =	rddreg [dreg:$0x1]  }
0x3: {  	s10 =	stileid.u32;
	s3 =	rddreg [dreg:$0x2];
	s4 =	simm.s32 $0x0  }
0x4: {  	s12 =	simm.s32 $0x9;
	s13 =	simm.s32 $0x2710;
	s16 =	simm.s32 $0x50  }
0x5: {  	s17 =	simm.s32 $0x4E20;
	s18 =	simm.s32 $0x6220;
	s20 =	simm.s32 $0x7620  }
0x6: {  	s29 =	simm.s32 $0x6;
	s31 =	simm.s32 $0x3;
	s28 =	simm.s32 $0x4D30  }
0x7: {  	s30 =	simm.s32 $0x4D80;
	s0 =	sand.u32 $0x1, s0;
	s6 =	smul.u32 $0x280, s10  }
0x8: {  	[smem:$0x7FF] =	sst s4;
	s5 =	sadd.s32 $0x5E400, s7;
	s9 =	smul.u32 $0x28000, s10  }
0x9: {  	s26 =	sshll.u32 s10, $0x6;
	s2 =	sshll.u32 s0, $0x4;
	s8 =	smul.u32 $0x5000, s0  }
0xa: {  	_ =	strace $0x8000004D;
	s0 =	ssub.s32 $0x2, s0;
	s14 =	sor.u32 $0x1C09, s26  }
0xb: {  	s26 =	simm.s32 $0x2;
	s2 =	sor.u32 s10, s2;
	s21 =	sshrl.u32 s0, $0x1  }
0xc: {  	s23 =	sshrl.u32 s9, $0x2;
	s10 =	simm.s32 $0x8;
	s2 =	smul.u32 $0x4E2, s2  }
0xd: {  	s6 =	sadd.s32 s6, s8;
	s0 =	ssub.s32 s0, s21;
	s24 =	sadd.s32 s23, s3  }
0xe: {  	s23 =	simm.s32 $0x1;
	s21 =	simm.s32 $0x26C0;
	s8 =	sshll.u32 s6, $0x3  }
0xf: {  	s6 =	sadd.s32 $0x72400, s7;
	s0 =	smax.u32 s0, $0x1;
	s2 =	sadd.s32 s2, s7  }
0x10: {  	s15 =	sshrl.u32 s24, $0x3;
	[dreg:$0x8] =	wrdreg s0;
	s22 =	sadd.s32 $0x2A00, s2  }
0x11: {  	s7 =	sadd.s32 s8, s7;
	s2 =	sadd.s32 $0x2C400, s2;
	[dreg:$0x4] =	wrdreg s22  }
0x12: {  	s24 =	simm.s32 $0x5;
	s25 =	sadd.s32 $0x73800, s7;
	[dreg:$0x5] =	wrdreg s2  }
0x13: {  	s0 =	simm.s32 $0x7;
	s7 =	sadd.s32 $0x87800, s7;
	[dreg:$0x6] =	wrdreg s25  }
0x14: {  	s8 =	simm.s32 $0x4;
	[dreg:$0x7] =	wrdreg s7;
	s22 =	simm.s32 $0x8A20  }
0x15: {  	s25 =	simm.s32 $0x4CE0;
	s2 =	simm.s32 $0x4DD0;
	s7 =	simm.s32 $0x0  }
.LBB2_1:
0x16: {  	s9 =	rddreg [dreg:$0x4]  }
0x17: {  	[tilespmem:s4], [sflag:$0x9] =	stream.linear.gather [hbm4b:s9+s4], $0x2710, $0x38;
	[tilespmem:$0x13E20] =	vst v63  }
0x18: {  	_ =	swait.ge [sflag:s12], $0x2710  }
0x19: {  	[sflag:s12] =	ssyncset.done $0x0  }
0x1a: {  	s11 =	rddreg [dreg:$0x5];
	[sflag:s12] =	ssyncadd.s32 $0xFFFFD8F0  }
0x1b: {  	[tilespmem:s13], [sflag:$0x9] =	stream.linear.gather [hbm4b:s11+s4], $0x2710, $0x38;
	[tilespmem:$0x13E20] =	vst v63  }
0x1c: {  	_ =	swait.ge [sflag:s12], $0x2710  }
0x1d: {  	[sflag:s12] =	ssyncset.done $0x0  }
0x1e: {  	[sflag:s12] =	ssyncadd.s32 $0xFFFFD8F0  }
0x1f: {  	[spmem:s15], [sflag:s14] =	dma.local [hbm:s6], $0x1400  }
0x20: {  	_ =	swait.ge [sflag:s12], $0x1400  }
0x21: {  	[sflag:s12] =	ssyncset.done $0x0  }
0x22: {  	[sflag:s12] =	ssyncadd.s32 $0xFFFFEC00  }
0x23: {  	[bflag:$0x0] =	sbarrier.arrive $0xFFFF  }
0x24: {  	[tilespmem:s17], [sflag:$0x1] =	stream.indirect.gather [hbm4b:s1+s16], $0x40, s4, s16, $0xb8;
	[tilespmem:$0x13E20] =	vst v63  }
0x25: {  	_ = 	snop  }
0x26: {  	[tilespmem:s18], [sflag:$0x2] =	stream.indirect.gather [hbm4b:s1+s16], $0x40, s16, s16, $0xb8;
	[tilespmem:$0x13E20] =	vst v63  }
0x27: {  	s19 =	simm.s32 $0xA0  }
0x28: {  	[tilespmem:s20], [sflag:$0x3] =	stream.indirect.gather [hbm4b:s1+s16], $0x40, s19, s16, $0xb8;
	[tilespmem:$0x13E20] =	vst v63  }
0x29: {  	s11 =	simm.s32 $0xF0  }
0x2a: {  	[tilespmem:s22], [sflag:$0x4] =	stream.indirect.gather [hbm4b:s1+s16], $0x40, s11, s16, $0xb8;
	[tilespmem:$0x13E20] =	vst v63  }
0x2b: {  	_ =	swait.ge [sflag:s23], $0x1400  }
0x2c: {  	[sflag:s23] =	ssyncset.done $0x0  }
0x2d: {  	[sflag:s23] =	ssyncadd.s32 $0xFFFFEC00  }
0x2e: {  	[spmem:s3] =	stream.indirect.scatter.add.f32 [tilespmem:s17], [sflag:$0x5], $0x40, s13, s16, $0xb8;
	[tilespmem:$0x13E20] =	vst v63  }
0x2f: {  	_ =	swait.ge [sflag:s24], $0x1400  }
0x30: {  	[sflag:s24] =	ssyncset.done $0x0  }
0x31: {  	s19 =	simm.s32 $0x140;
	[sflag:s24] =	ssyncadd.s32 $0xFFFFEC00  }
0x32: {  	[tilespmem:s17], [sflag:$0x1] =	stream.indirect.gather [hbm4b:s1+s16], $0x40, s19, s16, $0xb8;
	[tilespmem:$0x13E20] =	vst v63  }
0x33: {  	_ =	swait.ge [sflag:s26], $0x1400  }
0x34: {  	[sflag:s26] =	ssyncset.done $0x0  }
0x35: {  	s11 =	simm.s32 $0x2760;
	[sflag:s26] =	ssyncadd.s32 $0xFFFFEC00  }
0x36: {  	[spmem:s3] =	stream.indirect.scatter.add.f32 [tilespmem:s18], [sflag:$0x6], $0x40, s11, s16, $0xb8;
	[tilespmem:$0x13E20] =	vst v63  }
0x37: {  	_ =	swait.ge [sflag:s29], $0x1400  }
0x38: {  	[sflag:s29] =	ssyncset.done $0x0  }
0x39: {  	s19 =	simm.s32 $0x190;
	[sflag:s29] =	ssyncadd.s32 $0xFFFFEC00  }
0x3a: {  	[tilespmem:s18], [sflag:$0x2] =	stream.indirect.gather [hbm4b:s1+s16], $0x40, s19, s16, $0xb8;
	[tilespmem:$0x13E20] =	vst v63  }
0x3b: {  	_ =	swait.ge [sflag:s31], $0x1400  }
0x3c: {  	[sflag:s31] =	ssyncset.done $0x0  }
0x3d: {  	s11 =	simm.s32 $0x27B0;
	[sflag:s31] =	ssyncadd.s32 $0xFFFFEC00  }
0x3e: {  	[spmem:s3] =	stream.indirect.scatter.add.f32 [tilespmem:s20], [sflag:$0x7], $0x40, s11, s16, $0xb8;
	[tilespmem:$0x13E20] =	vst v63  }
0x3f: {  	_ =	swait.ge [sflag:s0], $0x1400  }
0x40: {  	[sflag:s0] =	ssyncset.done $0x0  }
0x41: {  	s19 =	simm.s32 $0x1E0;
	[sflag:s0] =	ssyncadd.s32 $0xFFFFEC00  }
0x42: {  	[tilespmem:s20], [sflag:$0x3] =	stream.indirect.gather [hbm4b:s1+s16], $0x40, s19, s16, $0xb8;
	[tilespmem:$0x13E20] =	vst v63  }
0x43: {  	_ =	swait.ge [sflag:s8], $0x1400  }
0x44: {  	[sflag:s8] =	ssyncset.done $0x0  }
0x45: {  	s11 =	simm.s32 $0x2800;
	[sflag:s8] =	ssyncadd.s32 $0xFFFFEC00  }
0x46: {  	[spmem:s3] =	stream.indirect.scatter.add.f32 [tilespmem:s22], [sflag:$0x8], $0x40, s11, s16, $0xb8;
	[tilespmem:$0x13E20] =	vst v63  }
0x47: {  	_ =	swait.ge [sflag:s10], $0x1400  }
0x48: {  	[sflag:s10] =	ssyncset.done $0x0  }
0x49: {  	s19 =	simm.s32 $0x230;
	[sflag:s10] =	ssyncadd.s32 $0xFFFFEC00  }
0x4a: {  	[tilespmem:s22], [sflag:$0x4] =	stream.indirect.gather [hbm4b:s1+s16], $0x40, s19, s16, $0xb8;
	[tilespmem:$0x13E20] =	vst v63  }
0x4b: {  	_ =	swait.ge [sflag:s23], $0x1400  }
0x4c: {  	[sflag:s23] =	ssyncset.done $0x0  }
0x4d: {  	s11 =	simm.s32 $0x2850;
	[sflag:s23] =	ssyncadd.s32 $0xFFFFEC00  }
0x4e: {  	[spmem:s3] =	stream.indirect.scatter.add.f32 [tilespmem:s17], [sflag:$0x5], $0x40, s11, s16, $0xb8;
	[tilespmem:$0x13E20] =	vst v63  }
0x4f: {  	_ =	swait.ge [sflag:s24], $0x1400  }
0x50: {  	[sflag:s24] =	ssyncset.done $0x0  }
0x51: {  	s19 =	simm.s32 $0x280;
	[sflag:s24] =	ssyncadd.s32 $0xFFFFEC00  }
0x52: {  	[tilespmem:s17], [sflag:$0x1] =	stream.indirect.gather [hbm4b:s1+s16], $0x40, s19, s16, $0xb8;
	[tilespmem:$0x13E20] =	vst v63  }
0x53: {  	_ =	swait.ge [sflag:s26], $0x1400  }
0x54: {  	[sflag:s26] =	ssyncset.done $0x0  }
0x55: {  	s11 =	simm.s32 $0x28A0;
	[sflag:s26] =	ssyncadd.s32 $0xFFFFEC00  }
0x56: {  	[spmem:s3] =	stream.indirect.scatter.add.f32 [tilespmem:s18], [sflag:$0x6], $0x40, s11, s16, $0xb8;
	[tilespmem:$0x13E20] =	vst v63  }
0x57: {  	_ =	swait.ge [sflag:s29], $0x1400  }
0x58: {  	[sflag:s29] =	ssyncset.done $0x0  }
0x59: {  	s19 =	simm.s32 $0x2D0;
	[sflag:s29] =	ssyncadd.s32 $0xFFFFEC00  }
0x5a: {  	[tilespmem:s18], [sflag:$0x2] =	stream.indirect.gather [hbm4b:s1+s16], $0x40, s19, s16, $0xb8;
	[tilespmem:$0x13E20] =	vst v63  }
0x5b: {  	_ =	swait.ge [sflag:s31], $0x1400  }
0x5c: {  	[sflag:s31] =	ssyncset.done $0x0  }
0x5d: {  	s11 =	simm.s32 $0x28F0;
	[sflag:s31] =	ssyncadd.s32 $0xFFFFEC00  }
0x5e: {  	[spmem:s3] =	stream.indirect.scatter.add.f32 [tilespmem:s20], [sflag:$0x7], $0x40, s11, s16, $0xb8;
	[tilespmem:$0x13E20] =	vst v63  }
0x5f: {  	_ =	swait.ge [sflag:s0], $0x1400  }
0x60: {  	[sflag:s0] =	ssyncset.done $0x0  }
0x61: {  	s19 =	simm.s32 $0x320;
	[sflag:s0] =	ssyncadd.s32 $0xFFFFEC00  }
0x62: {  	[tilespmem:s20], [sflag:$0x3] =	stream.indirect.gather [hbm4b:s1+s16], $0x40, s19, s16, $0xb8;
	[tilespmem:$0x13E20] =	vst v63  }
0x63: {  	_ =	swait.ge [sflag:s8], $0x1400  }
0x64: {  	[sflag:s8] =	ssyncset.done $0x0  }
0x65: {  	s9 =	simm.s32 $0x500;
	s11 =	simm.s32 $0x2940;
	[sflag:s8] =	ssyncadd.s32 $0xFFFFEC00  }
.LBB2_2:
0x66: {  	[spmem:s3] =	stream.indirect.scatter.add.f32 [tilespmem:s22], [sflag:$0x8], $0x40, s11, s16, $0xb8;
	[tilespmem:$0x13E20] =	vst v63  }
0x67: {  	s11 =	smov.u32 s9  }
0x68: {  	p0 =	sne.s32 s9, $0x8C00;
	s9 =	sadd.s32 $0x500, s9;
	_ =	swait.ge [sflag:s10], $0x1400  }
0x69: {  	s11 =	sshra.s32 s11, $0x2;
	[sflag:s10] =	ssyncset.done $0x0  }
0x6a: {  	s19 =	sadd.s32 $0x230, s11;
	[sflag:s10] =	ssyncadd.s32 $0xFFFFEC00  }
0x6b: {  	[tilespmem:s22], [sflag:$0x4] =	stream.indirect.gather [hbm4b:s1+s16], $0x40, s19, s16, $0xb8;
	[tilespmem:$0x13E20] =	vst v63  }
0x6c: {  	_ =	swait.ge [sflag:s23], $0x1400  }
0x6d: {  	[sflag:s23] =	ssyncset.done $0x0  }
0x6e: {  	s19 =	sadd.s32 $0x2850, s11;
	[sflag:s23] =	ssyncadd.s32 $0xFFFFEC00  }
0x6f: {  	[spmem:s3] =	stream.indirect.scatter.add.f32 [tilespmem:s17], [sflag:$0x5], $0x40, s19, s16, $0xb8;
	[tilespmem:$0x13E20] =	vst v63  }
0x70: {  	_ =	swait.ge [sflag:s24], $0x1400  }
0x71: {  	[sflag:s24] =	ssyncset.done $0x0  }
0x72: {  	s19 =	sadd.s32 $0x280, s11;
	[sflag:s24] =	ssyncadd.s32 $0xFFFFEC00  }
0x73: {  	[tilespmem:s17], [sflag:$0x1] =	stream.indirect.gather [hbm4b:s1+s16], $0x40, s19, s16, $0xb8;
	[tilespmem:$0x13E20] =	vst v63  }
0x74: {  	_ =	swait.ge [sflag:s26], $0x1400  }
0x75: {  	[sflag:s26] =	ssyncset.done $0x0  }
0x76: {  	s19 =	sadd.s32 $0x28A0, s11;
	[sflag:s26] =	ssyncadd.s32 $0xFFFFEC00  }
0x77: {  	[spmem:s3] =	stream.indirect.scatter.add.f32 [tilespmem:s18], [sflag:$0x6], $0x40, s19, s16, $0xb8;
	[tilespmem:$0x13E20] =	vst v63  }
0x78: {  	_ =	swait.ge [sflag:s29], $0x1400  }
0x79: {  	[sflag:s29] =	ssyncset.done $0x0  }
0x7a: {  	s19 =	sadd.s32 $0x2D0, s11;
	[sflag:s29] =	ssyncadd.s32 $0xFFFFEC00  }
0x7b: {  	[tilespmem:s18], [sflag:$0x2] =	stream.indirect.gather [hbm4b:s1+s16], $0x40, s19, s16, $0xb8;
	[tilespmem:$0x13E20] =	vst v63  }
0x7c: {  	_ =	swait.ge [sflag:s31], $0x1400  }
0x7d: {  	[sflag:s31] =	ssyncset.done $0x0  }
0x7e: {  	s19 =	sadd.s32 $0x28F0, s11;
	[sflag:s31] =	ssyncadd.s32 $0xFFFFEC00  }
0x7f: {  	[spmem:s3] =	stream.indirect.scatter.add.f32 [tilespmem:s20], [sflag:$0x7], $0x40, s19, s16, $0xb8;
	[tilespmem:$0x13E20] =	vst v63  }
0x80: {  	_ =	swait.ge [sflag:s0], $0x1400  }
0x81: {  	[sflag:s0] =	ssyncset.done $0x0  }
.Ltmp0:
0x82: {  	s19 =	sadd.s32 $0x320, s11;
	[sflag:s0] =	ssyncadd.s32 $0xFFFFEC00;
	(pc) =	sbr.rel @p0 .LBB2_2-.Ltmp0, $4  }
0x83: {  	[tilespmem:s20], [sflag:$0x3] =	stream.indirect.gather [hbm4b:s1+s16], $0x40, s19, s16, $0xb8;
	[tilespmem:$0x13E20] =	vst v63  }
0x84: {  	_ =	swait.ge [sflag:s8], $0x1400  }
0x85: {  	[sflag:s8] =	ssyncset.done $0x0  }
0x86: {  	s11 =	sadd.s32 $0x2940, s11;
	[sflag:s8] =	ssyncadd.s32 $0xFFFFEC00  }
0x87: {  	[spmem:s3] =	stream.indirect.scatter.add.f32 [tilespmem:s22], [sflag:$0x8], $0x40, s11, s16, $0xb8;
	[tilespmem:$0x13E20] =	vst v63  }
0x88: {  	_ =	swait.ge [sflag:s10], $0x1400  }
0x89: {  	[sflag:s10] =	ssyncset.done $0x0  }
0x8a: {  	s9 =	simm.s32 $0x2670;
	[sflag:s10] =	ssyncadd.s32 $0xFFFFEC00  }
0x8b: {  	[tilespmem:s22], [sflag:$0x4] =	stream.indirect.gather [hbm4b:s1+s16], $0x40, s9, s16, $0xb8;
	[tilespmem:$0x13E20] =	vst v63  }
0x8c: {  	_ =	swait.ge [sflag:s23], $0x1400  }
0x8d: {  	[sflag:s23] =	ssyncset.done $0x0  }
0x8e: {  	s11 =	simm.s32 $0x4C90;
	[sflag:s23] =	ssyncadd.s32 $0xFFFFEC00  }
0x8f: {  	[spmem:s3] =	stream.indirect.scatter.add.f32 [tilespmem:s17], [sflag:$0x5], $0x40, s11, s16, $0xb8;
	[tilespmem:$0x13E20] =	vst v63  }
0x90: {  	_ =	swait.ge [sflag:s24], $0x1400  }
0x91: {  	[sflag:s24] =	ssyncset.done $0x0  }
0x92: {  	[sflag:s24] =	ssyncadd.s32 $0xFFFFEC00  }
0x93: {  	[tilespmem:s17], [sflag:$0x1] =	stream.indirect.gather [hbm4b:s1+s16], $0x40, s21, s16, $0xb8;
	[tilespmem:$0x13E20] =	vst v63  }
0x94: {  	_ =	swait.ge [sflag:s26], $0x1400  }
0x95: {  	[sflag:s26] =	ssyncset.done $0x0  }
0x96: {  	[sflag:s26] =	ssyncadd.s32 $0xFFFFEC00  }
0x97: {  	[spmem:s3] =	stream.indirect.scatter.add.f32 [tilespmem:s18], [sflag:$0x6], $0x40, s25, s16, $0xb8;
	[tilespmem:$0x13E20] =	vst v63  }
0x98: {  	_ =	swait.ge [sflag:s29], $0x1400  }
0x99: {  	[sflag:s29] =	ssyncset.done $0x0  }
0x9a: {  	[sflag:s29] =	ssyncadd.s32 $0xFFFFEC00  }
0x9b: {  	_ =	swait.ge [sflag:s31], $0x1400  }
0x9c: {  	[sflag:s31] =	ssyncset.done $0x0  }
0x9d: {  	[sflag:s31] =	ssyncadd.s32 $0xFFFFEC00  }
0x9e: {  	[spmem:s3] =	stream.indirect.scatter.add.f32 [tilespmem:s20], [sflag:$0x7], $0x40, s28, s16, $0xb8;
	[tilespmem:$0x13E20] =	vst v63  }
0x9f: {  	_ =	swait.ge [sflag:s0], $0x1400  }
0xa0: {  	[sflag:s0] =	ssyncset.done $0x0  }
0xa1: {  	[sflag:s0] =	ssyncadd.s32 $0xFFFFEC00  }
0xa2: {  	_ =	swait.ge [sflag:s8], $0x1400  }
0xa3: {  	[sflag:s8] =	ssyncset.done $0x0  }
0xa4: {  	[sflag:s8] =	ssyncadd.s32 $0xFFFFEC00  }
0xa5: {  	[spmem:s3] =	stream.indirect.scatter.add.f32 [tilespmem:s22], [sflag:$0x8], $0x40, s30, s16, $0xb8;
	[tilespmem:$0x13E20] =	vst v63  }
0xa6: {  	_ =	swait.ge [sflag:s23], $0x1400  }
0xa7: {  	[sflag:s23] =	ssyncset.done $0x0  }
0xa8: {  	[sflag:s23] =	ssyncadd.s32 $0xFFFFEC00  }
0xa9: {  	[spmem:s3] =	stream.indirect.scatter.add.f32 [tilespmem:s17], [sflag:$0x5], $0x40, s2, s16, $0xb8;
	[tilespmem:$0x13E20] =	vst v63  }
0xaa: {  	_ =	swait.ge [sflag:s10], $0x1400  }
0xab: {  	[sflag:s10] =	ssyncset.done $0x0  }
0xac: {  	[sflag:s10] =	ssyncadd.s32 $0xFFFFEC00  }
0xad: {  	_ =	swait.ge [sflag:s24], $0x1400  }
0xae: {  	[sflag:s24] =	ssyncset.done $0x0  }
0xaf: {  	[sflag:s24] =	ssyncadd.s32 $0xFFFFEC00  }
0xb0: {  	[bflag:$0x0] =	sbarrier.arrive $0xFFFF  }
0xb1: {  	s19 =	rddreg [dreg:$0x6]  }
0xb2: {  	[hbm:s19], [sflag:s14] =	dma.local [spmem:s15], $0x1400  }
0xb3: {  	_ =	swait.ge [sflag:s12], $0x1400  }
0xb4: {  	[sflag:s12] =	ssyncset.done $0x0  }
0xb5: {  	[sflag:s12] =	ssyncadd.s32 $0xFFFFEC00  }
0xb6: {  	[bflag:$0x0] =	sbarrier.arrive $0xFFFF  }
0xb7: {  	[spmem:s15], [sflag:s14] =	dma.local [hbm:s6], $0x1400  }
0xb8: {  	_ =	swait.ge [sflag:s12], $0x1400  }
0xb9: {  	[sflag:s12] =	ssyncset.done $0x0  }
0xba: {  	[sflag:s12] =	ssyncadd.s32 $0xFFFFEC00  }
0xbb: {  	s11 =	simm.s32 $0x0;
	[bflag:$0x0] =	sbarrier.arrive $0xFFFF  }
0xbc: {  	[tilespmem:s17], [sflag:$0x1] =	stream.indirect.gather [hbm4b:s5+s16], $0x40, s11, s16, $0xb8;
	[tilespmem:$0x13E20] =	vst v63  }
0xbd: {  	_ = 	snop  }
0xbe: {  	[tilespmem:s18], [sflag:$0x2] =	stream.indirect.gather [hbm4b:s5+s16], $0x40, s16, s16, $0xb8;
	[tilespmem:$0x13E20] =	vst v63  }
0xbf: {  	s19 =	simm.s32 $0xA0  }
0xc0: {  	[tilespmem:s20], [sflag:$0x3] =	stream.indirect.gather [hbm4b:s5+s16], $0x40, s19, s16, $0xb8;
	[tilespmem:$0x13E20] =	vst v63  }
0xc1: {  	s11 =	simm.s32 $0xF0  }
0xc2: {  	[tilespmem:s22], [sflag:$0x4] =	stream.indirect.gather [hbm4b:s5+s16], $0x40, s11, s16, $0xb8;
	[tilespmem:$0x13E20] =	vst v63  }
0xc3: {  	_ =	swait.ge [sflag:s23], $0x1400  }
0xc4: {  	[sflag:s23] =	ssyncset.done $0x0  }
0xc5: {  	[sflag:s23] =	ssyncadd.s32 $0xFFFFEC00  }
0xc6: {  	[spmem:s3] =	stream.indirect.scatter.add.f32 [tilespmem:s17], [sflag:$0x5], $0x40, s13, s16, $0xb8;
	[tilespmem:$0x13E20] =	vst v63  }
0xc7: {  	_ =	swait.ge [sflag:s24], $0x1400  }
0xc8: {  	[sflag:s24] =	ssyncset.done $0x0  }
0xc9: {  	s19 =	simm.s32 $0x140;
	[sflag:s24] =	ssyncadd.s32 $0xFFFFEC00  }
0xca: {  	[tilespmem:s17], [sflag:$0x1] =	stream.indirect.gather [hbm4b:s5+s16], $0x40, s19, s16, $0xb8;
	[tilespmem:$0x13E20] =	vst v63  }
0xcb: {  	_ =	swait.ge [sflag:s26], $0x1400  }
0xcc: {  	[sflag:s26] =	ssyncset.done $0x0  }
0xcd: {  	s11 =	simm.s32 $0x2760;
	[sflag:s26] =	ssyncadd.s32 $0xFFFFEC00  }
0xce: {  	[spmem:s3] =	stream.indirect.scatter.add.f32 [tilespmem:s18], [sflag:$0x6], $0x40, s11, s16, $0xb8;
	[tilespmem:$0x13E20] =	vst v63  }
0xcf: {  	_ =	swait.ge [sflag:s29], $0x1400  }
0xd0: {  	[sflag:s29] =	ssyncset.done $0x0  }
0xd1: {  	s19 =	simm.s32 $0x190;
	[sflag:s29] =	ssyncadd.s32 $0xFFFFEC00  }
0xd2: {  	[tilespmem:s18], [sflag:$0x2] =	stream.indirect.gather [hbm4b:s5+s16], $0x40, s19, s16, $0xb8;
	[tilespmem:$0x13E20] =	vst v63  }
0xd3: {  	_ =	swait.ge [sflag:s31], $0x1400  }
0xd4: {  	[sflag:s31] =	ssyncset.done $0x0  }
0xd5: {  	s11 =	simm.s32 $0x27B0;
	[sflag:s31] =	ssyncadd.s32 $0xFFFFEC00  }
0xd6: {  	[spmem:s3] =	stream.indirect.scatter.add.f32 [tilespmem:s20], [sflag:$0x7], $0x40, s11, s16, $0xb8;
	[tilespmem:$0x13E20] =	vst v63  }
0xd7: {  	_ =	swait.ge [sflag:s0], $0x1400  }
0xd8: {  	[sflag:s0] =	ssyncset.done $0x0  }
0xd9: {  	s19 =	simm.s32 $0x1E0;
	[sflag:s0] =	ssyncadd.s32 $0xFFFFEC00  }
0xda: {  	[tilespmem:s20], [sflag:$0x3] =	stream.indirect.gather [hbm4b:s5+s16], $0x40, s19, s16, $0xb8;
	[tilespmem:$0x13E20] =	vst v63  }
0xdb: {  	_ =	swait.ge [sflag:s8], $0x1400  }
0xdc: {  	[sflag:s8] =	ssyncset.done $0x0  }
0xdd: {  	s11 =	simm.s32 $0x2800;
	[sflag:s8] =	ssyncadd.s32 $0xFFFFEC00  }
0xde: {  	[spmem:s3] =	stream.indirect.scatter.add.f32 [tilespmem:s22], [sflag:$0x8], $0x40, s11, s16, $0xb8;
	[tilespmem:$0x13E20] =	vst v63  }
0xdf: {  	_ =	swait.ge [sflag:s10], $0x1400  }
0xe0: {  	[sflag:s10] =	ssyncset.done $0x0  }
0xe1: {  	s19 =	simm.s32 $0x230;
	[sflag:s10] =	ssyncadd.s32 $0xFFFFEC00  }
0xe2: {  	[tilespmem:s22], [sflag:$0x4] =	stream.indirect.gather [hbm4b:s5+s16], $0x40, s19, s16, $0xb8;
	[tilespmem:$0x13E20] =	vst v63  }
0xe3: {  	_ =	swait.ge [sflag:s23], $0x1400  }
0xe4: {  	[sflag:s23] =	ssyncset.done $0x0  }
0xe5: {  	s11 =	simm.s32 $0x2850;
	[sflag:s23] =	ssyncadd.s32 $0xFFFFEC00  }
0xe6: {  	[spmem:s3] =	stream.indirect.scatter.add.f32 [tilespmem:s17], [sflag:$0x5], $0x40, s11, s16, $0xb8;
	[tilespmem:$0x13E20] =	vst v63  }
0xe7: {  	_ =	swait.ge [sflag:s24], $0x1400  }
0xe8: {  	[sflag:s24] =	ssyncset.done $0x0  }
0xe9: {  	s19 =	simm.s32 $0x280;
	[sflag:s24] =	ssyncadd.s32 $0xFFFFEC00  }
0xea: {  	[tilespmem:s17], [sflag:$0x1] =	stream.indirect.gather [hbm4b:s5+s16], $0x40, s19, s16, $0xb8;
	[tilespmem:$0x13E20] =	vst v63  }
0xeb: {  	_ =	swait.ge [sflag:s26], $0x1400  }
0xec: {  	[sflag:s26] =	ssyncset.done $0x0  }
0xed: {  	s11 =	simm.s32 $0x28A0;
	[sflag:s26] =	ssyncadd.s32 $0xFFFFEC00  }
0xee: {  	[spmem:s3] =	stream.indirect.scatter.add.f32 [tilespmem:s18], [sflag:$0x6], $0x40, s11, s16, $0xb8;
	[tilespmem:$0x13E20] =	vst v63  }
0xef: {  	_ =	swait.ge [sflag:s29], $0x1400  }
0xf0: {  	[sflag:s29] =	ssyncset.done $0x0  }
0xf1: {  	s19 =	simm.s32 $0x2D0;
	[sflag:s29] =	ssyncadd.s32 $0xFFFFEC00  }
0xf2: {  	[tilespmem:s18], [sflag:$0x2] =	stream.indirect.gather [hbm4b:s5+s16], $0x40, s19, s16, $0xb8;
	[tilespmem:$0x13E20] =	vst v63  }
0xf3: {  	_ =	swait.ge [sflag:s31], $0x1400  }
0xf4: {  	[sflag:s31] =	ssyncset.done $0x0  }
0xf5: {  	s11 =	simm.s32 $0x28F0;
	[sflag:s31] =	ssyncadd.s32 $0xFFFFEC00  }
0xf6: {  	[spmem:s3] =	stream.indirect.scatter.add.f32 [tilespmem:s20], [sflag:$0x7], $0x40, s11, s16, $0xb8;
	[tilespmem:$0x13E20] =	vst v63  }
0xf7: {  	_ =	swait.ge [sflag:s0], $0x1400  }
0xf8: {  	[sflag:s0] =	ssyncset.done $0x0  }
0xf9: {  	s19 =	simm.s32 $0x320;
	[sflag:s0] =	ssyncadd.s32 $0xFFFFEC00  }
0xfa: {  	[tilespmem:s20], [sflag:$0x3] =	stream.indirect.gather [hbm4b:s5+s16], $0x40, s19, s16, $0xb8;
	[tilespmem:$0x13E20] =	vst v63  }
0xfb: {  	_ =	swait.ge [sflag:s8], $0x1400  }
0xfc: {  	[sflag:s8] =	ssyncset.done $0x0  }
0xfd: {  	s9 =	simm.s32 $0x500;
	s11 =	simm.s32 $0x2940;
	[sflag:s8] =	ssyncadd.s32 $0xFFFFEC00  }
.LBB2_4:
0xfe: {  	[spmem:s3] =	stream.indirect.scatter.add.f32 [tilespmem:s22], [sflag:$0x8], $0x40, s11, s16, $0xb8;
	[tilespmem:$0x13E20] =	vst v63  }
0xff: {  	s11 =	smov.u32 s9  }
0x100: {  	p0 =	sne.s32 s9, $0x8C00;
	s9 =	sadd.s32 $0x500, s9;
	_ =	swait.ge [sflag:s10], $0x1400  }
0x101: {  	s11 =	sshra.s32 s11, $0x2;
	[sflag:s10] =	ssyncset.done $0x0  }
0x102: {  	s19 =	sadd.s32 $0x230, s11;
	[sflag:s10] =	ssyncadd.s32 $0xFFFFEC00  }
0x103: {  	[tilespmem:s22], [sflag:$0x4] =	stream.indirect.gather [hbm4b:s5+s16], $0x40, s19, s16, $0xb8;
	[tilespmem:$0x13E20] =	vst v63  }
0x104: {  	_ =	swait.ge [sflag:s23], $0x1400  }
0x105: {  	[sflag:s23] =	ssyncset.done $0x0  }
0x106: {  	s19 =	sadd.s32 $0x2850, s11;
	[sflag:s23] =	ssyncadd.s32 $0xFFFFEC00  }
0x107: {  	[spmem:s3] =	stream.indirect.scatter.add.f32 [tilespmem:s17], [sflag:$0x5], $0x40, s19, s16, $0xb8;
	[tilespmem:$0x13E20] =	vst v63  }
0x108: {  	_ =	swait.ge [sflag:s24], $0x1400  }
0x109: {  	[sflag:s24] =	ssyncset.done $0x0  }
0x10a: {  	s19 =	sadd.s32 $0x280, s11;
	[sflag:s24] =	ssyncadd.s32 $0xFFFFEC00  }
0x10b: {  	[tilespmem:s17], [sflag:$0x1] =	stream.indirect.gather [hbm4b:s5+s16], $0x40, s19, s16, $0xb8;
	[tilespmem:$0x13E20] =	vst v63  }
0x10c: {  	_ =	swait.ge [sflag:s26], $0x1400  }
0x10d: {  	[sflag:s26] =	ssyncset.done $0x0  }
0x10e: {  	s19 =	sadd.s32 $0x28A0, s11;
	[sflag:s26] =	ssyncadd.s32 $0xFFFFEC00  }
0x10f: {  	[spmem:s3] =	stream.indirect.scatter.add.f32 [tilespmem:s18], [sflag:$0x6], $0x40, s19, s16, $0xb8;
	[tilespmem:$0x13E20] =	vst v63  }
0x110: {  	_ =	swait.ge [sflag:s29], $0x1400  }
0x111: {  	[sflag:s29] =	ssyncset.done $0x0  }
0x112: {  	s19 =	sadd.s32 $0x2D0, s11;
	[sflag:s29] =	ssyncadd.s32 $0xFFFFEC00  }
0x113: {  	[tilespmem:s18], [sflag:$0x2] =	stream.indirect.gather [hbm4b:s5+s16], $0x40, s19, s16, $0xb8;
	[tilespmem:$0x13E20] =	vst v63  }
0x114: {  	_ =	swait.ge [sflag:s31], $0x1400  }
0x115: {  	[sflag:s31] =	ssyncset.done $0x0  }
0x116: {  	s19 =	sadd.s32 $0x28F0, s11;
	[sflag:s31] =	ssyncadd.s32 $0xFFFFEC00  }
0x117: {  	[spmem:s3] =	stream.indirect.scatter.add.f32 [tilespmem:s20], [sflag:$0x7], $0x40, s19, s16, $0xb8;
	[tilespmem:$0x13E20] =	vst v63  }
0x118: {  	_ =	swait.ge [sflag:s0], $0x1400  }
0x119: {  	[sflag:s0] =	ssyncset.done $0x0  }
.Ltmp1:
0x11a: {  	s19 =	sadd.s32 $0x320, s11;
	[sflag:s0] =	ssyncadd.s32 $0xFFFFEC00;
	(pc) =	sbr.rel @p0 .LBB2_4-.Ltmp1, $4  }
0x11b: {  	[tilespmem:s20], [sflag:$0x3] =	stream.indirect.gather [hbm4b:s5+s16], $0x40, s19, s16, $0xb8;
	[tilespmem:$0x13E20] =	vst v63  }
0x11c: {  	_ =	swait.ge [sflag:s8], $0x1400  }
0x11d: {  	[sflag:s8] =	ssyncset.done $0x0  }
0x11e: {  	s11 =	sadd.s32 $0x2940, s11;
	[sflag:s8] =	ssyncadd.s32 $0xFFFFEC00  }
0x11f: {  	[spmem:s3] =	stream.indirect.scatter.add.f32 [tilespmem:s22], [sflag:$0x8], $0x40, s11, s16, $0xb8;
	[tilespmem:$0x13E20] =	vst v63  }
0x120: {  	_ =	swait.ge [sflag:s10], $0x1400  }
0x121: {  	[sflag:s10] =	ssyncset.done $0x0  }
0x122: {  	s9 =	simm.s32 $0x2670;
	[sflag:s10] =	ssyncadd.s32 $0xFFFFEC00  }
0x123: {  	[tilespmem:s22], [sflag:$0x4] =	stream.indirect.gather [hbm4b:s5+s16], $0x40, s9, s16, $0xb8;
	[tilespmem:$0x13E20] =	vst v63  }
0x124: {  	_ =	swait.ge [sflag:s23], $0x1400  }
0x125: {  	[sflag:s23] =	ssyncset.done $0x0  }
0x126: {  	s19 =	simm.s32 $0x4C90;
	[sflag:s23] =	ssyncadd.s32 $0xFFFFEC00  }
0x127: {  	[spmem:s3] =	stream.indirect.scatter.add.f32 [tilespmem:s17], [sflag:$0x5], $0x40, s19, s16, $0xb8;
	[tilespmem:$0x13E20] =	vst v63  }
0x128: {  	_ =	swait.ge [sflag:s24], $0x1400  }
0x129: {  	[sflag:s24] =	ssyncset.done $0x0  }
0x12a: {  	[sflag:s24] =	ssyncadd.s32 $0xFFFFEC00  }
0x12b: {  	[tilespmem:s17], [sflag:$0x1] =	stream.indirect.gather [hbm4b:s5+s16], $0x40, s21, s16, $0xb8;
	[tilespmem:$0x13E20] =	vst v63  }
0x12c: {  	_ =	swait.ge [sflag:s26], $0x1400  }
0x12d: {  	[sflag:s26] =	ssyncset.done $0x0  }
0x12e: {  	[sflag:s26] =	ssyncadd.s32 $0xFFFFEC00  }
0x12f: {  	[spmem:s3] =	stream.indirect.scatter.add.f32 [tilespmem:s18], [sflag:$0x6], $0x40, s25, s16, $0xb8;
	[tilespmem:$0x13E20] =	vst v63  }
0x130: {  	_ =	swait.ge [sflag:s29], $0x1400  }
0x131: {  	[sflag:s29] =	ssyncset.done $0x0  }
0x132: {  	[sflag:s29] =	ssyncadd.s32 $0xFFFFEC00  }
0x133: {  	_ =	swait.ge [sflag:s31], $0x1400  }
0x134: {  	[sflag:s31] =	ssyncset.done $0x0  }
0x135: {  	[sflag:s31] =	ssyncadd.s32 $0xFFFFEC00  }
0x136: {  	[spmem:s3] =	stream.indirect.scatter.add.f32 [tilespmem:s20], [sflag:$0x7], $0x40, s28, s16, $0xb8;
	[tilespmem:$0x13E20] =	vst v63  }
0x137: {  	_ =	swait.ge [sflag:s0], $0x1400  }
0x138: {  	[sflag:s0] =	ssyncset.done $0x0  }
0x139: {  	[sflag:s0] =	ssyncadd.s32 $0xFFFFEC00  }
0x13a: {  	_ =	swait.ge [sflag:s8], $0x1400  }
0x13b: {  	[sflag:s8] =	ssyncset.done $0x0  }
0x13c: {  	[sflag:s8] =	ssyncadd.s32 $0xFFFFEC00  }
0x13d: {  	[spmem:s3] =	stream.indirect.scatter.add.f32 [tilespmem:s22], [sflag:$0x8], $0x40, s30, s16, $0xb8;
	[tilespmem:$0x13E20] =	vst v63  }
0x13e: {  	_ =	swait.ge [sflag:s23], $0x1400  }
0x13f: {  	[sflag:s23] =	ssyncset.done $0x0  }
0x140: {  	[sflag:s23] =	ssyncadd.s32 $0xFFFFEC00  }
0x141: {  	[spmem:s3] =	stream.indirect.scatter.add.f32 [tilespmem:s17], [sflag:$0x5], $0x40, s2, s16, $0xb8;
	[tilespmem:$0x13E20] =	vst v63  }
0x142: {  	_ =	swait.ge [sflag:s10], $0x1400  }
0x143: {  	[sflag:s10] =	ssyncset.done $0x0  }
0x144: {  	[sflag:s10] =	ssyncadd.s32 $0xFFFFEC00  }
0x145: {  	_ =	swait.ge [sflag:s24], $0x1400  }
0x146: {  	[sflag:s24] =	ssyncset.done $0x0  }
0x147: {  	[sflag:s24] =	ssyncadd.s32 $0xFFFFEC00  }
0x148: {  	[bflag:$0x0] =	sbarrier.arrive $0xFFFF  }
0x149: {  	s11 =	rddreg [dreg:$0x7]  }
0x14a: {  	[hbm:s11], [sflag:s14] =	dma.local [spmem:s15], $0x1400  }
0x14b: {  	_ =	swait.ge [sflag:s12], $0x1400  }
0x14c: {  	s7 =	sadd.s32 $0x1, s7;
	s19 =	rddreg [dreg:$0x8]  }
0x14d: {  	p0 =	sne.s32 s7, s19  }
.Ltmp2:
0x14e: {  	_ = 	snop;
	(pc) =	sbr.rel @p0 .LBB2_1-.Ltmp2, $3  }
0x14f: {  	[sflag:s12] =	ssyncset.done $0x0  }
0x150: {  	[sflag:s12] =	ssyncadd.s32 $0xFFFFEC00  }
0x151: {  	[bflag:$0x0] =	sbarrier.arrive $0xFFFF;
	_ =	sdelay $0x1  }
0x152: {  	_ =	sfence.sel $0x180000  }
0x153: {  	[bflag:$0x0] =	sbarrier.arrive $0xFFFF  }
0x154: {  	_ =	strace $0x9000004D  }
0x155: {  	s0 =	stileid.u32;
	[bflag:$0x2] =	sbarrier.arrive $0xFFFF  }
0x156: {  	p0 =	sne.s32 s0, $0x0;
	s0 =	rddreg [dreg:$0x3]  }
0x157: {  	s0 =	sadd.s32 @!p0 $0x100000, s0  }
0x158: {  	[sflag:s0] =	ssyncadd.tile.s32 @!p0 $0x1;
	_ =	shalt  }
.Lfunc_end2:
_tile_overlayer_lowered:
.L_overlay_start_2:
0x159: {  	(tag) =	ssettag $0x2  }
0x15a: {  	s0 =	rddreg [dreg:$0x0];
	s2 =	stileid.u32  }
0x15b: {  	s1 =	rddreg [dreg:$0x1];
	p0 =	sne.s32 s2, $0x0  }
0x15c: {  	s3 =	rddreg [dreg:$0x2];
	[bflag:$0x3] =	sbarrier.arrive $0xFFFF;
	s2 =	simm.s32 @!p0 $0x1C09  }
0x15d: {  	[timem:s3], [sflag:s2] =	dma.local @!p0 [hbm:s0], s1  }
0x15e: {  	s0 =	simm.s32 @!p0 $0x9  }
0x15f: {  	_ =	swait.ge @!p0 [sflag:s0], s1  }
0x160: {  	s1 =	ssub.s32 @!p0 $0x0, s1;
	[sflag:s0] =	ssyncset.done @!p0 $0x0  }
0x161: {  	[sflag:s0] =	ssyncadd.s32 @!p0 s1  }
0x162: {  	[bflag:$0x3] =	sbarrier.arrive $0xFFFF  }
0x163: {  	_ =	shalt  }

// kernel: kernel.4.cloned.1.call-start
scs
__scs_entry_jumppad:
0x0: {  	(pc) =	sbr.rel $0x88, $3  }
0x1: {  	(tag) =	ssettag $0x0;
	lr =	simm.s32 $0x1  }
0x2: {  	[smem:$0x3F9B] =	sst lr;
	_ =	strace $0xD0000000  }
0x3: {  	_ = 	snop  }
0x4: {  	_ = 	snop  }
0x5: {  	_ = 	snop  }
0x6: {  	_ = 	snop  }
0x7: {  	_ = 	snop  }
__scs_overlays_trampoline_lowered:
0x8: {  	[smem:$0x3FAA] =	sst s0  }
0x9: {  	[smem:$0x3FAB] =	sst s1  }
0xa: {  	[smem:$0x3FAC] =	sst s2  }
0xb: {  	[smem:$0x3FAD] =	sst s3  }
0xc: {  	[smem:$0x3FAE] =	sst s4  }
0xd: {  	[smem:$0x3FAF] =	sst s5  }
0xe: {  	[smem:$0x3FB0] =	sst s6  }
0xf: {  	[smem:$0x3FB1] =	sst s7  }
0x10: {  	[smem:$0x3FB2] =	sst s8  }
0x11: {  	[smem:$0x3FB3] =	sst s9;
	s0 =	simm.s32 @!p0 $0x0  }
0x12: {  	s1 =	sld [smem:$0x3F99];
	s0 =	simm.s32 @p0 $0x1  }
0x13: {  	[smem:$0x3FB4] =	sst s0;
	s0 =	simm.s32 @!p1 $0x0  }
0x14: {  	s2 =	sld [smem:$0x3F98];
	s0 =	simm.s32 @p1 $0x1  }
0x15: {  	[smem:$0x3FB5] =	sst s0;
	s0 =	simm.s32 @!p2 $0x0  }
0x16: {  	s3 =	sld [smem:$0x3FDB];
	s0 =	simm.s32 @p2 $0x1  }
0x17: {  	s4 =	simm.s32 $0x1BF5;
	[smem:$0x3FB7] =	sst s0  }
0x18: {  	s0 =	sld [smem:$0x3F9A];
	_ =	swait.ge [sflag:s4], $0x0  }
0x19: {  	s7 =	sld [smem:$0x3F9B]  }
0x1a: {  	s8 =	sadd.s32 $0xFFFFE003, lr  }
0x1b: {  	s9 =	sadd.s32 $0xFFFFFEF7, lr;
	s5 =	simm.s32 $0xFFFFFFFF;
	p2 =	slt.u32 s8, $0xFFFFF086  }
0x1c: {  	p1 =	slt.u32 s9, $0xF7A;
	s5 =	simm.s32 @!p2 $0x0  }
0x1d: {  	s5 =	simm.s32 @p1 $0x1;
	p0 =	seq.s32 s7, s2  }
0x1e: {  	s7 =	smul.u32 @!p0 $0xF7A, s2;
	p2 =	seq.s32 @!p0 s5, $0x0  }
0x1f: {  	s9 =	smul.u32 $0xF7A, s1;
	s8 =	simm.s32 @!p0 $0x1BF5;
	p2 =	por !p2, p0  }
0x20: {  	[sflag:s8] =	ssyncset.s32 @!p0 $0xFFFFF086;
	s6 =	sadd.s32 @!p0 s3, s7;
	s7 =	simm.s32 @!p0 $0x108  }
0x21: {  	s3 =	sadd.s32 s3, s9;
	s6 =	sadd.s32 @!p0 $0x88, s6;
	s7 =	simm.s32 @p2 $0x1082  }
0x22: {  	[simem:s7], [sflag:s8] =	dma.local @!p0 [hbm:s6], $0xF7A  }
0x23: {  	s9 =	sor.u32 $0xD0000000, s2;
	s6 =	simm.s32 $0x108;
	_ =	swait.ge @!p0 [sflag:s8], $0x0  }
0x24: {  	s3 =	sadd.s32 $0x88, s3;
	s6 =	simm.s32 @!p1 $0x1082;
	[sflag:s4] =	ssyncset.s32 $0xFFFFF086  }
0x25: {  	[simem:s6], [sflag:s4] =	dma.local [hbm:s3], $0xF7A  }
0x26: {  	[smem:$0x3F9B] =	sst s1;
	(tag) =	ssettag s2;
	_ =	strace s9  }
0x27: {  	s1 =	sld [smem:$0x3FAB]  }
0x28: {  	s2 =	sld [smem:$0x3FAC]  }
0x29: {  	s4 =	sld [smem:$0x3FAE]  }
0x2a: {  	p0 =	seq.s32 s5, $0x0;
	s5 =	sld [smem:$0x3FAF]  }
0x2b: {  	s6 =	sld [smem:$0x3FB0]  }
0x2c: {  	s7 =	sld [smem:$0x3FB1]  }
0x2d: {  	s3 =	simm.s32 $0x108;
	s8 =	sld [smem:$0x3FB2]  }
0x2e: {  	s3 =	simm.s32 @!p0 $0x1082;
	s9 =	sld [smem:$0x3FB3]  }
0x2f: {  	lr =	sadd.s32 s0, s3;
	s0 =	sld [smem:$0x3FAA]  }
0x30: {  	s3 =	sld [smem:$0x3FAD]  }
0x31: {  	[smem:$0x3FB6] =	sst s10  }
0x32: {  	s10 =	sld [smem:$0x3FB4];
	_ =	sdelay $0x3  }
0x33: {  	p0 =	seq.s32 s10, $0x1;
	s10 =	sld [smem:$0x3FB6];
	_ =	sdelay $0x3  }
0x34: {  	[smem:$0x3FB6] =	sst s10  }
0x35: {  	s10 =	sld [smem:$0x3FB5];
	_ =	sdelay $0x3  }
0x36: {  	p1 =	seq.s32 s10, $0x1;
	s10 =	sld [smem:$0x3FB6];
	_ =	sdelay $0x3  }
0x37: {  	[smem:$0x3FB6] =	sst s10  }
0x38: {  	s10 =	sld [smem:$0x3FB7]  }
0x39: {  	_ = 	snop;
	(pc) =	sbr.ind lr, $3  }
0x3a: {  	_ = 	snop  }
0x3b: {  	_ = 	snop  }
0x3c: {  	p2 =	seq.s32 s10, $0x1;
	s10 =	sld [smem:$0x3FB6]  }
0x3d: {  	_ =	shalt  }
0x3e: {  	_ =	shalt  }
0x3f: {  	_ =	shalt  }
0x40: {  	_ =	shalt  }
0x41: {  	_ =	shalt  }
0x42: {  	_ =	shalt  }
0x43: {  	_ =	shalt  }
0x44: {  	_ =	shalt  }
0x45: {  	_ =	shalt  }
0x46: {  	_ =	shalt  }
0x47: {  	_ =	shalt  }
0x48: {  	_ =	shalt  }
0x49: {  	_ =	shalt  }
0x4a: {  	_ =	shalt  }
0x4b: {  	_ =	shalt  }
0x4c: {  	_ =	shalt  }
0x4d: {  	_ =	shalt  }
0x4e: {  	_ =	shalt  }
0x4f: {  	_ =	shalt  }
0x50: {  	_ =	shalt  }
0x51: {  	_ =	shalt  }
0x52: {  	_ =	shalt  }
0x53: {  	_ =	shalt  }
0x54: {  	_ =	shalt  }
0x55: {  	_ =	shalt  }
0x56: {  	_ =	shalt  }
0x57: {  	_ =	shalt  }
0x58: {  	_ =	shalt  }
0x59: {  	_ =	shalt  }
0x5a: {  	_ =	shalt  }
0x5b: {  	_ =	shalt  }
0x5c: {  	_ =	shalt  }
0x5d: {  	_ =	shalt  }
0x5e: {  	_ =	shalt  }
0x5f: {  	_ =	shalt  }
0x60: {  	_ =	shalt  }
0x61: {  	_ =	shalt  }
0x62: {  	_ =	shalt  }
0x63: {  	_ =	shalt  }
0x64: {  	_ =	shalt  }
0x65: {  	_ =	shalt  }
0x66: {  	_ =	shalt  }
0x67: {  	_ =	shalt  }
0x68: {  	_ =	shalt  }
0x69: {  	_ =	shalt  }
0x6a: {  	_ =	shalt  }
0x6b: {  	_ =	shalt  }
0x6c: {  	_ =	shalt  }
0x6d: {  	_ =	shalt  }
0x6e: {  	_ =	shalt  }
0x6f: {  	_ =	shalt  }
0x70: {  	_ =	shalt  }
0x71: {  	_ =	shalt  }
0x72: {  	_ =	shalt  }
0x73: {  	_ =	shalt  }
0x74: {  	_ =	shalt  }
0x75: {  	_ =	shalt  }
0x76: {  	_ =	shalt  }
0x77: {  	_ =	shalt  }
0x78: {  	_ =	shalt  }
0x79: {  	_ =	shalt  }
0x7a: {  	_ =	shalt  }
0x7b: {  	_ =	shalt  }
0x7c: {  	_ =	shalt  }
0x7d: {  	_ =	shalt  }
0x7e: {  	_ =	shalt  }
0x7f: {  	_ =	shalt  }
0x80: {  	_ =	shalt  }
0x81: {  	_ =	shalt  }
0x82: {  	_ =	shalt  }
0x83: {  	_ =	shalt  }
0x84: {  	_ =	shalt  }
0x85: {  	_ =	shalt  }
0x86: {  	_ =	shalt  }
0x87: {  	_ =	shalt  }
.Lfunc_end0:
.L_simem_size_0:
called_computation.2_lowered:
.L_overlay_start_0:
0x88: {  	s2 =	sld [smem:$0x3FD9]  }
0x89: {  	s3 =	sld [smem:$0x3FFE];
	_ =	sdelay $0x1  }
0x8a: {  	s1 =	srdreg.scid  }
0x8b: {  	s0 =	sand.u32 $0x1, s1  }
0x8c: {  	s17 =	sshll.u32 s0, $0xA;
	s2 =	sadd.s32 s3, s2  }
0x8d: {  	s2 =	sadd.s32 s2, s17  }
0x8e: {  	[smem:$0x3FC2] =	sst s2  }
0x8f: {  	_ = 	snop  }
0x90: {  	s2 =	sld [smem:$0x3FD0];
	(tm) =	ssettm $0x1  }
0x91: {  	s18 =	sld [smem:$0x3FFB];
	_ =	sdelay $0x3  }
0x92: {  	_ =	strace s18  }
0x93: {  	s3 =	sld [smem:$0x3FFC];
	_ =	sdelay $0x3  }
0x94: {  	_ =	strace s3  }
0x95: {  	s3 =	sld [smem:$0x3FFD];
	_ =	sdelay $0x3  }
0x96: {  	_ =	strace s3  }
0x97: {  	_ =	strace $0x8FFFFFFF  }
0x98: {  	s19 =	sld [smem:$0x3FDB];
	_ =	sdelay $0x1  }
0x99: {  	s4 =	simm.s32 $_scs_section_size  }
0x9a: {  	s5 =	simm.s32 $_size__tile_overlayer_lowered;
	s6 =	simm.s32 $_tile_overlayer_lowered  }
0x9b: {  	s22 =	simm.s32 $0x1BFF;
	s21 =	sshll.u32 s6, $0x1;
	s3 =	sadd.s32 s4, s19  }
0x9c: {  	s7 =	simm.s32 $0x0;
	s20 =	sshll.u32 s5, $0x1;
	s5 =	sadd.s32 s21, s3  }
0x9d: {  	[timem:s7], [sflag:s22] =	dma.local [hbm:s5], s20  }
0x9e: {  	_ =	swait.ge [sflag:s22], s20  }
0x9f: {  	s4 =	ssub.s32 $0x0, s20;
	[sflag:s22] =	ssyncset.done $0x0  }
0xa0: {  	[sflag:s22] =	ssyncadd.s32 s4;
	_ =	sdelay $0x1  }
0xa1: {  	s23 =	simm.s32 $0x1B8B  }
0xa2: {  	_ =	swait.ge [sflag:s23], $0x1  }
0xa3: {  	[sflag:s23] =	ssyncset.done $0x0  }
0xa4: {  	s25 =	simm.s32 $0x1B8E;
	s24 =	sld [smem:$0x3FFE];
	[sflag:s23] =	ssyncadd.s32 $0xFFFFFFFF  }
0xa5: {  	s26 =	simm.s32 $execute0_lowered;
	[smem:$0x3FD2] =	sst s25  }
0xa6: {  	s5 =	sshll.u32 s26, $0x1;
	_ =	strace $0x80000046;
	[dreg:$0x1] =	wrdreg $0xFFFFFFFF  }
0xa7: {  	s28 =	simm.s32 $_size_execute0_lowered;
	s3 =	sadd.s32 s3, s5;
	[dreg:$0x0] =	wrdreg $0x0  }
0xa8: {  	s5 =	sshll.u32 s28, $0x1;
	[dreg:$0x2] =	wrdreg s3  }
0xa9: {  	[dreg:$0x3] =	wrdreg s5  }
0xaa: {  	[dreg:$0x4] =	wrdreg $0xC0  }
0xab: {  	_ =	task [dreg:s7], $0x5FFFF  }
0xac: {  	[dreg:$0x1] =	wrdreg $0xFFFFFFFF  }
0xad: {  	[dreg:$0x0] =	wrdreg $0x60  }
0xae: {  	[dreg:$0x2] =	wrdreg s24  }
0xaf: {  	[dreg:$0x3] =	wrdreg s2  }
0xb0: {  	[dreg:$0x4] =	wrdreg $0x2C100  }
0xb1: {  	[dreg:$0x5] =	wrdreg $0x9  }
0xb2: {  	_ =	task.clear_ibuf [dreg:s7], $0x6FFFF;
	_ =	strace $0x90000046  }
0xb3: {  	s29 =	simm.s32 $0x9;
	_ =	strace $0x80000048  }
0xb4: {  	_ =	swait.ge [sflag:s29], $0x1  }
0xb5: {  	[sflag:s29] =	ssyncadd.s32 $0xFFFFFFFF  }
0xb6: {  	_ =	strace $0x90000048  }
0xb7: {  	_ =	sfence  }
0xb8: {  	s30 =	sld [smem:$0x0];
	_ =	sdelay $0x2  }
0xb9: {  	s31 =	sshll.u32 s1, $0xD;
	s1 =	sshrl.u32 s1, $0x2  }
0xba: {  	s3 =	sand.u32 $0x4000, s31;
	s1 =	sadd.s32 s1, s30  }
0xbb: {  	s0 =	sor.u32 s3, s0;
	s1 =	sshll.u32 s1, $0x11  }
0xbc: {  	s0 =	sor.u32 s1, s0  }
0xbd: {  	s0 =	sadd.s32 $0x8F2B, s0  }
0xbe: {  	[sflag:s0] =	ssyncadd.remote.s32 $0x1  }
0xbf: {  	_ =	sfence.sel $0xFFFF  }
0xc0: {  	[dreg:$0x0] =	wrdreg $0xFFFFFFFF;
	(pc) =	sbr.abs _section_cstart, $3  }
0xc1: {  	[dreg:$0x1] =	wrdreg $0xFFFFFFFF  }
0xc2: {  	_ =	task.clear_ibuf [dreg:s7], $0x2FFFF;
	_ =	strace $0x9FFFFFFF  }
0xc3: {  	(tm) =	ssettm $0x7FFFFFFF  }
tec
execute0_lowered:
.L_overlay_start_1:
0x0: {  	(tag) =	ssettag $0x1  }
0x1: {  	s5 =	rddreg [dreg:$0x0]  }
0x2: {  	s0 =	srdreg.scid;
	s7 =	rddreg [dreg:$0x1]  }
0x3: {  	s2 =	rddreg [dreg:$0x2];
	s3 =	simm.s32 $0x0;
	s13 =	simm.s32 $0x50  }
0x4: {  	s14 =	simm.s32 $0x1;
	s4 =	sand.u32 $0x1, s0;
	s0 =	stileid.u32  }
0x5: {  	s15 =	simm.s32 $0x0;
	[smem:$0x7FF] =	sst s3;
	s8 =	smul.u32 $0x500, s0  }
0x6: {  	s1 =	sshll.u32 s4, $0x4;
	s9 =	smul.u32 $0xA000, s0;
	s10 =	ssub.s32 $0x2, s4  }
0x7: {  	s11 =	smul.u32 $0x5000, s4;
	s4 =	sadd.s32 $0xCE00, s5;
	s31 =	sshll.u32 s0, $0x6  }
0x8: {  	s6 =	sor.u32 s0, s1;
	s1 =	rddreg [dreg:$0x3];
	s12 =	sshrl.u32 s10, $0x1  }
0x9: {  	_ =	strace $0x80000047;
	s6 =	smul.u32 $0x4E2, s6;
	s10 =	ssub.s32 s10, s12  }
0xa: {  	s9 =	sshrl.u32 s9, $0x2;
	s8 =	sadd.s32 s8, s11;
	s12 =	simm.s32 $0x2710  }
0xb: {  	s30 =	sadd.s32 s9, s2;
	s7 =	sadd.s32 s7, s8;
	s8 =	smax.u32 s10, $0x1  }
0xc: {  	s9 =	simm.s32 $0x2;
	s10 =	sor.u32 $0x1C02, s31;
	s6 =	sadd.s32 s6, s5  }
0xd: {  	s5 =	sadd.s32 $0xC800, s5;
	s11 =	sshrl.u32 s30, $0x3;
	s6 =	sadd.s32 $0x2A00, s6  }
.LBB2_1:
0xe: {  	[tilespmem:s3], [sflag:$0x2] =	stream.linear.gather [hbm4b:s6+s3], $0x2710, $0x38;
	[tilespmem:$0x5410] =	vst v63  }
0xf: {  	_ =	swait.ge [sflag:s9], $0x2710  }
0x10: {  	[sflag:s9] =	ssyncset.done $0x0  }
0x11: {  	[sflag:s9] =	ssyncadd.s32 $0xFFFFD8F0  }
0x12: {  	[spmem:s11], [sflag:s10] =	dma.local [hbm:s5], $0x500  }
0x13: {  	_ =	swait.ge [sflag:s9], $0x500  }
0x14: {  	[sflag:s9] =	ssyncset.done $0x0  }
0x15: {  	[sflag:s9] =	ssyncadd.s32 $0xFFFFFB00  }
0x16: {  	[tilespmem:s12], [sflag:$0x2] =	stream.linear.gather [hbm4b:s4+s3], $0x500, $0x38;
	[tilespmem:$0x5410] =	vst v63  }
0x17: {  	_ =	swait.ge [sflag:s9], $0x500  }
0x18: {  	[sflag:s9] =	ssyncset.done $0x0  }
0x19: {  	[sflag:s9] =	ssyncadd.s32 $0xFFFFFB00  }
0x1a: {  	s16 =	simm.s32 $0x0;
	[bflag:$0x0] =	sbarrier.arrive $0xFFFF  }
0x1b: {  	[spmem:s2] =	stream.indirect.scatter.add.f32 [tilespmem:s12], [sflag:$0x1], $0x10, s16, s13, $0xb8;
	[tilespmem:$0x5410] =	vst v63  }
0x1c: {  	s28 =	simm.s32 $0x50  }
0x1d: {  	[spmem:s2] =	stream.indirect.scatter.add.f32 [tilespmem:s12], [sflag:$0x1], $0x10, s28, s13, $0xb8;
	[tilespmem:$0x5410] =	vst v63  }
0x1e: {  	s29 =	simm.s32 $0xA0  }
0x1f: {  	[spmem:s2] =	stream.indirect.scatter.add.f32 [tilespmem:s12], [sflag:$0x1], $0x10, s29, s13, $0xb8;
	[tilespmem:$0x5410] =	vst v63  }
0x20: {  	s30 =	simm.s32 $0xF0  }
0x21: {  	[spmem:s2] =	stream.indirect.scatter.add.f32 [tilespmem:s12], [sflag:$0x1], $0x10, s30, s13, $0xb8;
	[tilespmem:$0x5410] =	vst v63  }
0x22: {  	s31 =	simm.s32 $0x140  }
0x23: {  	[spmem:s2] =	stream.indirect.scatter.add.f32 [tilespmem:s12], [sflag:$0x1], $0x10, s31, s13, $0xb8;
	[tilespmem:$0x5410] =	vst v63  }
0x24: {  	_ =	swait.ge [sflag:s14], $0x500  }
0x25: {  	[sflag:s14] =	ssyncset.done $0x0  }
0x26: {  	[sflag:s14] =	ssyncadd.s32 $0xFFFFFB00  }
0x27: {  	_ =	swait.ge [sflag:s14], $0x500  }
0x28: {  	[sflag:s14] =	ssyncset.done $0x0  }
0x29: {  	[sflag:s14] =	ssyncadd.s32 $0xFFFFFB00  }
0x2a: {  	_ =	swait.ge [sflag:s14], $0x500  }
0x2b: {  	[sflag:s14] =	ssyncset.done $0x0  }
0x2c: {  	[sflag:s14] =	ssyncadd.s32 $0xFFFFFB00  }
0x2d: {  	_ =	swait.ge [sflag:s14], $0x500  }
0x2e: {  	[sflag:s14] =	ssyncset.done $0x0  }
0x2f: {  	[sflag:s14] =	ssyncadd.s32 $0xFFFFFB00  }
0x30: {  	_ =	swait.ge [sflag:s14], $0x500  }
0x31: {  	s17 =	simm.s32 $0xC80;
	s16 =	simm.s32 $0x640;
	[sflag:s14] =	ssyncset.done $0x0  }
.LBB2_2:
0x32: {  	s18 =	sshra.s32 s16, $0x2  }
0x33: {  	[sflag:s14] =	ssyncadd.s32 $0xFFFFFB00;
	s16 =	smov.u32 s17;
	s19 =	sadd.s32 $0x640, s17  }
0x34: {  	[spmem:s2] =	stream.indirect.scatter.add.f32 [tilespmem:s12], [sflag:$0x1], $0x10, s18, s13, $0xb8;
	[tilespmem:$0x5410] =	vst v63  }
0x35: {  	p0 =	sne.s32 s17, $0x9600;
	s17 =	sadd.s32 $0x50, s18  }
0x36: {  	[spmem:s2] =	stream.indirect.scatter.add.f32 [tilespmem:s12], [sflag:$0x1], $0x10, s17, s13, $0xb8;
	[tilespmem:$0x5410] =	vst v63  }
0x37: {  	s17 =	sadd.s32 $0xA0, s18  }
0x38: {  	[spmem:s2] =	stream.indirect.scatter.add.f32 [tilespmem:s12], [sflag:$0x1], $0x10, s17, s13, $0xb8;
	[tilespmem:$0x5410] =	vst v63  }
0x39: {  	s17 =	sadd.s32 $0xF0, s18  }
0x3a: {  	[spmem:s2] =	stream.indirect.scatter.add.f32 [tilespmem:s12], [sflag:$0x1], $0x10, s17, s13, $0xb8;
	[tilespmem:$0x5410] =	vst v63  }
0x3b: {  	s17 =	sadd.s32 $0x140, s18  }
0x3c: {  	[spmem:s2] =	stream.indirect.scatter.add.f32 [tilespmem:s12], [sflag:$0x1], $0x10, s17, s13, $0xb8;
	[tilespmem:$0x5410] =	vst v63  }
0x3d: {  	_ =	swait.ge [sflag:s14], $0x500  }
0x3e: {  	[sflag:s14] =	ssyncset.done $0x0  }
0x3f: {  	[sflag:s14] =	ssyncadd.s32 $0xFFFFFB00  }
0x40: {  	_ =	swait.ge [sflag:s14], $0x500  }
0x41: {  	[sflag:s14] =	ssyncset.done $0x0  }
0x42: {  	[sflag:s14] =	ssyncadd.s32 $0xFFFFFB00  }
0x43: {  	_ =	swait.ge [sflag:s14], $0x500  }
0x44: {  	[sflag:s14] =	ssyncset.done $0x0  }
0x45: {  	[sflag:s14] =	ssyncadd.s32 $0xFFFFFB00  }
.Ltmp0:
0x46: {  	_ =	swait.ge [sflag:s14], $0x500;
	(pc) =	sbr.rel @p0 .LBB2_2-.Ltmp0, $4  }
0x47: {  	[sflag:s14] =	ssyncset.done $0x0  }
0x48: {  	[sflag:s14] =	ssyncadd.s32 $0xFFFFFB00  }
0x49: {  	_ =	swait.ge [sflag:s14], $0x500  }
0x4a: {  	s17 =	smov.u32 s19;
	[sflag:s14] =	ssyncset.done $0x0  }
0x4b: {  	s16 =	sshra.s32 s16, $0x2;
	[sflag:s14] =	ssyncadd.s32 $0xFFFFFB00  }
0x4c: {  	[spmem:s2] =	stream.indirect.scatter.add.f32 [tilespmem:s12], [sflag:$0x1], $0x10, s16, s13, $0xb8;
	[tilespmem:$0x5410] =	vst v63  }
0x4d: {  	s17 =	sadd.s32 $0x50, s16  }
0x4e: {  	[spmem:s2] =	stream.indirect.scatter.add.f32 [tilespmem:s12], [sflag:$0x1], $0x10, s17, s13, $0xb8;
	[tilespmem:$0x5410] =	vst v63  }
0x4f: {  	s30 =	sadd.s32 $0xA0, s16  }
0x50: {  	[spmem:s2] =	stream.indirect.scatter.add.f32 [tilespmem:s12], [sflag:$0x1], $0x10, s30, s13, $0xb8;
	[tilespmem:$0x5410] =	vst v63  }
0x51: {  	s31 =	sadd.s32 $0xF0, s16  }
0x52: {  	[spmem:s2] =	stream.indirect.scatter.add.f32 [tilespmem:s12], [sflag:$0x1], $0x10, s31, s13, $0xb8;
	[tilespmem:$0x5410] =	vst v63  }
0x53: {  	s16 =	sadd.s32 $0x140, s16  }
0x54: {  	[spmem:s2] =	stream.indirect.scatter.add.f32 [tilespmem:s12], [sflag:$0x1], $0x10, s16, s13, $0xb8;
	[tilespmem:$0x5410] =	vst v63  }
0x55: {  	_ =	swait.ge [sflag:s14], $0x500  }
0x56: {  	[sflag:s14] =	ssyncset.done $0x0  }
0x57: {  	[sflag:s14] =	ssyncadd.s32 $0xFFFFFB00  }
0x58: {  	_ =	swait.ge [sflag:s14], $0x500  }
0x59: {  	[sflag:s14] =	ssyncset.done $0x0  }
0x5a: {  	[sflag:s14] =	ssyncadd.s32 $0xFFFFFB00  }
0x5b: {  	_ =	swait.ge [sflag:s14], $0x500  }
0x5c: {  	[sflag:s14] =	ssyncset.done $0x0  }
0x5d: {  	[sflag:s14] =	ssyncadd.s32 $0xFFFFFB00  }
0x5e: {  	_ =	swait.ge [sflag:s14], $0x500  }
0x5f: {  	[sflag:s14] =	ssyncset.done $0x0  }
0x60: {  	[sflag:s14] =	ssyncadd.s32 $0xFFFFFB00  }
0x61: {  	_ =	swait.ge [sflag:s14], $0x500  }
0x62: {  	s15 =	sadd.s32 $0x1, s15;
	[sflag:s14] =	ssyncset.done $0x0  }
0x63: {  	p0 =	sne.s32 s15, s8;
	[sflag:s14] =	ssyncadd.s32 $0xFFFFFB00  }
.Ltmp1:
0x64: {  	[bflag:$0x0] =	sbarrier.arrive $0xFFFF;
	(pc) =	sbr.rel @p0 .LBB2_1-.Ltmp1, $4  }
0x65: {  	[hbm:s7], [sflag:s10] =	dma.local [spmem:s11], $0x500  }
0x66: {  	_ =	swait.ge [sflag:s9], $0x500  }
0x67: {  	[sflag:s9] =	ssyncset.done $0x0  }
0x68: {  	[sflag:s9] =	ssyncadd.s32 $0xFFFFFB00  }
0x69: {  	_ =	sfence.sel $0x180000  }
0x6a: {  	[bflag:$0x0] =	sbarrier.arrive $0xFFFF  }
0x6b: {  	p0 =	sne.s32 s0, $0x0;
	_ =	strace $0x90000047  }
0x6c: {  	s0 =	sadd.s32 @!p0 $0x100000, s1;
	[bflag:$0x2] =	sbarrier.arrive $0xFFFF  }
0x6d: {  	[sflag:s0] =	ssyncadd.tile.s32 @!p0 $0x1;
	_ =	shalt  }
.Lfunc_end2:
_tile_overlayer_lowered:
.L_overlay_start_2:
0x6e: {  	(tag) =	ssettag $0x2  }
0x6f: {  	s0 =	rddreg [dreg:$0x0];
	s2 =	stileid.u32  }
0x70: {  	s1 =	rddreg [dreg:$0x1];
	p0 =	sne.s32 s2, $0x0  }
0x71: {  	s3 =	rddreg [dreg:$0x2];
	[bflag:$0x3] =	sbarrier.arrive $0xFFFF;
	s2 =	simm.s32 @!p0 $0x1C02  }
0x72: {  	[timem:s3], [sflag:s2] =	dma.local @!p0 [hbm:s0], s1  }
0x73: {  	s0 =	simm.s32 @!p0 $0x2  }
0x74: {  	_ =	swait.ge @!p0 [sflag:s0], s1  }
0x75: {  	s1 =	ssub.s32 @!p0 $0x0, s1;
	[sflag:s0] =	ssyncset.done @!p0 $0x0  }
0x76: {  	[sflag:s0] =	ssyncadd.s32 @!p0 s1  }
0x77: {  	[bflag:$0x3] =	sbarrier.arrive $0xFFFF  }
0x78: {  	_ =	shalt  }

</sc_bundles>
